<compile_context>
chip_gen: v7x
topology: tpu7x:2x2x1
jax: 0.10.2.dev20260603
libtpu: 0.0.44.dev20260713+nightly
codegen_flags: <defaults>
</compile_context>

<pallas_src>
import functools

import jax
import jax.numpy as jnp
from jax import lax
from jax.experimental import pallas as pl
from jax.experimental.pallas import tpu as pltpu
from jax.experimental.pallas import tpu_sc as plsc

VOCAB = 1000000
EMBED_DIM = 64
BATCH = 16384
L = 16
CC = 640
NFULL = VOCAB // CC
TAIL = VOCAB - NFULL * CC
NW = 32
LIST_CAP = 2048
STAG_CAP = 192
FLUSH_AT = 128
DUMP_BASE = 2 * BATCH
E_ROWS = 2 * BATCH + NW * STAG_CAP
ROW = 2 * EMBED_DIM


def _scan_hits(xc_hbm, xc_v, lr_v, lp_v, wid):

    def piece(p, cnt):
        pltpu.sync_copy(xc_hbm.at[pl.ds(p * 4096, 4096)], xc_v)

        def vec(v, cnt):
            r = xc_v[pl.ds(v * L, L)]
            pos = jnp.full((L,), p * 4096, jnp.int32) + (
                lax.iota(jnp.int32, L) + v * L)
            cid = ((r >> 7) * jnp.int32(0xCCCD)) >> 18
            m = (cid & (NW - 1)) == wid
            plsc.store_compressed(lr_v.at[pl.ds(cnt, L)], r, mask=m)
            plsc.store_compressed(lp_v.at[pl.ds(cnt, L)], pos, mask=m)
            n = plsc.all_reduce_population_count(m)[0]
            return jnp.minimum(cnt + n, LIST_CAP - L)

        return lax.fori_loop(0, 4096 // L, vec, cnt)

    return lax.fori_loop(0, 2 * BATCH // 4096, piece, jnp.int32(0))


def _fill_dump(sidx_v, wid):

    def fill(i, carry):
        sidx_v[pl.ds(i * L, L)] = (
            jnp.full((L,), DUMP_BASE, jnp.int32) + wid * STAG_CAP
            + lax.iota(jnp.int32, L) + i * L)
        return carry

    lax.fori_loop(0, STAG_CAP // L, fill, 0)


def _process_chunk(buf, off, span, cnt, w, lr_v, lp_v, ch_rl, ch_sl,
                   sidx_v, stag_v):

    def rescan(v, w2):
        lane = lax.iota(jnp.int32, L) + v * L
        r = lr_v[pl.ds(v * L, L)]
        pos = lp_v[pl.ds(v * L, L)]
        m = (lane < cnt) & (r >= off) & (r < off + span)
        plsc.store_compressed(ch_rl.at[pl.ds(w2, L)], r - off, mask=m)
        plsc.store_compressed(ch_sl.at[pl.ds(w2, L)], pos, mask=m)
        n = plsc.all_reduce_population_count(m)[0]
        return jnp.minimum(w2 + n, STAG_CAP - L)

    w2 = lax.fori_loop(0, (cnt + L - 1) >> 4, rescan, w)

    def grp(g, carry):
        slots = lax.iota(jnp.int32, L) + g * L
        vm = (slots >= w) & (slots < w2)
        rl = jnp.where(vm, ch_rl[pl.ds(g * L, L)], 0)
        sv = ch_sl[pl.ds(g * L, L)]
        old = sidx_v[pl.ds(g * L, L)]
        sidx_v[pl.ds(g * L, L)] = jnp.where(vm, sv, old)
        for d in range(EMBED_DIM):
            dv = jnp.full((L,), d, jnp.int32)
            vals = plsc.load_gather(buf, [dv, rl], mask=vm)
            plsc.store_scatter(stag_v, [slots, dv], vals, mask=vm)
        return carry

    lax.fori_loop(w >> 4, (w2 + L - 1) >> 4, grp, 0)
    return w2


@jax.jit
def _sc_extract(xc, wt):
    mesh = plsc.VectorSubcoreMesh(core_axis_name="c", subcore_axis_name="s")
    num_cores = mesh.num_cores

    @functools.partial(
        pl.kernel,
        out_type=jax.ShapeDtypeStruct((E_ROWS, ROW), jnp.float32),
        mesh=mesh,
        scratch_types=[
            pltpu.VMEM((4096,), jnp.int32),
            pltpu.VMEM((LIST_CAP,), jnp.int32),
            pltpu.VMEM((LIST_CAP,), jnp.int32),
            pltpu.VMEM((EMBED_DIM, CC), jnp.float32),
            pltpu.VMEM((EMBED_DIM, CC), jnp.float32),
            pltpu.VMEM((STAG_CAP,), jnp.int32),
            pltpu.VMEM((STAG_CAP,), jnp.int32),
            pltpu.VMEM((STAG_CAP,), jnp.int32),
            pltpu.VMEM((STAG_CAP, ROW), jnp.float32),
            pltpu.SemaphoreType.DMA,
            pltpu.SemaphoreType.DMA,
            pltpu.SemaphoreType.DMA,
        ],
        compiler_params=pltpu.CompilerParams(needs_layout_passes=False),
    )
    def k(xc_hbm, wt_hbm, e_hbm, xc_v, lr_v, lp_v, cb0_v, cb1_v,
          ch_rl, ch_sl, sidx_v, stag_v, semA, semB, sem2):
        wid = lax.axis_index("s") * num_cores + lax.axis_index("c")
        trips = jnp.int32(NFULL // NW) + (wid < NFULL % NW).astype(jnp.int32)

        def coff(j):
            return (wid + NW * jnp.minimum(j, trips - 1)) * CC

        def fill(j, buf, sem):
            pltpu.make_async_copy(
                wt_hbm.at[:, pl.ds(coff(j), CC)], buf, sem).start()

        def process(j, w, buf):
            off = coff(j)
            w2 = _process_chunk(buf, off, CC, cnt, w, lr_v, lp_v,
                                ch_rl, ch_sl, sidx_v, stag_v)

            def flush(wc):
                pltpu.async_copy(stag_v, e_hbm.at[sidx_v], sem2).wait()
                _fill_dump(sidx_v, wid)
                return jnp.int32(0)

            return lax.cond(w2 >= FLUSH_AT, flush, lambda wc: wc, w2)

        def wait(buf, sem):
            pltpu.make_async_copy(
                wt_hbm.at[:, pl.ds(0, CC)], buf, sem).wait()

        fill(jnp.int32(0), cb0_v, semA)
        fill(jnp.int32(1), cb1_v, semB)
        cnt = _scan_hits(xc_hbm, xc_v, lr_v, lp_v, wid)
        _fill_dump(sidx_v, wid)

        def pairbody(p, w):
            j0 = 2 * p
            wait(cb0_v, semA)
            w = process(j0, w, cb0_v)
            fill(j0 + 2, cb0_v, semA)
            wait(cb1_v, semB)
            w = process(j0 + 1, w, cb1_v)
            fill(j0 + 3, cb1_v, semB)
            return w

        w = lax.fori_loop(0, (trips + 1) >> 1, pairbody, jnp.int32(0))
        wait(cb0_v, semA)
        wait(cb1_v, semB)

        @pl.when(w > 0)
        def _final():
            pltpu.async_copy(stag_v, e_hbm.at[sidx_v], sem2).wait()

    return k(xc, wt)


@jax.jit
def _tc_dot(e, t0, t1, m0, m1):
    blk = 1024
    nblk = BATCH // blk

    def body(e0_ref, e1_ref, t0_ref, t1_ref, m0_ref, m1_ref, o_ref):
        e0 = jnp.where(m0_ref[...] > 0, t0_ref[...],
                       e0_ref[:, :EMBED_DIM])
        e1 = jnp.where(m1_ref[...] > 0, t1_ref[...],
                       e1_ref[:, :EMBED_DIM])
        s = jnp.sum(e0 * e1, axis=1, keepdims=True)
        o_ref[...] = 1.0 / (1.0 + jnp.exp(-s))

    return pl.pallas_call(
        body,
        grid=(nblk,),
        in_specs=[
            pl.BlockSpec((blk, ROW), lambda i: (i, 0)),
            pl.BlockSpec((blk, ROW), lambda i: (i + nblk, 0)),
            pl.BlockSpec((blk, EMBED_DIM), lambda i: (i, 0)),
            pl.BlockSpec((blk, EMBED_DIM), lambda i: (i, 0)),
            pl.BlockSpec((blk, 1), lambda i: (i, 0)),
            pl.BlockSpec((blk, 1), lambda i: (i, 0)),
        ],
        out_specs=pl.BlockSpec((blk, 1), lambda i: (i, 0)),
        out_shape=jax.ShapeDtypeStruct((BATCH, 1), jnp.float32),
    )(e, e, t0, t1, m0, m1)


def kernel(x, W_g):
    x0, x1 = x[:, 0], x[:, 1]
    xc = jnp.concatenate([x0, x1])
    e = _sc_extract(xc, W_g.T)
    tail_lo = NFULL * CC
    w_tail = W_g[tail_lo:]
    m0 = (x0 >= tail_lo).astype(jnp.int32).reshape(BATCH, 1)
    m1 = (x1 >= tail_lo).astype(jnp.int32).reshape(BATCH, 1)
    t0 = jnp.take(w_tail, jnp.clip(x0 - tail_lo, 0, TAIL - 1), axis=0)
    t1 = jnp.take(w_tail, jnp.clip(x1 - tail_lo, 0, TAIL - 1), axis=0)
    return _tc_dot(e, t0, t1, m0, m1)

# --- scband reference (transcript-rebuilt; emitter-appended) ---
"""Pipeline reference for scband-word-embedding-45612552683563 (READ-ONLY COPY).

The authoritative reference and input builder live on the scoring server;
editing this copy changes nothing except your own understanding.
"""

import jax, jax.numpy as jnp
import numpy as np

VOCAB = 1000000
EMBED_DIM = 64
BATCH = 16384

def setup_inputs(seed: int = 0) -> dict:
    key = jax.random.key(seed)
    k1, k2 = jax.random.split(key)
    # word index pairs (target word, context word)
    x = jax.random.randint(k1, (BATCH, 2), 0, VOCAB, dtype=jnp.int32)
    # learned embedding table W_g, uniform init as in keras 'uniform'
    W_g = jax.random.uniform(k2, (VOCAB, EMBED_DIM), dtype=jnp.float32, minval=-0.05, maxval=0.05)
    return {"x": x, "W_g": W_g}

def reference(x, W_g):
    # dot_prod = batch_dot(W_g[x[:,0]], W_g[x[:,1]], axes=1) -> shape (B, 1)
    e0 = jnp.take(W_g, x[:, 0], axis=0)
    e1 = jnp.take(W_g, x[:, 1], axis=0)
    dot_prod = jnp.sum(e0 * e1, axis=1, keepdims=True)
    # activation = sigmoid
    return jax.nn.sigmoid(dot_prod)

if __name__ == "__main__":
    import jax
    _d = setup_inputs()
    print(jax.jit(kernel)(*tuple(_d.values())))

</pallas_src>

<mosaic_0001>
#map = affine_map<(d0, d1) -> (0)>
#map1 = affine_map<(d0, d1) -> (0, 0)>
module attributes {stable_mosaic.version = 14 : i64} {
  func.func @k(%arg0: i32, %arg1: i32, %arg2: memref<32768xi32, #tpu.memory_space<hbm>>, %arg3: memref<64x1000000xf32, #tpu.memory_space<hbm>>, %arg4: memref<38912x128xf32, #tpu.memory_space<hbm>>, %arg5: memref<4096xi32, #tpu.memory_space<vmem>>, %arg6: memref<2048xi32, #tpu.memory_space<vmem>>, %arg7: memref<2048xi32, #tpu.memory_space<vmem>>, %arg8: memref<64x640xf32, #tpu.memory_space<vmem>>, %arg9: memref<64x640xf32, #tpu.memory_space<vmem>>, %arg10: memref<192xi32, #tpu.memory_space<vmem>>, %arg11: memref<192xi32, #tpu.memory_space<vmem>>, %arg12: memref<192xi32, #tpu.memory_space<vmem>>, %arg13: memref<192x128xf32, #tpu.memory_space<vmem>>, %arg14: memref<!tpu.dma_semaphore, #tpu.memory_space<semaphore_mem>>, %arg15: memref<!tpu.dma_semaphore, #tpu.memory_space<semaphore_mem>>, %arg16: memref<!tpu.dma_semaphore, #tpu.memory_space<semaphore_mem>>) attributes {dimension_semantics = [#tpu.dimension_semantics<core_parallel>, #tpu.dimension_semantics<subcore_parallel>], iteration_bounds = array<i64: 2, 16>, scalar_prefetch = 0 : i64, scratch_operands = 12 : i64, tpu.core_type = #tpu.core_type<sc_vector_subcore>, window_params = [{transform_indices = #map}, {transform_indices = #map1}, {transform_indices = #map1}]} {
    %mul3A = arith.constant 2 : i32
    %mul3A_0 = arith.muli %arg1, %mul3A : i32
    %add3A = arith.addi %mul3A_0, %arg0 : i32
    %lt3A = arith.constant 26 : i32
    %lt3A_1 = arith.cmpi slt, %add3A, %lt3A : i32
    %convert_element_type3A = arith.extui %lt3A_1 : i1 to i32
    %add3A_2 = arith.constant 48 : i32
    %add3A_3 = arith.addi %add3A_2, %convert_element_type3A : i32
    %sub3A = arith.constant 1 : i32
    %sub3A_4 = arith.subi %add3A_3, %sub3A : i32
    %min3A = arith.constant 0 : i32
    %min3A_5 = arith.minsi %min3A, %sub3A_4 : i32
    %mul3A_6 = arith.constant 32 : i32
    %mul3A_7 = arith.muli %mul3A_6, %min3A_5 : i32
    %add3A_8 = arith.addi %add3A, %mul3A_7 : i32
    %mul3A_9 = arith.constant 640 : i32
    %mul3A_10 = arith.muli %add3A_8, %mul3A_9 : i32
    %dma_start3A = arith.constant 0 : i32
    %dma_start3A_11 = tpu.memref_slice %arg3[%dma_start3A, %mul3A_10] : memref<64x1000000xf32, #tpu.memory_space<hbm>> -> memref<64x640xf32, #tpu.memory_space<hbm>>
    %dma_start3A_12 = arith.constant 0 : i32
    %dma_start3A_13 = tpu.memref_slice %arg3[%dma_start3A_12, %mul3A_10] : memref<64x1000000xf32, #tpu.memory_space<hbm>> -> memref<64x640xf32, #tpu.memory_space<hbm>>
    tpu.enqueue_dma source(%dma_start3A_13 : memref<64x640xf32, #tpu.memory_space<hbm>>) target(%arg8 : memref<64x640xf32, #tpu.memory_space<vmem>>) target_semaphore(%arg14 : memref<!tpu.dma_semaphore, #tpu.memory_space<semaphore_mem>>)
    %sub3A_14 = arith.constant 1 : i32
    %sub3A_15 = arith.subi %add3A_3, %sub3A_14 : i32
    %min3A_16 = arith.constant 1 : i32
    %min3A_17 = arith.minsi %min3A_16, %sub3A_15 : i32
    %mul3A_18 = arith.constant 32 : i32
    %mul3A_19 = arith.muli %mul3A_18, %min3A_17 : i32
    %add3A_20 = arith.addi %add3A, %mul3A_19 : i32
    %mul3A_21 = arith.constant 640 : i32
    %mul3A_22 = arith.muli %add3A_20, %mul3A_21 : i32
    %dma_start3A_23 = arith.constant 0 : i32
    %dma_start3A_24 = tpu.memref_slice %arg3[%dma_start3A_23, %mul3A_22] : memref<64x1000000xf32, #tpu.memory_space<hbm>> -> memref<64x640xf32, #tpu.memory_space<hbm>>
    %dma_start3A_25 = arith.constant 0 : i32
    %dma_start3A_26 = tpu.memref_slice %arg3[%dma_start3A_25, %mul3A_22] : memref<64x1000000xf32, #tpu.memory_space<hbm>> -> memref<64x640xf32, #tpu.memory_space<hbm>>
    tpu.enqueue_dma source(%dma_start3A_26 : memref<64x640xf32, #tpu.memory_space<hbm>>) target(%arg9 : memref<64x640xf32, #tpu.memory_space<vmem>>) target_semaphore(%arg15 : memref<!tpu.dma_semaphore, #tpu.memory_space<semaphore_mem>>)
    %scan3A = arith.constant 0 : i32
    %scan3A_27 = arith.constant 0 : i32
    %scan3A_28 = arith.constant 8 : i32
    %scan3A_29 = arith.addi %scan3A_27, %scan3A_28 : i32
    %scan3A_30 = arith.constant 1 : i32
    %scan3A_31 = scf.for %scan3A_67 = %scan3A_27 to %scan3A_29 step %scan3A_30 iter_args(%scan3A_68 = %scan3A) -> (i32)  : i32 {
      %mul3A_69 = arith.constant 4096 : i32
      %mul3A_70 = arith.muli %scan3A_67, %mul3A_69 : i32
      "tpu.region"() ({
        %run_scoped3A = tpu.sem_alloc : memref<!tpu.dma_semaphore, #tpu.memory_space<semaphore_mem>>
        %dma_start3A_77 = tpu.memref_slice %arg2[%mul3A_70] : memref<32768xi32, #tpu.memory_space<hbm>> -> memref<4096xi32, #tpu.memory_space<hbm>>
        %dma_start3A_78 = tpu.memref_slice %arg2[%mul3A_70] : memref<32768xi32, #tpu.memory_space<hbm>> -> memref<4096xi32, #tpu.memory_space<hbm>>
        tpu.enqueue_dma source(%dma_start3A_78 : memref<4096xi32, #tpu.memory_space<hbm>>) target(%arg5 : memref<4096xi32, #tpu.memory_space<vmem>>) target_semaphore(%run_scoped3A : memref<!tpu.dma_semaphore, #tpu.memory_space<semaphore_mem>>)
        %dma_wait3A_79 = tpu.memref_slice %arg2[%mul3A_70] : memref<32768xi32, #tpu.memory_space<hbm>> -> memref<4096xi32, #tpu.memory_space<hbm>>
        %dma_wait3A_80 = tpu.memref_slice %arg2[%mul3A_70] : memref<32768xi32, #tpu.memory_space<hbm>> -> memref<4096xi32, #tpu.memory_space<hbm>>
        tpu.wait_dma2 semaphore(%run_scoped3A : memref<!tpu.dma_semaphore, #tpu.memory_space<semaphore_mem>>) src(%dma_wait3A_80 : memref<4096xi32, #tpu.memory_space<hbm>>) dst(%arg5 : memref<4096xi32, #tpu.memory_space<vmem>>)
        tpu.yield
      }) : () -> ()
      %scan3A_71 = arith.constant 0 : i32
      %scan3A_72 = arith.constant 256 : i32
      %scan3A_73 = arith.addi %scan3A_71, %scan3A_72 : i32
      %scan3A_74 = arith.constant 1 : i32
      %scan3A_75 = scf.for %scan3A_77 = %scan3A_71 to %scan3A_73 step %scan3A_74 iter_args(%scan3A_78 = %scan3A_68) -> (i32)  : i32 {
        %mul3A_79 = arith.constant 16 : i32
        %mul3A_80 = arith.muli %scan3A_77, %mul3A_79 : i32
        %get3A = arith.index_cast %mul3A_80 : i32 to index
        %get3A_81 = tpu.vector_load %arg5[%get3A] {strides = array<i32>} : memref<4096xi32, #tpu.memory_space<vmem>>, vector<16xi32>,
        %mul3A_82 = arith.constant 4096 : i32
        %mul3A_83 = arith.muli %scan3A_67, %mul3A_82 : i32
        %broadcast_in_dim3A = vector.broadcast %mul3A_83 : i32 to vector<16xi32>
        %iota3A = tpu.iota {dimensions = array<i32: 0>} : vector<16xi32>
        %mul3A_84 = arith.constant 16 : i32
        %mul3A_85 = arith.muli %scan3A_77, %mul3A_84 : i32
        %add3A_86 = vector.broadcast %mul3A_85 : i32 to vector<16xi32>
        %add3A_87 = arith.addi %iota3A, %add3A_86 : vector<16xi32>
        %add3A_88 = arith.addi %broadcast_in_dim3A, %add3A_87 : vector<16xi32>
        %shift_right_arithmetic3A_89 = arith.constant 7 : i32
        %shift_right_arithmetic3A_90 = vector.broadcast %shift_right_arithmetic3A_89 : i32 to vector<16xi32>
        %shift_right_arithmetic3A_91 = arith.shrsi %get3A_81, %shift_right_arithmetic3A_90 : vector<16xi32>
        %mul3A_92 = arith.constant 52429 : i32
        %mul3A_93 = vector.broadcast %mul3A_92 : i32 to vector<16xi32>
        %mul3A_94 = arith.muli %shift_right_arithmetic3A_91, %mul3A_93 : vector<16xi32>
        %shift_right_arithmetic3A_95 = arith.constant 18 : i32
        %shift_right_arithmetic3A_96 = vector.broadcast %shift_right_arithmetic3A_95 : i32 to vector<16xi32>
        %shift_right_arithmetic3A_97 = arith.shrsi %mul3A_94, %shift_right_arithmetic3A_96 : vector<16xi32>
        %and3A = arith.constant 31 : i32
        %and3A_98 = vector.broadcast %and3A : i32 to vector<16xi32>
        %and3A_99 = arith.andi %shift_right_arithmetic3A_97, %and3A_98 : vector<16xi32>
        %eq3A = vector.broadcast %add3A : i32 to vector<16xi32>
        %eq3A_100 = arith.cmpi eq, %and3A_99, %eq3A : vector<16xi32>
        %swap3A = arith.index_cast %scan3A_78 : i32 to index
        %swap3A_101 = tpu.vector_load %arg6[%swap3A] masked %eq3A_100 {strides = array<i32>} : memref<2048xi32, #tpu.memory_space<vmem>>, vector<16xi32>, vector<16xi1>
        tpu.vector_store %arg6[%swap3A], %get3A_81 masked %eq3A_100 {strides = array<i32>} : memref<2048xi32, #tpu.memory_space<vmem>>, vector<16xi32>, vector<16xi1>
        %swap3A_102 = arith.index_cast %scan3A_78 : i32 to index
        %swap3A_103 = tpu.vector_load %arg7[%swap3A_102] masked %eq3A_100 {strides = array<i32>} : memref<2048xi32, #tpu.memory_space<vmem>>, vector<16xi32>, vector<16xi1>
        tpu.vector_store %arg7[%swap3A_102], %add3A_88 masked %eq3A_100 {strides = array<i32>} : memref<2048xi32, #tpu.memory_space<vmem>>, vector<16xi32>, vector<16xi1>
        %all_reduce_population_count3A = tpu.all_reduce %eq3A_100 {dim = 0 : i64, kind = #tpu.reduction_kind<sum>} : vector<16xi1> -> vector<16xi32>
        %slice3A = vector.extract_strided_slice %all_reduce_population_count3A {offsets = [0], sizes = [1], strides = [1]} : vector<16xi32> to vector<1xi32>
        %squeeze3A = vector.extract %slice3A[0] : i32 from vector<1xi32>
        %add3A_104 = arith.addi %scan3A_78, %squeeze3A : i32
        %min3A_105 = arith.constant 2032 : i32
        %min3A_106 = arith.minsi %add3A_104, %min3A_105 : i32
        scf.yield %min3A_106 : i32
      }
      %scan3A_76 = arith.constant 256 : i32
      scf.yield %scan3A_75 : i32
    }
    %scan3A_32 = arith.constant 8 : i32
    %scan3A_33 = arith.constant 0 : i32
    %scan3A_34 = arith.constant 0 : i32
    %scan3A_35 = arith.constant 12 : i32
    %scan3A_36 = arith.addi %scan3A_34, %scan3A_35 : i32
    %scan3A_37 = arith.constant 1 : i32
    scf.for %scan3A_67 = %scan3A_34 to %scan3A_36 step %scan3A_37  : i32 {
      %broadcast_in_dim3A = arith.constant 32768 : i32
      %broadcast_in_dim3A_68 = vector.broadcast %broadcast_in_dim3A : i32 to vector<16xi32>
      %mul3A_69 = arith.constant 192 : i32
      %mul3A_70 = arith.muli %add3A, %mul3A_69 : i32
      %add3A_71 = vector.broadcast %mul3A_70 : i32 to vector<16xi32>
      %add3A_72 = arith.addi %broadcast_in_dim3A_68, %add3A_71 : vector<16xi32>
      %iota3A = tpu.iota {dimensions = array<i32: 0>} : vector<16xi32>
      %add3A_73 = arith.addi %add3A_72, %iota3A : vector<16xi32>
      %mul3A_74 = arith.constant 16 : i32
      %mul3A_75 = arith.muli %scan3A_67, %mul3A_74 : i32
      %add3A_76 = vector.broadcast %mul3A_75 : i32 to vector<16xi32>
      %add3A_77 = arith.addi %add3A_73, %add3A_76 : vector<16xi32>
      %mul3A_78 = arith.constant 16 : i32
      %mul3A_79 = arith.muli %scan3A_67, %mul3A_78 : i32
      %swap3A = arith.index_cast %mul3A_79 : i32 to index
      %swap3A_80 = tpu.vector_load %arg12[%swap3A] {strides = array<i32>} : memref<192xi32, #tpu.memory_space<vmem>>, vector<16xi32>,
      tpu.vector_store %arg12[%swap3A], %add3A_77 {strides = array<i32>} : memref<192xi32, #tpu.memory_space<vmem>>, vector<16xi32>,
    }
    %scan3A_38 = arith.constant 12 : i32
    %add3A_39 = arith.constant 1 : i32
    %add3A_40 = arith.addi %add3A_3, %add3A_39 : i32
    %shift_right_arithmetic3A = arith.constant 1 : i32
    %shift_right_arithmetic3A_41 = arith.shrsi %add3A_40, %shift_right_arithmetic3A : i32
    %while3A = arith.constant 0 : i32
    %while3A_42 = arith.constant 0 : i32
    %while3A_43 = arith.subi %shift_right_arithmetic3A_41, %while3A : i32
    %while3A_44 = arith.addi %while3A, %while3A_43 : i32
    %while3A_45 = arith.constant 1 : i32
    %while3A_46 = arith.divsi %while3A_43, %while3A_45 : i32
    %while3A_47 = arith.muli %while3A_46, %while3A_45 : i32
    %while3A_48 = arith.addi %while3A, %while3A_47 : i32
    %while3A_49 = arith.constant 1 : i32
    %while3A_50 = scf.for %while3A_67 = %while3A to %while3A_48 step %while3A_49 iter_args(%while3A_68 = %while3A_42) -> (i32)  : i32 {
      %mul3A_69 = arith.constant 2 : i32
      %mul3A_70 = arith.muli %mul3A_69, %while3A_67 : i32
      %dma_wait3A_71 = arith.constant 0 : i32
      %dma_wait3A_72 = arith.constant 0 : i32
      %dma_wait3A_73 = tpu.memref_slice %arg3[%dma_wait3A_71, %dma_wait3A_72] : memref<64x1000000xf32, #tpu.memory_space<hbm>> -> memref<64x640xf32, #tpu.memory_space<hbm>>
      %dma_wait3A_74 = arith.constant 0 : i32
      %dma_wait3A_75 = arith.constant 0 : i32
      %dma_wait3A_76 = tpu.memref_slice %arg3[%dma_wait3A_74, %dma_wait3A_75] : memref<64x1000000xf32, #tpu.memory_space<hbm>> -> memref<64x640xf32, #tpu.memory_space<hbm>>
      tpu.wait_dma2 semaphore(%arg14 : memref<!tpu.dma_semaphore, #tpu.memory_space<semaphore_mem>>) src(%dma_wait3A_76 : memref<64x640xf32, #tpu.memory_space<hbm>>) dst(%arg8 : memref<64x640xf32, #tpu.memory_space<vmem>>)
      %sub3A_77 = arith.constant 1 : i32
      %sub3A_78 = arith.subi %add3A_3, %sub3A_77 : i32
      %min3A_79 = arith.minsi %mul3A_70, %sub3A_78 : i32
      %mul3A_80 = arith.constant 32 : i32
      %mul3A_81 = arith.muli %mul3A_80, %min3A_79 : i32
      %add3A_82 = arith.addi %add3A, %mul3A_81 : i32
      %mul3A_83 = arith.constant 640 : i32
      %mul3A_84 = arith.muli %add3A_82, %mul3A_83 : i32
      %add3A_85 = arith.constant 16 : i32
      %add3A_86 = arith.addi %scan3A_31, %add3A_85 : i32
      %sub3A_87 = arith.constant 1 : i32
      %sub3A_88 = arith.subi %add3A_86, %sub3A_87 : i32
      %shift_right_arithmetic3A_89 = arith.constant 4 : i32
      %shift_right_arithmetic3A_90 = arith.shrsi %sub3A_88, %shift_right_arithmetic3A_89 : i32
      %while3A_91 = arith.constant 0 : i32
      %while3A_92 = arith.subi %shift_right_arithmetic3A_90, %while3A_91 : i32
      %while3A_93 = arith.addi %while3A_91, %while3A_92 : i32
      %while3A_94 = arith.constant 1 : i32
      %while3A_95 = arith.divsi %while3A_92, %while3A_94 : i32
      %while3A_96 = arith.muli %while3A_95, %while3A_94 : i32
      %while3A_97 = arith.addi %while3A_91, %while3A_96 : i32
      %while3A_98 = arith.constant 1 : i32
      %while3A_99 = scf.for %while3A_208 = %while3A_91 to %while3A_97 step %while3A_98 iter_args(%while3A_209 = %while3A_68) -> (i32)  : i32 {
        %iota3A = tpu.iota {dimensions = array<i32: 0>} : vector<16xi32>
        %mul3A_210 = arith.constant 16 : i32
        %mul3A_211 = arith.muli %while3A_208, %mul3A_210 : i32
        %add3A_212 = vector.broadcast %mul3A_211 : i32 to vector<16xi32>
        %add3A_213 = arith.addi %iota3A, %add3A_212 : vector<16xi32>
        %mul3A_214 = arith.constant 16 : i32
        %mul3A_215 = arith.muli %while3A_208, %mul3A_214 : i32
        %get3A = arith.index_cast %mul3A_215 : i32 to index
        %get3A_216 = tpu.vector_load %arg6[%get3A] {strides = array<i32>} : memref<2048xi32, #tpu.memory_space<vmem>>, vector<16xi32>,
        %mul3A_217 = arith.constant 16 : i32
        %mul3A_218 = arith.muli %while3A_208, %mul3A_217 : i32
        %get3A_219 = arith.index_cast %mul3A_218 : i32 to index
        %get3A_220 = tpu.vector_load %arg7[%get3A_219] {strides = array<i32>} : memref<2048xi32, #tpu.memory_space<vmem>>, vector<16xi32>,
        %lt3A_221 = vector.broadcast %scan3A_31 : i32 to vector<16xi32>
        %lt3A_222 = arith.cmpi slt, %add3A_213, %lt3A_221 : vector<16xi32>
        %ge3A_223 = vector.broadcast %mul3A_84 : i32 to vector<16xi32>
        %ge3A_224 = arith.cmpi sge, %get3A_216, %ge3A_223 : vector<16xi32>
        %and3A = arith.andi %lt3A_222, %ge3A_224 : vector<16xi1>
        %add3A_225 = arith.constant 640 : i32
        %add3A_226 = arith.addi %mul3A_84, %add3A_225 : i32
        %lt3A_227 = vector.broadcast %add3A_226 : i32 to vector<16xi32>
        %lt3A_228 = arith.cmpi slt, %get3A_216, %lt3A_227 : vector<16xi32>
        %and3A_229 = arith.andi %and3A, %lt3A_228 : vector<16xi1>
        %sub3A_230 = vector.broadcast %mul3A_84 : i32 to vector<16xi32>
        %sub3A_231 = arith.subi %get3A_216, %sub3A_230 : vector<16xi32>
        %swap3A = arith.index_cast %while3A_209 : i32 to index
        %swap3A_232 = tpu.vector_load %arg10[%swap3A] masked %and3A_229 {strides = array<i32>} : memref<192xi32, #tpu.memory_space<vmem>>, vector<16xi32>, vector<16xi1>
        tpu.vector_store %arg10[%swap3A], %sub3A_231 masked %and3A_229 {strides = array<i32>} : memref<192xi32, #tpu.memory_space<vmem>>, vector<16xi32>, vector<16xi1>
        %swap3A_233 = arith.index_cast %while3A_209 : i32 to index
        %swap3A_234 = tpu.vector_load %arg11[%swap3A_233] masked %and3A_229 {strides = array<i32>} : memref<192xi32, #tpu.memory_space<vmem>>, vector<16xi32>, vector<16xi1>
        tpu.vector_store %arg11[%swap3A_233], %get3A_220 masked %and3A_229 {strides = array<i32>} : memref<192xi32, #tpu.memory_space<vmem>>, vector<16xi32>, vector<16xi1>
        %all_reduce_population_count3A = tpu.all_reduce %and3A_229 {dim = 0 : i64, kind = #tpu.reduction_kind<sum>} : vector<16xi1> -> vector<16xi32>
        %slice3A = vector.extract_strided_slice %all_reduce_population_count3A {offsets = [0], sizes = [1], strides = [1]} : vector<16xi32> to vector<1xi32>
        %squeeze3A = vector.extract %slice3A[0] : i32 from vector<1xi32>
        %add3A_235 = arith.addi %while3A_209, %squeeze3A : i32
        %min3A_236 = arith.constant 176 : i32
        %min3A_237 = arith.minsi %add3A_235, %min3A_236 : i32
        scf.yield %min3A_237 : i32
      }
      %while3A_100 = arith.constant 1 : i32
      %while3A_101 = scf.for %while3A_208 = %while3A_97 to %while3A_93 step %while3A_100 iter_args(%while3A_209 = %while3A_99) -> (i32)  : i32 {
        %iota3A = tpu.iota {dimensions = array<i32: 0>} : vector<16xi32>
        %mul3A_210 = arith.constant 16 : i32
        %mul3A_211 = arith.muli %while3A_208, %mul3A_210 : i32
        %add3A_212 = vector.broadcast %mul3A_211 : i32 to vector<16xi32>
        %add3A_213 = arith.addi %iota3A, %add3A_212 : vector<16xi32>
        %mul3A_214 = arith.constant 16 : i32
        %mul3A_215 = arith.muli %while3A_208, %mul3A_214 : i32
        %get3A = arith.index_cast %mul3A_215 : i32 to index
        %get3A_216 = tpu.vector_load %arg6[%get3A] {strides = array<i32>} : memref<2048xi32, #tpu.memory_space<vmem>>, vector<16xi32>,
        %mul3A_217 = arith.constant 16 : i32
        %mul3A_218 = arith.muli %while3A_208, %mul3A_217 : i32
        %get3A_219 = arith.index_cast %mul3A_218 : i32 to index
        %get3A_220 = tpu.vector_load %arg7[%get3A_219] {strides = array<i32>} : memref<2048xi32, #tpu.memory_space<vmem>>, vector<16xi32>,
        %lt3A_221 = vector.broadcast %scan3A_31 : i32 to vector<16xi32>
        %lt3A_222 = arith.cmpi slt, %add3A_213, %lt3A_221 : vector<16xi32>
        %ge3A_223 = vector.broadcast %mul3A_84 : i32 to vector<16xi32>
        %ge3A_224 = arith.cmpi sge, %get3A_216, %ge3A_223 : vector<16xi32>
        %and3A = arith.andi %lt3A_222, %ge3A_224 : vector<16xi1>
        %add3A_225 = arith.constant 640 : i32
        %add3A_226 = arith.addi %mul3A_84, %add3A_225 : i32
        %lt3A_227 = vector.broadcast %add3A_226 : i32 to vector<16xi32>
        %lt3A_228 = arith.cmpi slt, %get3A_216, %lt3A_227 : vector<16xi32>
        %and3A_229 = arith.andi %and3A, %lt3A_228 : vector<16xi1>
        %sub3A_230 = vector.broadcast %mul3A_84 : i32 to vector<16xi32>
        %sub3A_231 = arith.subi %get3A_216, %sub3A_230 : vector<16xi32>
        %swap3A = arith.index_cast %while3A_209 : i32 to index
        %swap3A_232 = tpu.vector_load %arg10[%swap3A] masked %and3A_229 {strides = array<i32>} : memref<192xi32, #tpu.memory_space<vmem>>, vector<16xi32>, vector<16xi1>
        tpu.vector_store %arg10[%swap3A], %sub3A_231 masked %and3A_229 {strides = array<i32>} : memref<192xi32, #tpu.memory_space<vmem>>, vector<16xi32>, vector<16xi1>
        %swap3A_233 = arith.index_cast %while3A_209 : i32 to index
        %swap3A_234 = tpu.vector_load %arg11[%swap3A_233] masked %and3A_229 {strides = array<i32>} : memref<192xi32, #tpu.memory_space<vmem>>, vector<16xi32>, vector<16xi1>
        tpu.vector_store %arg11[%swap3A_233], %get3A_220 masked %and3A_229 {strides = array<i32>} : memref<192xi32, #tpu.memory_space<vmem>>, vector<16xi32>, vector<16xi1>
        %all_reduce_population_count3A = tpu.all_reduce %and3A_229 {dim = 0 : i64, kind = #tpu.reduction_kind<sum>} : vector<16xi1> -> vector<16xi32>
        %slice3A = vector.extract_strided_slice %all_reduce_population_count3A {offsets = [0], sizes = [1], strides = [1]} : vector<16xi32> to vector<1xi32>
        %squeeze3A = vector.extract %slice3A[0] : i32 from vector<1xi32>
        %add3A_235 = arith.addi %while3A_209, %squeeze3A : i32
        %min3A_236 = arith.constant 176 : i32
        %min3A_237 = arith.minsi %add3A_235, %min3A_236 : i32
        scf.yield %min3A_237 : i32
      }
      %shift_right_arithmetic3A_102 = arith.constant 4 : i32
      %shift_right_arithmetic3A_103 = arith.shrsi %while3A_68, %shift_right_arithmetic3A_102 : i32
      %add3A_104 = arith.constant 16 : i32
      %add3A_105 = arith.addi %while3A_101, %add3A_104 : i32
      %sub3A_106 = arith.constant 1 : i32
      %sub3A_107 = arith.subi %add3A_105, %sub3A_106 : i32
      %shift_right_arithmetic3A_108 = arith.constant 4 : i32
      %shift_right_arithmetic3A_109 = arith.shrsi %sub3A_107, %shift_right_arithmetic3A_108 : i32
      %while3A_110 = arith.constant 0 : i32
      %while3A_111 = arith.subi %shift_right_arithmetic3A_109, %shift_right_arithmetic3A_103 : i32
      %while3A_112 = arith.addi %shift_right_arithmetic3A_103, %while3A_111 : i32
      %while3A_113 = arith.constant 1 : i32
      %while3A_114 = arith.divsi %while3A_111, %while3A_113 : i32
      %while3A_115 = arith.muli %while3A_114, %while3A_113 : i32
      %while3A_116 = arith.addi %shift_right_arithmetic3A_103, %while3A_115 : i32
      %while3A_117 = arith.constant 1 : i32
      scf.for %while3A_208 = %shift_right_arithmetic3A_103 to %while3A_116 step %while3A_117  : i32 {
        %iota3A = tpu.iota {dimensions = array<i32: 0>} : vector<16xi32>
        %mul3A_209 = arith.constant 16 : i32
        %mul3A_210 = arith.muli %while3A_208, %mul3A_209 : i32
        %add3A_211 = vector.broadcast %mul3A_210 : i32 to vector<16xi32>
        %add3A_212 = arith.addi %iota3A, %add3A_211 : vector<16xi32>
        %ge3A_213 = vector.broadcast %while3A_68 : i32 to vector<16xi32>
        %ge3A_214 = arith.cmpi sge, %add3A_212, %ge3A_213 : vector<16xi32>
        %lt3A_215 = vector.broadcast %while3A_101 : i32 to vector<16xi32>
        %lt3A_216 = arith.cmpi slt, %add3A_212, %lt3A_215 : vector<16xi32>
        %and3A = arith.andi %ge3A_214, %lt3A_216 : vector<16xi1>
        %mul3A_217 = arith.constant 16 : i32
        %mul3A_218 = arith.muli %while3A_208, %mul3A_217 : i32
        %get3A = arith.index_cast %mul3A_218 : i32 to index
        %get3A_219 = tpu.vector_load %arg10[%get3A] {strides = array<i32>} : memref<192xi32, #tpu.memory_space<vmem>>, vector<16xi32>,
        %jit3A = arith.constant 0 : i32
        %broadcast_in_dim3A = vector.broadcast %jit3A : i32 to vector<16xi32>
        %select_n3A = arith.select %and3A, %get3A_219, %broadcast_in_dim3A : vector<16xi1>, vector<16xi32>
        %mul3A_220 = arith.constant 16 : i32
        %mul3A_221 = arith.muli %while3A_208, %mul3A_220 : i32
        %get3A_222 = arith.index_cast %mul3A_221 : i32 to index
        %get3A_223 = tpu.vector_load %arg11[%get3A_222] {strides = array<i32>} : memref<192xi32, #tpu.memory_space<vmem>>, vector<16xi32>,
        %mul3A_224 = arith.constant 16 : i32
        %mul3A_225 = arith.muli %while3A_208, %mul3A_224 : i32
        %get3A_226 = arith.index_cast %mul3A_225 : i32 to index
        %get3A_227 = tpu.vector_load %arg12[%get3A_226] {strides = array<i32>} : memref<192xi32, #tpu.memory_space<vmem>>, vector<16xi32>,
        %select_n3A_228 = arith.select %and3A, %get3A_223, %get3A_227 : vector<16xi1>, vector<16xi32>
        %mul3A_229 = arith.constant 16 : i32
        %mul3A_230 = arith.muli %while3A_208, %mul3A_229 : i32
        %swap3A = arith.index_cast %mul3A_230 : i32 to index
        %swap3A_231 = tpu.vector_load %arg12[%swap3A] {strides = array<i32>} : memref<192xi32, #tpu.memory_space<vmem>>, vector<16xi32>,
        tpu.vector_store %arg12[%swap3A], %select_n3A_228 {strides = array<i32>} : memref<192xi32, #tpu.memory_space<vmem>>, vector<16xi32>,
        %broadcast_in_dim3A_232 = arith.constant 0 : i32
        %broadcast_in_dim3A_233 = vector.broadcast %broadcast_in_dim3A_232 : i32 to vector<16xi32>
        %gather3A = tpu.vector_load_idx %arg8[%broadcast_in_dim3A_233, %select_n3A] masked %and3A : memref<64x640xf32, #tpu.memory_space<vmem>>[vector<16xi32>, vector<16xi32>], vector<16xf32>, vector<16xi1>
        tpu.vector_store_idx %arg13[%add3A_212, %broadcast_in_dim3A_233], %gather3A masked %and3A : memref<192x128xf32, #tpu.memory_space<vmem>>[vector<16xi32>, vector<16xi32>], vector<16xf32>, vector<16xi1>
        %broadcast_in_dim3A_234 = arith.constant 1 : i32
        %broadcast_in_dim3A_235 = vector.broadcast %broadcast_in_dim3A_234 : i32 to vector<16xi32>
        %gather3A_236 = tpu.vector_load_idx %arg8[%broadcast_in_dim3A_235, %select_n3A] masked %and3A : memref<64x640xf32, #tpu.memory_space<vmem>>[vector<16xi32>, vector<16xi32>], vector<16xf32>, vector<16xi1>
        tpu.vector_store_idx %arg13[%add3A_212, %broadcast_in_dim3A_235], %gather3A_236 masked %and3A : memref<192x128xf32, #tpu.memory_space<vmem>>[vector<16xi32>, vector<16xi32>], vector<16xf32>, vector<16xi1>
        %broadcast_in_dim3A_237 = arith.constant 2 : i32
        %broadcast_in_dim3A_238 = vector.broadcast %broadcast_in_dim3A_237 : i32 to vector<16xi32>
        %gather3A_239 = tpu.vector_load_idx %arg8[%broadcast_in_dim3A_238, %select_n3A] masked %and3A : memref<64x640xf32, #tpu.memory_space<vmem>>[vector<16xi32>, vector<16xi32>], vector<16xf32>, vector<16xi1>
        tpu.vector_store_idx %arg13[%add3A_212, %broadcast_in_dim3A_238], %gather3A_239 masked %and3A : memref<192x128xf32, #tpu.memory_space<vmem>>[vector<16xi32>, vector<16xi32>], vector<16xf32>, vector<16xi1>
        %broadcast_in_dim3A_240 = arith.constant 3 : i32
        %broadcast_in_dim3A_241 = vector.broadcast %broadcast_in_dim3A_240 : i32 to vector<16xi32>
        %gather3A_242 = tpu.vector_load_idx %arg8[%broadcast_in_dim3A_241, %select_n3A] masked %and3A : memref<64x640xf32, #tpu.memory_space<vmem>>[vector<16xi32>, vector<16xi32>], vector<16xf32>, vector<16xi1>
        tpu.vector_store_idx %arg13[%add3A_212, %broadcast_in_dim3A_241], %gather3A_242 masked %and3A : memref<192x128xf32, #tpu.memory_space<vmem>>[vector<16xi32>, vector<16xi32>], vector<16xf32>, vector<16xi1>
        %broadcast_in_dim3A_243 = arith.constant 4 : i32
        %broadcast_in_dim3A_244 = vector.broadcast %broadcast_in_dim3A_243 : i32 to vector<16xi32>
        %gather3A_245 = tpu.vector_load_idx %arg8[%broadcast_in_dim3A_244, %select_n3A] masked %and3A : memref<64x640xf32, #tpu.memory_space<vmem>>[vector<16xi32>, vector<16xi32>], vector<16xf32>, vector<16xi1>
        tpu.vector_store_idx %arg13[%add3A_212, %broadcast_in_dim3A_244], %gather3A_245 masked %and3A : memref<192x128xf32, #tpu.memory_space<vmem>>[vector<16xi32>, vector<16xi32>], vector<16xf32>, vector<16xi1>
        %broadcast_in_dim3A_246 = arith.constant 5 : i32
        %broadcast_in_dim3A_247 = vector.broadcast %broadcast_in_dim3A_246 : i32 to vector<16xi32>
        %gather3A_248 = tpu.vector_load_idx %arg8[%broadcast_in_dim3A_247, %select_n3A] masked %and3A : memref<64x640xf32, #tpu.memory_space<vmem>>[vector<16xi32>, vector<16xi32>], vector<16xf32>, vector<16xi1>
        tpu.vector_store_idx %arg13[%add3A_212, %broadcast_in_dim3A_247], %gather3A_248 masked %and3A : memref<192x128xf32, #tpu.memory_space<vmem>>[vector<16xi32>, vector<16xi32>], vector<16xf32>, vector<16xi1>
        %broadcast_in_dim3A_249 = arith.constant 6 : i32
        %broadcast_in_dim3A_250 = vector.broadcast %broadcast_in_dim3A_249 : i32 to vector<16xi32>
        %gather3A_251 = tpu.vector_load_idx %arg8[%broadcast_in_dim3A_250, %select_n3A] masked %and3A : memref<64x640xf32, #tpu.memory_space<vmem>>[vector<16xi32>, vector<16xi32>], vector<16xf32>, vector<16xi1>
        tpu.vector_store_idx %arg13[%add3A_212, %broadcast_in_dim3A_250], %gather3A_251 masked %and3A : memref<192x128xf32, #tpu.memory_space<vmem>>[vector<16xi32>, vector<16xi32>], vector<16xf32>, vector<16xi1>
        %broadcast_in_dim3A_252 = arith.constant 7 : i32
        %broadcast_in_dim3A_253 = vector.broadcast %broadcast_in_dim3A_252 : i32 to vector<16xi32>
        %gather3A_254 = tpu.vector_load_idx %arg8[%broadcast_in_dim3A_253, %select_n3A] masked %and3A : memref<64x640xf32, #tpu.memory_space<vmem>>[vector<16xi32>, vector<16xi32>], vector<16xf32>, vector<16xi1>
        tpu.vector_store_idx %arg13[%add3A_212, %broadcast_in_dim3A_253], %gather3A_254 masked %and3A : memref<192x128xf32, #tpu.memory_space<vmem>>[vector<16xi32>, vector<16xi32>], vector<16xf32>, vector<16xi1>
        %broadcast_in_dim3A_255 = arith.constant 8 : i32
        %broadcast_in_dim3A_256 = vector.broadcast %broadcast_in_dim3A_255 : i32 to vector<16xi32>
        %gather3A_257 = tpu.vector_load_idx %arg8[%broadcast_in_dim3A_256, %select_n3A] masked %and3A : memref<64x640xf32, #tpu.memory_space<vmem>>[vector<16xi32>, vector<16xi32>], vector<16xf32>, vector<16xi1>
        tpu.vector_store_idx %arg13[%add3A_212, %broadcast_in_dim3A_256], %gather3A_257 masked %and3A : memref<192x128xf32, #tpu.memory_space<vmem>>[vector<16xi32>, vector<16xi32>], vector<16xf32>, vector<16xi1>
        %broadcast_in_dim3A_258 = arith.constant 9 : i32
        %broadcast_in_dim3A_259 = vector.broadcast %broadcast_in_dim3A_258 : i32 to vector<16xi32>
        %gather3A_260 = tpu.vector_load_idx %arg8[%broadcast_in_dim3A_259, %select_n3A] masked %and3A : memref<64x640xf32, #tpu.memory_space<vmem>>[vector<16xi32>, vector<16xi32>], vector<16xf32>, vector<16xi1>
        tpu.vector_store_idx %arg13[%add3A_212, %broadcast_in_dim3A_259], %gather3A_260 masked %and3A : memref<192x128xf32, #tpu.memory_space<vmem>>[vector<16xi32>, vector<16xi32>], vector<16xf32>, vector<16xi1>
        %broadcast_in_dim3A_261 = arith.constant 10 : i32
        %broadcast_in_dim3A_262 = vector.broadcast %broadcast_in_dim3A_261 : i32 to vector<16xi32>
        %gather3A_263 = tpu.vector_load_idx %arg8[%broadcast_in_dim3A_262, %select_n3A] masked %and3A : memref<64x640xf32, #tpu.memory_space<vmem>>[vector<16xi32>, vector<16xi32>], vector<16xf32>, vector<16xi1>
        tpu.vector_store_idx %arg13[%add3A_212, %broadcast_in_dim3A_262], %gather3A_263 masked %and3A : memref<192x128xf32, #tpu.memory_space<vmem>>[vector<16xi32>, vector<16xi32>], vector<16xf32>, vector<16xi1>
        %broadcast_in_dim3A_264 = arith.constant 11 : i32
        %broadcast_in_dim3A_265 = vector.broadcast %broadcast_in_dim3A_264 : i32 to vector<16xi32>
        %gather3A_266 = tpu.vector_load_idx %arg8[%broadcast_in_dim3A_265, %select_n3A] masked %and3A : memref<64x640xf32, #tpu.memory_space<vmem>>[vector<16xi32>, vector<16xi32>], vector<16xf32>, vector<16xi1>
        tpu.vector_store_idx %arg13[%add3A_212, %broadcast_in_dim3A_265], %gather3A_266 masked %and3A : memref<192x128xf32, #tpu.memory_space<vmem>>[vector<16xi32>, vector<16xi32>], vector<16xf32>, vector<16xi1>
        %broadcast_in_dim3A_267 = arith.constant 12 : i32
        %broadcast_in_dim3A_268 = vector.broadcast %broadcast_in_dim3A_267 : i32 to vector<16xi32>
        %gather3A_269 = tpu.vector_load_idx %arg8[%broadcast_in_dim3A_268, %select_n3A] masked %and3A : memref<64x640xf32, #tpu.memory_space<vmem>>[vector<16xi32>, vector<16xi32>], vector<16xf32>, vector<16xi1>
        tpu.vector_store_idx %arg13[%add3A_212, %broadcast_in_dim3A_268], %gather3A_269 masked %and3A : memref<192x128xf32, #tpu.memory_space<vmem>>[vector<16xi32>, vector<16xi32>], vector<16xf32>, vector<16xi1>
        %broadcast_in_dim3A_270 = arith.constant 13 : i32
        %broadcast_in_dim3A_271 = vector.broadcast %broadcast_in_dim3A_270 : i32 to vector<16xi32>
        %gather3A_272 = tpu.vector_load_idx %arg8[%broadcast_in_dim3A_271, %select_n3A] masked %and3A : memref<64x640xf32, #tpu.memory_space<vmem>>[vector<16xi32>, vector<16xi32>], vector<16xf32>, vector<16xi1>
        tpu.vector_store_idx %arg13[%add3A_212, %broadcast_in_dim3A_271], %gather3A_272 masked %and3A : memref<192x128xf32, #tpu.memory_space<vmem>>[vector<16xi32>, vector<16xi32>], vector<16xf32>, vector<16xi1>
        %broadcast_in_dim3A_273 = arith.constant 14 : i32
        %broadcast_in_dim3A_274 = vector.broadcast %broadcast_in_dim3A_273 : i32 to vector<16xi32>
        %gather3A_275 = tpu.vector_load_idx %arg8[%broadcast_in_dim3A_274, %select_n3A] masked %and3A : memref<64x640xf32, #tpu.memory_space<vmem>>[vector<16xi32>, vector<16xi32>], vector<16xf32>, vector<16xi1>
        tpu.vector_store_idx %arg13[%add3A_212, %broadcast_in_dim3A_274], %gather3A_275 masked %and3A : memref<192x128xf32, #tpu.memory_space<vmem>>[vector<16xi32>, vector<16xi32>], vector<16xf32>, vector<16xi1>
        %broadcast_in_dim3A_276 = arith.constant 15 : i32
        %broadcast_in_dim3A_277 = vector.broadcast %broadcast_in_dim3A_276 : i32 to vector<16xi32>
        %gather3A_278 = tpu.vector_load_idx %arg8[%broadcast_in_dim3A_277, %select_n3A] masked %and3A : memref<64x640xf32, #tpu.memory_space<vmem>>[vector<16xi32>, vector<16xi32>], vector<16xf32>, vector<16xi1>
        tpu.vector_store_idx %arg13[%add3A_212, %broadcast_in_dim3A_277], %gather3A_278 masked %and3A : memref<192x128xf32, #tpu.memory_space<vmem>>[vector<16xi32>, vector<16xi32>], vector<16xf32>, vector<16xi1>
        %broadcast_in_dim3A_279 = arith.constant 16 : i32
        %broadcast_in_dim3A_280 = vector.broadcast %broadcast_in_dim3A_279 : i32 to vector<16xi32>
        %gather3A_281 = tpu.vector_load_idx %arg8[%broadcast_in_dim3A_280, %select_n3A] masked %and3A : memref<64x640xf32, #tpu.memory_space<vmem>>[vector<16xi32>, vector<16xi32>], vector<16xf32>, vector<16xi1>
        tpu.vector_store_idx %arg13[%add3A_212, %broadcast_in_dim3A_280], %gather3A_281 masked %and3A : memref<192x128xf32, #tpu.memory_space<vmem>>[vector<16xi32>, vector<16xi32>], vector<16xf32>, vector<16xi1>
        %broadcast_in_dim3A_282 = arith.constant 17 : i32
        %broadcast_in_dim3A_283 = vector.broadcast %broadcast_in_dim3A_282 : i32 to vector<16xi32>
        %gather3A_284 = tpu.vector_load_idx %arg8[%broadcast_in_dim3A_283, %select_n3A] masked %and3A : memref<64x640xf32, #tpu.memory_space<vmem>>[vector<16xi32>, vector<16xi32>], vector<16xf32>, vector<16xi1>
        tpu.vector_store_idx %arg13[%add3A_212, %broadcast_in_dim3A_283], %gather3A_284 masked %and3A : memref<192x128xf32, #tpu.memory_space<vmem>>[vector<16xi32>, vector<16xi32>], vector<16xf32>, vector<16xi1>
        %broadcast_in_dim3A_285 = arith.constant 18 : i32
        %broadcast_in_dim3A_286 = vector.broadcast %broadcast_in_dim3A_285 : i32 to vector<16xi32>
        %gather3A_287 = tpu.vector_load_idx %arg8[%broadcast_in_dim3A_286, %select_n3A] masked %and3A : memref<64x640xf32, #tpu.memory_space<vmem>>[vector<16xi32>, vector<16xi32>], vector<16xf32>, vector<16xi1>
        tpu.vector_store_idx %arg13[%add3A_212, %broadcast_in_dim3A_286], %gather3A_287 masked %and3A : memref<192x128xf32, #tpu.memory_space<vmem>>[vector<16xi32>, vector<16xi32>], vector<16xf32>, vector<16xi1>
        %broadcast_in_dim3A_288 = arith.constant 19 : i32
        %broadcast_in_dim3A_289 = vector.broadcast %broadcast_in_dim3A_288 : i32 to vector<16xi32>
        %gather3A_290 = tpu.vector_load_idx %arg8[%broadcast_in_dim3A_289, %select_n3A] masked %and3A : memref<64x640xf32, #tpu.memory_space<vmem>>[vector<16xi32>, vector<16xi32>], vector<16xf32>, vector<16xi1>
        tpu.vector_store_idx %arg13[%add3A_212, %broadcast_in_dim3A_289], %gather3A_290 masked %and3A : memref<192x128xf32, #tpu.memory_space<vmem>>[vector<16xi32>, vector<16xi32>], vector<16xf32>, vector<16xi1>
        %broadcast_in_dim3A_291 = arith.constant 20 : i32
        %broadcast_in_dim3A_292 = vector.broadcast %broadcast_in_dim3A_291 : i32 to vector<16xi32>
        %gather3A_293 = tpu.vector_load_idx %arg8[%broadcast_in_dim3A_292, %select_n3A] masked %and3A : memref<64x640xf32, #tpu.memory_space<vmem>>[vector<16xi32>, vector<16xi32>], vector<16xf32>, vector<16xi1>
        tpu.vector_store_idx %arg13[%add3A_212, %broadcast_in_dim3A_292], %gather3A_293 masked %and3A : memref<192x128xf32, #tpu.memory_space<vmem>>[vector<16xi32>, vector<16xi32>], vector<16xf32>, vector<16xi1>
        %broadcast_in_dim3A_294 = arith.constant 21 : i32
        %broadcast_in_dim3A_295 = vector.broadcast %broadcast_in_dim3A_294 : i32 to vector<16xi32>
        %gather3A_296 = tpu.vector_load_idx %arg8[%broadcast_in_dim3A_295, %select_n3A] masked %and3A : memref<64x640xf32, #tpu.memory_space<vmem>>[vector<16xi32>, vector<16xi32>], vector<16xf32>, vector<16xi1>
        tpu.vector_store_idx %arg13[%add3A_212, %broadcast_in_dim3A_295], %gather3A_296 masked %and3A : memref<192x128xf32, #tpu.memory_space<vmem>>[vector<16xi32>, vector<16xi32>], vector<16xf32>, vector<16xi1>
        %broadcast_in_dim3A_297 = arith.constant 22 : i32
        %broadcast_in_dim3A_298 = vector.broadcast %broadcast_in_dim3A_297 : i32 to vector<16xi32>
        %gather3A_299 = tpu.vector_load_idx %arg8[%broadcast_in_dim3A_298, %select_n3A] masked %and3A : memref<64x640xf32, #tpu.memory_space<vmem>>[vector<16xi32>, vector<16xi32>], vector<16xf32>, vector<16xi1>
        tpu.vector_store_idx %arg13[%add3A_212, %broadcast_in_dim3A_298], %gather3A_299 masked %and3A : memref<192x128xf32, #tpu.memory_space<vmem>>[vector<16xi32>, vector<16xi32>], vector<16xf32>, vector<16xi1>
        %broadcast_in_dim3A_300 = arith.constant 23 : i32
        %broadcast_in_dim3A_301 = vector.broadcast %broadcast_in_dim3A_300 : i32 to vector<16xi32>
        %gather3A_302 = tpu.vector_load_idx %arg8[%broadcast_in_dim3A_301, %select_n3A] masked %and3A : memref<64x640xf32, #tpu.memory_space<vmem>>[vector<16xi32>, vector<16xi32>], vector<16xf32>, vector<16xi1>
        tpu.vector_store_idx %arg13[%add3A_212, %broadcast_in_dim3A_301], %gather3A_302 masked %and3A : memref<192x128xf32, #tpu.memory_space<vmem>>[vector<16xi32>, vector<16xi32>], vector<16xf32>, vector<16xi1>
        %broadcast_in_dim3A_303 = arith.constant 24 : i32
        %broadcast_in_dim3A_304 = vector.broadcast %broadcast_in_dim3A_303 : i32 to vector<16xi32>
        %gather3A_305 = tpu.vector_load_idx %arg8[%broadcast_in_dim3A_304, %select_n3A] masked %and3A : memref<64x640xf32, #tpu.memory_space<vmem>>[vector<16xi32>, vector<16xi32>], vector<16xf32>, vector<16xi1>
        tpu.vector_store_idx %arg13[%add3A_212, %broadcast_in_dim3A_304], %gather3A_305 masked %and3A : memref<192x128xf32, #tpu.memory_space<vmem>>[vector<16xi32>, vector<16xi32>], vector<16xf32>, vector<16xi1>
        %broadcast_in_dim3A_306 = arith.constant 25 : i32
        %broadcast_in_dim3A_307 = vector.broadcast %broadcast_in_dim3A_306 : i32 to vector<16xi32>
        %gather3A_308 = tpu.vector_load_idx %arg8[%broadcast_in_dim3A_307, %select_n3A] masked %and3A : memref<64x640xf32, #tpu.memory_space<vmem>>[vector<16xi32>, vector<16xi32>], vector<16xf32>, vector<16xi1>
        tpu.vector_store_idx %arg13[%add3A_212, %broadcast_in_dim3A_307], %gather3A_308 masked %and3A : memref<192x128xf32, #tpu.memory_space<vmem>>[vector<16xi32>, vector<16xi32>], vector<16xf32>, vector<16xi1>
        %broadcast_in_dim3A_309 = arith.constant 26 : i32
        %broadcast_in_dim3A_310 = vector.broadcast %broadcast_in_dim3A_309 : i32 to vector<16xi32>
        %gather3A_311 = tpu.vector_load_idx %arg8[%broadcast_in_dim3A_310, %select_n3A] masked %and3A : memref<64x640xf32, #tpu.memory_space<vmem>>[vector<16xi32>, vector<16xi32>], vector<16xf32>, vector<16xi1>
        tpu.vector_store_idx %arg13[%add3A_212, %broadcast_in_dim3A_310], %gather3A_311 masked %and3A : memref<192x128xf32, #tpu.memory_space<vmem>>[vector<16xi32>, vector<16xi32>], vector<16xf32>, vector<16xi1>
        %broadcast_in_dim3A_312 = arith.constant 27 : i32
        %broadcast_in_dim3A_313 = vector.broadcast %broadcast_in_dim3A_312 : i32 to vector<16xi32>
        %gather3A_314 = tpu.vector_load_idx %arg8[%broadcast_in_dim3A_313, %select_n3A] masked %and3A : memref<64x640xf32, #tpu.memory_space<vmem>>[vector<16xi32>, vector<16xi32>], vector<16xf32>, vector<16xi1>
        tpu.vector_store_idx %arg13[%add3A_212, %broadcast_in_dim3A_313], %gather3A_314 masked %and3A : memref<192x128xf32, #tpu.memory_space<vmem>>[vector<16xi32>, vector<16xi32>], vector<16xf32>, vector<16xi1>
        %broadcast_in_dim3A_315 = arith.constant 28 : i32
        %broadcast_in_dim3A_316 = vector.broadcast %broadcast_in_dim3A_315 : i32 to vector<16xi32>
        %gather3A_317 = tpu.vector_load_idx %arg8[%broadcast_in_dim3A_316, %select_n3A] masked %and3A : memref<64x640xf32, #tpu.memory_space<vmem>>[vector<16xi32>, vector<16xi32>], vector<16xf32>, vector<16xi1>
        tpu.vector_store_idx %arg13[%add3A_212, %broadcast_in_dim3A_316], %gather3A_317 masked %and3A : memref<192x128xf32, #tpu.memory_space<vmem>>[vector<16xi32>, vector<16xi32>], vector<16xf32>, vector<16xi1>
        %broadcast_in_dim3A_318 = arith.constant 29 : i32
        %broadcast_in_dim3A_319 = vector.broadcast %broadcast_in_dim3A_318 : i32 to vector<16xi32>
        %gather3A_320 = tpu.vector_load_idx %arg8[%broadcast_in_dim3A_319, %select_n3A] masked %and3A : memref<64x640xf32, #tpu.memory_space<vmem>>[vector<16xi32>, vector<16xi32>], vector<16xf32>, vector<16xi1>
        tpu.vector_store_idx %arg13[%add3A_212, %broadcast_in_dim3A_319], %gather3A_320 masked %and3A : memref<192x128xf32, #tpu.memory_space<vmem>>[vector<16xi32>, vector<16xi32>], vector<16xf32>, vector<16xi1>
        %broadcast_in_dim3A_321 = arith.constant 30 : i32
        %broadcast_in_dim3A_322 = vector.broadcast %broadcast_in_dim3A_321 : i32 to vector<16xi32>
        %gather3A_323 = tpu.vector_load_idx %arg8[%broadcast_in_dim3A_322, %select_n3A] masked %and3A : memref<64x640xf32, #tpu.memory_space<vmem>>[vector<16xi32>, vector<16xi32>], vector<16xf32>, vector<16xi1>
        tpu.vector_store_idx %arg13[%add3A_212, %broadcast_in_dim3A_322], %gather3A_323 masked %and3A : memref<192x128xf32, #tpu.memory_space<vmem>>[vector<16xi32>, vector<16xi32>], vector<16xf32>, vector<16xi1>
        %broadcast_in_dim3A_324 = arith.constant 31 : i32
        %broadcast_in_dim3A_325 = vector.broadcast %broadcast_in_dim3A_324 : i32 to vector<16xi32>
        %gather3A_326 = tpu.vector_load_idx %arg8[%broadcast_in_dim3A_325, %select_n3A] masked %and3A : memref<64x640xf32, #tpu.memory_space<vmem>>[vector<16xi32>, vector<16xi32>], vector<16xf32>, vector<16xi1>
        tpu.vector_store_idx %arg13[%add3A_212, %broadcast_in_dim3A_325], %gather3A_326 masked %and3A : memref<192x128xf32, #tpu.memory_space<vmem>>[vector<16xi32>, vector<16xi32>], vector<16xf32>, vector<16xi1>
        %broadcast_in_dim3A_327 = arith.constant 32 : i32
        %broadcast_in_dim3A_328 = vector.broadcast %broadcast_in_dim3A_327 : i32 to vector<16xi32>
        %gather3A_329 = tpu.vector_load_idx %arg8[%broadcast_in_dim3A_328, %select_n3A] masked %and3A : memref<64x640xf32, #tpu.memory_space<vmem>>[vector<16xi32>, vector<16xi32>], vector<16xf32>, vector<16xi1>
        tpu.vector_store_idx %arg13[%add3A_212, %broadcast_in_dim3A_328], %gather3A_329 masked %and3A : memref<192x128xf32, #tpu.memory_space<vmem>>[vector<16xi32>, vector<16xi32>], vector<16xf32>, vector<16xi1>
        %broadcast_in_dim3A_330 = arith.constant 33 : i32
        %broadcast_in_dim3A_331 = vector.broadcast %broadcast_in_dim3A_330 : i32 to vector<16xi32>
        %gather3A_332 = tpu.vector_load_idx %arg8[%broadcast_in_dim3A_331, %select_n3A] masked %and3A : memref<64x640xf32, #tpu.memory_space<vmem>>[vector<16xi32>, vector<16xi32>], vector<16xf32>, vector<16xi1>
        tpu.vector_store_idx %arg13[%add3A_212, %broadcast_in_dim3A_331], %gather3A_332 masked %and3A : memref<192x128xf32, #tpu.memory_space<vmem>>[vector<16xi32>, vector<16xi32>], vector<16xf32>, vector<16xi1>
        %broadcast_in_dim3A_333 = arith.constant 34 : i32
        %broadcast_in_dim3A_334 = vector.broadcast %broadcast_in_dim3A_333 : i32 to vector<16xi32>
        %gather3A_335 = tpu.vector_load_idx %arg8[%broadcast_in_dim3A_334, %select_n3A] masked %and3A : memref<64x640xf32, #tpu.memory_space<vmem>>[vector<16xi32>, vector<16xi32>], vector<16xf32>, vector<16xi1>
        tpu.vector_store_idx %arg13[%add3A_212, %broadcast_in_dim3A_334], %gather3A_335 masked %and3A : memref<192x128xf32, #tpu.memory_space<vmem>>[vector<16xi32>, vector<16xi32>], vector<16xf32>, vector<16xi1>
        %broadcast_in_dim3A_336 = arith.constant 35 : i32
        %broadcast_in_dim3A_337 = vector.broadcast %broadcast_in_dim3A_336 : i32 to vector<16xi32>
        %gather3A_338 = tpu.vector_load_idx %arg8[%broadcast_in_dim3A_337, %select_n3A] masked %and3A : memref<64x640xf32, #tpu.memory_space<vmem>>[vector<16xi32>, vector<16xi32>], vector<16xf32>, vector<16xi1>
        tpu.vector_store_idx %arg13[%add3A_212, %broadcast_in_dim3A_337], %gather3A_338 masked %and3A : memref<192x128xf32, #tpu.memory_space<vmem>>[vector<16xi32>, vector<16xi32>], vector<16xf32>, vector<16xi1>
        %broadcast_in_dim3A_339 = arith.constant 36 : i32
        %broadcast_in_dim3A_340 = vector.broadcast %broadcast_in_dim3A_339 : i32 to vector<16xi32>
        %gather3A_341 = tpu.vector_load_idx %arg8[%broadcast_in_dim3A_340, %select_n3A] masked %and3A : memref<64x640xf32, #tpu.memory_space<vmem>>[vector<16xi32>, vector<16xi32>], vector<16xf32>, vector<16xi1>
        tpu.vector_store_idx %arg13[%add3A_212, %broadcast_in_dim3A_340], %gather3A_341 masked %and3A : memref<192x128xf32, #tpu.memory_space<vmem>>[vector<16xi32>, vector<16xi32>], vector<16xf32>, vector<16xi1>
        %broadcast_in_dim3A_342 = arith.constant 37 : i32
        %broadcast_in_dim3A_343 = vector.broadcast %broadcast_in_dim3A_342 : i32 to vector<16xi32>
        %gather3A_344 = tpu.vector_load_idx %arg8[%broadcast_in_dim3A_343, %select_n3A] masked %and3A : memref<64x640xf32, #tpu.memory_space<vmem>>[vector<16xi32>, vector<16xi32>], vector<16xf32>, vector<16xi1>
        tpu.vector_store_idx %arg13[%add3A_212, %broadcast_in_dim3A_343], %gather3A_344 masked %and3A : memref<192x128xf32, #tpu.memory_space<vmem>>[vector<16xi32>, vector<16xi32>], vector<16xf32>, vector<16xi1>
        %broadcast_in_dim3A_345 = arith.constant 38 : i32
        %broadcast_in_dim3A_346 = vector.broadcast %broadcast_in_dim3A_345 : i32 to vector<16xi32>
        %gather3A_347 = tpu.vector_load_idx %arg8[%broadcast_in_dim3A_346, %select_n3A] masked %and3A : memref<64x640xf32, #tpu.memory_space<vmem>>[vector<16xi32>, vector<16xi32>], vector<16xf32>, vector<16xi1>
        tpu.vector_store_idx %arg13[%add3A_212, %broadcast_in_dim3A_346], %gather3A_347 masked %and3A : memref<192x128xf32, #tpu.memory_space<vmem>>[vector<16xi32>, vector<16xi32>], vector<16xf32>, vector<16xi1>
        %broadcast_in_dim3A_348 = arith.constant 39 : i32
        %broadcast_in_dim3A_349 = vector.broadcast %broadcast_in_dim3A_348 : i32 to vector<16xi32>
        %gather3A_350 = tpu.vector_load_idx %arg8[%broadcast_in_dim3A_349, %select_n3A] masked %and3A : memref<64x640xf32, #tpu.memory_space<vmem>>[vector<16xi32>, vector<16xi32>], vector<16xf32>, vector<16xi1>
        tpu.vector_store_idx %arg13[%add3A_212, %broadcast_in_dim3A_349], %gather3A_350 masked %and3A : memref<192x128xf32, #tpu.memory_space<vmem>>[vector<16xi32>, vector<16xi32>], vector<16xf32>, vector<16xi1>
        %broadcast_in_dim3A_351 = arith.constant 40 : i32
        %broadcast_in_dim3A_352 = vector.broadcast %broadcast_in_dim3A_351 : i32 to vector<16xi32>
        %gather3A_353 = tpu.vector_load_idx %arg8[%broadcast_in_dim3A_352, %select_n3A] masked %and3A : memref<64x640xf32, #tpu.memory_space<vmem>>[vector<16xi32>, vector<16xi32>], vector<16xf32>, vector<16xi1>
        tpu.vector_store_idx %arg13[%add3A_212, %broadcast_in_dim3A_352], %gather3A_353 masked %and3A : memref<192x128xf32, #tpu.memory_space<vmem>>[vector<16xi32>, vector<16xi32>], vector<16xf32>, vector<16xi1>
        %broadcast_in_dim3A_354 = arith.constant 41 : i32
        %broadcast_in_dim3A_355 = vector.broadcast %broadcast_in_dim3A_354 : i32 to vector<16xi32>
        %gather3A_356 = tpu.vector_load_idx %arg8[%broadcast_in_dim3A_355, %select_n3A] masked %and3A : memref<64x640xf32, #tpu.memory_space<vmem>>[vector<16xi32>, vector<16xi32>], vector<16xf32>, vector<16xi1>
        tpu.vector_store_idx %arg13[%add3A_212, %broadcast_in_dim3A_355], %gather3A_356 masked %and3A : memref<192x128xf32, #tpu.memory_space<vmem>>[vector<16xi32>, vector<16xi32>], vector<16xf32>, vector<16xi1>
        %broadcast_in_dim3A_357 = arith.constant 42 : i32
        %broadcast_in_dim3A_358 = vector.broadcast %broadcast_in_dim3A_357 : i32 to vector<16xi32>
        %gather3A_359 = tpu.vector_load_idx %arg8[%broadcast_in_dim3A_358, %select_n3A] masked %and3A : memref<64x640xf32, #tpu.memory_space<vmem>>[vector<16xi32>, vector<16xi32>], vector<16xf32>, vector<16xi1>
        tpu.vector_store_idx %arg13[%add3A_212, %broadcast_in_dim3A_358], %gather3A_359 masked %and3A : memref<192x128xf32, #tpu.memory_space<vmem>>[vector<16xi32>, vector<16xi32>], vector<16xf32>, vector<16xi1>
        %broadcast_in_dim3A_360 = arith.constant 43 : i32
        %broadcast_in_dim3A_361 = vector.broadcast %broadcast_in_dim3A_360 : i32 to vector<16xi32>
        %gather3A_362 = tpu.vector_load_idx %arg8[%broadcast_in_dim3A_361, %select_n3A] masked %and3A : memref<64x640xf32, #tpu.memory_space<vmem>>[vector<16xi32>, vector<16xi32>], vector<16xf32>, vector<16xi1>
        tpu.vector_store_idx %arg13[%add3A_212, %broadcast_in_dim3A_361], %gather3A_362 masked %and3A : memref<192x128xf32, #tpu.memory_space<vmem>>[vector<16xi32>, vector<16xi32>], vector<16xf32>, vector<16xi1>
        %broadcast_in_dim3A_363 = arith.constant 44 : i32
        %broadcast_in_dim3A_364 = vector.broadcast %broadcast_in_dim3A_363 : i32 to vector<16xi32>
        %gather3A_365 = tpu.vector_load_idx %arg8[%broadcast_in_dim3A_364, %select_n3A] masked %and3A : memref<64x640xf32, #tpu.memory_space<vmem>>[vector<16xi32>, vector<16xi32>], vector<16xf32>, vector<16xi1>
        tpu.vector_store_idx %arg13[%add3A_212, %broadcast_in_dim3A_364], %gather3A_365 masked %and3A : memref<192x128xf32, #tpu.memory_space<vmem>>[vector<16xi32>, vector<16xi32>], vector<16xf32>, vector<16xi1>
        %broadcast_in_dim3A_366 = arith.constant 45 : i32
        %broadcast_in_dim3A_367 = vector.broadcast %broadcast_in_dim3A_366 : i32 to vector<16xi32>
        %gather3A_368 = tpu.vector_load_idx %arg8[%broadcast_in_dim3A_367, %select_n3A] masked %and3A : memref<64x640xf32, #tpu.memory_space<vmem>>[vector<16xi32>, vector<16xi32>], vector<16xf32>, vector<16xi1>
        tpu.vector_store_idx %arg13[%add3A_212, %broadcast_in_dim3A_367], %gather3A_368 masked %and3A : memref<192x128xf32, #tpu.memory_space<vmem>>[vector<16xi32>, vector<16xi32>], vector<16xf32>, vector<16xi1>
        %broadcast_in_dim3A_369 = arith.constant 46 : i32
        %broadcast_in_dim3A_370 = vector.broadcast %broadcast_in_dim3A_369 : i32 to vector<16xi32>
        %gather3A_371 = tpu.vector_load_idx %arg8[%broadcast_in_dim3A_370, %select_n3A] masked %and3A : memref<64x640xf32, #tpu.memory_space<vmem>>[vector<16xi32>, vector<16xi32>], vector<16xf32>, vector<16xi1>
        tpu.vector_store_idx %arg13[%add3A_212, %broadcast_in_dim3A_370], %gather3A_371 masked %and3A : memref<192x128xf32, #tpu.memory_space<vmem>>[vector<16xi32>, vector<16xi32>], vector<16xf32>, vector<16xi1>
        %broadcast_in_dim3A_372 = arith.constant 47 : i32
        %broadcast_in_dim3A_373 = vector.broadcast %broadcast_in_dim3A_372 : i32 to vector<16xi32>
        %gather3A_374 = tpu.vector_load_idx %arg8[%broadcast_in_dim3A_373, %select_n3A] masked %and3A : memref<64x640xf32, #tpu.memory_space<vmem>>[vector<16xi32>, vector<16xi32>], vector<16xf32>, vector<16xi1>
        tpu.vector_store_idx %arg13[%add3A_212, %broadcast_in_dim3A_373], %gather3A_374 masked %and3A : memref<192x128xf32, #tpu.memory_space<vmem>>[vector<16xi32>, vector<16xi32>], vector<16xf32>, vector<16xi1>
        %broadcast_in_dim3A_375 = arith.constant 48 : i32
        %broadcast_in_dim3A_376 = vector.broadcast %broadcast_in_dim3A_375 : i32 to vector<16xi32>
        %gather3A_377 = tpu.vector_load_idx %arg8[%broadcast_in_dim3A_376, %select_n3A] masked %and3A : memref<64x640xf32, #tpu.memory_space<vmem>>[vector<16xi32>, vector<16xi32>], vector<16xf32>, vector<16xi1>
        tpu.vector_store_idx %arg13[%add3A_212, %broadcast_in_dim3A_376], %gather3A_377 masked %and3A : memref<192x128xf32, #tpu.memory_space<vmem>>[vector<16xi32>, vector<16xi32>], vector<16xf32>, vector<16xi1>
        %broadcast_in_dim3A_378 = arith.constant 49 : i32
        %broadcast_in_dim3A_379 = vector.broadcast %broadcast_in_dim3A_378 : i32 to vector<16xi32>
        %gather3A_380 = tpu.vector_load_idx %arg8[%broadcast_in_dim3A_379, %select_n3A] masked %and3A : memref<64x640xf32, #tpu.memory_space<vmem>>[vector<16xi32>, vector<16xi32>], vector<16xf32>, vector<16xi1>
        tpu.vector_store_idx %arg13[%add3A_212, %broadcast_in_dim3A_379], %gather3A_380 masked %and3A : memref<192x128xf32, #tpu.memory_space<vmem>>[vector<16xi32>, vector<16xi32>], vector<16xf32>, vector<16xi1>
        %broadcast_in_dim3A_381 = arith.constant 50 : i32
        %broadcast_in_dim3A_382 = vector.broadcast %broadcast_in_dim3A_381 : i32 to vector<16xi32>
        %gather3A_383 = tpu.vector_load_idx %arg8[%broadcast_in_dim3A_382, %select_n3A] masked %and3A : memref<64x640xf32, #tpu.memory_space<vmem>>[vector<16xi32>, vector<16xi32>], vector<16xf32>, vector<16xi1>
        tpu.vector_store_idx %arg13[%add3A_212, %broadcast_in_dim3A_382], %gather3A_383 masked %and3A : memref<192x128xf32, #tpu.memory_space<vmem>>[vector<16xi32>, vector<16xi32>], vector<16xf32>, vector<16xi1>
        %broadcast_in_dim3A_384 = arith.constant 51 : i32
        %broadcast_in_dim3A_385 = vector.broadcast %broadcast_in_dim3A_384 : i32 to vector<16xi32>
        %gather3A_386 = tpu.vector_load_idx %arg8[%broadcast_in_dim3A_385, %select_n3A] masked %and3A : memref<64x640xf32, #tpu.memory_space<vmem>>[vector<16xi32>, vector<16xi32>], vector<16xf32>, vector<16xi1>
        tpu.vector_store_idx %arg13[%add3A_212, %broadcast_in_dim3A_385], %gather3A_386 masked %and3A : memref<192x128xf32, #tpu.memory_space<vmem>>[vector<16xi32>, vector<16xi32>], vector<16xf32>, vector<16xi1>
        %broadcast_in_dim3A_387 = arith.constant 52 : i32
        %broadcast_in_dim3A_388 = vector.broadcast %broadcast_in_dim3A_387 : i32 to vector<16xi32>
        %gather3A_389 = tpu.vector_load_idx %arg8[%broadcast_in_dim3A_388, %select_n3A] masked %and3A : memref<64x640xf32, #tpu.memory_space<vmem>>[vector<16xi32>, vector<16xi32>], vector<16xf32>, vector<16xi1>
        tpu.vector_store_idx %arg13[%add3A_212, %broadcast_in_dim3A_388], %gather3A_389 masked %and3A : memref<192x128xf32, #tpu.memory_space<vmem>>[vector<16xi32>, vector<16xi32>], vector<16xf32>, vector<16xi1>
        %broadcast_in_dim3A_390 = arith.constant 53 : i32
        %broadcast_in_dim3A_391 = vector.broadcast %broadcast_in_dim3A_390 : i32 to vector<16xi32>
        %gather3A_392 = tpu.vector_load_idx %arg8[%broadcast_in_dim3A_391, %select_n3A] masked %and3A : memref<64x640xf32, #tpu.memory_space<vmem>>[vector<16xi32>, vector<16xi32>], vector<16xf32>, vector<16xi1>
        tpu.vector_store_idx %arg13[%add3A_212, %broadcast_in_dim3A_391], %gather3A_392 masked %and3A : memref<192x128xf32, #tpu.memory_space<vmem>>[vector<16xi32>, vector<16xi32>], vector<16xf32>, vector<16xi1>
        %broadcast_in_dim3A_393 = arith.constant 54 : i32
        %broadcast_in_dim3A_394 = vector.broadcast %broadcast_in_dim3A_393 : i32 to vector<16xi32>
        %gather3A_395 = tpu.vector_load_idx %arg8[%broadcast_in_dim3A_394, %select_n3A] masked %and3A : memref<64x640xf32, #tpu.memory_space<vmem>>[vector<16xi32>, vector<16xi32>], vector<16xf32>, vector<16xi1>
        tpu.vector_store_idx %arg13[%add3A_212, %broadcast_in_dim3A_394], %gather3A_395 masked %and3A : memref<192x128xf32, #tpu.memory_space<vmem>>[vector<16xi32>, vector<16xi32>], vector<16xf32>, vector<16xi1>
        %broadcast_in_dim3A_396 = arith.constant 55 : i32
        %broadcast_in_dim3A_397 = vector.broadcast %broadcast_in_dim3A_396 : i32 to vector<16xi32>
        %gather3A_398 = tpu.vector_load_idx %arg8[%broadcast_in_dim3A_397, %select_n3A] masked %and3A : memref<64x640xf32, #tpu.memory_space<vmem>>[vector<16xi32>, vector<16xi32>], vector<16xf32>, vector<16xi1>
        tpu.vector_store_idx %arg13[%add3A_212, %broadcast_in_dim3A_397], %gather3A_398 masked %and3A : memref<192x128xf32, #tpu.memory_space<vmem>>[vector<16xi32>, vector<16xi32>], vector<16xf32>, vector<16xi1>
        %broadcast_in_dim3A_399 = arith.constant 56 : i32
        %broadcast_in_dim3A_400 = vector.broadcast %broadcast_in_dim3A_399 : i32 to vector<16xi32>
        %gather3A_401 = tpu.vector_load_idx %arg8[%broadcast_in_dim3A_400, %select_n3A] masked %and3A : memref<64x640xf32, #tpu.memory_space<vmem>>[vector<16xi32>, vector<16xi32>], vector<16xf32>, vector<16xi1>
        tpu.vector_store_idx %arg13[%add3A_212, %broadcast_in_dim3A_400], %gather3A_401 masked %and3A : memref<192x128xf32, #tpu.memory_space<vmem>>[vector<16xi32>, vector<16xi32>], vector<16xf32>, vector<16xi1>
        %broadcast_in_dim3A_402 = arith.constant 57 : i32
        %broadcast_in_dim3A_403 = vector.broadcast %broadcast_in_dim3A_402 : i32 to vector<16xi32>
        %gather3A_404 = tpu.vector_load_idx %arg8[%broadcast_in_dim3A_403, %select_n3A] masked %and3A : memref<64x640xf32, #tpu.memory_space<vmem>>[vector<16xi32>, vector<16xi32>], vector<16xf32>, vector<16xi1>
        tpu.vector_store_idx %arg13[%add3A_212, %broadcast_in_dim3A_403], %gather3A_404 masked %and3A : memref<192x128xf32, #tpu.memory_space<vmem>>[vector<16xi32>, vector<16xi32>], vector<16xf32>, vector<16xi1>
        %broadcast_in_dim3A_405 = arith.constant 58 : i32
        %broadcast_in_dim3A_406 = vector.broadcast %broadcast_in_dim3A_405 : i32 to vector<16xi32>
        %gather3A_407 = tpu.vector_load_idx %arg8[%broadcast_in_dim3A_406, %select_n3A] masked %and3A : memref<64x640xf32, #tpu.memory_space<vmem>>[vector<16xi32>, vector<16xi32>], vector<16xf32>, vector<16xi1>
        tpu.vector_store_idx %arg13[%add3A_212, %broadcast_in_dim3A_406], %gather3A_407 masked %and3A : memref<192x128xf32, #tpu.memory_space<vmem>>[vector<16xi32>, vector<16xi32>], vector<16xf32>, vector<16xi1>
        %broadcast_in_dim3A_408 = arith.constant 59 : i32
        %broadcast_in_dim3A_409 = vector.broadcast %broadcast_in_dim3A_408 : i32 to vector<16xi32>
        %gather3A_410 = tpu.vector_load_idx %arg8[%broadcast_in_dim3A_409, %select_n3A] masked %and3A : memref<64x640xf32, #tpu.memory_space<vmem>>[vector<16xi32>, vector<16xi32>], vector<16xf32>, vector<16xi1>
        tpu.vector_store_idx %arg13[%add3A_212, %broadcast_in_dim3A_409], %gather3A_410 masked %and3A : memref<192x128xf32, #tpu.memory_space<vmem>>[vector<16xi32>, vector<16xi32>], vector<16xf32>, vector<16xi1>
        %broadcast_in_dim3A_411 = arith.constant 60 : i32
        %broadcast_in_dim3A_412 = vector.broadcast %broadcast_in_dim3A_411 : i32 to vector<16xi32>
        %gather3A_413 = tpu.vector_load_idx %arg8[%broadcast_in_dim3A_412, %select_n3A] masked %and3A : memref<64x640xf32, #tpu.memory_space<vmem>>[vector<16xi32>, vector<16xi32>], vector<16xf32>, vector<16xi1>
        tpu.vector_store_idx %arg13[%add3A_212, %broadcast_in_dim3A_412], %gather3A_413 masked %and3A : memref<192x128xf32, #tpu.memory_space<vmem>>[vector<16xi32>, vector<16xi32>], vector<16xf32>, vector<16xi1>
        %broadcast_in_dim3A_414 = arith.constant 61 : i32
        %broadcast_in_dim3A_415 = vector.broadcast %broadcast_in_dim3A_414 : i32 to vector<16xi32>
        %gather3A_416 = tpu.vector_load_idx %arg8[%broadcast_in_dim3A_415, %select_n3A] masked %and3A : memref<64x640xf32, #tpu.memory_space<vmem>>[vector<16xi32>, vector<16xi32>], vector<16xf32>, vector<16xi1>
        tpu.vector_store_idx %arg13[%add3A_212, %broadcast_in_dim3A_415], %gather3A_416 masked %and3A : memref<192x128xf32, #tpu.memory_space<vmem>>[vector<16xi32>, vector<16xi32>], vector<16xf32>, vector<16xi1>
        %broadcast_in_dim3A_417 = arith.constant 62 : i32
        %broadcast_in_dim3A_418 = vector.broadcast %broadcast_in_dim3A_417 : i32 to vector<16xi32>
        %gather3A_419 = tpu.vector_load_idx %arg8[%broadcast_in_dim3A_418, %select_n3A] masked %and3A : memref<64x640xf32, #tpu.memory_space<vmem>>[vector<16xi32>, vector<16xi32>], vector<16xf32>, vector<16xi1>
        tpu.vector_store_idx %arg13[%add3A_212, %broadcast_in_dim3A_418], %gather3A_419 masked %and3A : memref<192x128xf32, #tpu.memory_space<vmem>>[vector<16xi32>, vector<16xi32>], vector<16xf32>, vector<16xi1>
        %broadcast_in_dim3A_420 = arith.constant 63 : i32
        %broadcast_in_dim3A_421 = vector.broadcast %broadcast_in_dim3A_420 : i32 to vector<16xi32>
        %gather3A_422 = tpu.vector_load_idx %arg8[%broadcast_in_dim3A_421, %select_n3A] masked %and3A : memref<64x640xf32, #tpu.memory_space<vmem>>[vector<16xi32>, vector<16xi32>], vector<16xf32>, vector<16xi1>
        tpu.vector_store_idx %arg13[%add3A_212, %broadcast_in_dim3A_421], %gather3A_422 masked %and3A : memref<192x128xf32, #tpu.memory_space<vmem>>[vector<16xi32>, vector<16xi32>], vector<16xf32>, vector<16xi1>
      }
      %while3A_118 = arith.constant 1 : i32
      scf.for %while3A_208 = %while3A_116 to %while3A_112 step %while3A_118  : i32 {
        %iota3A = tpu.iota {dimensions = array<i32: 0>} : vector<16xi32>
        %mul3A_209 = arith.constant 16 : i32
        %mul3A_210 = arith.muli %while3A_208, %mul3A_209 : i32
        %add3A_211 = vector.broadcast %mul3A_210 : i32 to vector<16xi32>
        %add3A_212 = arith.addi %iota3A, %add3A_211 : vector<16xi32>
        %ge3A_213 = vector.broadcast %while3A_68 : i32 to vector<16xi32>
        %ge3A_214 = arith.cmpi sge, %add3A_212, %ge3A_213 : vector<16xi32>
        %lt3A_215 = vector.broadcast %while3A_101 : i32 to vector<16xi32>
        %lt3A_216 = arith.cmpi slt, %add3A_212, %lt3A_215 : vector<16xi32>
        %and3A = arith.andi %ge3A_214, %lt3A_216 : vector<16xi1>
        %mul3A_217 = arith.constant 16 : i32
        %mul3A_218 = arith.muli %while3A_208, %mul3A_217 : i32
        %get3A = arith.index_cast %mul3A_218 : i32 to index
        %get3A_219 = tpu.vector_load %arg10[%get3A] {strides = array<i32>} : memref<192xi32, #tpu.memory_space<vmem>>, vector<16xi32>,
        %jit3A = arith.constant 0 : i32
        %broadcast_in_dim3A = vector.broadcast %jit3A : i32 to vector<16xi32>
        %select_n3A = arith.select %and3A, %get3A_219, %broadcast_in_dim3A : vector<16xi1>, vector<16xi32>
        %mul3A_220 = arith.constant 16 : i32
        %mul3A_221 = arith.muli %while3A_208, %mul3A_220 : i32
        %get3A_222 = arith.index_cast %mul3A_221 : i32 to index
        %get3A_223 = tpu.vector_load %arg11[%get3A_222] {strides = array<i32>} : memref<192xi32, #tpu.memory_space<vmem>>, vector<16xi32>,
        %mul3A_224 = arith.constant 16 : i32
        %mul3A_225 = arith.muli %while3A_208, %mul3A_224 : i32
        %get3A_226 = arith.index_cast %mul3A_225 : i32 to index
        %get3A_227 = tpu.vector_load %arg12[%get3A_226] {strides = array<i32>} : memref<192xi32, #tpu.memory_space<vmem>>, vector<16xi32>,
        %select_n3A_228 = arith.select %and3A, %get3A_223, %get3A_227 : vector<16xi1>, vector<16xi32>
        %mul3A_229 = arith.constant 16 : i32
        %mul3A_230 = arith.muli %while3A_208, %mul3A_229 : i32
        %swap3A = arith.index_cast %mul3A_230 : i32 to index
        %swap3A_231 = tpu.vector_load %arg12[%swap3A] {strides = array<i32>} : memref<192xi32, #tpu.memory_space<vmem>>, vector<16xi32>,
        tpu.vector_store %arg12[%swap3A], %select_n3A_228 {strides = array<i32>} : memref<192xi32, #tpu.memory_space<vmem>>, vector<16xi32>,
        %broadcast_in_dim3A_232 = arith.constant 0 : i32
        %broadcast_in_dim3A_233 = vector.broadcast %broadcast_in_dim3A_232 : i32 to vector<16xi32>
        %gather3A = tpu.vector_load_idx %arg8[%broadcast_in_dim3A_233, %select_n3A] masked %and3A : memref<64x640xf32, #tpu.memory_space<vmem>>[vector<16xi32>, vector<16xi32>], vector<16xf32>, vector<16xi1>
        tpu.vector_store_idx %arg13[%add3A_212, %broadcast_in_dim3A_233], %gather3A masked %and3A : memref<192x128xf32, #tpu.memory_space<vmem>>[vector<16xi32>, vector<16xi32>], vector<16xf32>, vector<16xi1>
        %broadcast_in_dim3A_234 = arith.constant 1 : i32
        %broadcast_in_dim3A_235 = vector.broadcast %broadcast_in_dim3A_234 : i32 to vector<16xi32>
        %gather3A_236 = tpu.vector_load_idx %arg8[%broadcast_in_dim3A_235, %select_n3A] masked %and3A : memref<64x640xf32, #tpu.memory_space<vmem>>[vector<16xi32>, vector<16xi32>], vector<16xf32>, vector<16xi1>
        tpu.vector_store_idx %arg13[%add3A_212, %broadcast_in_dim3A_235], %gather3A_236 masked %and3A : memref<192x128xf32, #tpu.memory_space<vmem>>[vector<16xi32>, vector<16xi32>], vector<16xf32>, vector<16xi1>
        %broadcast_in_dim3A_237 = arith.constant 2 : i32
        %broadcast_in_dim3A_238 = vector.broadcast %broadcast_in_dim3A_237 : i32 to vector<16xi32>
        %gather3A_239 = tpu.vector_load_idx %arg8[%broadcast_in_dim3A_238, %select_n3A] masked %and3A : memref<64x640xf32, #tpu.memory_space<vmem>>[vector<16xi32>, vector<16xi32>], vector<16xf32>, vector<16xi1>
        tpu.vector_store_idx %arg13[%add3A_212, %broadcast_in_dim3A_238], %gather3A_239 masked %and3A : memref<192x128xf32, #tpu.memory_space<vmem>>[vector<16xi32>, vector<16xi32>], vector<16xf32>, vector<16xi1>
        %broadcast_in_dim3A_240 = arith.constant 3 : i32
        %broadcast_in_dim3A_241 = vector.broadcast %broadcast_in_dim3A_240 : i32 to vector<16xi32>
        %gather3A_242 = tpu.vector_load_idx %arg8[%broadcast_in_dim3A_241, %select_n3A] masked %and3A : memref<64x640xf32, #tpu.memory_space<vmem>>[vector<16xi32>, vector<16xi32>], vector<16xf32>, vector<16xi1>
        tpu.vector_store_idx %arg13[%add3A_212, %broadcast_in_dim3A_241], %gather3A_242 masked %and3A : memref<192x128xf32, #tpu.memory_space<vmem>>[vector<16xi32>, vector<16xi32>], vector<16xf32>, vector<16xi1>
        %broadcast_in_dim3A_243 = arith.constant 4 : i32
        %broadcast_in_dim3A_244 = vector.broadcast %broadcast_in_dim3A_243 : i32 to vector<16xi32>
        %gather3A_245 = tpu.vector_load_idx %arg8[%broadcast_in_dim3A_244, %select_n3A] masked %and3A : memref<64x640xf32, #tpu.memory_space<vmem>>[vector<16xi32>, vector<16xi32>], vector<16xf32>, vector<16xi1>
        tpu.vector_store_idx %arg13[%add3A_212, %broadcast_in_dim3A_244], %gather3A_245 masked %and3A : memref<192x128xf32, #tpu.memory_space<vmem>>[vector<16xi32>, vector<16xi32>], vector<16xf32>, vector<16xi1>
        %broadcast_in_dim3A_246 = arith.constant 5 : i32
        %broadcast_in_dim3A_247 = vector.broadcast %broadcast_in_dim3A_246 : i32 to vector<16xi32>
        %gather3A_248 = tpu.vector_load_idx %arg8[%broadcast_in_dim3A_247, %select_n3A] masked %and3A : memref<64x640xf32, #tpu.memory_space<vmem>>[vector<16xi32>, vector<16xi32>], vector<16xf32>, vector<16xi1>
        tpu.vector_store_idx %arg13[%add3A_212, %broadcast_in_dim3A_247], %gather3A_248 masked %and3A : memref<192x128xf32, #tpu.memory_space<vmem>>[vector<16xi32>, vector<16xi32>], vector<16xf32>, vector<16xi1>
        %broadcast_in_dim3A_249 = arith.constant 6 : i32
        %broadcast_in_dim3A_250 = vector.broadcast %broadcast_in_dim3A_249 : i32 to vector<16xi32>
        %gather3A_251 = tpu.vector_load_idx %arg8[%broadcast_in_dim3A_250, %select_n3A] masked %and3A : memref<64x640xf32, #tpu.memory_space<vmem>>[vector<16xi32>, vector<16xi32>], vector<16xf32>, vector<16xi1>
        tpu.vector_store_idx %arg13[%add3A_212, %broadcast_in_dim3A_250], %gather3A_251 masked %and3A : memref<192x128xf32, #tpu.memory_space<vmem>>[vector<16xi32>, vector<16xi32>], vector<16xf32>, vector<16xi1>
        %broadcast_in_dim3A_252 = arith.constant 7 : i32
        %broadcast_in_dim3A_253 = vector.broadcast %broadcast_in_dim3A_252 : i32 to vector<16xi32>
        %gather3A_254 = tpu.vector_load_idx %arg8[%broadcast_in_dim3A_253, %select_n3A] masked %and3A : memref<64x640xf32, #tpu.memory_space<vmem>>[vector<16xi32>, vector<16xi32>], vector<16xf32>, vector<16xi1>
        tpu.vector_store_idx %arg13[%add3A_212, %broadcast_in_dim3A_253], %gather3A_254 masked %and3A : memref<192x128xf32, #tpu.memory_space<vmem>>[vector<16xi32>, vector<16xi32>], vector<16xf32>, vector<16xi1>
        %broadcast_in_dim3A_255 = arith.constant 8 : i32
        %broadcast_in_dim3A_256 = vector.broadcast %broadcast_in_dim3A_255 : i32 to vector<16xi32>
        %gather3A_257 = tpu.vector_load_idx %arg8[%broadcast_in_dim3A_256, %select_n3A] masked %and3A : memref<64x640xf32, #tpu.memory_space<vmem>>[vector<16xi32>, vector<16xi32>], vector<16xf32>, vector<16xi1>
        tpu.vector_store_idx %arg13[%add3A_212, %broadcast_in_dim3A_256], %gather3A_257 masked %and3A : memref<192x128xf32, #tpu.memory_space<vmem>>[vector<16xi32>, vector<16xi32>], vector<16xf32>, vector<16xi1>
        %broadcast_in_dim3A_258 = arith.constant 9 : i32
        %broadcast_in_dim3A_259 = vector.broadcast %broadcast_in_dim3A_258 : i32 to vector<16xi32>
        %gather3A_260 = tpu.vector_load_idx %arg8[%broadcast_in_dim3A_259, %select_n3A] masked %and3A : memref<64x640xf32, #tpu.memory_space<vmem>>[vector<16xi32>, vector<16xi32>], vector<16xf32>, vector<16xi1>
        tpu.vector_store_idx %arg13[%add3A_212, %broadcast_in_dim3A_259], %gather3A_260 masked %and3A : memref<192x128xf32, #tpu.memory_space<vmem>>[vector<16xi32>, vector<16xi32>], vector<16xf32>, vector<16xi1>
        %broadcast_in_dim3A_261 = arith.constant 10 : i32
        %broadcast_in_dim3A_262 = vector.broadcast %broadcast_in_dim3A_261 : i32 to vector<16xi32>
        %gather3A_263 = tpu.vector_load_idx %arg8[%broadcast_in_dim3A_262, %select_n3A] masked %and3A : memref<64x640xf32, #tpu.memory_space<vmem>>[vector<16xi32>, vector<16xi32>], vector<16xf32>, vector<16xi1>
        tpu.vector_store_idx %arg13[%add3A_212, %broadcast_in_dim3A_262], %gather3A_263 masked %and3A : memref<192x128xf32, #tpu.memory_space<vmem>>[vector<16xi32>, vector<16xi32>], vector<16xf32>, vector<16xi1>
        %broadcast_in_dim3A_264 = arith.constant 11 : i32
        %broadcast_in_dim3A_265 = vector.broadcast %broadcast_in_dim3A_264 : i32 to vector<16xi32>
        %gather3A_266 = tpu.vector_load_idx %arg8[%broadcast_in_dim3A_265, %select_n3A] masked %and3A : memref<64x640xf32, #tpu.memory_space<vmem>>[vector<16xi32>, vector<16xi32>], vector<16xf32>, vector<16xi1>
        tpu.vector_store_idx %arg13[%add3A_212, %broadcast_in_dim3A_265], %gather3A_266 masked %and3A : memref<192x128xf32, #tpu.memory_space<vmem>>[vector<16xi32>, vector<16xi32>], vector<16xf32>, vector<16xi1>
        %broadcast_in_dim3A_267 = arith.constant 12 : i32
        %broadcast_in_dim3A_268 = vector.broadcast %broadcast_in_dim3A_267 : i32 to vector<16xi32>
        %gather3A_269 = tpu.vector_load_idx %arg8[%broadcast_in_dim3A_268, %select_n3A] masked %and3A : memref<64x640xf32, #tpu.memory_space<vmem>>[vector<16xi32>, vector<16xi32>], vector<16xf32>, vector<16xi1>
        tpu.vector_store_idx %arg13[%add3A_212, %broadcast_in_dim3A_268], %gather3A_269 masked %and3A : memref<192x128xf32, #tpu.memory_space<vmem>>[vector<16xi32>, vector<16xi32>], vector<16xf32>, vector<16xi1>
        %broadcast_in_dim3A_270 = arith.constant 13 : i32
        %broadcast_in_dim3A_271 = vector.broadcast %broadcast_in_dim3A_270 : i32 to vector<16xi32>
        %gather3A_272 = tpu.vector_load_idx %arg8[%broadcast_in_dim3A_271, %select_n3A] masked %and3A : memref<64x640xf32, #tpu.memory_space<vmem>>[vector<16xi32>, vector<16xi32>], vector<16xf32>, vector<16xi1>
        tpu.vector_store_idx %arg13[%add3A_212, %broadcast_in_dim3A_271], %gather3A_272 masked %and3A : memref<192x128xf32, #tpu.memory_space<vmem>>[vector<16xi32>, vector<16xi32>], vector<16xf32>, vector<16xi1>
        %broadcast_in_dim3A_273 = arith.constant 14 : i32
        %broadcast_in_dim3A_274 = vector.broadcast %broadcast_in_dim3A_273 : i32 to vector<16xi32>
        %gather3A_275 = tpu.vector_load_idx %arg8[%broadcast_in_dim3A_274, %select_n3A] masked %and3A : memref<64x640xf32, #tpu.memory_space<vmem>>[vector<16xi32>, vector<16xi32>], vector<16xf32>, vector<16xi1>
        tpu.vector_store_idx %arg13[%add3A_212, %broadcast_in_dim3A_274], %gather3A_275 masked %and3A : memref<192x128xf32, #tpu.memory_space<vmem>>[vector<16xi32>, vector<16xi32>], vector<16xf32>, vector<16xi1>
        %broadcast_in_dim3A_276 = arith.constant 15 : i32
        %broadcast_in_dim3A_277 = vector.broadcast %broadcast_in_dim3A_276 : i32 to vector<16xi32>
        %gather3A_278 = tpu.vector_load_idx %arg8[%broadcast_in_dim3A_277, %select_n3A] masked %and3A : memref<64x640xf32, #tpu.memory_space<vmem>>[vector<16xi32>, vector<16xi32>], vector<16xf32>, vector<16xi1>
        tpu.vector_store_idx %arg13[%add3A_212, %broadcast_in_dim3A_277], %gather3A_278 masked %and3A : memref<192x128xf32, #tpu.memory_space<vmem>>[vector<16xi32>, vector<16xi32>], vector<16xf32>, vector<16xi1>
        %broadcast_in_dim3A_279 = arith.constant 16 : i32
        %broadcast_in_dim3A_280 = vector.broadcast %broadcast_in_dim3A_279 : i32 to vector<16xi32>
        %gather3A_281 = tpu.vector_load_idx %arg8[%broadcast_in_dim3A_280, %select_n3A] masked %and3A : memref<64x640xf32, #tpu.memory_space<vmem>>[vector<16xi32>, vector<16xi32>], vector<16xf32>, vector<16xi1>
        tpu.vector_store_idx %arg13[%add3A_212, %broadcast_in_dim3A_280], %gather3A_281 masked %and3A : memref<192x128xf32, #tpu.memory_space<vmem>>[vector<16xi32>, vector<16xi32>], vector<16xf32>, vector<16xi1>
        %broadcast_in_dim3A_282 = arith.constant 17 : i32
        %broadcast_in_dim3A_283 = vector.broadcast %broadcast_in_dim3A_282 : i32 to vector<16xi32>
        %gather3A_284 = tpu.vector_load_idx %arg8[%broadcast_in_dim3A_283, %select_n3A] masked %and3A : memref<64x640xf32, #tpu.memory_space<vmem>>[vector<16xi32>, vector<16xi32>], vector<16xf32>, vector<16xi1>
        tpu.vector_store_idx %arg13[%add3A_212, %broadcast_in_dim3A_283], %gather3A_284 masked %and3A : memref<192x128xf32, #tpu.memory_space<vmem>>[vector<16xi32>, vector<16xi32>], vector<16xf32>, vector<16xi1>
        %broadcast_in_dim3A_285 = arith.constant 18 : i32
        %broadcast_in_dim3A_286 = vector.broadcast %broadcast_in_dim3A_285 : i32 to vector<16xi32>
        %gather3A_287 = tpu.vector_load_idx %arg8[%broadcast_in_dim3A_286, %select_n3A] masked %and3A : memref<64x640xf32, #tpu.memory_space<vmem>>[vector<16xi32>, vector<16xi32>], vector<16xf32>, vector<16xi1>
        tpu.vector_store_idx %arg13[%add3A_212, %broadcast_in_dim3A_286], %gather3A_287 masked %and3A : memref<192x128xf32, #tpu.memory_space<vmem>>[vector<16xi32>, vector<16xi32>], vector<16xf32>, vector<16xi1>
        %broadcast_in_dim3A_288 = arith.constant 19 : i32
        %broadcast_in_dim3A_289 = vector.broadcast %broadcast_in_dim3A_288 : i32 to vector<16xi32>
        %gather3A_290 = tpu.vector_load_idx %arg8[%broadcast_in_dim3A_289, %select_n3A] masked %and3A : memref<64x640xf32, #tpu.memory_space<vmem>>[vector<16xi32>, vector<16xi32>], vector<16xf32>, vector<16xi1>
        tpu.vector_store_idx %arg13[%add3A_212, %broadcast_in_dim3A_289], %gather3A_290 masked %and3A : memref<192x128xf32, #tpu.memory_space<vmem>>[vector<16xi32>, vector<16xi32>], vector<16xf32>, vector<16xi1>
        %broadcast_in_dim3A_291 = arith.constant 20 : i32
        %broadcast_in_dim3A_292 = vector.broadcast %broadcast_in_dim3A_291 : i32 to vector<16xi32>
        %gather3A_293 = tpu.vector_load_idx %arg8[%broadcast_in_dim3A_292, %select_n3A] masked %and3A : memref<64x640xf32, #tpu.memory_space<vmem>>[vector<16xi32>, vector<16xi32>], vector<16xf32>, vector<16xi1>
        tpu.vector_store_idx %arg13[%add3A_212, %broadcast_in_dim3A_292], %gather3A_293 masked %and3A : memref<192x128xf32, #tpu.memory_space<vmem>>[vector<16xi32>, vector<16xi32>], vector<16xf32>, vector<16xi1>
        %broadcast_in_dim3A_294 = arith.constant 21 : i32
        %broadcast_in_dim3A_295 = vector.broadcast %broadcast_in_dim3A_294 : i32 to vector<16xi32>
        %gather3A_296 = tpu.vector_load_idx %arg8[%broadcast_in_dim3A_295, %select_n3A] masked %and3A : memref<64x640xf32, #tpu.memory_space<vmem>>[vector<16xi32>, vector<16xi32>], vector<16xf32>, vector<16xi1>
        tpu.vector_store_idx %arg13[%add3A_212, %broadcast_in_dim3A_295], %gather3A_296 masked %and3A : memref<192x128xf32, #tpu.memory_space<vmem>>[vector<16xi32>, vector<16xi32>], vector<16xf32>, vector<16xi1>
        %broadcast_in_dim3A_297 = arith.constant 22 : i32
        %broadcast_in_dim3A_298 = vector.broadcast %broadcast_in_dim3A_297 : i32 to vector<16xi32>
        %gather3A_299 = tpu.vector_load_idx %arg8[%broadcast_in_dim3A_298, %select_n3A] masked %and3A : memref<64x640xf32, #tpu.memory_space<vmem>>[vector<16xi32>, vector<16xi32>], vector<16xf32>, vector<16xi1>
        tpu.vector_store_idx %arg13[%add3A_212, %broadcast_in_dim3A_298], %gather3A_299 masked %and3A : memref<192x128xf32, #tpu.memory_space<vmem>>[vector<16xi32>, vector<16xi32>], vector<16xf32>, vector<16xi1>
        %broadcast_in_dim3A_300 = arith.constant 23 : i32
        %broadcast_in_dim3A_301 = vector.broadcast %broadcast_in_dim3A_300 : i32 to vector<16xi32>
        %gather3A_302 = tpu.vector_load_idx %arg8[%broadcast_in_dim3A_301, %select_n3A] masked %and3A : memref<64x640xf32, #tpu.memory_space<vmem>>[vector<16xi32>, vector<16xi32>], vector<16xf32>, vector<16xi1>
        tpu.vector_store_idx %arg13[%add3A_212, %broadcast_in_dim3A_301], %gather3A_302 masked %and3A : memref<192x128xf32, #tpu.memory_space<vmem>>[vector<16xi32>, vector<16xi32>], vector<16xf32>, vector<16xi1>
        %broadcast_in_dim3A_303 = arith.constant 24 : i32
        %broadcast_in_dim3A_304 = vector.broadcast %broadcast_in_dim3A_303 : i32 to vector<16xi32>
        %gather3A_305 = tpu.vector_load_idx %arg8[%broadcast_in_dim3A_304, %select_n3A] masked %and3A : memref<64x640xf32, #tpu.memory_space<vmem>>[vector<16xi32>, vector<16xi32>], vector<16xf32>, vector<16xi1>
        tpu.vector_store_idx %arg13[%add3A_212, %broadcast_in_dim3A_304], %gather3A_305 masked %and3A : memref<192x128xf32, #tpu.memory_space<vmem>>[vector<16xi32>, vector<16xi32>], vector<16xf32>, vector<16xi1>
        %broadcast_in_dim3A_306 = arith.constant 25 : i32
        %broadcast_in_dim3A_307 = vector.broadcast %broadcast_in_dim3A_306 : i32 to vector<16xi32>
        %gather3A_308 = tpu.vector_load_idx %arg8[%broadcast_in_dim3A_307, %select_n3A] masked %and3A : memref<64x640xf32, #tpu.memory_space<vmem>>[vector<16xi32>, vector<16xi32>], vector<16xf32>, vector<16xi1>
        tpu.vector_store_idx %arg13[%add3A_212, %broadcast_in_dim3A_307], %gather3A_308 masked %and3A : memref<192x128xf32, #tpu.memory_space<vmem>>[vector<16xi32>, vector<16xi32>], vector<16xf32>, vector<16xi1>
        %broadcast_in_dim3A_309 = arith.constant 26 : i32
        %broadcast_in_dim3A_310 = vector.broadcast %broadcast_in_dim3A_309 : i32 to vector<16xi32>
        %gather3A_311 = tpu.vector_load_idx %arg8[%broadcast_in_dim3A_310, %select_n3A] masked %and3A : memref<64x640xf32, #tpu.memory_space<vmem>>[vector<16xi32>, vector<16xi32>], vector<16xf32>, vector<16xi1>
        tpu.vector_store_idx %arg13[%add3A_212, %broadcast_in_dim3A_310], %gather3A_311 masked %and3A : memref<192x128xf32, #tpu.memory_space<vmem>>[vector<16xi32>, vector<16xi32>], vector<16xf32>, vector<16xi1>
        %broadcast_in_dim3A_312 = arith.constant 27 : i32
        %broadcast_in_dim3A_313 = vector.broadcast %broadcast_in_dim3A_312 : i32 to vector<16xi32>
        %gather3A_314 = tpu.vector_load_idx %arg8[%broadcast_in_dim3A_313, %select_n3A] masked %and3A : memref<64x640xf32, #tpu.memory_space<vmem>>[vector<16xi32>, vector<16xi32>], vector<16xf32>, vector<16xi1>
        tpu.vector_store_idx %arg13[%add3A_212, %broadcast_in_dim3A_313], %gather3A_314 masked %and3A : memref<192x128xf32, #tpu.memory_space<vmem>>[vector<16xi32>, vector<16xi32>], vector<16xf32>, vector<16xi1>
        %broadcast_in_dim3A_315 = arith.constant 28 : i32
        %broadcast_in_dim3A_316 = vector.broadcast %broadcast_in_dim3A_315 : i32 to vector<16xi32>
        %gather3A_317 = tpu.vector_load_idx %arg8[%broadcast_in_dim3A_316, %select_n3A] masked %and3A : memref<64x640xf32, #tpu.memory_space<vmem>>[vector<16xi32>, vector<16xi32>], vector<16xf32>, vector<16xi1>
        tpu.vector_store_idx %arg13[%add3A_212, %broadcast_in_dim3A_316], %gather3A_317 masked %and3A : memref<192x128xf32, #tpu.memory_space<vmem>>[vector<16xi32>, vector<16xi32>], vector<16xf32>, vector<16xi1>
        %broadcast_in_dim3A_318 = arith.constant 29 : i32
        %broadcast_in_dim3A_319 = vector.broadcast %broadcast_in_dim3A_318 : i32 to vector<16xi32>
        %gather3A_320 = tpu.vector_load_idx %arg8[%broadcast_in_dim3A_319, %select_n3A] masked %and3A : memref<64x640xf32, #tpu.memory_space<vmem>>[vector<16xi32>, vector<16xi32>], vector<16xf32>, vector<16xi1>
        tpu.vector_store_idx %arg13[%add3A_212, %broadcast_in_dim3A_319], %gather3A_320 masked %and3A : memref<192x128xf32, #tpu.memory_space<vmem>>[vector<16xi32>, vector<16xi32>], vector<16xf32>, vector<16xi1>
        %broadcast_in_dim3A_321 = arith.constant 30 : i32
        %broadcast_in_dim3A_322 = vector.broadcast %broadcast_in_dim3A_321 : i32 to vector<16xi32>
        %gather3A_323 = tpu.vector_load_idx %arg8[%broadcast_in_dim3A_322, %select_n3A] masked %and3A : memref<64x640xf32, #tpu.memory_space<vmem>>[vector<16xi32>, vector<16xi32>], vector<16xf32>, vector<16xi1>
        tpu.vector_store_idx %arg13[%add3A_212, %broadcast_in_dim3A_322], %gather3A_323 masked %and3A : memref<192x128xf32, #tpu.memory_space<vmem>>[vector<16xi32>, vector<16xi32>], vector<16xf32>, vector<16xi1>
        %broadcast_in_dim3A_324 = arith.constant 31 : i32
        %broadcast_in_dim3A_325 = vector.broadcast %broadcast_in_dim3A_324 : i32 to vector<16xi32>
        %gather3A_326 = tpu.vector_load_idx %arg8[%broadcast_in_dim3A_325, %select_n3A] masked %and3A : memref<64x640xf32, #tpu.memory_space<vmem>>[vector<16xi32>, vector<16xi32>], vector<16xf32>, vector<16xi1>
        tpu.vector_store_idx %arg13[%add3A_212, %broadcast_in_dim3A_325], %gather3A_326 masked %and3A : memref<192x128xf32, #tpu.memory_space<vmem>>[vector<16xi32>, vector<16xi32>], vector<16xf32>, vector<16xi1>
        %broadcast_in_dim3A_327 = arith.constant 32 : i32
        %broadcast_in_dim3A_328 = vector.broadcast %broadcast_in_dim3A_327 : i32 to vector<16xi32>
        %gather3A_329 = tpu.vector_load_idx %arg8[%broadcast_in_dim3A_328, %select_n3A] masked %and3A : memref<64x640xf32, #tpu.memory_space<vmem>>[vector<16xi32>, vector<16xi32>], vector<16xf32>, vector<16xi1>
        tpu.vector_store_idx %arg13[%add3A_212, %broadcast_in_dim3A_328], %gather3A_329 masked %and3A : memref<192x128xf32, #tpu.memory_space<vmem>>[vector<16xi32>, vector<16xi32>], vector<16xf32>, vector<16xi1>
        %broadcast_in_dim3A_330 = arith.constant 33 : i32
        %broadcast_in_dim3A_331 = vector.broadcast %broadcast_in_dim3A_330 : i32 to vector<16xi32>
        %gather3A_332 = tpu.vector_load_idx %arg8[%broadcast_in_dim3A_331, %select_n3A] masked %and3A : memref<64x640xf32, #tpu.memory_space<vmem>>[vector<16xi32>, vector<16xi32>], vector<16xf32>, vector<16xi1>
        tpu.vector_store_idx %arg13[%add3A_212, %broadcast_in_dim3A_331], %gather3A_332 masked %and3A : memref<192x128xf32, #tpu.memory_space<vmem>>[vector<16xi32>, vector<16xi32>], vector<16xf32>, vector<16xi1>
        %broadcast_in_dim3A_333 = arith.constant 34 : i32
        %broadcast_in_dim3A_334 = vector.broadcast %broadcast_in_dim3A_333 : i32 to vector<16xi32>
        %gather3A_335 = tpu.vector_load_idx %arg8[%broadcast_in_dim3A_334, %select_n3A] masked %and3A : memref<64x640xf32, #tpu.memory_space<vmem>>[vector<16xi32>, vector<16xi32>], vector<16xf32>, vector<16xi1>
        tpu.vector_store_idx %arg13[%add3A_212, %broadcast_in_dim3A_334], %gather3A_335 masked %and3A : memref<192x128xf32, #tpu.memory_space<vmem>>[vector<16xi32>, vector<16xi32>], vector<16xf32>, vector<16xi1>
        %broadcast_in_dim3A_336 = arith.constant 35 : i32
        %broadcast_in_dim3A_337 = vector.broadcast %broadcast_in_dim3A_336 : i32 to vector<16xi32>
        %gather3A_338 = tpu.vector_load_idx %arg8[%broadcast_in_dim3A_337, %select_n3A] masked %and3A : memref<64x640xf32, #tpu.memory_space<vmem>>[vector<16xi32>, vector<16xi32>], vector<16xf32>, vector<16xi1>
        tpu.vector_store_idx %arg13[%add3A_212, %broadcast_in_dim3A_337], %gather3A_338 masked %and3A : memref<192x128xf32, #tpu.memory_space<vmem>>[vector<16xi32>, vector<16xi32>], vector<16xf32>, vector<16xi1>
        %broadcast_in_dim3A_339 = arith.constant 36 : i32
        %broadcast_in_dim3A_340 = vector.broadcast %broadcast_in_dim3A_339 : i32 to vector<16xi32>
        %gather3A_341 = tpu.vector_load_idx %arg8[%broadcast_in_dim3A_340, %select_n3A] masked %and3A : memref<64x640xf32, #tpu.memory_space<vmem>>[vector<16xi32>, vector<16xi32>], vector<16xf32>, vector<16xi1>
        tpu.vector_store_idx %arg13[%add3A_212, %broadcast_in_dim3A_340], %gather3A_341 masked %and3A : memref<192x128xf32, #tpu.memory_space<vmem>>[vector<16xi32>, vector<16xi32>], vector<16xf32>, vector<16xi1>
        %broadcast_in_dim3A_342 = arith.constant 37 : i32
        %broadcast_in_dim3A_343 = vector.broadcast %broadcast_in_dim3A_342 : i32 to vector<16xi32>
        %gather3A_344 = tpu.vector_load_idx %arg8[%broadcast_in_dim3A_343, %select_n3A] masked %and3A : memref<64x640xf32, #tpu.memory_space<vmem>>[vector<16xi32>, vector<16xi32>], vector<16xf32>, vector<16xi1>
        tpu.vector_store_idx %arg13[%add3A_212, %broadcast_in_dim3A_343], %gather3A_344 masked %and3A : memref<192x128xf32, #tpu.memory_space<vmem>>[vector<16xi32>, vector<16xi32>], vector<16xf32>, vector<16xi1>
        %broadcast_in_dim3A_345 = arith.constant 38 : i32
        %broadcast_in_dim3A_346 = vector.broadcast %broadcast_in_dim3A_345 : i32 to vector<16xi32>
        %gather3A_347 = tpu.vector_load_idx %arg8[%broadcast_in_dim3A_346, %select_n3A] masked %and3A : memref<64x640xf32, #tpu.memory_space<vmem>>[vector<16xi32>, vector<16xi32>], vector<16xf32>, vector<16xi1>
        tpu.vector_store_idx %arg13[%add3A_212, %broadcast_in_dim3A_346], %gather3A_347 masked %and3A : memref<192x128xf32, #tpu.memory_space<vmem>>[vector<16xi32>, vector<16xi32>], vector<16xf32>, vector<16xi1>
        %broadcast_in_dim3A_348 = arith.constant 39 : i32
        %broadcast_in_dim3A_349 = vector.broadcast %broadcast_in_dim3A_348 : i32 to vector<16xi32>
        %gather3A_350 = tpu.vector_load_idx %arg8[%broadcast_in_dim3A_349, %select_n3A] masked %and3A : memref<64x640xf32, #tpu.memory_space<vmem>>[vector<16xi32>, vector<16xi32>], vector<16xf32>, vector<16xi1>
        tpu.vector_store_idx %arg13[%add3A_212, %broadcast_in_dim3A_349], %gather3A_350 masked %and3A : memref<192x128xf32, #tpu.memory_space<vmem>>[vector<16xi32>, vector<16xi32>], vector<16xf32>, vector<16xi1>
        %broadcast_in_dim3A_351 = arith.constant 40 : i32
        %broadcast_in_dim3A_352 = vector.broadcast %broadcast_in_dim3A_351 : i32 to vector<16xi32>
        %gather3A_353 = tpu.vector_load_idx %arg8[%broadcast_in_dim3A_352, %select_n3A] masked %and3A : memref<64x640xf32, #tpu.memory_space<vmem>>[vector<16xi32>, vector<16xi32>], vector<16xf32>, vector<16xi1>
        tpu.vector_store_idx %arg13[%add3A_212, %broadcast_in_dim3A_352], %gather3A_353 masked %and3A : memref<192x128xf32, #tpu.memory_space<vmem>>[vector<16xi32>, vector<16xi32>], vector<16xf32>, vector<16xi1>
        %broadcast_in_dim3A_354 = arith.constant 41 : i32
        %broadcast_in_dim3A_355 = vector.broadcast %broadcast_in_dim3A_354 : i32 to vector<16xi32>
        %gather3A_356 = tpu.vector_load_idx %arg8[%broadcast_in_dim3A_355, %select_n3A] masked %and3A : memref<64x640xf32, #tpu.memory_space<vmem>>[vector<16xi32>, vector<16xi32>], vector<16xf32>, vector<16xi1>
        tpu.vector_store_idx %arg13[%add3A_212, %broadcast_in_dim3A_355], %gather3A_356 masked %and3A : memref<192x128xf32, #tpu.memory_space<vmem>>[vector<16xi32>, vector<16xi32>], vector<16xf32>, vector<16xi1>
        %broadcast_in_dim3A_357 = arith.constant 42 : i32
        %broadcast_in_dim3A_358 = vector.broadcast %broadcast_in_dim3A_357 : i32 to vector<16xi32>
        %gather3A_359 = tpu.vector_load_idx %arg8[%broadcast_in_dim3A_358, %select_n3A] masked %and3A : memref<64x640xf32, #tpu.memory_space<vmem>>[vector<16xi32>, vector<16xi32>], vector<16xf32>, vector<16xi1>
        tpu.vector_store_idx %arg13[%add3A_212, %broadcast_in_dim3A_358], %gather3A_359 masked %and3A : memref<192x128xf32, #tpu.memory_space<vmem>>[vector<16xi32>, vector<16xi32>], vector<16xf32>, vector<16xi1>
        %broadcast_in_dim3A_360 = arith.constant 43 : i32
        %broadcast_in_dim3A_361 = vector.broadcast %broadcast_in_dim3A_360 : i32 to vector<16xi32>
        %gather3A_362 = tpu.vector_load_idx %arg8[%broadcast_in_dim3A_361, %select_n3A] masked %and3A : memref<64x640xf32, #tpu.memory_space<vmem>>[vector<16xi32>, vector<16xi32>], vector<16xf32>, vector<16xi1>
        tpu.vector_store_idx %arg13[%add3A_212, %broadcast_in_dim3A_361], %gather3A_362 masked %and3A : memref<192x128xf32, #tpu.memory_space<vmem>>[vector<16xi32>, vector<16xi32>], vector<16xf32>, vector<16xi1>
        %broadcast_in_dim3A_363 = arith.constant 44 : i32
        %broadcast_in_dim3A_364 = vector.broadcast %broadcast_in_dim3A_363 : i32 to vector<16xi32>
        %gather3A_365 = tpu.vector_load_idx %arg8[%broadcast_in_dim3A_364, %select_n3A] masked %and3A : memref<64x640xf32, #tpu.memory_space<vmem>>[vector<16xi32>, vector<16xi32>], vector<16xf32>, vector<16xi1>
        tpu.vector_store_idx %arg13[%add3A_212, %broadcast_in_dim3A_364], %gather3A_365 masked %and3A : memref<192x128xf32, #tpu.memory_space<vmem>>[vector<16xi32>, vector<16xi32>], vector<16xf32>, vector<16xi1>
        %broadcast_in_dim3A_366 = arith.constant 45 : i32
        %broadcast_in_dim3A_367 = vector.broadcast %broadcast_in_dim3A_366 : i32 to vector<16xi32>
        %gather3A_368 = tpu.vector_load_idx %arg8[%broadcast_in_dim3A_367, %select_n3A] masked %and3A : memref<64x640xf32, #tpu.memory_space<vmem>>[vector<16xi32>, vector<16xi32>], vector<16xf32>, vector<16xi1>
        tpu.vector_store_idx %arg13[%add3A_212, %broadcast_in_dim3A_367], %gather3A_368 masked %and3A : memref<192x128xf32, #tpu.memory_space<vmem>>[vector<16xi32>, vector<16xi32>], vector<16xf32>, vector<16xi1>
        %broadcast_in_dim3A_369 = arith.constant 46 : i32
        %broadcast_in_dim3A_370 = vector.broadcast %broadcast_in_dim3A_369 : i32 to vector<16xi32>
        %gather3A_371 = tpu.vector_load_idx %arg8[%broadcast_in_dim3A_370, %select_n3A] masked %and3A : memref<64x640xf32, #tpu.memory_space<vmem>>[vector<16xi32>, vector<16xi32>], vector<16xf32>, vector<16xi1>
        tpu.vector_store_idx %arg13[%add3A_212, %broadcast_in_dim3A_370], %gather3A_371 masked %and3A : memref<192x128xf32, #tpu.memory_space<vmem>>[vector<16xi32>, vector<16xi32>], vector<16xf32>, vector<16xi1>
        %broadcast_in_dim3A_372 = arith.constant 47 : i32
        %broadcast_in_dim3A_373 = vector.broadcast %broadcast_in_dim3A_372 : i32 to vector<16xi32>
        %gather3A_374 = tpu.vector_load_idx %arg8[%broadcast_in_dim3A_373, %select_n3A] masked %and3A : memref<64x640xf32, #tpu.memory_space<vmem>>[vector<16xi32>, vector<16xi32>], vector<16xf32>, vector<16xi1>
        tpu.vector_store_idx %arg13[%add3A_212, %broadcast_in_dim3A_373], %gather3A_374 masked %and3A : memref<192x128xf32, #tpu.memory_space<vmem>>[vector<16xi32>, vector<16xi32>], vector<16xf32>, vector<16xi1>
        %broadcast_in_dim3A_375 = arith.constant 48 : i32
        %broadcast_in_dim3A_376 = vector.broadcast %broadcast_in_dim3A_375 : i32 to vector<16xi32>
        %gather3A_377 = tpu.vector_load_idx %arg8[%broadcast_in_dim3A_376, %select_n3A] masked %and3A : memref<64x640xf32, #tpu.memory_space<vmem>>[vector<16xi32>, vector<16xi32>], vector<16xf32>, vector<16xi1>
        tpu.vector_store_idx %arg13[%add3A_212, %broadcast_in_dim3A_376], %gather3A_377 masked %and3A : memref<192x128xf32, #tpu.memory_space<vmem>>[vector<16xi32>, vector<16xi32>], vector<16xf32>, vector<16xi1>
        %broadcast_in_dim3A_378 = arith.constant 49 : i32
        %broadcast_in_dim3A_379 = vector.broadcast %broadcast_in_dim3A_378 : i32 to vector<16xi32>
        %gather3A_380 = tpu.vector_load_idx %arg8[%broadcast_in_dim3A_379, %select_n3A] masked %and3A : memref<64x640xf32, #tpu.memory_space<vmem>>[vector<16xi32>, vector<16xi32>], vector<16xf32>, vector<16xi1>
        tpu.vector_store_idx %arg13[%add3A_212, %broadcast_in_dim3A_379], %gather3A_380 masked %and3A : memref<192x128xf32, #tpu.memory_space<vmem>>[vector<16xi32>, vector<16xi32>], vector<16xf32>, vector<16xi1>
        %broadcast_in_dim3A_381 = arith.constant 50 : i32
        %broadcast_in_dim3A_382 = vector.broadcast %broadcast_in_dim3A_381 : i32 to vector<16xi32>
        %gather3A_383 = tpu.vector_load_idx %arg8[%broadcast_in_dim3A_382, %select_n3A] masked %and3A : memref<64x640xf32, #tpu.memory_space<vmem>>[vector<16xi32>, vector<16xi32>], vector<16xf32>, vector<16xi1>
        tpu.vector_store_idx %arg13[%add3A_212, %broadcast_in_dim3A_382], %gather3A_383 masked %and3A : memref<192x128xf32, #tpu.memory_space<vmem>>[vector<16xi32>, vector<16xi32>], vector<16xf32>, vector<16xi1>
        %broadcast_in_dim3A_384 = arith.constant 51 : i32
        %broadcast_in_dim3A_385 = vector.broadcast %broadcast_in_dim3A_384 : i32 to vector<16xi32>
        %gather3A_386 = tpu.vector_load_idx %arg8[%broadcast_in_dim3A_385, %select_n3A] masked %and3A : memref<64x640xf32, #tpu.memory_space<vmem>>[vector<16xi32>, vector<16xi32>], vector<16xf32>, vector<16xi1>
        tpu.vector_store_idx %arg13[%add3A_212, %broadcast_in_dim3A_385], %gather3A_386 masked %and3A : memref<192x128xf32, #tpu.memory_space<vmem>>[vector<16xi32>, vector<16xi32>], vector<16xf32>, vector<16xi1>
        %broadcast_in_dim3A_387 = arith.constant 52 : i32
        %broadcast_in_dim3A_388 = vector.broadcast %broadcast_in_dim3A_387 : i32 to vector<16xi32>
        %gather3A_389 = tpu.vector_load_idx %arg8[%broadcast_in_dim3A_388, %select_n3A] masked %and3A : memref<64x640xf32, #tpu.memory_space<vmem>>[vector<16xi32>, vector<16xi32>], vector<16xf32>, vector<16xi1>
        tpu.vector_store_idx %arg13[%add3A_212, %broadcast_in_dim3A_388], %gather3A_389 masked %and3A : memref<192x128xf32, #tpu.memory_space<vmem>>[vector<16xi32>, vector<16xi32>], vector<16xf32>, vector<16xi1>
        %broadcast_in_dim3A_390 = arith.constant 53 : i32
        %broadcast_in_dim3A_391 = vector.broadcast %broadcast_in_dim3A_390 : i32 to vector<16xi32>
        %gather3A_392 = tpu.vector_load_idx %arg8[%broadcast_in_dim3A_391, %select_n3A] masked %and3A : memref<64x640xf32, #tpu.memory_space<vmem>>[vector<16xi32>, vector<16xi32>], vector<16xf32>, vector<16xi1>
        tpu.vector_store_idx %arg13[%add3A_212, %broadcast_in_dim3A_391], %gather3A_392 masked %and3A : memref<192x128xf32, #tpu.memory_space<vmem>>[vector<16xi32>, vector<16xi32>], vector<16xf32>, vector<16xi1>
        %broadcast_in_dim3A_393 = arith.constant 54 : i32
        %broadcast_in_dim3A_394 = vector.broadcast %broadcast_in_dim3A_393 : i32 to vector<16xi32>
        %gather3A_395 = tpu.vector_load_idx %arg8[%broadcast_in_dim3A_394, %select_n3A] masked %and3A : memref<64x640xf32, #tpu.memory_space<vmem>>[vector<16xi32>, vector<16xi32>], vector<16xf32>, vector<16xi1>
        tpu.vector_store_idx %arg13[%add3A_212, %broadcast_in_dim3A_394], %gather3A_395 masked %and3A : memref<192x128xf32, #tpu.memory_space<vmem>>[vector<16xi32>, vector<16xi32>], vector<16xf32>, vector<16xi1>
        %broadcast_in_dim3A_396 = arith.constant 55 : i32
        %broadcast_in_dim3A_397 = vector.broadcast %broadcast_in_dim3A_396 : i32 to vector<16xi32>
        %gather3A_398 = tpu.vector_load_idx %arg8[%broadcast_in_dim3A_397, %select_n3A] masked %and3A : memref<64x640xf32, #tpu.memory_space<vmem>>[vector<16xi32>, vector<16xi32>], vector<16xf32>, vector<16xi1>
        tpu.vector_store_idx %arg13[%add3A_212, %broadcast_in_dim3A_397], %gather3A_398 masked %and3A : memref<192x128xf32, #tpu.memory_space<vmem>>[vector<16xi32>, vector<16xi32>], vector<16xf32>, vector<16xi1>
        %broadcast_in_dim3A_399 = arith.constant 56 : i32
        %broadcast_in_dim3A_400 = vector.broadcast %broadcast_in_dim3A_399 : i32 to vector<16xi32>
        %gather3A_401 = tpu.vector_load_idx %arg8[%broadcast_in_dim3A_400, %select_n3A] masked %and3A : memref<64x640xf32, #tpu.memory_space<vmem>>[vector<16xi32>, vector<16xi32>], vector<16xf32>, vector<16xi1>
        tpu.vector_store_idx %arg13[%add3A_212, %broadcast_in_dim3A_400], %gather3A_401 masked %and3A : memref<192x128xf32, #tpu.memory_space<vmem>>[vector<16xi32>, vector<16xi32>], vector<16xf32>, vector<16xi1>
        %broadcast_in_dim3A_402 = arith.constant 57 : i32
        %broadcast_in_dim3A_403 = vector.broadcast %broadcast_in_dim3A_402 : i32 to vector<16xi32>
        %gather3A_404 = tpu.vector_load_idx %arg8[%broadcast_in_dim3A_403, %select_n3A] masked %and3A : memref<64x640xf32, #tpu.memory_space<vmem>>[vector<16xi32>, vector<16xi32>], vector<16xf32>, vector<16xi1>
        tpu.vector_store_idx %arg13[%add3A_212, %broadcast_in_dim3A_403], %gather3A_404 masked %and3A : memref<192x128xf32, #tpu.memory_space<vmem>>[vector<16xi32>, vector<16xi32>], vector<16xf32>, vector<16xi1>
        %broadcast_in_dim3A_405 = arith.constant 58 : i32
        %broadcast_in_dim3A_406 = vector.broadcast %broadcast_in_dim3A_405 : i32 to vector<16xi32>
        %gather3A_407 = tpu.vector_load_idx %arg8[%broadcast_in_dim3A_406, %select_n3A] masked %and3A : memref<64x640xf32, #tpu.memory_space<vmem>>[vector<16xi32>, vector<16xi32>], vector<16xf32>, vector<16xi1>
        tpu.vector_store_idx %arg13[%add3A_212, %broadcast_in_dim3A_406], %gather3A_407 masked %and3A : memref<192x128xf32, #tpu.memory_space<vmem>>[vector<16xi32>, vector<16xi32>], vector<16xf32>, vector<16xi1>
        %broadcast_in_dim3A_408 = arith.constant 59 : i32
        %broadcast_in_dim3A_409 = vector.broadcast %broadcast_in_dim3A_408 : i32 to vector<16xi32>
        %gather3A_410 = tpu.vector_load_idx %arg8[%broadcast_in_dim3A_409, %select_n3A] masked %and3A : memref<64x640xf32, #tpu.memory_space<vmem>>[vector<16xi32>, vector<16xi32>], vector<16xf32>, vector<16xi1>
        tpu.vector_store_idx %arg13[%add3A_212, %broadcast_in_dim3A_409], %gather3A_410 masked %and3A : memref<192x128xf32, #tpu.memory_space<vmem>>[vector<16xi32>, vector<16xi32>], vector<16xf32>, vector<16xi1>
        %broadcast_in_dim3A_411 = arith.constant 60 : i32
        %broadcast_in_dim3A_412 = vector.broadcast %broadcast_in_dim3A_411 : i32 to vector<16xi32>
        %gather3A_413 = tpu.vector_load_idx %arg8[%broadcast_in_dim3A_412, %select_n3A] masked %and3A : memref<64x640xf32, #tpu.memory_space<vmem>>[vector<16xi32>, vector<16xi32>], vector<16xf32>, vector<16xi1>
        tpu.vector_store_idx %arg13[%add3A_212, %broadcast_in_dim3A_412], %gather3A_413 masked %and3A : memref<192x128xf32, #tpu.memory_space<vmem>>[vector<16xi32>, vector<16xi32>], vector<16xf32>, vector<16xi1>
        %broadcast_in_dim3A_414 = arith.constant 61 : i32
        %broadcast_in_dim3A_415 = vector.broadcast %broadcast_in_dim3A_414 : i32 to vector<16xi32>
        %gather3A_416 = tpu.vector_load_idx %arg8[%broadcast_in_dim3A_415, %select_n3A] masked %and3A : memref<64x640xf32, #tpu.memory_space<vmem>>[vector<16xi32>, vector<16xi32>], vector<16xf32>, vector<16xi1>
        tpu.vector_store_idx %arg13[%add3A_212, %broadcast_in_dim3A_415], %gather3A_416 masked %and3A : memref<192x128xf32, #tpu.memory_space<vmem>>[vector<16xi32>, vector<16xi32>], vector<16xf32>, vector<16xi1>
        %broadcast_in_dim3A_417 = arith.constant 62 : i32
        %broadcast_in_dim3A_418 = vector.broadcast %broadcast_in_dim3A_417 : i32 to vector<16xi32>
        %gather3A_419 = tpu.vector_load_idx %arg8[%broadcast_in_dim3A_418, %select_n3A] masked %and3A : memref<64x640xf32, #tpu.memory_space<vmem>>[vector<16xi32>, vector<16xi32>], vector<16xf32>, vector<16xi1>
        tpu.vector_store_idx %arg13[%add3A_212, %broadcast_in_dim3A_418], %gather3A_419 masked %and3A : memref<192x128xf32, #tpu.memory_space<vmem>>[vector<16xi32>, vector<16xi32>], vector<16xf32>, vector<16xi1>
        %broadcast_in_dim3A_420 = arith.constant 63 : i32
        %broadcast_in_dim3A_421 = vector.broadcast %broadcast_in_dim3A_420 : i32 to vector<16xi32>
        %gather3A_422 = tpu.vector_load_idx %arg8[%broadcast_in_dim3A_421, %select_n3A] masked %and3A : memref<64x640xf32, #tpu.memory_space<vmem>>[vector<16xi32>, vector<16xi32>], vector<16xf32>, vector<16xi1>
        tpu.vector_store_idx %arg13[%add3A_212, %broadcast_in_dim3A_421], %gather3A_422 masked %and3A : memref<192x128xf32, #tpu.memory_space<vmem>>[vector<16xi32>, vector<16xi32>], vector<16xf32>, vector<16xi1>
      }
      %ge3A = arith.constant 128 : i32
      %ge3A_119 = arith.cmpi sge, %while3A_101, %ge3A : i32
      %convert_element_type3A_120 = arith.extui %ge3A_119 : i1 to i32
      %cond3A_121 = arith.constant 0 : i32
      %cond3A_122 = arith.cmpi ne, %convert_element_type3A_120, %cond3A_121 : i32
      %cond3A_123 = scf.if %cond3A_122 -> (i32) {
        %dma_start3A_208 = arith.constant 0 : i32
        %dma_start3A_209 = arith.constant 0 : i32
        %dma_start3A_210 = tpu.memref_slice %arg4[%dma_start3A_208, %dma_start3A_209] : memref<38912x128xf32, #tpu.memory_space<hbm>> -> memref<38912x128xf32, #tpu.memory_space<hbm>>
        tpu.enqueue_indirect_dma source(%arg13 : memref<192x128xf32, #tpu.memory_space<vmem>>) target(%dma_start3A_210 : memref<38912x128xf32, #tpu.memory_space<hbm>>) offsets(%arg12 : memref<192xi32, #tpu.memory_space<vmem>>) semaphore(%arg16 : memref<!tpu.dma_semaphore, #tpu.memory_space<semaphore_mem>>)
        %dma_wait3A_211 = arith.constant 0 : i32
        %dma_wait3A_212 = arith.constant 0 : i32
        %dma_wait3A_213 = tpu.memref_slice %arg4[%dma_wait3A_211, %dma_wait3A_212] : memref<38912x128xf32, #tpu.memory_space<hbm>> -> memref<38912x128xf32, #tpu.memory_space<hbm>>
        tpu.wait_indirect_dma semaphore(%arg16 : memref<!tpu.dma_semaphore, #tpu.memory_space<semaphore_mem>>) src(%arg13 : memref<192x128xf32, #tpu.memory_space<vmem>>) dst(%dma_wait3A_213 : memref<38912x128xf32, #tpu.memory_space<hbm>>)
        %scan3A_214 = arith.constant 0 : i32
        %scan3A_215 = arith.constant 0 : i32
        %scan3A_216 = arith.constant 12 : i32
        %scan3A_217 = arith.addi %scan3A_215, %scan3A_216 : i32
        %scan3A_218 = arith.constant 1 : i32
        scf.for %scan3A_221 = %scan3A_215 to %scan3A_217 step %scan3A_218  : i32 {
          %broadcast_in_dim3A = arith.constant 32768 : i32
          %broadcast_in_dim3A_222 = vector.broadcast %broadcast_in_dim3A : i32 to vector<16xi32>
          %mul3A_223 = arith.constant 192 : i32
          %mul3A_224 = arith.muli %add3A, %mul3A_223 : i32
          %add3A_225 = vector.broadcast %mul3A_224 : i32 to vector<16xi32>
          %add3A_226 = arith.addi %broadcast_in_dim3A_222, %add3A_225 : vector<16xi32>
          %iota3A = tpu.iota {dimensions = array<i32: 0>} : vector<16xi32>
          %add3A_227 = arith.addi %add3A_226, %iota3A : vector<16xi32>
          %mul3A_228 = arith.constant 16 : i32
          %mul3A_229 = arith.muli %scan3A_221, %mul3A_228 : i32
          %add3A_230 = vector.broadcast %mul3A_229 : i32 to vector<16xi32>
          %add3A_231 = arith.addi %add3A_227, %add3A_230 : vector<16xi32>
          %mul3A_232 = arith.constant 16 : i32
          %mul3A_233 = arith.muli %scan3A_221, %mul3A_232 : i32
          %swap3A = arith.index_cast %mul3A_233 : i32 to index
          %swap3A_234 = tpu.vector_load %arg12[%swap3A] {strides = array<i32>} : memref<192xi32, #tpu.memory_space<vmem>>, vector<16xi32>,
          tpu.vector_store %arg12[%swap3A], %add3A_231 {strides = array<i32>} : memref<192xi32, #tpu.memory_space<vmem>>, vector<16xi32>,
        }
        %scan3A_219 = arith.constant 12 : i32
        %cond3A_220 = arith.constant 0 : i32
        scf.yield %cond3A_220 : i32
      } else {
        scf.yield %while3A_101 : i32
      }
      %add3A_124 = arith.constant 2 : i32
      %add3A_125 = arith.addi %mul3A_70, %add3A_124 : i32
      %sub3A_126 = arith.constant 1 : i32
      %sub3A_127 = arith.subi %add3A_3, %sub3A_126 : i32
      %min3A_128 = arith.minsi %add3A_125, %sub3A_127 : i32
      %mul3A_129 = arith.constant 32 : i32
      %mul3A_130 = arith.muli %mul3A_129, %min3A_128 : i32
      %add3A_131 = arith.addi %add3A, %mul3A_130 : i32
      %mul3A_132 = arith.constant 640 : i32
      %mul3A_133 = arith.muli %add3A_131, %mul3A_132 : i32
      %dma_start3A_134 = arith.constant 0 : i32
      %dma_start3A_135 = tpu.memref_slice %arg3[%dma_start3A_134, %mul3A_133] : memref<64x1000000xf32, #tpu.memory_space<hbm>> -> memref<64x640xf32, #tpu.memory_space<hbm>>
      %dma_start3A_136 = arith.constant 0 : i32
      %dma_start3A_137 = tpu.memref_slice %arg3[%dma_start3A_136, %mul3A_133] : memref<64x1000000xf32, #tpu.memory_space<hbm>> -> memref<64x640xf32, #tpu.memory_space<hbm>>
      tpu.enqueue_dma source(%dma_start3A_137 : memref<64x640xf32, #tpu.memory_space<hbm>>) target(%arg8 : memref<64x640xf32, #tpu.memory_space<vmem>>) target_semaphore(%arg14 : memref<!tpu.dma_semaphore, #tpu.memory_space<semaphore_mem>>)
      %dma_wait3A_138 = arith.constant 0 : i32
      %dma_wait3A_139 = arith.constant 0 : i32
      %dma_wait3A_140 = tpu.memref_slice %arg3[%dma_wait3A_138, %dma_wait3A_139] : memref<64x1000000xf32, #tpu.memory_space<hbm>> -> memref<64x640xf32, #tpu.memory_space<hbm>>
      %dma_wait3A_141 = arith.constant 0 : i32
      %dma_wait3A_142 = arith.constant 0 : i32
      %dma_wait3A_143 = tpu.memref_slice %arg3[%dma_wait3A_141, %dma_wait3A_142] : memref<64x1000000xf32, #tpu.memory_space<hbm>> -> memref<64x640xf32, #tpu.memory_space<hbm>>
      tpu.wait_dma2 semaphore(%arg15 : memref<!tpu.dma_semaphore, #tpu.memory_space<semaphore_mem>>) src(%dma_wait3A_143 : memref<64x640xf32, #tpu.memory_space<hbm>>) dst(%arg9 : memref<64x640xf32, #tpu.memory_space<vmem>>)
      %add3A_144 = arith.constant 1 : i32
      %add3A_145 = arith.addi %mul3A_70, %add3A_144 : i32
      %sub3A_146 = arith.constant 1 : i32
      %sub3A_147 = arith.subi %add3A_3, %sub3A_146 : i32
      %min3A_148 = arith.minsi %add3A_145, %sub3A_147 : i32
      %mul3A_149 = arith.constant 32 : i32
      %mul3A_150 = arith.muli %mul3A_149, %min3A_148 : i32
      %add3A_151 = arith.addi %add3A, %mul3A_150 : i32
      %mul3A_152 = arith.constant 640 : i32
      %mul3A_153 = arith.muli %add3A_151, %mul3A_152 : i32
      %add3A_154 = arith.constant 16 : i32
      %add3A_155 = arith.addi %scan3A_31, %add3A_154 : i32
      %sub3A_156 = arith.constant 1 : i32
      %sub3A_157 = arith.subi %add3A_155, %sub3A_156 : i32
      %shift_right_arithmetic3A_158 = arith.constant 4 : i32
      %shift_right_arithmetic3A_159 = arith.shrsi %sub3A_157, %shift_right_arithmetic3A_158 : i32
      %while3A_160 = arith.constant 0 : i32
      %while3A_161 = arith.subi %shift_right_arithmetic3A_159, %while3A_160 : i32
      %while3A_162 = arith.addi %while3A_160, %while3A_161 : i32
      %while3A_163 = arith.constant 1 : i32
      %while3A_164 = arith.divsi %while3A_161, %while3A_163 : i32
      %while3A_165 = arith.muli %while3A_164, %while3A_163 : i32
      %while3A_166 = arith.addi %while3A_160, %while3A_165 : i32
      %while3A_167 = arith.constant 1 : i32
      %while3A_168 = scf.for %while3A_208 = %while3A_160 to %while3A_166 step %while3A_167 iter_args(%while3A_209 = %cond3A_123) -> (i32)  : i32 {
        %iota3A = tpu.iota {dimensions = array<i32: 0>} : vector<16xi32>
        %mul3A_210 = arith.constant 16 : i32
        %mul3A_211 = arith.muli %while3A_208, %mul3A_210 : i32
        %add3A_212 = vector.broadcast %mul3A_211 : i32 to vector<16xi32>
        %add3A_213 = arith.addi %iota3A, %add3A_212 : vector<16xi32>
        %mul3A_214 = arith.constant 16 : i32
        %mul3A_215 = arith.muli %while3A_208, %mul3A_214 : i32
        %get3A = arith.index_cast %mul3A_215 : i32 to index
        %get3A_216 = tpu.vector_load %arg6[%get3A] {strides = array<i32>} : memref<2048xi32, #tpu.memory_space<vmem>>, vector<16xi32>,
        %mul3A_217 = arith.constant 16 : i32
        %mul3A_218 = arith.muli %while3A_208, %mul3A_217 : i32
        %get3A_219 = arith.index_cast %mul3A_218 : i32 to index
        %get3A_220 = tpu.vector_load %arg7[%get3A_219] {strides = array<i32>} : memref<2048xi32, #tpu.memory_space<vmem>>, vector<16xi32>,
        %lt3A_221 = vector.broadcast %scan3A_31 : i32 to vector<16xi32>
        %lt3A_222 = arith.cmpi slt, %add3A_213, %lt3A_221 : vector<16xi32>
        %ge3A_223 = vector.broadcast %mul3A_153 : i32 to vector<16xi32>
        %ge3A_224 = arith.cmpi sge, %get3A_216, %ge3A_223 : vector<16xi32>
        %and3A = arith.andi %lt3A_222, %ge3A_224 : vector<16xi1>
        %add3A_225 = arith.constant 640 : i32
        %add3A_226 = arith.addi %mul3A_153, %add3A_225 : i32
        %lt3A_227 = vector.broadcast %add3A_226 : i32 to vector<16xi32>
        %lt3A_228 = arith.cmpi slt, %get3A_216, %lt3A_227 : vector<16xi32>
        %and3A_229 = arith.andi %and3A, %lt3A_228 : vector<16xi1>
        %sub3A_230 = vector.broadcast %mul3A_153 : i32 to vector<16xi32>
        %sub3A_231 = arith.subi %get3A_216, %sub3A_230 : vector<16xi32>
        %swap3A = arith.index_cast %while3A_209 : i32 to index
        %swap3A_232 = tpu.vector_load %arg10[%swap3A] masked %and3A_229 {strides = array<i32>} : memref<192xi32, #tpu.memory_space<vmem>>, vector<16xi32>, vector<16xi1>
        tpu.vector_store %arg10[%swap3A], %sub3A_231 masked %and3A_229 {strides = array<i32>} : memref<192xi32, #tpu.memory_space<vmem>>, vector<16xi32>, vector<16xi1>
        %swap3A_233 = arith.index_cast %while3A_209 : i32 to index
        %swap3A_234 = tpu.vector_load %arg11[%swap3A_233] masked %and3A_229 {strides = array<i32>} : memref<192xi32, #tpu.memory_space<vmem>>, vector<16xi32>, vector<16xi1>
        tpu.vector_store %arg11[%swap3A_233], %get3A_220 masked %and3A_229 {strides = array<i32>} : memref<192xi32, #tpu.memory_space<vmem>>, vector<16xi32>, vector<16xi1>
        %all_reduce_population_count3A = tpu.all_reduce %and3A_229 {dim = 0 : i64, kind = #tpu.reduction_kind<sum>} : vector<16xi1> -> vector<16xi32>
        %slice3A = vector.extract_strided_slice %all_reduce_population_count3A {offsets = [0], sizes = [1], strides = [1]} : vector<16xi32> to vector<1xi32>
        %squeeze3A = vector.extract %slice3A[0] : i32 from vector<1xi32>
        %add3A_235 = arith.addi %while3A_209, %squeeze3A : i32
        %min3A_236 = arith.constant 176 : i32
        %min3A_237 = arith.minsi %add3A_235, %min3A_236 : i32
        scf.yield %min3A_237 : i32
      }
      %while3A_169 = arith.constant 1 : i32
      %while3A_170 = scf.for %while3A_208 = %while3A_166 to %while3A_162 step %while3A_169 iter_args(%while3A_209 = %while3A_168) -> (i32)  : i32 {
        %iota3A = tpu.iota {dimensions = array<i32: 0>} : vector<16xi32>
        %mul3A_210 = arith.constant 16 : i32
        %mul3A_211 = arith.muli %while3A_208, %mul3A_210 : i32
        %add3A_212 = vector.broadcast %mul3A_211 : i32 to vector<16xi32>
        %add3A_213 = arith.addi %iota3A, %add3A_212 : vector<16xi32>
        %mul3A_214 = arith.constant 16 : i32
        %mul3A_215 = arith.muli %while3A_208, %mul3A_214 : i32
        %get3A = arith.index_cast %mul3A_215 : i32 to index
        %get3A_216 = tpu.vector_load %arg6[%get3A] {strides = array<i32>} : memref<2048xi32, #tpu.memory_space<vmem>>, vector<16xi32>,
        %mul3A_217 = arith.constant 16 : i32
        %mul3A_218 = arith.muli %while3A_208, %mul3A_217 : i32
        %get3A_219 = arith.index_cast %mul3A_218 : i32 to index
        %get3A_220 = tpu.vector_load %arg7[%get3A_219] {strides = array<i32>} : memref<2048xi32, #tpu.memory_space<vmem>>, vector<16xi32>,
        %lt3A_221 = vector.broadcast %scan3A_31 : i32 to vector<16xi32>
        %lt3A_222 = arith.cmpi slt, %add3A_213, %lt3A_221 : vector<16xi32>
        %ge3A_223 = vector.broadcast %mul3A_153 : i32 to vector<16xi32>
        %ge3A_224 = arith.cmpi sge, %get3A_216, %ge3A_223 : vector<16xi32>
        %and3A = arith.andi %lt3A_222, %ge3A_224 : vector<16xi1>
        %add3A_225 = arith.constant 640 : i32
        %add3A_226 = arith.addi %mul3A_153, %add3A_225 : i32
        %lt3A_227 = vector.broadcast %add3A_226 : i32 to vector<16xi32>
        %lt3A_228 = arith.cmpi slt, %get3A_216, %lt3A_227 : vector<16xi32>
        %and3A_229 = arith.andi %and3A, %lt3A_228 : vector<16xi1>
        %sub3A_230 = vector.broadcast %mul3A_153 : i32 to vector<16xi32>
        %sub3A_231 = arith.subi %get3A_216, %sub3A_230 : vector<16xi32>
        %swap3A = arith.index_cast %while3A_209 : i32 to index
        %swap3A_232 = tpu.vector_load %arg10[%swap3A] masked %and3A_229 {strides = array<i32>} : memref<192xi32, #tpu.memory_space<vmem>>, vector<16xi32>, vector<16xi1>
        tpu.vector_store %arg10[%swap3A], %sub3A_231 masked %and3A_229 {strides = array<i32>} : memref<192xi32, #tpu.memory_space<vmem>>, vector<16xi32>, vector<16xi1>
        %swap3A_233 = arith.index_cast %while3A_209 : i32 to index
        %swap3A_234 = tpu.vector_load %arg11[%swap3A_233] masked %and3A_229 {strides = array<i32>} : memref<192xi32, #tpu.memory_space<vmem>>, vector<16xi32>, vector<16xi1>
        tpu.vector_store %arg11[%swap3A_233], %get3A_220 masked %and3A_229 {strides = array<i32>} : memref<192xi32, #tpu.memory_space<vmem>>, vector<16xi32>, vector<16xi1>
        %all_reduce_population_count3A = tpu.all_reduce %and3A_229 {dim = 0 : i64, kind = #tpu.reduction_kind<sum>} : vector<16xi1> -> vector<16xi32>
        %slice3A = vector.extract_strided_slice %all_reduce_population_count3A {offsets = [0], sizes = [1], strides = [1]} : vector<16xi32> to vector<1xi32>
        %squeeze3A = vector.extract %slice3A[0] : i32 from vector<1xi32>
        %add3A_235 = arith.addi %while3A_209, %squeeze3A : i32
        %min3A_236 = arith.constant 176 : i32
        %min3A_237 = arith.minsi %add3A_235, %min3A_236 : i32
        scf.yield %min3A_237 : i32
      }
      %shift_right_arithmetic3A_171 = arith.constant 4 : i32
      %shift_right_arithmetic3A_172 = arith.shrsi %cond3A_123, %shift_right_arithmetic3A_171 : i32
      %add3A_173 = arith.constant 16 : i32
      %add3A_174 = arith.addi %while3A_170, %add3A_173 : i32
      %sub3A_175 = arith.constant 1 : i32
      %sub3A_176 = arith.subi %add3A_174, %sub3A_175 : i32
      %shift_right_arithmetic3A_177 = arith.constant 4 : i32
      %shift_right_arithmetic3A_178 = arith.shrsi %sub3A_176, %shift_right_arithmetic3A_177 : i32
      %while3A_179 = arith.constant 0 : i32
      %while3A_180 = arith.subi %shift_right_arithmetic3A_178, %shift_right_arithmetic3A_172 : i32
      %while3A_181 = arith.addi %shift_right_arithmetic3A_172, %while3A_180 : i32
      %while3A_182 = arith.constant 1 : i32
      %while3A_183 = arith.divsi %while3A_180, %while3A_182 : i32
      %while3A_184 = arith.muli %while3A_183, %while3A_182 : i32
      %while3A_185 = arith.addi %shift_right_arithmetic3A_172, %while3A_184 : i32
      %while3A_186 = arith.constant 1 : i32
      scf.for %while3A_208 = %shift_right_arithmetic3A_172 to %while3A_185 step %while3A_186  : i32 {
        %iota3A = tpu.iota {dimensions = array<i32: 0>} : vector<16xi32>
        %mul3A_209 = arith.constant 16 : i32
        %mul3A_210 = arith.muli %while3A_208, %mul3A_209 : i32
        %add3A_211 = vector.broadcast %mul3A_210 : i32 to vector<16xi32>
        %add3A_212 = arith.addi %iota3A, %add3A_211 : vector<16xi32>
        %ge3A_213 = vector.broadcast %cond3A_123 : i32 to vector<16xi32>
        %ge3A_214 = arith.cmpi sge, %add3A_212, %ge3A_213 : vector<16xi32>
        %lt3A_215 = vector.broadcast %while3A_170 : i32 to vector<16xi32>
        %lt3A_216 = arith.cmpi slt, %add3A_212, %lt3A_215 : vector<16xi32>
        %and3A = arith.andi %ge3A_214, %lt3A_216 : vector<16xi1>
        %mul3A_217 = arith.constant 16 : i32
        %mul3A_218 = arith.muli %while3A_208, %mul3A_217 : i32
        %get3A = arith.index_cast %mul3A_218 : i32 to index
        %get3A_219 = tpu.vector_load %arg10[%get3A] {strides = array<i32>} : memref<192xi32, #tpu.memory_space<vmem>>, vector<16xi32>,
        %jit3A = arith.constant 0 : i32
        %broadcast_in_dim3A = vector.broadcast %jit3A : i32 to vector<16xi32>
        %select_n3A = arith.select %and3A, %get3A_219, %broadcast_in_dim3A : vector<16xi1>, vector<16xi32>
        %mul3A_220 = arith.constant 16 : i32
        %mul3A_221 = arith.muli %while3A_208, %mul3A_220 : i32
        %get3A_222 = arith.index_cast %mul3A_221 : i32 to index
        %get3A_223 = tpu.vector_load %arg11[%get3A_222] {strides = array<i32>} : memref<192xi32, #tpu.memory_space<vmem>>, vector<16xi32>,
        %mul3A_224 = arith.constant 16 : i32
        %mul3A_225 = arith.muli %while3A_208, %mul3A_224 : i32
        %get3A_226 = arith.index_cast %mul3A_225 : i32 to index
        %get3A_227 = tpu.vector_load %arg12[%get3A_226] {strides = array<i32>} : memref<192xi32, #tpu.memory_space<vmem>>, vector<16xi32>,
        %select_n3A_228 = arith.select %and3A, %get3A_223, %get3A_227 : vector<16xi1>, vector<16xi32>
        %mul3A_229 = arith.constant 16 : i32
        %mul3A_230 = arith.muli %while3A_208, %mul3A_229 : i32
        %swap3A = arith.index_cast %mul3A_230 : i32 to index
        %swap3A_231 = tpu.vector_load %arg12[%swap3A] {strides = array<i32>} : memref<192xi32, #tpu.memory_space<vmem>>, vector<16xi32>,
        tpu.vector_store %arg12[%swap3A], %select_n3A_228 {strides = array<i32>} : memref<192xi32, #tpu.memory_space<vmem>>, vector<16xi32>,
        %broadcast_in_dim3A_232 = arith.constant 0 : i32
        %broadcast_in_dim3A_233 = vector.broadcast %broadcast_in_dim3A_232 : i32 to vector<16xi32>
        %gather3A = tpu.vector_load_idx %arg9[%broadcast_in_dim3A_233, %select_n3A] masked %and3A : memref<64x640xf32, #tpu.memory_space<vmem>>[vector<16xi32>, vector<16xi32>], vector<16xf32>, vector<16xi1>
        tpu.vector_store_idx %arg13[%add3A_212, %broadcast_in_dim3A_233], %gather3A masked %and3A : memref<192x128xf32, #tpu.memory_space<vmem>>[vector<16xi32>, vector<16xi32>], vector<16xf32>, vector<16xi1>
        %broadcast_in_dim3A_234 = arith.constant 1 : i32
        %broadcast_in_dim3A_235 = vector.broadcast %broadcast_in_dim3A_234 : i32 to vector<16xi32>
        %gather3A_236 = tpu.vector_load_idx %arg9[%broadcast_in_dim3A_235, %select_n3A] masked %and3A : memref<64x640xf32, #tpu.memory_space<vmem>>[vector<16xi32>, vector<16xi32>], vector<16xf32>, vector<16xi1>
        tpu.vector_store_idx %arg13[%add3A_212, %broadcast_in_dim3A_235], %gather3A_236 masked %and3A : memref<192x128xf32, #tpu.memory_space<vmem>>[vector<16xi32>, vector<16xi32>], vector<16xf32>, vector<16xi1>
        %broadcast_in_dim3A_237 = arith.constant 2 : i32
        %broadcast_in_dim3A_238 = vector.broadcast %broadcast_in_dim3A_237 : i32 to vector<16xi32>
        %gather3A_239 = tpu.vector_load_idx %arg9[%broadcast_in_dim3A_238, %select_n3A] masked %and3A : memref<64x640xf32, #tpu.memory_space<vmem>>[vector<16xi32>, vector<16xi32>], vector<16xf32>, vector<16xi1>
        tpu.vector_store_idx %arg13[%add3A_212, %broadcast_in_dim3A_238], %gather3A_239 masked %and3A : memref<192x128xf32, #tpu.memory_space<vmem>>[vector<16xi32>, vector<16xi32>], vector<16xf32>, vector<16xi1>
        %broadcast_in_dim3A_240 = arith.constant 3 : i32
        %broadcast_in_dim3A_241 = vector.broadcast %broadcast_in_dim3A_240 : i32 to vector<16xi32>
        %gather3A_242 = tpu.vector_load_idx %arg9[%broadcast_in_dim3A_241, %select_n3A] masked %and3A : memref<64x640xf32, #tpu.memory_space<vmem>>[vector<16xi32>, vector<16xi32>], vector<16xf32>, vector<16xi1>
        tpu.vector_store_idx %arg13[%add3A_212, %broadcast_in_dim3A_241], %gather3A_242 masked %and3A : memref<192x128xf32, #tpu.memory_space<vmem>>[vector<16xi32>, vector<16xi32>], vector<16xf32>, vector<16xi1>
        %broadcast_in_dim3A_243 = arith.constant 4 : i32
        %broadcast_in_dim3A_244 = vector.broadcast %broadcast_in_dim3A_243 : i32 to vector<16xi32>
        %gather3A_245 = tpu.vector_load_idx %arg9[%broadcast_in_dim3A_244, %select_n3A] masked %and3A : memref<64x640xf32, #tpu.memory_space<vmem>>[vector<16xi32>, vector<16xi32>], vector<16xf32>, vector<16xi1>
        tpu.vector_store_idx %arg13[%add3A_212, %broadcast_in_dim3A_244], %gather3A_245 masked %and3A : memref<192x128xf32, #tpu.memory_space<vmem>>[vector<16xi32>, vector<16xi32>], vector<16xf32>, vector<16xi1>
        %broadcast_in_dim3A_246 = arith.constant 5 : i32
        %broadcast_in_dim3A_247 = vector.broadcast %broadcast_in_dim3A_246 : i32 to vector<16xi32>
        %gather3A_248 = tpu.vector_load_idx %arg9[%broadcast_in_dim3A_247, %select_n3A] masked %and3A : memref<64x640xf32, #tpu.memory_space<vmem>>[vector<16xi32>, vector<16xi32>], vector<16xf32>, vector<16xi1>
        tpu.vector_store_idx %arg13[%add3A_212, %broadcast_in_dim3A_247], %gather3A_248 masked %and3A : memref<192x128xf32, #tpu.memory_space<vmem>>[vector<16xi32>, vector<16xi32>], vector<16xf32>, vector<16xi1>
        %broadcast_in_dim3A_249 = arith.constant 6 : i32
        %broadcast_in_dim3A_250 = vector.broadcast %broadcast_in_dim3A_249 : i32 to vector<16xi32>
        %gather3A_251 = tpu.vector_load_idx %arg9[%broadcast_in_dim3A_250, %select_n3A] masked %and3A : memref<64x640xf32, #tpu.memory_space<vmem>>[vector<16xi32>, vector<16xi32>], vector<16xf32>, vector<16xi1>
        tpu.vector_store_idx %arg13[%add3A_212, %broadcast_in_dim3A_250], %gather3A_251 masked %and3A : memref<192x128xf32, #tpu.memory_space<vmem>>[vector<16xi32>, vector<16xi32>], vector<16xf32>, vector<16xi1>
        %broadcast_in_dim3A_252 = arith.constant 7 : i32
        %broadcast_in_dim3A_253 = vector.broadcast %broadcast_in_dim3A_252 : i32 to vector<16xi32>
        %gather3A_254 = tpu.vector_load_idx %arg9[%broadcast_in_dim3A_253, %select_n3A] masked %and3A : memref<64x640xf32, #tpu.memory_space<vmem>>[vector<16xi32>, vector<16xi32>], vector<16xf32>, vector<16xi1>
        tpu.vector_store_idx %arg13[%add3A_212, %broadcast_in_dim3A_253], %gather3A_254 masked %and3A : memref<192x128xf32, #tpu.memory_space<vmem>>[vector<16xi32>, vector<16xi32>], vector<16xf32>, vector<16xi1>
        %broadcast_in_dim3A_255 = arith.constant 8 : i32
        %broadcast_in_dim3A_256 = vector.broadcast %broadcast_in_dim3A_255 : i32 to vector<16xi32>
        %gather3A_257 = tpu.vector_load_idx %arg9[%broadcast_in_dim3A_256, %select_n3A] masked %and3A : memref<64x640xf32, #tpu.memory_space<vmem>>[vector<16xi32>, vector<16xi32>], vector<16xf32>, vector<16xi1>
        tpu.vector_store_idx %arg13[%add3A_212, %broadcast_in_dim3A_256], %gather3A_257 masked %and3A : memref<192x128xf32, #tpu.memory_space<vmem>>[vector<16xi32>, vector<16xi32>], vector<16xf32>, vector<16xi1>
        %broadcast_in_dim3A_258 = arith.constant 9 : i32
        %broadcast_in_dim3A_259 = vector.broadcast %broadcast_in_dim3A_258 : i32 to vector<16xi32>
        %gather3A_260 = tpu.vector_load_idx %arg9[%broadcast_in_dim3A_259, %select_n3A] masked %and3A : memref<64x640xf32, #tpu.memory_space<vmem>>[vector<16xi32>, vector<16xi32>], vector<16xf32>, vector<16xi1>
        tpu.vector_store_idx %arg13[%add3A_212, %broadcast_in_dim3A_259], %gather3A_260 masked %and3A : memref<192x128xf32, #tpu.memory_space<vmem>>[vector<16xi32>, vector<16xi32>], vector<16xf32>, vector<16xi1>
        %broadcast_in_dim3A_261 = arith.constant 10 : i32
        %broadcast_in_dim3A_262 = vector.broadcast %broadcast_in_dim3A_261 : i32 to vector<16xi32>
        %gather3A_263 = tpu.vector_load_idx %arg9[%broadcast_in_dim3A_262, %select_n3A] masked %and3A : memref<64x640xf32, #tpu.memory_space<vmem>>[vector<16xi32>, vector<16xi32>], vector<16xf32>, vector<16xi1>
        tpu.vector_store_idx %arg13[%add3A_212, %broadcast_in_dim3A_262], %gather3A_263 masked %and3A : memref<192x128xf32, #tpu.memory_space<vmem>>[vector<16xi32>, vector<16xi32>], vector<16xf32>, vector<16xi1>
        %broadcast_in_dim3A_264 = arith.constant 11 : i32
        %broadcast_in_dim3A_265 = vector.broadcast %broadcast_in_dim3A_264 : i32 to vector<16xi32>
        %gather3A_266 = tpu.vector_load_idx %arg9[%broadcast_in_dim3A_265, %select_n3A] masked %and3A : memref<64x640xf32, #tpu.memory_space<vmem>>[vector<16xi32>, vector<16xi32>], vector<16xf32>, vector<16xi1>
        tpu.vector_store_idx %arg13[%add3A_212, %broadcast_in_dim3A_265], %gather3A_266 masked %and3A : memref<192x128xf32, #tpu.memory_space<vmem>>[vector<16xi32>, vector<16xi32>], vector<16xf32>, vector<16xi1>
        %broadcast_in_dim3A_267 = arith.constant 12 : i32
        %broadcast_in_dim3A_268 = vector.broadcast %broadcast_in_dim3A_267 : i32 to vector<16xi32>
        %gather3A_269 = tpu.vector_load_idx %arg9[%broadcast_in_dim3A_268, %select_n3A] masked %and3A : memref<64x640xf32, #tpu.memory_space<vmem>>[vector<16xi32>, vector<16xi32>], vector<16xf32>, vector<16xi1>
        tpu.vector_store_idx %arg13[%add3A_212, %broadcast_in_dim3A_268], %gather3A_269 masked %and3A : memref<192x128xf32, #tpu.memory_space<vmem>>[vector<16xi32>, vector<16xi32>], vector<16xf32>, vector<16xi1>
        %broadcast_in_dim3A_270 = arith.constant 13 : i32
        %broadcast_in_dim3A_271 = vector.broadcast %broadcast_in_dim3A_270 : i32 to vector<16xi32>
        %gather3A_272 = tpu.vector_load_idx %arg9[%broadcast_in_dim3A_271, %select_n3A] masked %and3A : memref<64x640xf32, #tpu.memory_space<vmem>>[vector<16xi32>, vector<16xi32>], vector<16xf32>, vector<16xi1>
        tpu.vector_store_idx %arg13[%add3A_212, %broadcast_in_dim3A_271], %gather3A_272 masked %and3A : memref<192x128xf32, #tpu.memory_space<vmem>>[vector<16xi32>, vector<16xi32>], vector<16xf32>, vector<16xi1>
        %broadcast_in_dim3A_273 = arith.constant 14 : i32
        %broadcast_in_dim3A_274 = vector.broadcast %broadcast_in_dim3A_273 : i32 to vector<16xi32>
        %gather3A_275 = tpu.vector_load_idx %arg9[%broadcast_in_dim3A_274, %select_n3A] masked %and3A : memref<64x640xf32, #tpu.memory_space<vmem>>[vector<16xi32>, vector<16xi32>], vector<16xf32>, vector<16xi1>
        tpu.vector_store_idx %arg13[%add3A_212, %broadcast_in_dim3A_274], %gather3A_275 masked %and3A : memref<192x128xf32, #tpu.memory_space<vmem>>[vector<16xi32>, vector<16xi32>], vector<16xf32>, vector<16xi1>
        %broadcast_in_dim3A_276 = arith.constant 15 : i32
        %broadcast_in_dim3A_277 = vector.broadcast %broadcast_in_dim3A_276 : i32 to vector<16xi32>
        %gather3A_278 = tpu.vector_load_idx %arg9[%broadcast_in_dim3A_277, %select_n3A] masked %and3A : memref<64x640xf32, #tpu.memory_space<vmem>>[vector<16xi32>, vector<16xi32>], vector<16xf32>, vector<16xi1>
        tpu.vector_store_idx %arg13[%add3A_212, %broadcast_in_dim3A_277], %gather3A_278 masked %and3A : memref<192x128xf32, #tpu.memory_space<vmem>>[vector<16xi32>, vector<16xi32>], vector<16xf32>, vector<16xi1>
        %broadcast_in_dim3A_279 = arith.constant 16 : i32
        %broadcast_in_dim3A_280 = vector.broadcast %broadcast_in_dim3A_279 : i32 to vector<16xi32>
        %gather3A_281 = tpu.vector_load_idx %arg9[%broadcast_in_dim3A_280, %select_n3A] masked %and3A : memref<64x640xf32, #tpu.memory_space<vmem>>[vector<16xi32>, vector<16xi32>], vector<16xf32>, vector<16xi1>
        tpu.vector_store_idx %arg13[%add3A_212, %broadcast_in_dim3A_280], %gather3A_281 masked %and3A : memref<192x128xf32, #tpu.memory_space<vmem>>[vector<16xi32>, vector<16xi32>], vector<16xf32>, vector<16xi1>
        %broadcast_in_dim3A_282 = arith.constant 17 : i32
        %broadcast_in_dim3A_283 = vector.broadcast %broadcast_in_dim3A_282 : i32 to vector<16xi32>
        %gather3A_284 = tpu.vector_load_idx %arg9[%broadcast_in_dim3A_283, %select_n3A] masked %and3A : memref<64x640xf32, #tpu.memory_space<vmem>>[vector<16xi32>, vector<16xi32>], vector<16xf32>, vector<16xi1>
        tpu.vector_store_idx %arg13[%add3A_212, %broadcast_in_dim3A_283], %gather3A_284 masked %and3A : memref<192x128xf32, #tpu.memory_space<vmem>>[vector<16xi32>, vector<16xi32>], vector<16xf32>, vector<16xi1>
        %broadcast_in_dim3A_285 = arith.constant 18 : i32
        %broadcast_in_dim3A_286 = vector.broadcast %broadcast_in_dim3A_285 : i32 to vector<16xi32>
        %gather3A_287 = tpu.vector_load_idx %arg9[%broadcast_in_dim3A_286, %select_n3A] masked %and3A : memref<64x640xf32, #tpu.memory_space<vmem>>[vector<16xi32>, vector<16xi32>], vector<16xf32>, vector<16xi1>
        tpu.vector_store_idx %arg13[%add3A_212, %broadcast_in_dim3A_286], %gather3A_287 masked %and3A : memref<192x128xf32, #tpu.memory_space<vmem>>[vector<16xi32>, vector<16xi32>], vector<16xf32>, vector<16xi1>
        %broadcast_in_dim3A_288 = arith.constant 19 : i32
        %broadcast_in_dim3A_289 = vector.broadcast %broadcast_in_dim3A_288 : i32 to vector<16xi32>
        %gather3A_290 = tpu.vector_load_idx %arg9[%broadcast_in_dim3A_289, %select_n3A] masked %and3A : memref<64x640xf32, #tpu.memory_space<vmem>>[vector<16xi32>, vector<16xi32>], vector<16xf32>, vector<16xi1>
        tpu.vector_store_idx %arg13[%add3A_212, %broadcast_in_dim3A_289], %gather3A_290 masked %and3A : memref<192x128xf32, #tpu.memory_space<vmem>>[vector<16xi32>, vector<16xi32>], vector<16xf32>, vector<16xi1>
        %broadcast_in_dim3A_291 = arith.constant 20 : i32
        %broadcast_in_dim3A_292 = vector.broadcast %broadcast_in_dim3A_291 : i32 to vector<16xi32>
        %gather3A_293 = tpu.vector_load_idx %arg9[%broadcast_in_dim3A_292, %select_n3A] masked %and3A : memref<64x640xf32, #tpu.memory_space<vmem>>[vector<16xi32>, vector<16xi32>], vector<16xf32>, vector<16xi1>
        tpu.vector_store_idx %arg13[%add3A_212, %broadcast_in_dim3A_292], %gather3A_293 masked %and3A : memref<192x128xf32, #tpu.memory_space<vmem>>[vector<16xi32>, vector<16xi32>], vector<16xf32>, vector<16xi1>
        %broadcast_in_dim3A_294 = arith.constant 21 : i32
        %broadcast_in_dim3A_295 = vector.broadcast %broadcast_in_dim3A_294 : i32 to vector<16xi32>
        %gather3A_296 = tpu.vector_load_idx %arg9[%broadcast_in_dim3A_295, %select_n3A] masked %and3A : memref<64x640xf32, #tpu.memory_space<vmem>>[vector<16xi32>, vector<16xi32>], vector<16xf32>, vector<16xi1>
        tpu.vector_store_idx %arg13[%add3A_212, %broadcast_in_dim3A_295], %gather3A_296 masked %and3A : memref<192x128xf32, #tpu.memory_space<vmem>>[vector<16xi32>, vector<16xi32>], vector<16xf32>, vector<16xi1>
        %broadcast_in_dim3A_297 = arith.constant 22 : i32
        %broadcast_in_dim3A_298 = vector.broadcast %broadcast_in_dim3A_297 : i32 to vector<16xi32>
        %gather3A_299 = tpu.vector_load_idx %arg9[%broadcast_in_dim3A_298, %select_n3A] masked %and3A : memref<64x640xf32, #tpu.memory_space<vmem>>[vector<16xi32>, vector<16xi32>], vector<16xf32>, vector<16xi1>
        tpu.vector_store_idx %arg13[%add3A_212, %broadcast_in_dim3A_298], %gather3A_299 masked %and3A : memref<192x128xf32, #tpu.memory_space<vmem>>[vector<16xi32>, vector<16xi32>], vector<16xf32>, vector<16xi1>
        %broadcast_in_dim3A_300 = arith.constant 23 : i32
        %broadcast_in_dim3A_301 = vector.broadcast %broadcast_in_dim3A_300 : i32 to vector<16xi32>
        %gather3A_302 = tpu.vector_load_idx %arg9[%broadcast_in_dim3A_301, %select_n3A] masked %and3A : memref<64x640xf32, #tpu.memory_space<vmem>>[vector<16xi32>, vector<16xi32>], vector<16xf32>, vector<16xi1>
        tpu.vector_store_idx %arg13[%add3A_212, %broadcast_in_dim3A_301], %gather3A_302 masked %and3A : memref<192x128xf32, #tpu.memory_space<vmem>>[vector<16xi32>, vector<16xi32>], vector<16xf32>, vector<16xi1>
        %broadcast_in_dim3A_303 = arith.constant 24 : i32
        %broadcast_in_dim3A_304 = vector.broadcast %broadcast_in_dim3A_303 : i32 to vector<16xi32>
        %gather3A_305 = tpu.vector_load_idx %arg9[%broadcast_in_dim3A_304, %select_n3A] masked %and3A : memref<64x640xf32, #tpu.memory_space<vmem>>[vector<16xi32>, vector<16xi32>], vector<16xf32>, vector<16xi1>
        tpu.vector_store_idx %arg13[%add3A_212, %broadcast_in_dim3A_304], %gather3A_305 masked %and3A : memref<192x128xf32, #tpu.memory_space<vmem>>[vector<16xi32>, vector<16xi32>], vector<16xf32>, vector<16xi1>
        %broadcast_in_dim3A_306 = arith.constant 25 : i32
        %broadcast_in_dim3A_307 = vector.broadcast %broadcast_in_dim3A_306 : i32 to vector<16xi32>
        %gather3A_308 = tpu.vector_load_idx %arg9[%broadcast_in_dim3A_307, %select_n3A] masked %and3A : memref<64x640xf32, #tpu.memory_space<vmem>>[vector<16xi32>, vector<16xi32>], vector<16xf32>, vector<16xi1>
        tpu.vector_store_idx %arg13[%add3A_212, %broadcast_in_dim3A_307], %gather3A_308 masked %and3A : memref<192x128xf32, #tpu.memory_space<vmem>>[vector<16xi32>, vector<16xi32>], vector<16xf32>, vector<16xi1>
        %broadcast_in_dim3A_309 = arith.constant 26 : i32
        %broadcast_in_dim3A_310 = vector.broadcast %broadcast_in_dim3A_309 : i32 to vector<16xi32>
        %gather3A_311 = tpu.vector_load_idx %arg9[%broadcast_in_dim3A_310, %select_n3A] masked %and3A : memref<64x640xf32, #tpu.memory_space<vmem>>[vector<16xi32>, vector<16xi32>], vector<16xf32>, vector<16xi1>
        tpu.vector_store_idx %arg13[%add3A_212, %broadcast_in_dim3A_310], %gather3A_311 masked %and3A : memref<192x128xf32, #tpu.memory_space<vmem>>[vector<16xi32>, vector<16xi32>], vector<16xf32>, vector<16xi1>
        %broadcast_in_dim3A_312 = arith.constant 27 : i32
        %broadcast_in_dim3A_313 = vector.broadcast %broadcast_in_dim3A_312 : i32 to vector<16xi32>
        %gather3A_314 = tpu.vector_load_idx %arg9[%broadcast_in_dim3A_313, %select_n3A] masked %and3A : memref<64x640xf32, #tpu.memory_space<vmem>>[vector<16xi32>, vector<16xi32>], vector<16xf32>, vector<16xi1>
        tpu.vector_store_idx %arg13[%add3A_212, %broadcast_in_dim3A_313], %gather3A_314 masked %and3A : memref<192x128xf32, #tpu.memory_space<vmem>>[vector<16xi32>, vector<16xi32>], vector<16xf32>, vector<16xi1>
        %broadcast_in_dim3A_315 = arith.constant 28 : i32
        %broadcast_in_dim3A_316 = vector.broadcast %broadcast_in_dim3A_315 : i32 to vector<16xi32>
        %gather3A_317 = tpu.vector_load_idx %arg9[%broadcast_in_dim3A_316, %select_n3A] masked %and3A : memref<64x640xf32, #tpu.memory_space<vmem>>[vector<16xi32>, vector<16xi32>], vector<16xf32>, vector<16xi1>
        tpu.vector_store_idx %arg13[%add3A_212, %broadcast_in_dim3A_316], %gather3A_317 masked %and3A : memref<192x128xf32, #tpu.memory_space<vmem>>[vector<16xi32>, vector<16xi32>], vector<16xf32>, vector<16xi1>
        %broadcast_in_dim3A_318 = arith.constant 29 : i32
        %broadcast_in_dim3A_319 = vector.broadcast %broadcast_in_dim3A_318 : i32 to vector<16xi32>
        %gather3A_320 = tpu.vector_load_idx %arg9[%broadcast_in_dim3A_319, %select_n3A] masked %and3A : memref<64x640xf32, #tpu.memory_space<vmem>>[vector<16xi32>, vector<16xi32>], vector<16xf32>, vector<16xi1>
        tpu.vector_store_idx %arg13[%add3A_212, %broadcast_in_dim3A_319], %gather3A_320 masked %and3A : memref<192x128xf32, #tpu.memory_space<vmem>>[vector<16xi32>, vector<16xi32>], vector<16xf32>, vector<16xi1>
        %broadcast_in_dim3A_321 = arith.constant 30 : i32
        %broadcast_in_dim3A_322 = vector.broadcast %broadcast_in_dim3A_321 : i32 to vector<16xi32>
        %gather3A_323 = tpu.vector_load_idx %arg9[%broadcast_in_dim3A_322, %select_n3A] masked %and3A : memref<64x640xf32, #tpu.memory_space<vmem>>[vector<16xi32>, vector<16xi32>], vector<16xf32>, vector<16xi1>
        tpu.vector_store_idx %arg13[%add3A_212, %broadcast_in_dim3A_322], %gather3A_323 masked %and3A : memref<192x128xf32, #tpu.memory_space<vmem>>[vector<16xi32>, vector<16xi32>], vector<16xf32>, vector<16xi1>
        %broadcast_in_dim3A_324 = arith.constant 31 : i32
        %broadcast_in_dim3A_325 = vector.broadcast %broadcast_in_dim3A_324 : i32 to vector<16xi32>
        %gather3A_326 = tpu.vector_load_idx %arg9[%broadcast_in_dim3A_325, %select_n3A] masked %and3A : memref<64x640xf32, #tpu.memory_space<vmem>>[vector<16xi32>, vector<16xi32>], vector<16xf32>, vector<16xi1>
        tpu.vector_store_idx %arg13[%add3A_212, %broadcast_in_dim3A_325], %gather3A_326 masked %and3A : memref<192x128xf32, #tpu.memory_space<vmem>>[vector<16xi32>, vector<16xi32>], vector<16xf32>, vector<16xi1>
        %broadcast_in_dim3A_327 = arith.constant 32 : i32
        %broadcast_in_dim3A_328 = vector.broadcast %broadcast_in_dim3A_327 : i32 to vector<16xi32>
        %gather3A_329 = tpu.vector_load_idx %arg9[%broadcast_in_dim3A_328, %select_n3A] masked %and3A : memref<64x640xf32, #tpu.memory_space<vmem>>[vector<16xi32>, vector<16xi32>], vector<16xf32>, vector<16xi1>
        tpu.vector_store_idx %arg13[%add3A_212, %broadcast_in_dim3A_328], %gather3A_329 masked %and3A : memref<192x128xf32, #tpu.memory_space<vmem>>[vector<16xi32>, vector<16xi32>], vector<16xf32>, vector<16xi1>
        %broadcast_in_dim3A_330 = arith.constant 33 : i32
        %broadcast_in_dim3A_331 = vector.broadcast %broadcast_in_dim3A_330 : i32 to vector<16xi32>
        %gather3A_332 = tpu.vector_load_idx %arg9[%broadcast_in_dim3A_331, %select_n3A] masked %and3A : memref<64x640xf32, #tpu.memory_space<vmem>>[vector<16xi32>, vector<16xi32>], vector<16xf32>, vector<16xi1>
        tpu.vector_store_idx %arg13[%add3A_212, %broadcast_in_dim3A_331], %gather3A_332 masked %and3A : memref<192x128xf32, #tpu.memory_space<vmem>>[vector<16xi32>, vector<16xi32>], vector<16xf32>, vector<16xi1>
        %broadcast_in_dim3A_333 = arith.constant 34 : i32
        %broadcast_in_dim3A_334 = vector.broadcast %broadcast_in_dim3A_333 : i32 to vector<16xi32>
        %gather3A_335 = tpu.vector_load_idx %arg9[%broadcast_in_dim3A_334, %select_n3A] masked %and3A : memref<64x640xf32, #tpu.memory_space<vmem>>[vector<16xi32>, vector<16xi32>], vector<16xf32>, vector<16xi1>
        tpu.vector_store_idx %arg13[%add3A_212, %broadcast_in_dim3A_334], %gather3A_335 masked %and3A : memref<192x128xf32, #tpu.memory_space<vmem>>[vector<16xi32>, vector<16xi32>], vector<16xf32>, vector<16xi1>
        %broadcast_in_dim3A_336 = arith.constant 35 : i32
        %broadcast_in_dim3A_337 = vector.broadcast %broadcast_in_dim3A_336 : i32 to vector<16xi32>
        %gather3A_338 = tpu.vector_load_idx %arg9[%broadcast_in_dim3A_337, %select_n3A] masked %and3A : memref<64x640xf32, #tpu.memory_space<vmem>>[vector<16xi32>, vector<16xi32>], vector<16xf32>, vector<16xi1>
        tpu.vector_store_idx %arg13[%add3A_212, %broadcast_in_dim3A_337], %gather3A_338 masked %and3A : memref<192x128xf32, #tpu.memory_space<vmem>>[vector<16xi32>, vector<16xi32>], vector<16xf32>, vector<16xi1>
        %broadcast_in_dim3A_339 = arith.constant 36 : i32
        %broadcast_in_dim3A_340 = vector.broadcast %broadcast_in_dim3A_339 : i32 to vector<16xi32>
        %gather3A_341 = tpu.vector_load_idx %arg9[%broadcast_in_dim3A_340, %select_n3A] masked %and3A : memref<64x640xf32, #tpu.memory_space<vmem>>[vector<16xi32>, vector<16xi32>], vector<16xf32>, vector<16xi1>
        tpu.vector_store_idx %arg13[%add3A_212, %broadcast_in_dim3A_340], %gather3A_341 masked %and3A : memref<192x128xf32, #tpu.memory_space<vmem>>[vector<16xi32>, vector<16xi32>], vector<16xf32>, vector<16xi1>
        %broadcast_in_dim3A_342 = arith.constant 37 : i32
        %broadcast_in_dim3A_343 = vector.broadcast %broadcast_in_dim3A_342 : i32 to vector<16xi32>
        %gather3A_344 = tpu.vector_load_idx %arg9[%broadcast_in_dim3A_343, %select_n3A] masked %and3A : memref<64x640xf32, #tpu.memory_space<vmem>>[vector<16xi32>, vector<16xi32>], vector<16xf32>, vector<16xi1>
        tpu.vector_store_idx %arg13[%add3A_212, %broadcast_in_dim3A_343], %gather3A_344 masked %and3A : memref<192x128xf32, #tpu.memory_space<vmem>>[vector<16xi32>, vector<16xi32>], vector<16xf32>, vector<16xi1>
        %broadcast_in_dim3A_345 = arith.constant 38 : i32
        %broadcast_in_dim3A_346 = vector.broadcast %broadcast_in_dim3A_345 : i32 to vector<16xi32>
        %gather3A_347 = tpu.vector_load_idx %arg9[%broadcast_in_dim3A_346, %select_n3A] masked %and3A : memref<64x640xf32, #tpu.memory_space<vmem>>[vector<16xi32>, vector<16xi32>], vector<16xf32>, vector<16xi1>
        tpu.vector_store_idx %arg13[%add3A_212, %broadcast_in_dim3A_346], %gather3A_347 masked %and3A : memref<192x128xf32, #tpu.memory_space<vmem>>[vector<16xi32>, vector<16xi32>], vector<16xf32>, vector<16xi1>
        %broadcast_in_dim3A_348 = arith.constant 39 : i32
        %broadcast_in_dim3A_349 = vector.broadcast %broadcast_in_dim3A_348 : i32 to vector<16xi32>
        %gather3A_350 = tpu.vector_load_idx %arg9[%broadcast_in_dim3A_349, %select_n3A] masked %and3A : memref<64x640xf32, #tpu.memory_space<vmem>>[vector<16xi32>, vector<16xi32>], vector<16xf32>, vector<16xi1>
        tpu.vector_store_idx %arg13[%add3A_212, %broadcast_in_dim3A_349], %gather3A_350 masked %and3A : memref<192x128xf32, #tpu.memory_space<vmem>>[vector<16xi32>, vector<16xi32>], vector<16xf32>, vector<16xi1>
        %broadcast_in_dim3A_351 = arith.constant 40 : i32
        %broadcast_in_dim3A_352 = vector.broadcast %broadcast_in_dim3A_351 : i32 to vector<16xi32>
        %gather3A_353 = tpu.vector_load_idx %arg9[%broadcast_in_dim3A_352, %select_n3A] masked %and3A : memref<64x640xf32, #tpu.memory_space<vmem>>[vector<16xi32>, vector<16xi32>], vector<16xf32>, vector<16xi1>
        tpu.vector_store_idx %arg13[%add3A_212, %broadcast_in_dim3A_352], %gather3A_353 masked %and3A : memref<192x128xf32, #tpu.memory_space<vmem>>[vector<16xi32>, vector<16xi32>], vector<16xf32>, vector<16xi1>
        %broadcast_in_dim3A_354 = arith.constant 41 : i32
        %broadcast_in_dim3A_355 = vector.broadcast %broadcast_in_dim3A_354 : i32 to vector<16xi32>
        %gather3A_356 = tpu.vector_load_idx %arg9[%broadcast_in_dim3A_355, %select_n3A] masked %and3A : memref<64x640xf32, #tpu.memory_space<vmem>>[vector<16xi32>, vector<16xi32>], vector<16xf32>, vector<16xi1>
        tpu.vector_store_idx %arg13[%add3A_212, %broadcast_in_dim3A_355], %gather3A_356 masked %and3A : memref<192x128xf32, #tpu.memory_space<vmem>>[vector<16xi32>, vector<16xi32>], vector<16xf32>, vector<16xi1>
        %broadcast_in_dim3A_357 = arith.constant 42 : i32
        %broadcast_in_dim3A_358 = vector.broadcast %broadcast_in_dim3A_357 : i32 to vector<16xi32>
        %gather3A_359 = tpu.vector_load_idx %arg9[%broadcast_in_dim3A_358, %select_n3A] masked %and3A : memref<64x640xf32, #tpu.memory_space<vmem>>[vector<16xi32>, vector<16xi32>], vector<16xf32>, vector<16xi1>
        tpu.vector_store_idx %arg13[%add3A_212, %broadcast_in_dim3A_358], %gather3A_359 masked %and3A : memref<192x128xf32, #tpu.memory_space<vmem>>[vector<16xi32>, vector<16xi32>], vector<16xf32>, vector<16xi1>
        %broadcast_in_dim3A_360 = arith.constant 43 : i32
        %broadcast_in_dim3A_361 = vector.broadcast %broadcast_in_dim3A_360 : i32 to vector<16xi32>
        %gather3A_362 = tpu.vector_load_idx %arg9[%broadcast_in_dim3A_361, %select_n3A] masked %and3A : memref<64x640xf32, #tpu.memory_space<vmem>>[vector<16xi32>, vector<16xi32>], vector<16xf32>, vector<16xi1>
        tpu.vector_store_idx %arg13[%add3A_212, %broadcast_in_dim3A_361], %gather3A_362 masked %and3A : memref<192x128xf32, #tpu.memory_space<vmem>>[vector<16xi32>, vector<16xi32>], vector<16xf32>, vector<16xi1>
        %broadcast_in_dim3A_363 = arith.constant 44 : i32
        %broadcast_in_dim3A_364 = vector.broadcast %broadcast_in_dim3A_363 : i32 to vector<16xi32>
        %gather3A_365 = tpu.vector_load_idx %arg9[%broadcast_in_dim3A_364, %select_n3A] masked %and3A : memref<64x640xf32, #tpu.memory_space<vmem>>[vector<16xi32>, vector<16xi32>], vector<16xf32>, vector<16xi1>
        tpu.vector_store_idx %arg13[%add3A_212, %broadcast_in_dim3A_364], %gather3A_365 masked %and3A : memref<192x128xf32, #tpu.memory_space<vmem>>[vector<16xi32>, vector<16xi32>], vector<16xf32>, vector<16xi1>
        %broadcast_in_dim3A_366 = arith.constant 45 : i32
        %broadcast_in_dim3A_367 = vector.broadcast %broadcast_in_dim3A_366 : i32 to vector<16xi32>
        %gather3A_368 = tpu.vector_load_idx %arg9[%broadcast_in_dim3A_367, %select_n3A] masked %and3A : memref<64x640xf32, #tpu.memory_space<vmem>>[vector<16xi32>, vector<16xi32>], vector<16xf32>, vector<16xi1>
        tpu.vector_store_idx %arg13[%add3A_212, %broadcast_in_dim3A_367], %gather3A_368 masked %and3A : memref<192x128xf32, #tpu.memory_space<vmem>>[vector<16xi32>, vector<16xi32>], vector<16xf32>, vector<16xi1>
        %broadcast_in_dim3A_369 = arith.constant 46 : i32
        %broadcast_in_dim3A_370 = vector.broadcast %broadcast_in_dim3A_369 : i32 to vector<16xi32>
        %gather3A_371 = tpu.vector_load_idx %arg9[%broadcast_in_dim3A_370, %select_n3A] masked %and3A : memref<64x640xf32, #tpu.memory_space<vmem>>[vector<16xi32>, vector<16xi32>], vector<16xf32>, vector<16xi1>
        tpu.vector_store_idx %arg13[%add3A_212, %broadcast_in_dim3A_370], %gather3A_371 masked %and3A : memref<192x128xf32, #tpu.memory_space<vmem>>[vector<16xi32>, vector<16xi32>], vector<16xf32>, vector<16xi1>
        %broadcast_in_dim3A_372 = arith.constant 47 : i32
        %broadcast_in_dim3A_373 = vector.broadcast %broadcast_in_dim3A_372 : i32 to vector<16xi32>
        %gather3A_374 = tpu.vector_load_idx %arg9[%broadcast_in_dim3A_373, %select_n3A] masked %and3A : memref<64x640xf32, #tpu.memory_space<vmem>>[vector<16xi32>, vector<16xi32>], vector<16xf32>, vector<16xi1>
        tpu.vector_store_idx %arg13[%add3A_212, %broadcast_in_dim3A_373], %gather3A_374 masked %and3A : memref<192x128xf32, #tpu.memory_space<vmem>>[vector<16xi32>, vector<16xi32>], vector<16xf32>, vector<16xi1>
        %broadcast_in_dim3A_375 = arith.constant 48 : i32
        %broadcast_in_dim3A_376 = vector.broadcast %broadcast_in_dim3A_375 : i32 to vector<16xi32>
        %gather3A_377 = tpu.vector_load_idx %arg9[%broadcast_in_dim3A_376, %select_n3A] masked %and3A : memref<64x640xf32, #tpu.memory_space<vmem>>[vector<16xi32>, vector<16xi32>], vector<16xf32>, vector<16xi1>
        tpu.vector_store_idx %arg13[%add3A_212, %broadcast_in_dim3A_376], %gather3A_377 masked %and3A : memref<192x128xf32, #tpu.memory_space<vmem>>[vector<16xi32>, vector<16xi32>], vector<16xf32>, vector<16xi1>
        %broadcast_in_dim3A_378 = arith.constant 49 : i32
        %broadcast_in_dim3A_379 = vector.broadcast %broadcast_in_dim3A_378 : i32 to vector<16xi32>
        %gather3A_380 = tpu.vector_load_idx %arg9[%broadcast_in_dim3A_379, %select_n3A] masked %and3A : memref<64x640xf32, #tpu.memory_space<vmem>>[vector<16xi32>, vector<16xi32>], vector<16xf32>, vector<16xi1>
        tpu.vector_store_idx %arg13[%add3A_212, %broadcast_in_dim3A_379], %gather3A_380 masked %and3A : memref<192x128xf32, #tpu.memory_space<vmem>>[vector<16xi32>, vector<16xi32>], vector<16xf32>, vector<16xi1>
        %broadcast_in_dim3A_381 = arith.constant 50 : i32
        %broadcast_in_dim3A_382 = vector.broadcast %broadcast_in_dim3A_381 : i32 to vector<16xi32>
        %gather3A_383 = tpu.vector_load_idx %arg9[%broadcast_in_dim3A_382, %select_n3A] masked %and3A : memref<64x640xf32, #tpu.memory_space<vmem>>[vector<16xi32>, vector<16xi32>], vector<16xf32>, vector<16xi1>
        tpu.vector_store_idx %arg13[%add3A_212, %broadcast_in_dim3A_382], %gather3A_383 masked %and3A : memref<192x128xf32, #tpu.memory_space<vmem>>[vector<16xi32>, vector<16xi32>], vector<16xf32>, vector<16xi1>
        %broadcast_in_dim3A_384 = arith.constant 51 : i32
        %broadcast_in_dim3A_385 = vector.broadcast %broadcast_in_dim3A_384 : i32 to vector<16xi32>
        %gather3A_386 = tpu.vector_load_idx %arg9[%broadcast_in_dim3A_385, %select_n3A] masked %and3A : memref<64x640xf32, #tpu.memory_space<vmem>>[vector<16xi32>, vector<16xi32>], vector<16xf32>, vector<16xi1>
        tpu.vector_store_idx %arg13[%add3A_212, %broadcast_in_dim3A_385], %gather3A_386 masked %and3A : memref<192x128xf32, #tpu.memory_space<vmem>>[vector<16xi32>, vector<16xi32>], vector<16xf32>, vector<16xi1>
        %broadcast_in_dim3A_387 = arith.constant 52 : i32
        %broadcast_in_dim3A_388 = vector.broadcast %broadcast_in_dim3A_387 : i32 to vector<16xi32>
        %gather3A_389 = tpu.vector_load_idx %arg9[%broadcast_in_dim3A_388, %select_n3A] masked %and3A : memref<64x640xf32, #tpu.memory_space<vmem>>[vector<16xi32>, vector<16xi32>], vector<16xf32>, vector<16xi1>
        tpu.vector_store_idx %arg13[%add3A_212, %broadcast_in_dim3A_388], %gather3A_389 masked %and3A : memref<192x128xf32, #tpu.memory_space<vmem>>[vector<16xi32>, vector<16xi32>], vector<16xf32>, vector<16xi1>
        %broadcast_in_dim3A_390 = arith.constant 53 : i32
        %broadcast_in_dim3A_391 = vector.broadcast %broadcast_in_dim3A_390 : i32 to vector<16xi32>
        %gather3A_392 = tpu.vector_load_idx %arg9[%broadcast_in_dim3A_391, %select_n3A] masked %and3A : memref<64x640xf32, #tpu.memory_space<vmem>>[vector<16xi32>, vector<16xi32>], vector<16xf32>, vector<16xi1>
        tpu.vector_store_idx %arg13[%add3A_212, %broadcast_in_dim3A_391], %gather3A_392 masked %and3A : memref<192x128xf32, #tpu.memory_space<vmem>>[vector<16xi32>, vector<16xi32>], vector<16xf32>, vector<16xi1>
        %broadcast_in_dim3A_393 = arith.constant 54 : i32
        %broadcast_in_dim3A_394 = vector.broadcast %broadcast_in_dim3A_393 : i32 to vector<16xi32>
        %gather3A_395 = tpu.vector_load_idx %arg9[%broadcast_in_dim3A_394, %select_n3A] masked %and3A : memref<64x640xf32, #tpu.memory_space<vmem>>[vector<16xi32>, vector<16xi32>], vector<16xf32>, vector<16xi1>
        tpu.vector_store_idx %arg13[%add3A_212, %broadcast_in_dim3A_394], %gather3A_395 masked %and3A : memref<192x128xf32, #tpu.memory_space<vmem>>[vector<16xi32>, vector<16xi32>], vector<16xf32>, vector<16xi1>
        %broadcast_in_dim3A_396 = arith.constant 55 : i32
        %broadcast_in_dim3A_397 = vector.broadcast %broadcast_in_dim3A_396 : i32 to vector<16xi32>
        %gather3A_398 = tpu.vector_load_idx %arg9[%broadcast_in_dim3A_397, %select_n3A] masked %and3A : memref<64x640xf32, #tpu.memory_space<vmem>>[vector<16xi32>, vector<16xi32>], vector<16xf32>, vector<16xi1>
        tpu.vector_store_idx %arg13[%add3A_212, %broadcast_in_dim3A_397], %gather3A_398 masked %and3A : memref<192x128xf32, #tpu.memory_space<vmem>>[vector<16xi32>, vector<16xi32>], vector<16xf32>, vector<16xi1>
        %broadcast_in_dim3A_399 = arith.constant 56 : i32
        %broadcast_in_dim3A_400 = vector.broadcast %broadcast_in_dim3A_399 : i32 to vector<16xi32>
        %gather3A_401 = tpu.vector_load_idx %arg9[%broadcast_in_dim3A_400, %select_n3A] masked %and3A : memref<64x640xf32, #tpu.memory_space<vmem>>[vector<16xi32>, vector<16xi32>], vector<16xf32>, vector<16xi1>
        tpu.vector_store_idx %arg13[%add3A_212, %broadcast_in_dim3A_400], %gather3A_401 masked %and3A : memref<192x128xf32, #tpu.memory_space<vmem>>[vector<16xi32>, vector<16xi32>], vector<16xf32>, vector<16xi1>
        %broadcast_in_dim3A_402 = arith.constant 57 : i32
        %broadcast_in_dim3A_403 = vector.broadcast %broadcast_in_dim3A_402 : i32 to vector<16xi32>
        %gather3A_404 = tpu.vector_load_idx %arg9[%broadcast_in_dim3A_403, %select_n3A] masked %and3A : memref<64x640xf32, #tpu.memory_space<vmem>>[vector<16xi32>, vector<16xi32>], vector<16xf32>, vector<16xi1>
        tpu.vector_store_idx %arg13[%add3A_212, %broadcast_in_dim3A_403], %gather3A_404 masked %and3A : memref<192x128xf32, #tpu.memory_space<vmem>>[vector<16xi32>, vector<16xi32>], vector<16xf32>, vector<16xi1>
        %broadcast_in_dim3A_405 = arith.constant 58 : i32
        %broadcast_in_dim3A_406 = vector.broadcast %broadcast_in_dim3A_405 : i32 to vector<16xi32>
        %gather3A_407 = tpu.vector_load_idx %arg9[%broadcast_in_dim3A_406, %select_n3A] masked %and3A : memref<64x640xf32, #tpu.memory_space<vmem>>[vector<16xi32>, vector<16xi32>], vector<16xf32>, vector<16xi1>
        tpu.vector_store_idx %arg13[%add3A_212, %broadcast_in_dim3A_406], %gather3A_407 masked %and3A : memref<192x128xf32, #tpu.memory_space<vmem>>[vector<16xi32>, vector<16xi32>], vector<16xf32>, vector<16xi1>
        %broadcast_in_dim3A_408 = arith.constant 59 : i32
        %broadcast_in_dim3A_409 = vector.broadcast %broadcast_in_dim3A_408 : i32 to vector<16xi32>
        %gather3A_410 = tpu.vector_load_idx %arg9[%broadcast_in_dim3A_409, %select_n3A] masked %and3A : memref<64x640xf32, #tpu.memory_space<vmem>>[vector<16xi32>, vector<16xi32>], vector<16xf32>, vector<16xi1>
        tpu.vector_store_idx %arg13[%add3A_212, %broadcast_in_dim3A_409], %gather3A_410 masked %and3A : memref<192x128xf32, #tpu.memory_space<vmem>>[vector<16xi32>, vector<16xi32>], vector<16xf32>, vector<16xi1>
        %broadcast_in_dim3A_411 = arith.constant 60 : i32
        %broadcast_in_dim3A_412 = vector.broadcast %broadcast_in_dim3A_411 : i32 to vector<16xi32>
        %gather3A_413 = tpu.vector_load_idx %arg9[%broadcast_in_dim3A_412, %select_n3A] masked %and3A : memref<64x640xf32, #tpu.memory_space<vmem>>[vector<16xi32>, vector<16xi32>], vector<16xf32>, vector<16xi1>
        tpu.vector_store_idx %arg13[%add3A_212, %broadcast_in_dim3A_412], %gather3A_413 masked %and3A : memref<192x128xf32, #tpu.memory_space<vmem>>[vector<16xi32>, vector<16xi32>], vector<16xf32>, vector<16xi1>
        %broadcast_in_dim3A_414 = arith.constant 61 : i32
        %broadcast_in_dim3A_415 = vector.broadcast %broadcast_in_dim3A_414 : i32 to vector<16xi32>
        %gather3A_416 = tpu.vector_load_idx %arg9[%broadcast_in_dim3A_415, %select_n3A] masked %and3A : memref<64x640xf32, #tpu.memory_space<vmem>>[vector<16xi32>, vector<16xi32>], vector<16xf32>, vector<16xi1>
        tpu.vector_store_idx %arg13[%add3A_212, %broadcast_in_dim3A_415], %gather3A_416 masked %and3A : memref<192x128xf32, #tpu.memory_space<vmem>>[vector<16xi32>, vector<16xi32>], vector<16xf32>, vector<16xi1>
        %broadcast_in_dim3A_417 = arith.constant 62 : i32
        %broadcast_in_dim3A_418 = vector.broadcast %broadcast_in_dim3A_417 : i32 to vector<16xi32>
        %gather3A_419 = tpu.vector_load_idx %arg9[%broadcast_in_dim3A_418, %select_n3A] masked %and3A : memref<64x640xf32, #tpu.memory_space<vmem>>[vector<16xi32>, vector<16xi32>], vector<16xf32>, vector<16xi1>
        tpu.vector_store_idx %arg13[%add3A_212, %broadcast_in_dim3A_418], %gather3A_419 masked %and3A : memref<192x128xf32, #tpu.memory_space<vmem>>[vector<16xi32>, vector<16xi32>], vector<16xf32>, vector<16xi1>
        %broadcast_in_dim3A_420 = arith.constant 63 : i32
        %broadcast_in_dim3A_421 = vector.broadcast %broadcast_in_dim3A_420 : i32 to vector<16xi32>
        %gather3A_422 = tpu.vector_load_idx %arg9[%broadcast_in_dim3A_421, %select_n3A] masked %and3A : memref<64x640xf32, #tpu.memory_space<vmem>>[vector<16xi32>, vector<16xi32>], vector<16xf32>, vector<16xi1>
        tpu.vector_store_idx %arg13[%add3A_212, %broadcast_in_dim3A_421], %gather3A_422 masked %and3A : memref<192x128xf32, #tpu.memory_space<vmem>>[vector<16xi32>, vector<16xi32>], vector<16xf32>, vector<16xi1>
      }
      %while3A_187 = arith.constant 1 : i32
      scf.for %while3A_208 = %while3A_185 to %while3A_181 step %while3A_187  : i32 {
        %iota3A = tpu.iota {dimensions = array<i32: 0>} : vector<16xi32>
        %mul3A_209 = arith.constant 16 : i32
        %mul3A_210 = arith.muli %while3A_208, %mul3A_209 : i32
        %add3A_211 = vector.broadcast %mul3A_210 : i32 to vector<16xi32>
        %add3A_212 = arith.addi %iota3A, %add3A_211 : vector<16xi32>
        %ge3A_213 = vector.broadcast %cond3A_123 : i32 to vector<16xi32>
        %ge3A_214 = arith.cmpi sge, %add3A_212, %ge3A_213 : vector<16xi32>
        %lt3A_215 = vector.broadcast %while3A_170 : i32 to vector<16xi32>
        %lt3A_216 = arith.cmpi slt, %add3A_212, %lt3A_215 : vector<16xi32>
        %and3A = arith.andi %ge3A_214, %lt3A_216 : vector<16xi1>
        %mul3A_217 = arith.constant 16 : i32
        %mul3A_218 = arith.muli %while3A_208, %mul3A_217 : i32
        %get3A = arith.index_cast %mul3A_218 : i32 to index
        %get3A_219 = tpu.vector_load %arg10[%get3A] {strides = array<i32>} : memref<192xi32, #tpu.memory_space<vmem>>, vector<16xi32>,
        %jit3A = arith.constant 0 : i32
        %broadcast_in_dim3A = vector.broadcast %jit3A : i32 to vector<16xi32>
        %select_n3A = arith.select %and3A, %get3A_219, %broadcast_in_dim3A : vector<16xi1>, vector<16xi32>
        %mul3A_220 = arith.constant 16 : i32
        %mul3A_221 = arith.muli %while3A_208, %mul3A_220 : i32
        %get3A_222 = arith.index_cast %mul3A_221 : i32 to index
        %get3A_223 = tpu.vector_load %arg11[%get3A_222] {strides = array<i32>} : memref<192xi32, #tpu.memory_space<vmem>>, vector<16xi32>,
        %mul3A_224 = arith.constant 16 : i32
        %mul3A_225 = arith.muli %while3A_208, %mul3A_224 : i32
        %get3A_226 = arith.index_cast %mul3A_225 : i32 to index
        %get3A_227 = tpu.vector_load %arg12[%get3A_226] {strides = array<i32>} : memref<192xi32, #tpu.memory_space<vmem>>, vector<16xi32>,
        %select_n3A_228 = arith.select %and3A, %get3A_223, %get3A_227 : vector<16xi1>, vector<16xi32>
        %mul3A_229 = arith.constant 16 : i32
        %mul3A_230 = arith.muli %while3A_208, %mul3A_229 : i32
        %swap3A = arith.index_cast %mul3A_230 : i32 to index
        %swap3A_231 = tpu.vector_load %arg12[%swap3A] {strides = array<i32>} : memref<192xi32, #tpu.memory_space<vmem>>, vector<16xi32>,
        tpu.vector_store %arg12[%swap3A], %select_n3A_228 {strides = array<i32>} : memref<192xi32, #tpu.memory_space<vmem>>, vector<16xi32>,
        %broadcast_in_dim3A_232 = arith.constant 0 : i32
        %broadcast_in_dim3A_233 = vector.broadcast %broadcast_in_dim3A_232 : i32 to vector<16xi32>
        %gather3A = tpu.vector_load_idx %arg9[%broadcast_in_dim3A_233, %select_n3A] masked %and3A : memref<64x640xf32, #tpu.memory_space<vmem>>[vector<16xi32>, vector<16xi32>], vector<16xf32>, vector<16xi1>
        tpu.vector_store_idx %arg13[%add3A_212, %broadcast_in_dim3A_233], %gather3A masked %and3A : memref<192x128xf32, #tpu.memory_space<vmem>>[vector<16xi32>, vector<16xi32>], vector<16xf32>, vector<16xi1>
        %broadcast_in_dim3A_234 = arith.constant 1 : i32
        %broadcast_in_dim3A_235 = vector.broadcast %broadcast_in_dim3A_234 : i32 to vector<16xi32>
        %gather3A_236 = tpu.vector_load_idx %arg9[%broadcast_in_dim3A_235, %select_n3A] masked %and3A : memref<64x640xf32, #tpu.memory_space<vmem>>[vector<16xi32>, vector<16xi32>], vector<16xf32>, vector<16xi1>
        tpu.vector_store_idx %arg13[%add3A_212, %broadcast_in_dim3A_235], %gather3A_236 masked %and3A : memref<192x128xf32, #tpu.memory_space<vmem>>[vector<16xi32>, vector<16xi32>], vector<16xf32>, vector<16xi1>
        %broadcast_in_dim3A_237 = arith.constant 2 : i32
        %broadcast_in_dim3A_238 = vector.broadcast %broadcast_in_dim3A_237 : i32 to vector<16xi32>
        %gather3A_239 = tpu.vector_load_idx %arg9[%broadcast_in_dim3A_238, %select_n3A] masked %and3A : memref<64x640xf32, #tpu.memory_space<vmem>>[vector<16xi32>, vector<16xi32>], vector<16xf32>, vector<16xi1>
        tpu.vector_store_idx %arg13[%add3A_212, %broadcast_in_dim3A_238], %gather3A_239 masked %and3A : memref<192x128xf32, #tpu.memory_space<vmem>>[vector<16xi32>, vector<16xi32>], vector<16xf32>, vector<16xi1>
        %broadcast_in_dim3A_240 = arith.constant 3 : i32
        %broadcast_in_dim3A_241 = vector.broadcast %broadcast_in_dim3A_240 : i32 to vector<16xi32>
        %gather3A_242 = tpu.vector_load_idx %arg9[%broadcast_in_dim3A_241, %select_n3A] masked %and3A : memref<64x640xf32, #tpu.memory_space<vmem>>[vector<16xi32>, vector<16xi32>], vector<16xf32>, vector<16xi1>
        tpu.vector_store_idx %arg13[%add3A_212, %broadcast_in_dim3A_241], %gather3A_242 masked %and3A : memref<192x128xf32, #tpu.memory_space<vmem>>[vector<16xi32>, vector<16xi32>], vector<16xf32>, vector<16xi1>
        %broadcast_in_dim3A_243 = arith.constant 4 : i32
        %broadcast_in_dim3A_244 = vector.broadcast %broadcast_in_dim3A_243 : i32 to vector<16xi32>
        %gather3A_245 = tpu.vector_load_idx %arg9[%broadcast_in_dim3A_244, %select_n3A] masked %and3A : memref<64x640xf32, #tpu.memory_space<vmem>>[vector<16xi32>, vector<16xi32>], vector<16xf32>, vector<16xi1>
        tpu.vector_store_idx %arg13[%add3A_212, %broadcast_in_dim3A_244], %gather3A_245 masked %and3A : memref<192x128xf32, #tpu.memory_space<vmem>>[vector<16xi32>, vector<16xi32>], vector<16xf32>, vector<16xi1>
        %broadcast_in_dim3A_246 = arith.constant 5 : i32
        %broadcast_in_dim3A_247 = vector.broadcast %broadcast_in_dim3A_246 : i32 to vector<16xi32>
        %gather3A_248 = tpu.vector_load_idx %arg9[%broadcast_in_dim3A_247, %select_n3A] masked %and3A : memref<64x640xf32, #tpu.memory_space<vmem>>[vector<16xi32>, vector<16xi32>], vector<16xf32>, vector<16xi1>
        tpu.vector_store_idx %arg13[%add3A_212, %broadcast_in_dim3A_247], %gather3A_248 masked %and3A : memref<192x128xf32, #tpu.memory_space<vmem>>[vector<16xi32>, vector<16xi32>], vector<16xf32>, vector<16xi1>
        %broadcast_in_dim3A_249 = arith.constant 6 : i32
        %broadcast_in_dim3A_250 = vector.broadcast %broadcast_in_dim3A_249 : i32 to vector<16xi32>
        %gather3A_251 = tpu.vector_load_idx %arg9[%broadcast_in_dim3A_250, %select_n3A] masked %and3A : memref<64x640xf32, #tpu.memory_space<vmem>>[vector<16xi32>, vector<16xi32>], vector<16xf32>, vector<16xi1>
        tpu.vector_store_idx %arg13[%add3A_212, %broadcast_in_dim3A_250], %gather3A_251 masked %and3A : memref<192x128xf32, #tpu.memory_space<vmem>>[vector<16xi32>, vector<16xi32>], vector<16xf32>, vector<16xi1>
        %broadcast_in_dim3A_252 = arith.constant 7 : i32
        %broadcast_in_dim3A_253 = vector.broadcast %broadcast_in_dim3A_252 : i32 to vector<16xi32>
        %gather3A_254 = tpu.vector_load_idx %arg9[%broadcast_in_dim3A_253, %select_n3A] masked %and3A : memref<64x640xf32, #tpu.memory_space<vmem>>[vector<16xi32>, vector<16xi32>], vector<16xf32>, vector<16xi1>
        tpu.vector_store_idx %arg13[%add3A_212, %broadcast_in_dim3A_253], %gather3A_254 masked %and3A : memref<192x128xf32, #tpu.memory_space<vmem>>[vector<16xi32>, vector<16xi32>], vector<16xf32>, vector<16xi1>
        %broadcast_in_dim3A_255 = arith.constant 8 : i32
        %broadcast_in_dim3A_256 = vector.broadcast %broadcast_in_dim3A_255 : i32 to vector<16xi32>
        %gather3A_257 = tpu.vector_load_idx %arg9[%broadcast_in_dim3A_256, %select_n3A] masked %and3A : memref<64x640xf32, #tpu.memory_space<vmem>>[vector<16xi32>, vector<16xi32>], vector<16xf32>, vector<16xi1>
        tpu.vector_store_idx %arg13[%add3A_212, %broadcast_in_dim3A_256], %gather3A_257 masked %and3A : memref<192x128xf32, #tpu.memory_space<vmem>>[vector<16xi32>, vector<16xi32>], vector<16xf32>, vector<16xi1>
        %broadcast_in_dim3A_258 = arith.constant 9 : i32
        %broadcast_in_dim3A_259 = vector.broadcast %broadcast_in_dim3A_258 : i32 to vector<16xi32>
        %gather3A_260 = tpu.vector_load_idx %arg9[%broadcast_in_dim3A_259, %select_n3A] masked %and3A : memref<64x640xf32, #tpu.memory_space<vmem>>[vector<16xi32>, vector<16xi32>], vector<16xf32>, vector<16xi1>
        tpu.vector_store_idx %arg13[%add3A_212, %broadcast_in_dim3A_259], %gather3A_260 masked %and3A : memref<192x128xf32, #tpu.memory_space<vmem>>[vector<16xi32>, vector<16xi32>], vector<16xf32>, vector<16xi1>
        %broadcast_in_dim3A_261 = arith.constant 10 : i32
        %broadcast_in_dim3A_262 = vector.broadcast %broadcast_in_dim3A_261 : i32 to vector<16xi32>
        %gather3A_263 = tpu.vector_load_idx %arg9[%broadcast_in_dim3A_262, %select_n3A] masked %and3A : memref<64x640xf32, #tpu.memory_space<vmem>>[vector<16xi32>, vector<16xi32>], vector<16xf32>, vector<16xi1>
        tpu.vector_store_idx %arg13[%add3A_212, %broadcast_in_dim3A_262], %gather3A_263 masked %and3A : memref<192x128xf32, #tpu.memory_space<vmem>>[vector<16xi32>, vector<16xi32>], vector<16xf32>, vector<16xi1>
        %broadcast_in_dim3A_264 = arith.constant 11 : i32
        %broadcast_in_dim3A_265 = vector.broadcast %broadcast_in_dim3A_264 : i32 to vector<16xi32>
        %gather3A_266 = tpu.vector_load_idx %arg9[%broadcast_in_dim3A_265, %select_n3A] masked %and3A : memref<64x640xf32, #tpu.memory_space<vmem>>[vector<16xi32>, vector<16xi32>], vector<16xf32>, vector<16xi1>
        tpu.vector_store_idx %arg13[%add3A_212, %broadcast_in_dim3A_265], %gather3A_266 masked %and3A : memref<192x128xf32, #tpu.memory_space<vmem>>[vector<16xi32>, vector<16xi32>], vector<16xf32>, vector<16xi1>
        %broadcast_in_dim3A_267 = arith.constant 12 : i32
        %broadcast_in_dim3A_268 = vector.broadcast %broadcast_in_dim3A_267 : i32 to vector<16xi32>
        %gather3A_269 = tpu.vector_load_idx %arg9[%broadcast_in_dim3A_268, %select_n3A] masked %and3A : memref<64x640xf32, #tpu.memory_space<vmem>>[vector<16xi32>, vector<16xi32>], vector<16xf32>, vector<16xi1>
        tpu.vector_store_idx %arg13[%add3A_212, %broadcast_in_dim3A_268], %gather3A_269 masked %and3A : memref<192x128xf32, #tpu.memory_space<vmem>>[vector<16xi32>, vector<16xi32>], vector<16xf32>, vector<16xi1>
        %broadcast_in_dim3A_270 = arith.constant 13 : i32
        %broadcast_in_dim3A_271 = vector.broadcast %broadcast_in_dim3A_270 : i32 to vector<16xi32>
        %gather3A_272 = tpu.vector_load_idx %arg9[%broadcast_in_dim3A_271, %select_n3A] masked %and3A : memref<64x640xf32, #tpu.memory_space<vmem>>[vector<16xi32>, vector<16xi32>], vector<16xf32>, vector<16xi1>
        tpu.vector_store_idx %arg13[%add3A_212, %broadcast_in_dim3A_271], %gather3A_272 masked %and3A : memref<192x128xf32, #tpu.memory_space<vmem>>[vector<16xi32>, vector<16xi32>], vector<16xf32>, vector<16xi1>
        %broadcast_in_dim3A_273 = arith.constant 14 : i32
        %broadcast_in_dim3A_274 = vector.broadcast %broadcast_in_dim3A_273 : i32 to vector<16xi32>
        %gather3A_275 = tpu.vector_load_idx %arg9[%broadcast_in_dim3A_274, %select_n3A] masked %and3A : memref<64x640xf32, #tpu.memory_space<vmem>>[vector<16xi32>, vector<16xi32>], vector<16xf32>, vector<16xi1>
        tpu.vector_store_idx %arg13[%add3A_212, %broadcast_in_dim3A_274], %gather3A_275 masked %and3A : memref<192x128xf32, #tpu.memory_space<vmem>>[vector<16xi32>, vector<16xi32>], vector<16xf32>, vector<16xi1>
        %broadcast_in_dim3A_276 = arith.constant 15 : i32
        %broadcast_in_dim3A_277 = vector.broadcast %broadcast_in_dim3A_276 : i32 to vector<16xi32>
        %gather3A_278 = tpu.vector_load_idx %arg9[%broadcast_in_dim3A_277, %select_n3A] masked %and3A : memref<64x640xf32, #tpu.memory_space<vmem>>[vector<16xi32>, vector<16xi32>], vector<16xf32>, vector<16xi1>
        tpu.vector_store_idx %arg13[%add3A_212, %broadcast_in_dim3A_277], %gather3A_278 masked %and3A : memref<192x128xf32, #tpu.memory_space<vmem>>[vector<16xi32>, vector<16xi32>], vector<16xf32>, vector<16xi1>
        %broadcast_in_dim3A_279 = arith.constant 16 : i32
        %broadcast_in_dim3A_280 = vector.broadcast %broadcast_in_dim3A_279 : i32 to vector<16xi32>
        %gather3A_281 = tpu.vector_load_idx %arg9[%broadcast_in_dim3A_280, %select_n3A] masked %and3A : memref<64x640xf32, #tpu.memory_space<vmem>>[vector<16xi32>, vector<16xi32>], vector<16xf32>, vector<16xi1>
        tpu.vector_store_idx %arg13[%add3A_212, %broadcast_in_dim3A_280], %gather3A_281 masked %and3A : memref<192x128xf32, #tpu.memory_space<vmem>>[vector<16xi32>, vector<16xi32>], vector<16xf32>, vector<16xi1>
        %broadcast_in_dim3A_282 = arith.constant 17 : i32
        %broadcast_in_dim3A_283 = vector.broadcast %broadcast_in_dim3A_282 : i32 to vector<16xi32>
        %gather3A_284 = tpu.vector_load_idx %arg9[%broadcast_in_dim3A_283, %select_n3A] masked %and3A : memref<64x640xf32, #tpu.memory_space<vmem>>[vector<16xi32>, vector<16xi32>], vector<16xf32>, vector<16xi1>
        tpu.vector_store_idx %arg13[%add3A_212, %broadcast_in_dim3A_283], %gather3A_284 masked %and3A : memref<192x128xf32, #tpu.memory_space<vmem>>[vector<16xi32>, vector<16xi32>], vector<16xf32>, vector<16xi1>
        %broadcast_in_dim3A_285 = arith.constant 18 : i32
        %broadcast_in_dim3A_286 = vector.broadcast %broadcast_in_dim3A_285 : i32 to vector<16xi32>
        %gather3A_287 = tpu.vector_load_idx %arg9[%broadcast_in_dim3A_286, %select_n3A] masked %and3A : memref<64x640xf32, #tpu.memory_space<vmem>>[vector<16xi32>, vector<16xi32>], vector<16xf32>, vector<16xi1>
        tpu.vector_store_idx %arg13[%add3A_212, %broadcast_in_dim3A_286], %gather3A_287 masked %and3A : memref<192x128xf32, #tpu.memory_space<vmem>>[vector<16xi32>, vector<16xi32>], vector<16xf32>, vector<16xi1>
        %broadcast_in_dim3A_288 = arith.constant 19 : i32
        %broadcast_in_dim3A_289 = vector.broadcast %broadcast_in_dim3A_288 : i32 to vector<16xi32>
        %gather3A_290 = tpu.vector_load_idx %arg9[%broadcast_in_dim3A_289, %select_n3A] masked %and3A : memref<64x640xf32, #tpu.memory_space<vmem>>[vector<16xi32>, vector<16xi32>], vector<16xf32>, vector<16xi1>
        tpu.vector_store_idx %arg13[%add3A_212, %broadcast_in_dim3A_289], %gather3A_290 masked %and3A : memref<192x128xf32, #tpu.memory_space<vmem>>[vector<16xi32>, vector<16xi32>], vector<16xf32>, vector<16xi1>
        %broadcast_in_dim3A_291 = arith.constant 20 : i32
        %broadcast_in_dim3A_292 = vector.broadcast %broadcast_in_dim3A_291 : i32 to vector<16xi32>
        %gather3A_293 = tpu.vector_load_idx %arg9[%broadcast_in_dim3A_292, %select_n3A] masked %and3A : memref<64x640xf32, #tpu.memory_space<vmem>>[vector<16xi32>, vector<16xi32>], vector<16xf32>, vector<16xi1>
        tpu.vector_store_idx %arg13[%add3A_212, %broadcast_in_dim3A_292], %gather3A_293 masked %and3A : memref<192x128xf32, #tpu.memory_space<vmem>>[vector<16xi32>, vector<16xi32>], vector<16xf32>, vector<16xi1>
        %broadcast_in_dim3A_294 = arith.constant 21 : i32
        %broadcast_in_dim3A_295 = vector.broadcast %broadcast_in_dim3A_294 : i32 to vector<16xi32>
        %gather3A_296 = tpu.vector_load_idx %arg9[%broadcast_in_dim3A_295, %select_n3A] masked %and3A : memref<64x640xf32, #tpu.memory_space<vmem>>[vector<16xi32>, vector<16xi32>], vector<16xf32>, vector<16xi1>
        tpu.vector_store_idx %arg13[%add3A_212, %broadcast_in_dim3A_295], %gather3A_296 masked %and3A : memref<192x128xf32, #tpu.memory_space<vmem>>[vector<16xi32>, vector<16xi32>], vector<16xf32>, vector<16xi1>
        %broadcast_in_dim3A_297 = arith.constant 22 : i32
        %broadcast_in_dim3A_298 = vector.broadcast %broadcast_in_dim3A_297 : i32 to vector<16xi32>
        %gather3A_299 = tpu.vector_load_idx %arg9[%broadcast_in_dim3A_298, %select_n3A] masked %and3A : memref<64x640xf32, #tpu.memory_space<vmem>>[vector<16xi32>, vector<16xi32>], vector<16xf32>, vector<16xi1>
        tpu.vector_store_idx %arg13[%add3A_212, %broadcast_in_dim3A_298], %gather3A_299 masked %and3A : memref<192x128xf32, #tpu.memory_space<vmem>>[vector<16xi32>, vector<16xi32>], vector<16xf32>, vector<16xi1>
        %broadcast_in_dim3A_300 = arith.constant 23 : i32
        %broadcast_in_dim3A_301 = vector.broadcast %broadcast_in_dim3A_300 : i32 to vector<16xi32>
        %gather3A_302 = tpu.vector_load_idx %arg9[%broadcast_in_dim3A_301, %select_n3A] masked %and3A : memref<64x640xf32, #tpu.memory_space<vmem>>[vector<16xi32>, vector<16xi32>], vector<16xf32>, vector<16xi1>
        tpu.vector_store_idx %arg13[%add3A_212, %broadcast_in_dim3A_301], %gather3A_302 masked %and3A : memref<192x128xf32, #tpu.memory_space<vmem>>[vector<16xi32>, vector<16xi32>], vector<16xf32>, vector<16xi1>
        %broadcast_in_dim3A_303 = arith.constant 24 : i32
        %broadcast_in_dim3A_304 = vector.broadcast %broadcast_in_dim3A_303 : i32 to vector<16xi32>
        %gather3A_305 = tpu.vector_load_idx %arg9[%broadcast_in_dim3A_304, %select_n3A] masked %and3A : memref<64x640xf32, #tpu.memory_space<vmem>>[vector<16xi32>, vector<16xi32>], vector<16xf32>, vector<16xi1>
        tpu.vector_store_idx %arg13[%add3A_212, %broadcast_in_dim3A_304], %gather3A_305 masked %and3A : memref<192x128xf32, #tpu.memory_space<vmem>>[vector<16xi32>, vector<16xi32>], vector<16xf32>, vector<16xi1>
        %broadcast_in_dim3A_306 = arith.constant 25 : i32
        %broadcast_in_dim3A_307 = vector.broadcast %broadcast_in_dim3A_306 : i32 to vector<16xi32>
        %gather3A_308 = tpu.vector_load_idx %arg9[%broadcast_in_dim3A_307, %select_n3A] masked %and3A : memref<64x640xf32, #tpu.memory_space<vmem>>[vector<16xi32>, vector<16xi32>], vector<16xf32>, vector<16xi1>
        tpu.vector_store_idx %arg13[%add3A_212, %broadcast_in_dim3A_307], %gather3A_308 masked %and3A : memref<192x128xf32, #tpu.memory_space<vmem>>[vector<16xi32>, vector<16xi32>], vector<16xf32>, vector<16xi1>
        %broadcast_in_dim3A_309 = arith.constant 26 : i32
        %broadcast_in_dim3A_310 = vector.broadcast %broadcast_in_dim3A_309 : i32 to vector<16xi32>
        %gather3A_311 = tpu.vector_load_idx %arg9[%broadcast_in_dim3A_310, %select_n3A] masked %and3A : memref<64x640xf32, #tpu.memory_space<vmem>>[vector<16xi32>, vector<16xi32>], vector<16xf32>, vector<16xi1>
        tpu.vector_store_idx %arg13[%add3A_212, %broadcast_in_dim3A_310], %gather3A_311 masked %and3A : memref<192x128xf32, #tpu.memory_space<vmem>>[vector<16xi32>, vector<16xi32>], vector<16xf32>, vector<16xi1>
        %broadcast_in_dim3A_312 = arith.constant 27 : i32
        %broadcast_in_dim3A_313 = vector.broadcast %broadcast_in_dim3A_312 : i32 to vector<16xi32>
        %gather3A_314 = tpu.vector_load_idx %arg9[%broadcast_in_dim3A_313, %select_n3A] masked %and3A : memref<64x640xf32, #tpu.memory_space<vmem>>[vector<16xi32>, vector<16xi32>], vector<16xf32>, vector<16xi1>
        tpu.vector_store_idx %arg13[%add3A_212, %broadcast_in_dim3A_313], %gather3A_314 masked %and3A : memref<192x128xf32, #tpu.memory_space<vmem>>[vector<16xi32>, vector<16xi32>], vector<16xf32>, vector<16xi1>
        %broadcast_in_dim3A_315 = arith.constant 28 : i32
        %broadcast_in_dim3A_316 = vector.broadcast %broadcast_in_dim3A_315 : i32 to vector<16xi32>
        %gather3A_317 = tpu.vector_load_idx %arg9[%broadcast_in_dim3A_316, %select_n3A] masked %and3A : memref<64x640xf32, #tpu.memory_space<vmem>>[vector<16xi32>, vector<16xi32>], vector<16xf32>, vector<16xi1>
        tpu.vector_store_idx %arg13[%add3A_212, %broadcast_in_dim3A_316], %gather3A_317 masked %and3A : memref<192x128xf32, #tpu.memory_space<vmem>>[vector<16xi32>, vector<16xi32>], vector<16xf32>, vector<16xi1>
        %broadcast_in_dim3A_318 = arith.constant 29 : i32
        %broadcast_in_dim3A_319 = vector.broadcast %broadcast_in_dim3A_318 : i32 to vector<16xi32>
        %gather3A_320 = tpu.vector_load_idx %arg9[%broadcast_in_dim3A_319, %select_n3A] masked %and3A : memref<64x640xf32, #tpu.memory_space<vmem>>[vector<16xi32>, vector<16xi32>], vector<16xf32>, vector<16xi1>
        tpu.vector_store_idx %arg13[%add3A_212, %broadcast_in_dim3A_319], %gather3A_320 masked %and3A : memref<192x128xf32, #tpu.memory_space<vmem>>[vector<16xi32>, vector<16xi32>], vector<16xf32>, vector<16xi1>
        %broadcast_in_dim3A_321 = arith.constant 30 : i32
        %broadcast_in_dim3A_322 = vector.broadcast %broadcast_in_dim3A_321 : i32 to vector<16xi32>
        %gather3A_323 = tpu.vector_load_idx %arg9[%broadcast_in_dim3A_322, %select_n3A] masked %and3A : memref<64x640xf32, #tpu.memory_space<vmem>>[vector<16xi32>, vector<16xi32>], vector<16xf32>, vector<16xi1>
        tpu.vector_store_idx %arg13[%add3A_212, %broadcast_in_dim3A_322], %gather3A_323 masked %and3A : memref<192x128xf32, #tpu.memory_space<vmem>>[vector<16xi32>, vector<16xi32>], vector<16xf32>, vector<16xi1>
        %broadcast_in_dim3A_324 = arith.constant 31 : i32
        %broadcast_in_dim3A_325 = vector.broadcast %broadcast_in_dim3A_324 : i32 to vector<16xi32>
        %gather3A_326 = tpu.vector_load_idx %arg9[%broadcast_in_dim3A_325, %select_n3A] masked %and3A : memref<64x640xf32, #tpu.memory_space<vmem>>[vector<16xi32>, vector<16xi32>], vector<16xf32>, vector<16xi1>
        tpu.vector_store_idx %arg13[%add3A_212, %broadcast_in_dim3A_325], %gather3A_326 masked %and3A : memref<192x128xf32, #tpu.memory_space<vmem>>[vector<16xi32>, vector<16xi32>], vector<16xf32>, vector<16xi1>
        %broadcast_in_dim3A_327 = arith.constant 32 : i32
        %broadcast_in_dim3A_328 = vector.broadcast %broadcast_in_dim3A_327 : i32 to vector<16xi32>
        %gather3A_329 = tpu.vector_load_idx %arg9[%broadcast_in_dim3A_328, %select_n3A] masked %and3A : memref<64x640xf32, #tpu.memory_space<vmem>>[vector<16xi32>, vector<16xi32>], vector<16xf32>, vector<16xi1>
        tpu.vector_store_idx %arg13[%add3A_212, %broadcast_in_dim3A_328], %gather3A_329 masked %and3A : memref<192x128xf32, #tpu.memory_space<vmem>>[vector<16xi32>, vector<16xi32>], vector<16xf32>, vector<16xi1>
        %broadcast_in_dim3A_330 = arith.constant 33 : i32
        %broadcast_in_dim3A_331 = vector.broadcast %broadcast_in_dim3A_330 : i32 to vector<16xi32>
        %gather3A_332 = tpu.vector_load_idx %arg9[%broadcast_in_dim3A_331, %select_n3A] masked %and3A : memref<64x640xf32, #tpu.memory_space<vmem>>[vector<16xi32>, vector<16xi32>], vector<16xf32>, vector<16xi1>
        tpu.vector_store_idx %arg13[%add3A_212, %broadcast_in_dim3A_331], %gather3A_332 masked %and3A : memref<192x128xf32, #tpu.memory_space<vmem>>[vector<16xi32>, vector<16xi32>], vector<16xf32>, vector<16xi1>
        %broadcast_in_dim3A_333 = arith.constant 34 : i32
        %broadcast_in_dim3A_334 = vector.broadcast %broadcast_in_dim3A_333 : i32 to vector<16xi32>
        %gather3A_335 = tpu.vector_load_idx %arg9[%broadcast_in_dim3A_334, %select_n3A] masked %and3A : memref<64x640xf32, #tpu.memory_space<vmem>>[vector<16xi32>, vector<16xi32>], vector<16xf32>, vector<16xi1>
        tpu.vector_store_idx %arg13[%add3A_212, %broadcast_in_dim3A_334], %gather3A_335 masked %and3A : memref<192x128xf32, #tpu.memory_space<vmem>>[vector<16xi32>, vector<16xi32>], vector<16xf32>, vector<16xi1>
        %broadcast_in_dim3A_336 = arith.constant 35 : i32
        %broadcast_in_dim3A_337 = vector.broadcast %broadcast_in_dim3A_336 : i32 to vector<16xi32>
        %gather3A_338 = tpu.vector_load_idx %arg9[%broadcast_in_dim3A_337, %select_n3A] masked %and3A : memref<64x640xf32, #tpu.memory_space<vmem>>[vector<16xi32>, vector<16xi32>], vector<16xf32>, vector<16xi1>
        tpu.vector_store_idx %arg13[%add3A_212, %broadcast_in_dim3A_337], %gather3A_338 masked %and3A : memref<192x128xf32, #tpu.memory_space<vmem>>[vector<16xi32>, vector<16xi32>], vector<16xf32>, vector<16xi1>
        %broadcast_in_dim3A_339 = arith.constant 36 : i32
        %broadcast_in_dim3A_340 = vector.broadcast %broadcast_in_dim3A_339 : i32 to vector<16xi32>
        %gather3A_341 = tpu.vector_load_idx %arg9[%broadcast_in_dim3A_340, %select_n3A] masked %and3A : memref<64x640xf32, #tpu.memory_space<vmem>>[vector<16xi32>, vector<16xi32>], vector<16xf32>, vector<16xi1>
        tpu.vector_store_idx %arg13[%add3A_212, %broadcast_in_dim3A_340], %gather3A_341 masked %and3A : memref<192x128xf32, #tpu.memory_space<vmem>>[vector<16xi32>, vector<16xi32>], vector<16xf32>, vector<16xi1>
        %broadcast_in_dim3A_342 = arith.constant 37 : i32
        %broadcast_in_dim3A_343 = vector.broadcast %broadcast_in_dim3A_342 : i32 to vector<16xi32>
        %gather3A_344 = tpu.vector_load_idx %arg9[%broadcast_in_dim3A_343, %select_n3A] masked %and3A : memref<64x640xf32, #tpu.memory_space<vmem>>[vector<16xi32>, vector<16xi32>], vector<16xf32>, vector<16xi1>
        tpu.vector_store_idx %arg13[%add3A_212, %broadcast_in_dim3A_343], %gather3A_344 masked %and3A : memref<192x128xf32, #tpu.memory_space<vmem>>[vector<16xi32>, vector<16xi32>], vector<16xf32>, vector<16xi1>
        %broadcast_in_dim3A_345 = arith.constant 38 : i32
        %broadcast_in_dim3A_346 = vector.broadcast %broadcast_in_dim3A_345 : i32 to vector<16xi32>
        %gather3A_347 = tpu.vector_load_idx %arg9[%broadcast_in_dim3A_346, %select_n3A] masked %and3A : memref<64x640xf32, #tpu.memory_space<vmem>>[vector<16xi32>, vector<16xi32>], vector<16xf32>, vector<16xi1>
        tpu.vector_store_idx %arg13[%add3A_212, %broadcast_in_dim3A_346], %gather3A_347 masked %and3A : memref<192x128xf32, #tpu.memory_space<vmem>>[vector<16xi32>, vector<16xi32>], vector<16xf32>, vector<16xi1>
        %broadcast_in_dim3A_348 = arith.constant 39 : i32
        %broadcast_in_dim3A_349 = vector.broadcast %broadcast_in_dim3A_348 : i32 to vector<16xi32>
        %gather3A_350 = tpu.vector_load_idx %arg9[%broadcast_in_dim3A_349, %select_n3A] masked %and3A : memref<64x640xf32, #tpu.memory_space<vmem>>[vector<16xi32>, vector<16xi32>], vector<16xf32>, vector<16xi1>
        tpu.vector_store_idx %arg13[%add3A_212, %broadcast_in_dim3A_349], %gather3A_350 masked %and3A : memref<192x128xf32, #tpu.memory_space<vmem>>[vector<16xi32>, vector<16xi32>], vector<16xf32>, vector<16xi1>
        %broadcast_in_dim3A_351 = arith.constant 40 : i32
        %broadcast_in_dim3A_352 = vector.broadcast %broadcast_in_dim3A_351 : i32 to vector<16xi32>
        %gather3A_353 = tpu.vector_load_idx %arg9[%broadcast_in_dim3A_352, %select_n3A] masked %and3A : memref<64x640xf32, #tpu.memory_space<vmem>>[vector<16xi32>, vector<16xi32>], vector<16xf32>, vector<16xi1>
        tpu.vector_store_idx %arg13[%add3A_212, %broadcast_in_dim3A_352], %gather3A_353 masked %and3A : memref<192x128xf32, #tpu.memory_space<vmem>>[vector<16xi32>, vector<16xi32>], vector<16xf32>, vector<16xi1>
        %broadcast_in_dim3A_354 = arith.constant 41 : i32
        %broadcast_in_dim3A_355 = vector.broadcast %broadcast_in_dim3A_354 : i32 to vector<16xi32>
        %gather3A_356 = tpu.vector_load_idx %arg9[%broadcast_in_dim3A_355, %select_n3A] masked %and3A : memref<64x640xf32, #tpu.memory_space<vmem>>[vector<16xi32>, vector<16xi32>], vector<16xf32>, vector<16xi1>
        tpu.vector_store_idx %arg13[%add3A_212, %broadcast_in_dim3A_355], %gather3A_356 masked %and3A : memref<192x128xf32, #tpu.memory_space<vmem>>[vector<16xi32>, vector<16xi32>], vector<16xf32>, vector<16xi1>
        %broadcast_in_dim3A_357 = arith.constant 42 : i32
        %broadcast_in_dim3A_358 = vector.broadcast %broadcast_in_dim3A_357 : i32 to vector<16xi32>
        %gather3A_359 = tpu.vector_load_idx %arg9[%broadcast_in_dim3A_358, %select_n3A] masked %and3A : memref<64x640xf32, #tpu.memory_space<vmem>>[vector<16xi32>, vector<16xi32>], vector<16xf32>, vector<16xi1>
        tpu.vector_store_idx %arg13[%add3A_212, %broadcast_in_dim3A_358], %gather3A_359 masked %and3A : memref<192x128xf32, #tpu.memory_space<vmem>>[vector<16xi32>, vector<16xi32>], vector<16xf32>, vector<16xi1>
        %broadcast_in_dim3A_360 = arith.constant 43 : i32
        %broadcast_in_dim3A_361 = vector.broadcast %broadcast_in_dim3A_360 : i32 to vector<16xi32>
        %gather3A_362 = tpu.vector_load_idx %arg9[%broadcast_in_dim3A_361, %select_n3A] masked %and3A : memref<64x640xf32, #tpu.memory_space<vmem>>[vector<16xi32>, vector<16xi32>], vector<16xf32>, vector<16xi1>
        tpu.vector_store_idx %arg13[%add3A_212, %broadcast_in_dim3A_361], %gather3A_362 masked %and3A : memref<192x128xf32, #tpu.memory_space<vmem>>[vector<16xi32>, vector<16xi32>], vector<16xf32>, vector<16xi1>
        %broadcast_in_dim3A_363 = arith.constant 44 : i32
        %broadcast_in_dim3A_364 = vector.broadcast %broadcast_in_dim3A_363 : i32 to vector<16xi32>
        %gather3A_365 = tpu.vector_load_idx %arg9[%broadcast_in_dim3A_364, %select_n3A] masked %and3A : memref<64x640xf32, #tpu.memory_space<vmem>>[vector<16xi32>, vector<16xi32>], vector<16xf32>, vector<16xi1>
        tpu.vector_store_idx %arg13[%add3A_212, %broadcast_in_dim3A_364], %gather3A_365 masked %and3A : memref<192x128xf32, #tpu.memory_space<vmem>>[vector<16xi32>, vector<16xi32>], vector<16xf32>, vector<16xi1>
        %broadcast_in_dim3A_366 = arith.constant 45 : i32
        %broadcast_in_dim3A_367 = vector.broadcast %broadcast_in_dim3A_366 : i32 to vector<16xi32>
        %gather3A_368 = tpu.vector_load_idx %arg9[%broadcast_in_dim3A_367, %select_n3A] masked %and3A : memref<64x640xf32, #tpu.memory_space<vmem>>[vector<16xi32>, vector<16xi32>], vector<16xf32>, vector<16xi1>
        tpu.vector_store_idx %arg13[%add3A_212, %broadcast_in_dim3A_367], %gather3A_368 masked %and3A : memref<192x128xf32, #tpu.memory_space<vmem>>[vector<16xi32>, vector<16xi32>], vector<16xf32>, vector<16xi1>
        %broadcast_in_dim3A_369 = arith.constant 46 : i32
        %broadcast_in_dim3A_370 = vector.broadcast %broadcast_in_dim3A_369 : i32 to vector<16xi32>
        %gather3A_371 = tpu.vector_load_idx %arg9[%broadcast_in_dim3A_370, %select_n3A] masked %and3A : memref<64x640xf32, #tpu.memory_space<vmem>>[vector<16xi32>, vector<16xi32>], vector<16xf32>, vector<16xi1>
        tpu.vector_store_idx %arg13[%add3A_212, %broadcast_in_dim3A_370], %gather3A_371 masked %and3A : memref<192x128xf32, #tpu.memory_space<vmem>>[vector<16xi32>, vector<16xi32>], vector<16xf32>, vector<16xi1>
        %broadcast_in_dim3A_372 = arith.constant 47 : i32
        %broadcast_in_dim3A_373 = vector.broadcast %broadcast_in_dim3A_372 : i32 to vector<16xi32>
        %gather3A_374 = tpu.vector_load_idx %arg9[%broadcast_in_dim3A_373, %select_n3A] masked %and3A : memref<64x640xf32, #tpu.memory_space<vmem>>[vector<16xi32>, vector<16xi32>], vector<16xf32>, vector<16xi1>
        tpu.vector_store_idx %arg13[%add3A_212, %broadcast_in_dim3A_373], %gather3A_374 masked %and3A : memref<192x128xf32, #tpu.memory_space<vmem>>[vector<16xi32>, vector<16xi32>], vector<16xf32>, vector<16xi1>
        %broadcast_in_dim3A_375 = arith.constant 48 : i32
        %broadcast_in_dim3A_376 = vector.broadcast %broadcast_in_dim3A_375 : i32 to vector<16xi32>
        %gather3A_377 = tpu.vector_load_idx %arg9[%broadcast_in_dim3A_376, %select_n3A] masked %and3A : memref<64x640xf32, #tpu.memory_space<vmem>>[vector<16xi32>, vector<16xi32>], vector<16xf32>, vector<16xi1>
        tpu.vector_store_idx %arg13[%add3A_212, %broadcast_in_dim3A_376], %gather3A_377 masked %and3A : memref<192x128xf32, #tpu.memory_space<vmem>>[vector<16xi32>, vector<16xi32>], vector<16xf32>, vector<16xi1>
        %broadcast_in_dim3A_378 = arith.constant 49 : i32
        %broadcast_in_dim3A_379 = vector.broadcast %broadcast_in_dim3A_378 : i32 to vector<16xi32>
        %gather3A_380 = tpu.vector_load_idx %arg9[%broadcast_in_dim3A_379, %select_n3A] masked %and3A : memref<64x640xf32, #tpu.memory_space<vmem>>[vector<16xi32>, vector<16xi32>], vector<16xf32>, vector<16xi1>
        tpu.vector_store_idx %arg13[%add3A_212, %broadcast_in_dim3A_379], %gather3A_380 masked %and3A : memref<192x128xf32, #tpu.memory_space<vmem>>[vector<16xi32>, vector<16xi32>], vector<16xf32>, vector<16xi1>
        %broadcast_in_dim3A_381 = arith.constant 50 : i32
        %broadcast_in_dim3A_382 = vector.broadcast %broadcast_in_dim3A_381 : i32 to vector<16xi32>
        %gather3A_383 = tpu.vector_load_idx %arg9[%broadcast_in_dim3A_382, %select_n3A] masked %and3A : memref<64x640xf32, #tpu.memory_space<vmem>>[vector<16xi32>, vector<16xi32>], vector<16xf32>, vector<16xi1>
        tpu.vector_store_idx %arg13[%add3A_212, %broadcast_in_dim3A_382], %gather3A_383 masked %and3A : memref<192x128xf32, #tpu.memory_space<vmem>>[vector<16xi32>, vector<16xi32>], vector<16xf32>, vector<16xi1>
        %broadcast_in_dim3A_384 = arith.constant 51 : i32
        %broadcast_in_dim3A_385 = vector.broadcast %broadcast_in_dim3A_384 : i32 to vector<16xi32>
        %gather3A_386 = tpu.vector_load_idx %arg9[%broadcast_in_dim3A_385, %select_n3A] masked %and3A : memref<64x640xf32, #tpu.memory_space<vmem>>[vector<16xi32>, vector<16xi32>], vector<16xf32>, vector<16xi1>
        tpu.vector_store_idx %arg13[%add3A_212, %broadcast_in_dim3A_385], %gather3A_386 masked %and3A : memref<192x128xf32, #tpu.memory_space<vmem>>[vector<16xi32>, vector<16xi32>], vector<16xf32>, vector<16xi1>
        %broadcast_in_dim3A_387 = arith.constant 52 : i32
        %broadcast_in_dim3A_388 = vector.broadcast %broadcast_in_dim3A_387 : i32 to vector<16xi32>
        %gather3A_389 = tpu.vector_load_idx %arg9[%broadcast_in_dim3A_388, %select_n3A] masked %and3A : memref<64x640xf32, #tpu.memory_space<vmem>>[vector<16xi32>, vector<16xi32>], vector<16xf32>, vector<16xi1>
        tpu.vector_store_idx %arg13[%add3A_212, %broadcast_in_dim3A_388], %gather3A_389 masked %and3A : memref<192x128xf32, #tpu.memory_space<vmem>>[vector<16xi32>, vector<16xi32>], vector<16xf32>, vector<16xi1>
        %broadcast_in_dim3A_390 = arith.constant 53 : i32
        %broadcast_in_dim3A_391 = vector.broadcast %broadcast_in_dim3A_390 : i32 to vector<16xi32>
        %gather3A_392 = tpu.vector_load_idx %arg9[%broadcast_in_dim3A_391, %select_n3A] masked %and3A : memref<64x640xf32, #tpu.memory_space<vmem>>[vector<16xi32>, vector<16xi32>], vector<16xf32>, vector<16xi1>
        tpu.vector_store_idx %arg13[%add3A_212, %broadcast_in_dim3A_391], %gather3A_392 masked %and3A : memref<192x128xf32, #tpu.memory_space<vmem>>[vector<16xi32>, vector<16xi32>], vector<16xf32>, vector<16xi1>
        %broadcast_in_dim3A_393 = arith.constant 54 : i32
        %broadcast_in_dim3A_394 = vector.broadcast %broadcast_in_dim3A_393 : i32 to vector<16xi32>
        %gather3A_395 = tpu.vector_load_idx %arg9[%broadcast_in_dim3A_394, %select_n3A] masked %and3A : memref<64x640xf32, #tpu.memory_space<vmem>>[vector<16xi32>, vector<16xi32>], vector<16xf32>, vector<16xi1>
        tpu.vector_store_idx %arg13[%add3A_212, %broadcast_in_dim3A_394], %gather3A_395 masked %and3A : memref<192x128xf32, #tpu.memory_space<vmem>>[vector<16xi32>, vector<16xi32>], vector<16xf32>, vector<16xi1>
        %broadcast_in_dim3A_396 = arith.constant 55 : i32
        %broadcast_in_dim3A_397 = vector.broadcast %broadcast_in_dim3A_396 : i32 to vector<16xi32>
        %gather3A_398 = tpu.vector_load_idx %arg9[%broadcast_in_dim3A_397, %select_n3A] masked %and3A : memref<64x640xf32, #tpu.memory_space<vmem>>[vector<16xi32>, vector<16xi32>], vector<16xf32>, vector<16xi1>
        tpu.vector_store_idx %arg13[%add3A_212, %broadcast_in_dim3A_397], %gather3A_398 masked %and3A : memref<192x128xf32, #tpu.memory_space<vmem>>[vector<16xi32>, vector<16xi32>], vector<16xf32>, vector<16xi1>
        %broadcast_in_dim3A_399 = arith.constant 56 : i32
        %broadcast_in_dim3A_400 = vector.broadcast %broadcast_in_dim3A_399 : i32 to vector<16xi32>
        %gather3A_401 = tpu.vector_load_idx %arg9[%broadcast_in_dim3A_400, %select_n3A] masked %and3A : memref<64x640xf32, #tpu.memory_space<vmem>>[vector<16xi32>, vector<16xi32>], vector<16xf32>, vector<16xi1>
        tpu.vector_store_idx %arg13[%add3A_212, %broadcast_in_dim3A_400], %gather3A_401 masked %and3A : memref<192x128xf32, #tpu.memory_space<vmem>>[vector<16xi32>, vector<16xi32>], vector<16xf32>, vector<16xi1>
        %broadcast_in_dim3A_402 = arith.constant 57 : i32
        %broadcast_in_dim3A_403 = vector.broadcast %broadcast_in_dim3A_402 : i32 to vector<16xi32>
        %gather3A_404 = tpu.vector_load_idx %arg9[%broadcast_in_dim3A_403, %select_n3A] masked %and3A : memref<64x640xf32, #tpu.memory_space<vmem>>[vector<16xi32>, vector<16xi32>], vector<16xf32>, vector<16xi1>
        tpu.vector_store_idx %arg13[%add3A_212, %broadcast_in_dim3A_403], %gather3A_404 masked %and3A : memref<192x128xf32, #tpu.memory_space<vmem>>[vector<16xi32>, vector<16xi32>], vector<16xf32>, vector<16xi1>
        %broadcast_in_dim3A_405 = arith.constant 58 : i32
        %broadcast_in_dim3A_406 = vector.broadcast %broadcast_in_dim3A_405 : i32 to vector<16xi32>
        %gather3A_407 = tpu.vector_load_idx %arg9[%broadcast_in_dim3A_406, %select_n3A] masked %and3A : memref<64x640xf32, #tpu.memory_space<vmem>>[vector<16xi32>, vector<16xi32>], vector<16xf32>, vector<16xi1>
        tpu.vector_store_idx %arg13[%add3A_212, %broadcast_in_dim3A_406], %gather3A_407 masked %and3A : memref<192x128xf32, #tpu.memory_space<vmem>>[vector<16xi32>, vector<16xi32>], vector<16xf32>, vector<16xi1>
        %broadcast_in_dim3A_408 = arith.constant 59 : i32
        %broadcast_in_dim3A_409 = vector.broadcast %broadcast_in_dim3A_408 : i32 to vector<16xi32>
        %gather3A_410 = tpu.vector_load_idx %arg9[%broadcast_in_dim3A_409, %select_n3A] masked %and3A : memref<64x640xf32, #tpu.memory_space<vmem>>[vector<16xi32>, vector<16xi32>], vector<16xf32>, vector<16xi1>
        tpu.vector_store_idx %arg13[%add3A_212, %broadcast_in_dim3A_409], %gather3A_410 masked %and3A : memref<192x128xf32, #tpu.memory_space<vmem>>[vector<16xi32>, vector<16xi32>], vector<16xf32>, vector<16xi1>
        %broadcast_in_dim3A_411 = arith.constant 60 : i32
        %broadcast_in_dim3A_412 = vector.broadcast %broadcast_in_dim3A_411 : i32 to vector<16xi32>
        %gather3A_413 = tpu.vector_load_idx %arg9[%broadcast_in_dim3A_412, %select_n3A] masked %and3A : memref<64x640xf32, #tpu.memory_space<vmem>>[vector<16xi32>, vector<16xi32>], vector<16xf32>, vector<16xi1>
        tpu.vector_store_idx %arg13[%add3A_212, %broadcast_in_dim3A_412], %gather3A_413 masked %and3A : memref<192x128xf32, #tpu.memory_space<vmem>>[vector<16xi32>, vector<16xi32>], vector<16xf32>, vector<16xi1>
        %broadcast_in_dim3A_414 = arith.constant 61 : i32
        %broadcast_in_dim3A_415 = vector.broadcast %broadcast_in_dim3A_414 : i32 to vector<16xi32>
        %gather3A_416 = tpu.vector_load_idx %arg9[%broadcast_in_dim3A_415, %select_n3A] masked %and3A : memref<64x640xf32, #tpu.memory_space<vmem>>[vector<16xi32>, vector<16xi32>], vector<16xf32>, vector<16xi1>
        tpu.vector_store_idx %arg13[%add3A_212, %broadcast_in_dim3A_415], %gather3A_416 masked %and3A : memref<192x128xf32, #tpu.memory_space<vmem>>[vector<16xi32>, vector<16xi32>], vector<16xf32>, vector<16xi1>
        %broadcast_in_dim3A_417 = arith.constant 62 : i32
        %broadcast_in_dim3A_418 = vector.broadcast %broadcast_in_dim3A_417 : i32 to vector<16xi32>
        %gather3A_419 = tpu.vector_load_idx %arg9[%broadcast_in_dim3A_418, %select_n3A] masked %and3A : memref<64x640xf32, #tpu.memory_space<vmem>>[vector<16xi32>, vector<16xi32>], vector<16xf32>, vector<16xi1>
        tpu.vector_store_idx %arg13[%add3A_212, %broadcast_in_dim3A_418], %gather3A_419 masked %and3A : memref<192x128xf32, #tpu.memory_space<vmem>>[vector<16xi32>, vector<16xi32>], vector<16xf32>, vector<16xi1>
        %broadcast_in_dim3A_420 = arith.constant 63 : i32
        %broadcast_in_dim3A_421 = vector.broadcast %broadcast_in_dim3A_420 : i32 to vector<16xi32>
        %gather3A_422 = tpu.vector_load_idx %arg9[%broadcast_in_dim3A_421, %select_n3A] masked %and3A : memref<64x640xf32, #tpu.memory_space<vmem>>[vector<16xi32>, vector<16xi32>], vector<16xf32>, vector<16xi1>
        tpu.vector_store_idx %arg13[%add3A_212, %broadcast_in_dim3A_421], %gather3A_422 masked %and3A : memref<192x128xf32, #tpu.memory_space<vmem>>[vector<16xi32>, vector<16xi32>], vector<16xf32>, vector<16xi1>
      }
      %ge3A_188 = arith.constant 128 : i32
      %ge3A_189 = arith.cmpi sge, %while3A_170, %ge3A_188 : i32
      %convert_element_type3A_190 = arith.extui %ge3A_189 : i1 to i32
      %cond3A_191 = arith.constant 0 : i32
      %cond3A_192 = arith.cmpi ne, %convert_element_type3A_190, %cond3A_191 : i32
      %cond3A_193 = scf.if %cond3A_192 -> (i32) {
        %dma_start3A_208 = arith.constant 0 : i32
        %dma_start3A_209 = arith.constant 0 : i32
        %dma_start3A_210 = tpu.memref_slice %arg4[%dma_start3A_208, %dma_start3A_209] : memref<38912x128xf32, #tpu.memory_space<hbm>> -> memref<38912x128xf32, #tpu.memory_space<hbm>>
        tpu.enqueue_indirect_dma source(%arg13 : memref<192x128xf32, #tpu.memory_space<vmem>>) target(%dma_start3A_210 : memref<38912x128xf32, #tpu.memory_space<hbm>>) offsets(%arg12 : memref<192xi32, #tpu.memory_space<vmem>>) semaphore(%arg16 : memref<!tpu.dma_semaphore, #tpu.memory_space<semaphore_mem>>)
        %dma_wait3A_211 = arith.constant 0 : i32
        %dma_wait3A_212 = arith.constant 0 : i32
        %dma_wait3A_213 = tpu.memref_slice %arg4[%dma_wait3A_211, %dma_wait3A_212] : memref<38912x128xf32, #tpu.memory_space<hbm>> -> memref<38912x128xf32, #tpu.memory_space<hbm>>
        tpu.wait_indirect_dma semaphore(%arg16 : memref<!tpu.dma_semaphore, #tpu.memory_space<semaphore_mem>>) src(%arg13 : memref<192x128xf32, #tpu.memory_space<vmem>>) dst(%dma_wait3A_213 : memref<38912x128xf32, #tpu.memory_space<hbm>>)
        %scan3A_214 = arith.constant 0 : i32
        %scan3A_215 = arith.constant 0 : i32
        %scan3A_216 = arith.constant 12 : i32
        %scan3A_217 = arith.addi %scan3A_215, %scan3A_216 : i32
        %scan3A_218 = arith.constant 1 : i32
        scf.for %scan3A_221 = %scan3A_215 to %scan3A_217 step %scan3A_218  : i32 {
          %broadcast_in_dim3A = arith.constant 32768 : i32
          %broadcast_in_dim3A_222 = vector.broadcast %broadcast_in_dim3A : i32 to vector<16xi32>
          %mul3A_223 = arith.constant 192 : i32
          %mul3A_224 = arith.muli %add3A, %mul3A_223 : i32
          %add3A_225 = vector.broadcast %mul3A_224 : i32 to vector<16xi32>
          %add3A_226 = arith.addi %broadcast_in_dim3A_222, %add3A_225 : vector<16xi32>
          %iota3A = tpu.iota {dimensions = array<i32: 0>} : vector<16xi32>
          %add3A_227 = arith.addi %add3A_226, %iota3A : vector<16xi32>
          %mul3A_228 = arith.constant 16 : i32
          %mul3A_229 = arith.muli %scan3A_221, %mul3A_228 : i32
          %add3A_230 = vector.broadcast %mul3A_229 : i32 to vector<16xi32>
          %add3A_231 = arith.addi %add3A_227, %add3A_230 : vector<16xi32>
          %mul3A_232 = arith.constant 16 : i32
          %mul3A_233 = arith.muli %scan3A_221, %mul3A_232 : i32
          %swap3A = arith.index_cast %mul3A_233 : i32 to index
          %swap3A_234 = tpu.vector_load %arg12[%swap3A] {strides = array<i32>} : memref<192xi32, #tpu.memory_space<vmem>>, vector<16xi32>,
          tpu.vector_store %arg12[%swap3A], %add3A_231 {strides = array<i32>} : memref<192xi32, #tpu.memory_space<vmem>>, vector<16xi32>,
        }
        %scan3A_219 = arith.constant 12 : i32
        %cond3A_220 = arith.constant 0 : i32
        scf.yield %cond3A_220 : i32
      } else {
        scf.yield %while3A_170 : i32
      }
      %add3A_194 = arith.constant 3 : i32
      %add3A_195 = arith.addi %mul3A_70, %add3A_194 : i32
      %sub3A_196 = arith.constant 1 : i32
      %sub3A_197 = arith.subi %add3A_3, %sub3A_196 : i32
      %min3A_198 = arith.minsi %add3A_195, %sub3A_197 : i32
      %mul3A_199 = arith.constant 32 : i32
      %mul3A_200 = arith.muli %mul3A_199, %min3A_198 : i32
      %add3A_201 = arith.addi %add3A, %mul3A_200 : i32
      %mul3A_202 = arith.constant 640 : i32
      %mul3A_203 = arith.muli %add3A_201, %mul3A_202 : i32
      %dma_start3A_204 = arith.constant 0 : i32
      %dma_start3A_205 = tpu.memref_slice %arg3[%dma_start3A_204, %mul3A_203] : memref<64x1000000xf32, #tpu.memory_space<hbm>> -> memref<64x640xf32, #tpu.memory_space<hbm>>
      %dma_start3A_206 = arith.constant 0 : i32
      %dma_start3A_207 = tpu.memref_slice %arg3[%dma_start3A_206, %mul3A_203] : memref<64x1000000xf32, #tpu.memory_space<hbm>> -> memref<64x640xf32, #tpu.memory_space<hbm>>
      tpu.enqueue_dma source(%dma_start3A_207 : memref<64x640xf32, #tpu.memory_space<hbm>>) target(%arg9 : memref<64x640xf32, #tpu.memory_space<vmem>>) target_semaphore(%arg15 : memref<!tpu.dma_semaphore, #tpu.memory_space<semaphore_mem>>)
      scf.yield %cond3A_193 : i32
    }
    %while3A_51 = arith.constant 1 : i32
    %while3A_52 = scf.for %while3A_67 = %while3A_48 to %while3A_44 step %while3A_51 iter_args(%while3A_68 = %while3A_50) -> (i32)  : i32 {
      %mul3A_69 = arith.constant 2 : i32
      %mul3A_70 = arith.muli %mul3A_69, %while3A_67 : i32
      %dma_wait3A_71 = arith.constant 0 : i32
      %dma_wait3A_72 = arith.constant 0 : i32
      %dma_wait3A_73 = tpu.memref_slice %arg3[%dma_wait3A_71, %dma_wait3A_72] : memref<64x1000000xf32, #tpu.memory_space<hbm>> -> memref<64x640xf32, #tpu.memory_space<hbm>>
      %dma_wait3A_74 = arith.constant 0 : i32
      %dma_wait3A_75 = arith.constant 0 : i32
      %dma_wait3A_76 = tpu.memref_slice %arg3[%dma_wait3A_74, %dma_wait3A_75] : memref<64x1000000xf32, #tpu.memory_space<hbm>> -> memref<64x640xf32, #tpu.memory_space<hbm>>
      tpu.wait_dma2 semaphore(%arg14 : memref<!tpu.dma_semaphore, #tpu.memory_space<semaphore_mem>>) src(%dma_wait3A_76 : memref<64x640xf32, #tpu.memory_space<hbm>>) dst(%arg8 : memref<64x640xf32, #tpu.memory_space<vmem>>)
      %sub3A_77 = arith.constant 1 : i32
      %sub3A_78 = arith.subi %add3A_3, %sub3A_77 : i32
      %min3A_79 = arith.minsi %mul3A_70, %sub3A_78 : i32
      %mul3A_80 = arith.constant 32 : i32
      %mul3A_81 = arith.muli %mul3A_80, %min3A_79 : i32
      %add3A_82 = arith.addi %add3A, %mul3A_81 : i32
      %mul3A_83 = arith.constant 640 : i32
      %mul3A_84 = arith.muli %add3A_82, %mul3A_83 : i32
      %add3A_85 = arith.constant 16 : i32
      %add3A_86 = arith.addi %scan3A_31, %add3A_85 : i32
      %sub3A_87 = arith.constant 1 : i32
      %sub3A_88 = arith.subi %add3A_86, %sub3A_87 : i32
      %shift_right_arithmetic3A_89 = arith.constant 4 : i32
      %shift_right_arithmetic3A_90 = arith.shrsi %sub3A_88, %shift_right_arithmetic3A_89 : i32
      %while3A_91 = arith.constant 0 : i32
      %while3A_92 = arith.subi %shift_right_arithmetic3A_90, %while3A_91 : i32
      %while3A_93 = arith.addi %while3A_91, %while3A_92 : i32
      %while3A_94 = arith.constant 1 : i32
      %while3A_95 = arith.divsi %while3A_92, %while3A_94 : i32
      %while3A_96 = arith.muli %while3A_95, %while3A_94 : i32
      %while3A_97 = arith.addi %while3A_91, %while3A_96 : i32
      %while3A_98 = arith.constant 1 : i32
      %while3A_99 = scf.for %while3A_208 = %while3A_91 to %while3A_97 step %while3A_98 iter_args(%while3A_209 = %while3A_68) -> (i32)  : i32 {
        %iota3A = tpu.iota {dimensions = array<i32: 0>} : vector<16xi32>
        %mul3A_210 = arith.constant 16 : i32
        %mul3A_211 = arith.muli %while3A_208, %mul3A_210 : i32
        %add3A_212 = vector.broadcast %mul3A_211 : i32 to vector<16xi32>
        %add3A_213 = arith.addi %iota3A, %add3A_212 : vector<16xi32>
        %mul3A_214 = arith.constant 16 : i32
        %mul3A_215 = arith.muli %while3A_208, %mul3A_214 : i32
        %get3A = arith.index_cast %mul3A_215 : i32 to index
        %get3A_216 = tpu.vector_load %arg6[%get3A] {strides = array<i32>} : memref<2048xi32, #tpu.memory_space<vmem>>, vector<16xi32>,
        %mul3A_217 = arith.constant 16 : i32
        %mul3A_218 = arith.muli %while3A_208, %mul3A_217 : i32
        %get3A_219 = arith.index_cast %mul3A_218 : i32 to index
        %get3A_220 = tpu.vector_load %arg7[%get3A_219] {strides = array<i32>} : memref<2048xi32, #tpu.memory_space<vmem>>, vector<16xi32>,
        %lt3A_221 = vector.broadcast %scan3A_31 : i32 to vector<16xi32>
        %lt3A_222 = arith.cmpi slt, %add3A_213, %lt3A_221 : vector<16xi32>
        %ge3A_223 = vector.broadcast %mul3A_84 : i32 to vector<16xi32>
        %ge3A_224 = arith.cmpi sge, %get3A_216, %ge3A_223 : vector<16xi32>
        %and3A = arith.andi %lt3A_222, %ge3A_224 : vector<16xi1>
        %add3A_225 = arith.constant 640 : i32
        %add3A_226 = arith.addi %mul3A_84, %add3A_225 : i32
        %lt3A_227 = vector.broadcast %add3A_226 : i32 to vector<16xi32>
        %lt3A_228 = arith.cmpi slt, %get3A_216, %lt3A_227 : vector<16xi32>
        %and3A_229 = arith.andi %and3A, %lt3A_228 : vector<16xi1>
        %sub3A_230 = vector.broadcast %mul3A_84 : i32 to vector<16xi32>
        %sub3A_231 = arith.subi %get3A_216, %sub3A_230 : vector<16xi32>
        %swap3A = arith.index_cast %while3A_209 : i32 to index
        %swap3A_232 = tpu.vector_load %arg10[%swap3A] masked %and3A_229 {strides = array<i32>} : memref<192xi32, #tpu.memory_space<vmem>>, vector<16xi32>, vector<16xi1>
        tpu.vector_store %arg10[%swap3A], %sub3A_231 masked %and3A_229 {strides = array<i32>} : memref<192xi32, #tpu.memory_space<vmem>>, vector<16xi32>, vector<16xi1>
        %swap3A_233 = arith.index_cast %while3A_209 : i32 to index
        %swap3A_234 = tpu.vector_load %arg11[%swap3A_233] masked %and3A_229 {strides = array<i32>} : memref<192xi32, #tpu.memory_space<vmem>>, vector<16xi32>, vector<16xi1>
        tpu.vector_store %arg11[%swap3A_233], %get3A_220 masked %and3A_229 {strides = array<i32>} : memref<192xi32, #tpu.memory_space<vmem>>, vector<16xi32>, vector<16xi1>
        %all_reduce_population_count3A = tpu.all_reduce %and3A_229 {dim = 0 : i64, kind = #tpu.reduction_kind<sum>} : vector<16xi1> -> vector<16xi32>
        %slice3A = vector.extract_strided_slice %all_reduce_population_count3A {offsets = [0], sizes = [1], strides = [1]} : vector<16xi32> to vector<1xi32>
        %squeeze3A = vector.extract %slice3A[0] : i32 from vector<1xi32>
        %add3A_235 = arith.addi %while3A_209, %squeeze3A : i32
        %min3A_236 = arith.constant 176 : i32
        %min3A_237 = arith.minsi %add3A_235, %min3A_236 : i32
        scf.yield %min3A_237 : i32
      }
      %while3A_100 = arith.constant 1 : i32
      %while3A_101 = scf.for %while3A_208 = %while3A_97 to %while3A_93 step %while3A_100 iter_args(%while3A_209 = %while3A_99) -> (i32)  : i32 {
        %iota3A = tpu.iota {dimensions = array<i32: 0>} : vector<16xi32>
        %mul3A_210 = arith.constant 16 : i32
        %mul3A_211 = arith.muli %while3A_208, %mul3A_210 : i32
        %add3A_212 = vector.broadcast %mul3A_211 : i32 to vector<16xi32>
        %add3A_213 = arith.addi %iota3A, %add3A_212 : vector<16xi32>
        %mul3A_214 = arith.constant 16 : i32
        %mul3A_215 = arith.muli %while3A_208, %mul3A_214 : i32
        %get3A = arith.index_cast %mul3A_215 : i32 to index
        %get3A_216 = tpu.vector_load %arg6[%get3A] {strides = array<i32>} : memref<2048xi32, #tpu.memory_space<vmem>>, vector<16xi32>,
        %mul3A_217 = arith.constant 16 : i32
        %mul3A_218 = arith.muli %while3A_208, %mul3A_217 : i32
        %get3A_219 = arith.index_cast %mul3A_218 : i32 to index
        %get3A_220 = tpu.vector_load %arg7[%get3A_219] {strides = array<i32>} : memref<2048xi32, #tpu.memory_space<vmem>>, vector<16xi32>,
        %lt3A_221 = vector.broadcast %scan3A_31 : i32 to vector<16xi32>
        %lt3A_222 = arith.cmpi slt, %add3A_213, %lt3A_221 : vector<16xi32>
        %ge3A_223 = vector.broadcast %mul3A_84 : i32 to vector<16xi32>
        %ge3A_224 = arith.cmpi sge, %get3A_216, %ge3A_223 : vector<16xi32>
        %and3A = arith.andi %lt3A_222, %ge3A_224 : vector<16xi1>
        %add3A_225 = arith.constant 640 : i32
        %add3A_226 = arith.addi %mul3A_84, %add3A_225 : i32
        %lt3A_227 = vector.broadcast %add3A_226 : i32 to vector<16xi32>
        %lt3A_228 = arith.cmpi slt, %get3A_216, %lt3A_227 : vector<16xi32>
        %and3A_229 = arith.andi %and3A, %lt3A_228 : vector<16xi1>
        %sub3A_230 = vector.broadcast %mul3A_84 : i32 to vector<16xi32>
        %sub3A_231 = arith.subi %get3A_216, %sub3A_230 : vector<16xi32>
        %swap3A = arith.index_cast %while3A_209 : i32 to index
        %swap3A_232 = tpu.vector_load %arg10[%swap3A] masked %and3A_229 {strides = array<i32>} : memref<192xi32, #tpu.memory_space<vmem>>, vector<16xi32>, vector<16xi1>
        tpu.vector_store %arg10[%swap3A], %sub3A_231 masked %and3A_229 {strides = array<i32>} : memref<192xi32, #tpu.memory_space<vmem>>, vector<16xi32>, vector<16xi1>
        %swap3A_233 = arith.index_cast %while3A_209 : i32 to index
        %swap3A_234 = tpu.vector_load %arg11[%swap3A_233] masked %and3A_229 {strides = array<i32>} : memref<192xi32, #tpu.memory_space<vmem>>, vector<16xi32>, vector<16xi1>
        tpu.vector_store %arg11[%swap3A_233], %get3A_220 masked %and3A_229 {strides = array<i32>} : memref<192xi32, #tpu.memory_space<vmem>>, vector<16xi32>, vector<16xi1>
        %all_reduce_population_count3A = tpu.all_reduce %and3A_229 {dim = 0 : i64, kind = #tpu.reduction_kind<sum>} : vector<16xi1> -> vector<16xi32>
        %slice3A = vector.extract_strided_slice %all_reduce_population_count3A {offsets = [0], sizes = [1], strides = [1]} : vector<16xi32> to vector<1xi32>
        %squeeze3A = vector.extract %slice3A[0] : i32 from vector<1xi32>
        %add3A_235 = arith.addi %while3A_209, %squeeze3A : i32
        %min3A_236 = arith.constant 176 : i32
        %min3A_237 = arith.minsi %add3A_235, %min3A_236 : i32
        scf.yield %min3A_237 : i32
      }
      %shift_right_arithmetic3A_102 = arith.constant 4 : i32
      %shift_right_arithmetic3A_103 = arith.shrsi %while3A_68, %shift_right_arithmetic3A_102 : i32
      %add3A_104 = arith.constant 16 : i32
      %add3A_105 = arith.addi %while3A_101, %add3A_104 : i32
      %sub3A_106 = arith.constant 1 : i32
      %sub3A_107 = arith.subi %add3A_105, %sub3A_106 : i32
      %shift_right_arithmetic3A_108 = arith.constant 4 : i32
      %shift_right_arithmetic3A_109 = arith.shrsi %sub3A_107, %shift_right_arithmetic3A_108 : i32
      %while3A_110 = arith.constant 0 : i32
      %while3A_111 = arith.subi %shift_right_arithmetic3A_109, %shift_right_arithmetic3A_103 : i32
      %while3A_112 = arith.addi %shift_right_arithmetic3A_103, %while3A_111 : i32
      %while3A_113 = arith.constant 1 : i32
      %while3A_114 = arith.divsi %while3A_111, %while3A_113 : i32
      %while3A_115 = arith.muli %while3A_114, %while3A_113 : i32
      %while3A_116 = arith.addi %shift_right_arithmetic3A_103, %while3A_115 : i32
      %while3A_117 = arith.constant 1 : i32
      scf.for %while3A_208 = %shift_right_arithmetic3A_103 to %while3A_116 step %while3A_117  : i32 {
        %iota3A = tpu.iota {dimensions = array<i32: 0>} : vector<16xi32>
        %mul3A_209 = arith.constant 16 : i32
        %mul3A_210 = arith.muli %while3A_208, %mul3A_209 : i32
        %add3A_211 = vector.broadcast %mul3A_210 : i32 to vector<16xi32>
        %add3A_212 = arith.addi %iota3A, %add3A_211 : vector<16xi32>
        %ge3A_213 = vector.broadcast %while3A_68 : i32 to vector<16xi32>
        %ge3A_214 = arith.cmpi sge, %add3A_212, %ge3A_213 : vector<16xi32>
        %lt3A_215 = vector.broadcast %while3A_101 : i32 to vector<16xi32>
        %lt3A_216 = arith.cmpi slt, %add3A_212, %lt3A_215 : vector<16xi32>
        %and3A = arith.andi %ge3A_214, %lt3A_216 : vector<16xi1>
        %mul3A_217 = arith.constant 16 : i32
        %mul3A_218 = arith.muli %while3A_208, %mul3A_217 : i32
        %get3A = arith.index_cast %mul3A_218 : i32 to index
        %get3A_219 = tpu.vector_load %arg10[%get3A] {strides = array<i32>} : memref<192xi32, #tpu.memory_space<vmem>>, vector<16xi32>,
        %jit3A = arith.constant 0 : i32
        %broadcast_in_dim3A = vector.broadcast %jit3A : i32 to vector<16xi32>
        %select_n3A = arith.select %and3A, %get3A_219, %broadcast_in_dim3A : vector<16xi1>, vector<16xi32>
        %mul3A_220 = arith.constant 16 : i32
        %mul3A_221 = arith.muli %while3A_208, %mul3A_220 : i32
        %get3A_222 = arith.index_cast %mul3A_221 : i32 to index
        %get3A_223 = tpu.vector_load %arg11[%get3A_222] {strides = array<i32>} : memref<192xi32, #tpu.memory_space<vmem>>, vector<16xi32>,
        %mul3A_224 = arith.constant 16 : i32
        %mul3A_225 = arith.muli %while3A_208, %mul3A_224 : i32
        %get3A_226 = arith.index_cast %mul3A_225 : i32 to index
        %get3A_227 = tpu.vector_load %arg12[%get3A_226] {strides = array<i32>} : memref<192xi32, #tpu.memory_space<vmem>>, vector<16xi32>,
        %select_n3A_228 = arith.select %and3A, %get3A_223, %get3A_227 : vector<16xi1>, vector<16xi32>
        %mul3A_229 = arith.constant 16 : i32
        %mul3A_230 = arith.muli %while3A_208, %mul3A_229 : i32
        %swap3A = arith.index_cast %mul3A_230 : i32 to index
        %swap3A_231 = tpu.vector_load %arg12[%swap3A] {strides = array<i32>} : memref<192xi32, #tpu.memory_space<vmem>>, vector<16xi32>,
        tpu.vector_store %arg12[%swap3A], %select_n3A_228 {strides = array<i32>} : memref<192xi32, #tpu.memory_space<vmem>>, vector<16xi32>,
        %broadcast_in_dim3A_232 = arith.constant 0 : i32
        %broadcast_in_dim3A_233 = vector.broadcast %broadcast_in_dim3A_232 : i32 to vector<16xi32>
        %gather3A = tpu.vector_load_idx %arg8[%broadcast_in_dim3A_233, %select_n3A] masked %and3A : memref<64x640xf32, #tpu.memory_space<vmem>>[vector<16xi32>, vector<16xi32>], vector<16xf32>, vector<16xi1>
        tpu.vector_store_idx %arg13[%add3A_212, %broadcast_in_dim3A_233], %gather3A masked %and3A : memref<192x128xf32, #tpu.memory_space<vmem>>[vector<16xi32>, vector<16xi32>], vector<16xf32>, vector<16xi1>
        %broadcast_in_dim3A_234 = arith.constant 1 : i32
        %broadcast_in_dim3A_235 = vector.broadcast %broadcast_in_dim3A_234 : i32 to vector<16xi32>
        %gather3A_236 = tpu.vector_load_idx %arg8[%broadcast_in_dim3A_235, %select_n3A] masked %and3A : memref<64x640xf32, #tpu.memory_space<vmem>>[vector<16xi32>, vector<16xi32>], vector<16xf32>, vector<16xi1>
        tpu.vector_store_idx %arg13[%add3A_212, %broadcast_in_dim3A_235], %gather3A_236 masked %and3A : memref<192x128xf32, #tpu.memory_space<vmem>>[vector<16xi32>, vector<16xi32>], vector<16xf32>, vector<16xi1>
        %broadcast_in_dim3A_237 = arith.constant 2 : i32
        %broadcast_in_dim3A_238 = vector.broadcast %broadcast_in_dim3A_237 : i32 to vector<16xi32>
        %gather3A_239 = tpu.vector_load_idx %arg8[%broadcast_in_dim3A_238, %select_n3A] masked %and3A : memref<64x640xf32, #tpu.memory_space<vmem>>[vector<16xi32>, vector<16xi32>], vector<16xf32>, vector<16xi1>
        tpu.vector_store_idx %arg13[%add3A_212, %broadcast_in_dim3A_238], %gather3A_239 masked %and3A : memref<192x128xf32, #tpu.memory_space<vmem>>[vector<16xi32>, vector<16xi32>], vector<16xf32>, vector<16xi1>
        %broadcast_in_dim3A_240 = arith.constant 3 : i32
        %broadcast_in_dim3A_241 = vector.broadcast %broadcast_in_dim3A_240 : i32 to vector<16xi32>
        %gather3A_242 = tpu.vector_load_idx %arg8[%broadcast_in_dim3A_241, %select_n3A] masked %and3A : memref<64x640xf32, #tpu.memory_space<vmem>>[vector<16xi32>, vector<16xi32>], vector<16xf32>, vector<16xi1>
        tpu.vector_store_idx %arg13[%add3A_212, %broadcast_in_dim3A_241], %gather3A_242 masked %and3A : memref<192x128xf32, #tpu.memory_space<vmem>>[vector<16xi32>, vector<16xi32>], vector<16xf32>, vector<16xi1>
        %broadcast_in_dim3A_243 = arith.constant 4 : i32
        %broadcast_in_dim3A_244 = vector.broadcast %broadcast_in_dim3A_243 : i32 to vector<16xi32>
        %gather3A_245 = tpu.vector_load_idx %arg8[%broadcast_in_dim3A_244, %select_n3A] masked %and3A : memref<64x640xf32, #tpu.memory_space<vmem>>[vector<16xi32>, vector<16xi32>], vector<16xf32>, vector<16xi1>
        tpu.vector_store_idx %arg13[%add3A_212, %broadcast_in_dim3A_244], %gather3A_245 masked %and3A : memref<192x128xf32, #tpu.memory_space<vmem>>[vector<16xi32>, vector<16xi32>], vector<16xf32>, vector<16xi1>
        %broadcast_in_dim3A_246 = arith.constant 5 : i32
        %broadcast_in_dim3A_247 = vector.broadcast %broadcast_in_dim3A_246 : i32 to vector<16xi32>
        %gather3A_248 = tpu.vector_load_idx %arg8[%broadcast_in_dim3A_247, %select_n3A] masked %and3A : memref<64x640xf32, #tpu.memory_space<vmem>>[vector<16xi32>, vector<16xi32>], vector<16xf32>, vector<16xi1>
        tpu.vector_store_idx %arg13[%add3A_212, %broadcast_in_dim3A_247], %gather3A_248 masked %and3A : memref<192x128xf32, #tpu.memory_space<vmem>>[vector<16xi32>, vector<16xi32>], vector<16xf32>, vector<16xi1>
        %broadcast_in_dim3A_249 = arith.constant 6 : i32
        %broadcast_in_dim3A_250 = vector.broadcast %broadcast_in_dim3A_249 : i32 to vector<16xi32>
        %gather3A_251 = tpu.vector_load_idx %arg8[%broadcast_in_dim3A_250, %select_n3A] masked %and3A : memref<64x640xf32, #tpu.memory_space<vmem>>[vector<16xi32>, vector<16xi32>], vector<16xf32>, vector<16xi1>
        tpu.vector_store_idx %arg13[%add3A_212, %broadcast_in_dim3A_250], %gather3A_251 masked %and3A : memref<192x128xf32, #tpu.memory_space<vmem>>[vector<16xi32>, vector<16xi32>], vector<16xf32>, vector<16xi1>
        %broadcast_in_dim3A_252 = arith.constant 7 : i32
        %broadcast_in_dim3A_253 = vector.broadcast %broadcast_in_dim3A_252 : i32 to vector<16xi32>
        %gather3A_254 = tpu.vector_load_idx %arg8[%broadcast_in_dim3A_253, %select_n3A] masked %and3A : memref<64x640xf32, #tpu.memory_space<vmem>>[vector<16xi32>, vector<16xi32>], vector<16xf32>, vector<16xi1>
        tpu.vector_store_idx %arg13[%add3A_212, %broadcast_in_dim3A_253], %gather3A_254 masked %and3A : memref<192x128xf32, #tpu.memory_space<vmem>>[vector<16xi32>, vector<16xi32>], vector<16xf32>, vector<16xi1>
        %broadcast_in_dim3A_255 = arith.constant 8 : i32
        %broadcast_in_dim3A_256 = vector.broadcast %broadcast_in_dim3A_255 : i32 to vector<16xi32>
        %gather3A_257 = tpu.vector_load_idx %arg8[%broadcast_in_dim3A_256, %select_n3A] masked %and3A : memref<64x640xf32, #tpu.memory_space<vmem>>[vector<16xi32>, vector<16xi32>], vector<16xf32>, vector<16xi1>
        tpu.vector_store_idx %arg13[%add3A_212, %broadcast_in_dim3A_256], %gather3A_257 masked %and3A : memref<192x128xf32, #tpu.memory_space<vmem>>[vector<16xi32>, vector<16xi32>], vector<16xf32>, vector<16xi1>
        %broadcast_in_dim3A_258 = arith.constant 9 : i32
        %broadcast_in_dim3A_259 = vector.broadcast %broadcast_in_dim3A_258 : i32 to vector<16xi32>
        %gather3A_260 = tpu.vector_load_idx %arg8[%broadcast_in_dim3A_259, %select_n3A] masked %and3A : memref<64x640xf32, #tpu.memory_space<vmem>>[vector<16xi32>, vector<16xi32>], vector<16xf32>, vector<16xi1>
        tpu.vector_store_idx %arg13[%add3A_212, %broadcast_in_dim3A_259], %gather3A_260 masked %and3A : memref<192x128xf32, #tpu.memory_space<vmem>>[vector<16xi32>, vector<16xi32>], vector<16xf32>, vector<16xi1>
        %broadcast_in_dim3A_261 = arith.constant 10 : i32
        %broadcast_in_dim3A_262 = vector.broadcast %broadcast_in_dim3A_261 : i32 to vector<16xi32>
        %gather3A_263 = tpu.vector_load_idx %arg8[%broadcast_in_dim3A_262, %select_n3A] masked %and3A : memref<64x640xf32, #tpu.memory_space<vmem>>[vector<16xi32>, vector<16xi32>], vector<16xf32>, vector<16xi1>
        tpu.vector_store_idx %arg13[%add3A_212, %broadcast_in_dim3A_262], %gather3A_263 masked %and3A : memref<192x128xf32, #tpu.memory_space<vmem>>[vector<16xi32>, vector<16xi32>], vector<16xf32>, vector<16xi1>
        %broadcast_in_dim3A_264 = arith.constant 11 : i32
        %broadcast_in_dim3A_265 = vector.broadcast %broadcast_in_dim3A_264 : i32 to vector<16xi32>
        %gather3A_266 = tpu.vector_load_idx %arg8[%broadcast_in_dim3A_265, %select_n3A] masked %and3A : memref<64x640xf32, #tpu.memory_space<vmem>>[vector<16xi32>, vector<16xi32>], vector<16xf32>, vector<16xi1>
        tpu.vector_store_idx %arg13[%add3A_212, %broadcast_in_dim3A_265], %gather3A_266 masked %and3A : memref<192x128xf32, #tpu.memory_space<vmem>>[vector<16xi32>, vector<16xi32>], vector<16xf32>, vector<16xi1>
        %broadcast_in_dim3A_267 = arith.constant 12 : i32
        %broadcast_in_dim3A_268 = vector.broadcast %broadcast_in_dim3A_267 : i32 to vector<16xi32>
        %gather3A_269 = tpu.vector_load_idx %arg8[%broadcast_in_dim3A_268, %select_n3A] masked %and3A : memref<64x640xf32, #tpu.memory_space<vmem>>[vector<16xi32>, vector<16xi32>], vector<16xf32>, vector<16xi1>
        tpu.vector_store_idx %arg13[%add3A_212, %broadcast_in_dim3A_268], %gather3A_269 masked %and3A : memref<192x128xf32, #tpu.memory_space<vmem>>[vector<16xi32>, vector<16xi32>], vector<16xf32>, vector<16xi1>
        %broadcast_in_dim3A_270 = arith.constant 13 : i32
        %broadcast_in_dim3A_271 = vector.broadcast %broadcast_in_dim3A_270 : i32 to vector<16xi32>
        %gather3A_272 = tpu.vector_load_idx %arg8[%broadcast_in_dim3A_271, %select_n3A] masked %and3A : memref<64x640xf32, #tpu.memory_space<vmem>>[vector<16xi32>, vector<16xi32>], vector<16xf32>, vector<16xi1>
        tpu.vector_store_idx %arg13[%add3A_212, %broadcast_in_dim3A_271], %gather3A_272 masked %and3A : memref<192x128xf32, #tpu.memory_space<vmem>>[vector<16xi32>, vector<16xi32>], vector<16xf32>, vector<16xi1>
        %broadcast_in_dim3A_273 = arith.constant 14 : i32
        %broadcast_in_dim3A_274 = vector.broadcast %broadcast_in_dim3A_273 : i32 to vector<16xi32>
        %gather3A_275 = tpu.vector_load_idx %arg8[%broadcast_in_dim3A_274, %select_n3A] masked %and3A : memref<64x640xf32, #tpu.memory_space<vmem>>[vector<16xi32>, vector<16xi32>], vector<16xf32>, vector<16xi1>
        tpu.vector_store_idx %arg13[%add3A_212, %broadcast_in_dim3A_274], %gather3A_275 masked %and3A : memref<192x128xf32, #tpu.memory_space<vmem>>[vector<16xi32>, vector<16xi32>], vector<16xf32>, vector<16xi1>
        %broadcast_in_dim3A_276 = arith.constant 15 : i32
        %broadcast_in_dim3A_277 = vector.broadcast %broadcast_in_dim3A_276 : i32 to vector<16xi32>
        %gather3A_278 = tpu.vector_load_idx %arg8[%broadcast_in_dim3A_277, %select_n3A] masked %and3A : memref<64x640xf32, #tpu.memory_space<vmem>>[vector<16xi32>, vector<16xi32>], vector<16xf32>, vector<16xi1>
        tpu.vector_store_idx %arg13[%add3A_212, %broadcast_in_dim3A_277], %gather3A_278 masked %and3A : memref<192x128xf32, #tpu.memory_space<vmem>>[vector<16xi32>, vector<16xi32>], vector<16xf32>, vector<16xi1>
        %broadcast_in_dim3A_279 = arith.constant 16 : i32
        %broadcast_in_dim3A_280 = vector.broadcast %broadcast_in_dim3A_279 : i32 to vector<16xi32>
        %gather3A_281 = tpu.vector_load_idx %arg8[%broadcast_in_dim3A_280, %select_n3A] masked %and3A : memref<64x640xf32, #tpu.memory_space<vmem>>[vector<16xi32>, vector<16xi32>], vector<16xf32>, vector<16xi1>
        tpu.vector_store_idx %arg13[%add3A_212, %broadcast_in_dim3A_280], %gather3A_281 masked %and3A : memref<192x128xf32, #tpu.memory_space<vmem>>[vector<16xi32>, vector<16xi32>], vector<16xf32>, vector<16xi1>
        %broadcast_in_dim3A_282 = arith.constant 17 : i32
        %broadcast_in_dim3A_283 = vector.broadcast %broadcast_in_dim3A_282 : i32 to vector<16xi32>
        %gather3A_284 = tpu.vector_load_idx %arg8[%broadcast_in_dim3A_283, %select_n3A] masked %and3A : memref<64x640xf32, #tpu.memory_space<vmem>>[vector<16xi32>, vector<16xi32>], vector<16xf32>, vector<16xi1>
        tpu.vector_store_idx %arg13[%add3A_212, %broadcast_in_dim3A_283], %gather3A_284 masked %and3A : memref<192x128xf32, #tpu.memory_space<vmem>>[vector<16xi32>, vector<16xi32>], vector<16xf32>, vector<16xi1>
        %broadcast_in_dim3A_285 = arith.constant 18 : i32
        %broadcast_in_dim3A_286 = vector.broadcast %broadcast_in_dim3A_285 : i32 to vector<16xi32>
        %gather3A_287 = tpu.vector_load_idx %arg8[%broadcast_in_dim3A_286, %select_n3A] masked %and3A : memref<64x640xf32, #tpu.memory_space<vmem>>[vector<16xi32>, vector<16xi32>], vector<16xf32>, vector<16xi1>
        tpu.vector_store_idx %arg13[%add3A_212, %broadcast_in_dim3A_286], %gather3A_287 masked %and3A : memref<192x128xf32, #tpu.memory_space<vmem>>[vector<16xi32>, vector<16xi32>], vector<16xf32>, vector<16xi1>
        %broadcast_in_dim3A_288 = arith.constant 19 : i32
        %broadcast_in_dim3A_289 = vector.broadcast %broadcast_in_dim3A_288 : i32 to vector<16xi32>
        %gather3A_290 = tpu.vector_load_idx %arg8[%broadcast_in_dim3A_289, %select_n3A] masked %and3A : memref<64x640xf32, #tpu.memory_space<vmem>>[vector<16xi32>, vector<16xi32>], vector<16xf32>, vector<16xi1>
        tpu.vector_store_idx %arg13[%add3A_212, %broadcast_in_dim3A_289], %gather3A_290 masked %and3A : memref<192x128xf32, #tpu.memory_space<vmem>>[vector<16xi32>, vector<16xi32>], vector<16xf32>, vector<16xi1>
        %broadcast_in_dim3A_291 = arith.constant 20 : i32
        %broadcast_in_dim3A_292 = vector.broadcast %broadcast_in_dim3A_291 : i32 to vector<16xi32>
        %gather3A_293 = tpu.vector_load_idx %arg8[%broadcast_in_dim3A_292, %select_n3A] masked %and3A : memref<64x640xf32, #tpu.memory_space<vmem>>[vector<16xi32>, vector<16xi32>], vector<16xf32>, vector<16xi1>
        tpu.vector_store_idx %arg13[%add3A_212, %broadcast_in_dim3A_292], %gather3A_293 masked %and3A : memref<192x128xf32, #tpu.memory_space<vmem>>[vector<16xi32>, vector<16xi32>], vector<16xf32>, vector<16xi1>
        %broadcast_in_dim3A_294 = arith.constant 21 : i32
        %broadcast_in_dim3A_295 = vector.broadcast %broadcast_in_dim3A_294 : i32 to vector<16xi32>
        %gather3A_296 = tpu.vector_load_idx %arg8[%broadcast_in_dim3A_295, %select_n3A] masked %and3A : memref<64x640xf32, #tpu.memory_space<vmem>>[vector<16xi32>, vector<16xi32>], vector<16xf32>, vector<16xi1>
        tpu.vector_store_idx %arg13[%add3A_212, %broadcast_in_dim3A_295], %gather3A_296 masked %and3A : memref<192x128xf32, #tpu.memory_space<vmem>>[vector<16xi32>, vector<16xi32>], vector<16xf32>, vector<16xi1>
        %broadcast_in_dim3A_297 = arith.constant 22 : i32
        %broadcast_in_dim3A_298 = vector.broadcast %broadcast_in_dim3A_297 : i32 to vector<16xi32>
        %gather3A_299 = tpu.vector_load_idx %arg8[%broadcast_in_dim3A_298, %select_n3A] masked %and3A : memref<64x640xf32, #tpu.memory_space<vmem>>[vector<16xi32>, vector<16xi32>], vector<16xf32>, vector<16xi1>
        tpu.vector_store_idx %arg13[%add3A_212, %broadcast_in_dim3A_298], %gather3A_299 masked %and3A : memref<192x128xf32, #tpu.memory_space<vmem>>[vector<16xi32>, vector<16xi32>], vector<16xf32>, vector<16xi1>
        %broadcast_in_dim3A_300 = arith.constant 23 : i32
        %broadcast_in_dim3A_301 = vector.broadcast %broadcast_in_dim3A_300 : i32 to vector<16xi32>
        %gather3A_302 = tpu.vector_load_idx %arg8[%broadcast_in_dim3A_301, %select_n3A] masked %and3A : memref<64x640xf32, #tpu.memory_space<vmem>>[vector<16xi32>, vector<16xi32>], vector<16xf32>, vector<16xi1>
        tpu.vector_store_idx %arg13[%add3A_212, %broadcast_in_dim3A_301], %gather3A_302 masked %and3A : memref<192x128xf32, #tpu.memory_space<vmem>>[vector<16xi32>, vector<16xi32>], vector<16xf32>, vector<16xi1>
        %broadcast_in_dim3A_303 = arith.constant 24 : i32
        %broadcast_in_dim3A_304 = vector.broadcast %broadcast_in_dim3A_303 : i32 to vector<16xi32>
        %gather3A_305 = tpu.vector_load_idx %arg8[%broadcast_in_dim3A_304, %select_n3A] masked %and3A : memref<64x640xf32, #tpu.memory_space<vmem>>[vector<16xi32>, vector<16xi32>], vector<16xf32>, vector<16xi1>
        tpu.vector_store_idx %arg13[%add3A_212, %broadcast_in_dim3A_304], %gather3A_305 masked %and3A : memref<192x128xf32, #tpu.memory_space<vmem>>[vector<16xi32>, vector<16xi32>], vector<16xf32>, vector<16xi1>
        %broadcast_in_dim3A_306 = arith.constant 25 : i32
        %broadcast_in_dim3A_307 = vector.broadcast %broadcast_in_dim3A_306 : i32 to vector<16xi32>
        %gather3A_308 = tpu.vector_load_idx %arg8[%broadcast_in_dim3A_307, %select_n3A] masked %and3A : memref<64x640xf32, #tpu.memory_space<vmem>>[vector<16xi32>, vector<16xi32>], vector<16xf32>, vector<16xi1>
        tpu.vector_store_idx %arg13[%add3A_212, %broadcast_in_dim3A_307], %gather3A_308 masked %and3A : memref<192x128xf32, #tpu.memory_space<vmem>>[vector<16xi32>, vector<16xi32>], vector<16xf32>, vector<16xi1>
        %broadcast_in_dim3A_309 = arith.constant 26 : i32
        %broadcast_in_dim3A_310 = vector.broadcast %broadcast_in_dim3A_309 : i32 to vector<16xi32>
        %gather3A_311 = tpu.vector_load_idx %arg8[%broadcast_in_dim3A_310, %select_n3A] masked %and3A : memref<64x640xf32, #tpu.memory_space<vmem>>[vector<16xi32>, vector<16xi32>], vector<16xf32>, vector<16xi1>
        tpu.vector_store_idx %arg13[%add3A_212, %broadcast_in_dim3A_310], %gather3A_311 masked %and3A : memref<192x128xf32, #tpu.memory_space<vmem>>[vector<16xi32>, vector<16xi32>], vector<16xf32>, vector<16xi1>
        %broadcast_in_dim3A_312 = arith.constant 27 : i32
        %broadcast_in_dim3A_313 = vector.broadcast %broadcast_in_dim3A_312 : i32 to vector<16xi32>
        %gather3A_314 = tpu.vector_load_idx %arg8[%broadcast_in_dim3A_313, %select_n3A] masked %and3A : memref<64x640xf32, #tpu.memory_space<vmem>>[vector<16xi32>, vector<16xi32>], vector<16xf32>, vector<16xi1>
        tpu.vector_store_idx %arg13[%add3A_212, %broadcast_in_dim3A_313], %gather3A_314 masked %and3A : memref<192x128xf32, #tpu.memory_space<vmem>>[vector<16xi32>, vector<16xi32>], vector<16xf32>, vector<16xi1>
        %broadcast_in_dim3A_315 = arith.constant 28 : i32
        %broadcast_in_dim3A_316 = vector.broadcast %broadcast_in_dim3A_315 : i32 to vector<16xi32>
        %gather3A_317 = tpu.vector_load_idx %arg8[%broadcast_in_dim3A_316, %select_n3A] masked %and3A : memref<64x640xf32, #tpu.memory_space<vmem>>[vector<16xi32>, vector<16xi32>], vector<16xf32>, vector<16xi1>
        tpu.vector_store_idx %arg13[%add3A_212, %broadcast_in_dim3A_316], %gather3A_317 masked %and3A : memref<192x128xf32, #tpu.memory_space<vmem>>[vector<16xi32>, vector<16xi32>], vector<16xf32>, vector<16xi1>
        %broadcast_in_dim3A_318 = arith.constant 29 : i32
        %broadcast_in_dim3A_319 = vector.broadcast %broadcast_in_dim3A_318 : i32 to vector<16xi32>
        %gather3A_320 = tpu.vector_load_idx %arg8[%broadcast_in_dim3A_319, %select_n3A] masked %and3A : memref<64x640xf32, #tpu.memory_space<vmem>>[vector<16xi32>, vector<16xi32>], vector<16xf32>, vector<16xi1>
        tpu.vector_store_idx %arg13[%add3A_212, %broadcast_in_dim3A_319], %gather3A_320 masked %and3A : memref<192x128xf32, #tpu.memory_space<vmem>>[vector<16xi32>, vector<16xi32>], vector<16xf32>, vector<16xi1>
        %broadcast_in_dim3A_321 = arith.constant 30 : i32
        %broadcast_in_dim3A_322 = vector.broadcast %broadcast_in_dim3A_321 : i32 to vector<16xi32>
        %gather3A_323 = tpu.vector_load_idx %arg8[%broadcast_in_dim3A_322, %select_n3A] masked %and3A : memref<64x640xf32, #tpu.memory_space<vmem>>[vector<16xi32>, vector<16xi32>], vector<16xf32>, vector<16xi1>
        tpu.vector_store_idx %arg13[%add3A_212, %broadcast_in_dim3A_322], %gather3A_323 masked %and3A : memref<192x128xf32, #tpu.memory_space<vmem>>[vector<16xi32>, vector<16xi32>], vector<16xf32>, vector<16xi1>
        %broadcast_in_dim3A_324 = arith.constant 31 : i32
        %broadcast_in_dim3A_325 = vector.broadcast %broadcast_in_dim3A_324 : i32 to vector<16xi32>
        %gather3A_326 = tpu.vector_load_idx %arg8[%broadcast_in_dim3A_325, %select_n3A] masked %and3A : memref<64x640xf32, #tpu.memory_space<vmem>>[vector<16xi32>, vector<16xi32>], vector<16xf32>, vector<16xi1>
        tpu.vector_store_idx %arg13[%add3A_212, %broadcast_in_dim3A_325], %gather3A_326 masked %and3A : memref<192x128xf32, #tpu.memory_space<vmem>>[vector<16xi32>, vector<16xi32>], vector<16xf32>, vector<16xi1>
        %broadcast_in_dim3A_327 = arith.constant 32 : i32
        %broadcast_in_dim3A_328 = vector.broadcast %broadcast_in_dim3A_327 : i32 to vector<16xi32>
        %gather3A_329 = tpu.vector_load_idx %arg8[%broadcast_in_dim3A_328, %select_n3A] masked %and3A : memref<64x640xf32, #tpu.memory_space<vmem>>[vector<16xi32>, vector<16xi32>], vector<16xf32>, vector<16xi1>
        tpu.vector_store_idx %arg13[%add3A_212, %broadcast_in_dim3A_328], %gather3A_329 masked %and3A : memref<192x128xf32, #tpu.memory_space<vmem>>[vector<16xi32>, vector<16xi32>], vector<16xf32>, vector<16xi1>
        %broadcast_in_dim3A_330 = arith.constant 33 : i32
        %broadcast_in_dim3A_331 = vector.broadcast %broadcast_in_dim3A_330 : i32 to vector<16xi32>
        %gather3A_332 = tpu.vector_load_idx %arg8[%broadcast_in_dim3A_331, %select_n3A] masked %and3A : memref<64x640xf32, #tpu.memory_space<vmem>>[vector<16xi32>, vector<16xi32>], vector<16xf32>, vector<16xi1>
        tpu.vector_store_idx %arg13[%add3A_212, %broadcast_in_dim3A_331], %gather3A_332 masked %and3A : memref<192x128xf32, #tpu.memory_space<vmem>>[vector<16xi32>, vector<16xi32>], vector<16xf32>, vector<16xi1>
        %broadcast_in_dim3A_333 = arith.constant 34 : i32
        %broadcast_in_dim3A_334 = vector.broadcast %broadcast_in_dim3A_333 : i32 to vector<16xi32>
        %gather3A_335 = tpu.vector_load_idx %arg8[%broadcast_in_dim3A_334, %select_n3A] masked %and3A : memref<64x640xf32, #tpu.memory_space<vmem>>[vector<16xi32>, vector<16xi32>], vector<16xf32>, vector<16xi1>
        tpu.vector_store_idx %arg13[%add3A_212, %broadcast_in_dim3A_334], %gather3A_335 masked %and3A : memref<192x128xf32, #tpu.memory_space<vmem>>[vector<16xi32>, vector<16xi32>], vector<16xf32>, vector<16xi1>
        %broadcast_in_dim3A_336 = arith.constant 35 : i32
        %broadcast_in_dim3A_337 = vector.broadcast %broadcast_in_dim3A_336 : i32 to vector<16xi32>
        %gather3A_338 = tpu.vector_load_idx %arg8[%broadcast_in_dim3A_337, %select_n3A] masked %and3A : memref<64x640xf32, #tpu.memory_space<vmem>>[vector<16xi32>, vector<16xi32>], vector<16xf32>, vector<16xi1>
        tpu.vector_store_idx %arg13[%add3A_212, %broadcast_in_dim3A_337], %gather3A_338 masked %and3A : memref<192x128xf32, #tpu.memory_space<vmem>>[vector<16xi32>, vector<16xi32>], vector<16xf32>, vector<16xi1>
        %broadcast_in_dim3A_339 = arith.constant 36 : i32
        %broadcast_in_dim3A_340 = vector.broadcast %broadcast_in_dim3A_339 : i32 to vector<16xi32>
        %gather3A_341 = tpu.vector_load_idx %arg8[%broadcast_in_dim3A_340, %select_n3A] masked %and3A : memref<64x640xf32, #tpu.memory_space<vmem>>[vector<16xi32>, vector<16xi32>], vector<16xf32>, vector<16xi1>
        tpu.vector_store_idx %arg13[%add3A_212, %broadcast_in_dim3A_340], %gather3A_341 masked %and3A : memref<192x128xf32, #tpu.memory_space<vmem>>[vector<16xi32>, vector<16xi32>], vector<16xf32>, vector<16xi1>
        %broadcast_in_dim3A_342 = arith.constant 37 : i32
        %broadcast_in_dim3A_343 = vector.broadcast %broadcast_in_dim3A_342 : i32 to vector<16xi32>
        %gather3A_344 = tpu.vector_load_idx %arg8[%broadcast_in_dim3A_343, %select_n3A] masked %and3A : memref<64x640xf32, #tpu.memory_space<vmem>>[vector<16xi32>, vector<16xi32>], vector<16xf32>, vector<16xi1>
        tpu.vector_store_idx %arg13[%add3A_212, %broadcast_in_dim3A_343], %gather3A_344 masked %and3A : memref<192x128xf32, #tpu.memory_space<vmem>>[vector<16xi32>, vector<16xi32>], vector<16xf32>, vector<16xi1>
        %broadcast_in_dim3A_345 = arith.constant 38 : i32
        %broadcast_in_dim3A_346 = vector.broadcast %broadcast_in_dim3A_345 : i32 to vector<16xi32>
        %gather3A_347 = tpu.vector_load_idx %arg8[%broadcast_in_dim3A_346, %select_n3A] masked %and3A : memref<64x640xf32, #tpu.memory_space<vmem>>[vector<16xi32>, vector<16xi32>], vector<16xf32>, vector<16xi1>
        tpu.vector_store_idx %arg13[%add3A_212, %broadcast_in_dim3A_346], %gather3A_347 masked %and3A : memref<192x128xf32, #tpu.memory_space<vmem>>[vector<16xi32>, vector<16xi32>], vector<16xf32>, vector<16xi1>
        %broadcast_in_dim3A_348 = arith.constant 39 : i32
        %broadcast_in_dim3A_349 = vector.broadcast %broadcast_in_dim3A_348 : i32 to vector<16xi32>
        %gather3A_350 = tpu.vector_load_idx %arg8[%broadcast_in_dim3A_349, %select_n3A] masked %and3A : memref<64x640xf32, #tpu.memory_space<vmem>>[vector<16xi32>, vector<16xi32>], vector<16xf32>, vector<16xi1>
        tpu.vector_store_idx %arg13[%add3A_212, %broadcast_in_dim3A_349], %gather3A_350 masked %and3A : memref<192x128xf32, #tpu.memory_space<vmem>>[vector<16xi32>, vector<16xi32>], vector<16xf32>, vector<16xi1>
        %broadcast_in_dim3A_351 = arith.constant 40 : i32
        %broadcast_in_dim3A_352 = vector.broadcast %broadcast_in_dim3A_351 : i32 to vector<16xi32>
        %gather3A_353 = tpu.vector_load_idx %arg8[%broadcast_in_dim3A_352, %select_n3A] masked %and3A : memref<64x640xf32, #tpu.memory_space<vmem>>[vector<16xi32>, vector<16xi32>], vector<16xf32>, vector<16xi1>
        tpu.vector_store_idx %arg13[%add3A_212, %broadcast_in_dim3A_352], %gather3A_353 masked %and3A : memref<192x128xf32, #tpu.memory_space<vmem>>[vector<16xi32>, vector<16xi32>], vector<16xf32>, vector<16xi1>
        %broadcast_in_dim3A_354 = arith.constant 41 : i32
        %broadcast_in_dim3A_355 = vector.broadcast %broadcast_in_dim3A_354 : i32 to vector<16xi32>
        %gather3A_356 = tpu.vector_load_idx %arg8[%broadcast_in_dim3A_355, %select_n3A] masked %and3A : memref<64x640xf32, #tpu.memory_space<vmem>>[vector<16xi32>, vector<16xi32>], vector<16xf32>, vector<16xi1>
        tpu.vector_store_idx %arg13[%add3A_212, %broadcast_in_dim3A_355], %gather3A_356 masked %and3A : memref<192x128xf32, #tpu.memory_space<vmem>>[vector<16xi32>, vector<16xi32>], vector<16xf32>, vector<16xi1>
        %broadcast_in_dim3A_357 = arith.constant 42 : i32
        %broadcast_in_dim3A_358 = vector.broadcast %broadcast_in_dim3A_357 : i32 to vector<16xi32>
        %gather3A_359 = tpu.vector_load_idx %arg8[%broadcast_in_dim3A_358, %select_n3A] masked %and3A : memref<64x640xf32, #tpu.memory_space<vmem>>[vector<16xi32>, vector<16xi32>], vector<16xf32>, vector<16xi1>
        tpu.vector_store_idx %arg13[%add3A_212, %broadcast_in_dim3A_358], %gather3A_359 masked %and3A : memref<192x128xf32, #tpu.memory_space<vmem>>[vector<16xi32>, vector<16xi32>], vector<16xf32>, vector<16xi1>
        %broadcast_in_dim3A_360 = arith.constant 43 : i32
        %broadcast_in_dim3A_361 = vector.broadcast %broadcast_in_dim3A_360 : i32 to vector<16xi32>
        %gather3A_362 = tpu.vector_load_idx %arg8[%broadcast_in_dim3A_361, %select_n3A] masked %and3A : memref<64x640xf32, #tpu.memory_space<vmem>>[vector<16xi32>, vector<16xi32>], vector<16xf32>, vector<16xi1>
        tpu.vector_store_idx %arg13[%add3A_212, %broadcast_in_dim3A_361], %gather3A_362 masked %and3A : memref<192x128xf32, #tpu.memory_space<vmem>>[vector<16xi32>, vector<16xi32>], vector<16xf32>, vector<16xi1>
        %broadcast_in_dim3A_363 = arith.constant 44 : i32
        %broadcast_in_dim3A_364 = vector.broadcast %broadcast_in_dim3A_363 : i32 to vector<16xi32>
        %gather3A_365 = tpu.vector_load_idx %arg8[%broadcast_in_dim3A_364, %select_n3A] masked %and3A : memref<64x640xf32, #tpu.memory_space<vmem>>[vector<16xi32>, vector<16xi32>], vector<16xf32>, vector<16xi1>
        tpu.vector_store_idx %arg13[%add3A_212, %broadcast_in_dim3A_364], %gather3A_365 masked %and3A : memref<192x128xf32, #tpu.memory_space<vmem>>[vector<16xi32>, vector<16xi32>], vector<16xf32>, vector<16xi1>
        %broadcast_in_dim3A_366 = arith.constant 45 : i32
        %broadcast_in_dim3A_367 = vector.broadcast %broadcast_in_dim3A_366 : i32 to vector<16xi32>
        %gather3A_368 = tpu.vector_load_idx %arg8[%broadcast_in_dim3A_367, %select_n3A] masked %and3A : memref<64x640xf32, #tpu.memory_space<vmem>>[vector<16xi32>, vector<16xi32>], vector<16xf32>, vector<16xi1>
        tpu.vector_store_idx %arg13[%add3A_212, %broadcast_in_dim3A_367], %gather3A_368 masked %and3A : memref<192x128xf32, #tpu.memory_space<vmem>>[vector<16xi32>, vector<16xi32>], vector<16xf32>, vector<16xi1>
        %broadcast_in_dim3A_369 = arith.constant 46 : i32
        %broadcast_in_dim3A_370 = vector.broadcast %broadcast_in_dim3A_369 : i32 to vector<16xi32>
        %gather3A_371 = tpu.vector_load_idx %arg8[%broadcast_in_dim3A_370, %select_n3A] masked %and3A : memref<64x640xf32, #tpu.memory_space<vmem>>[vector<16xi32>, vector<16xi32>], vector<16xf32>, vector<16xi1>
        tpu.vector_store_idx %arg13[%add3A_212, %broadcast_in_dim3A_370], %gather3A_371 masked %and3A : memref<192x128xf32, #tpu.memory_space<vmem>>[vector<16xi32>, vector<16xi32>], vector<16xf32>, vector<16xi1>
        %broadcast_in_dim3A_372 = arith.constant 47 : i32
        %broadcast_in_dim3A_373 = vector.broadcast %broadcast_in_dim3A_372 : i32 to vector<16xi32>
        %gather3A_374 = tpu.vector_load_idx %arg8[%broadcast_in_dim3A_373, %select_n3A] masked %and3A : memref<64x640xf32, #tpu.memory_space<vmem>>[vector<16xi32>, vector<16xi32>], vector<16xf32>, vector<16xi1>
        tpu.vector_store_idx %arg13[%add3A_212, %broadcast_in_dim3A_373], %gather3A_374 masked %and3A : memref<192x128xf32, #tpu.memory_space<vmem>>[vector<16xi32>, vector<16xi32>], vector<16xf32>, vector<16xi1>
        %broadcast_in_dim3A_375 = arith.constant 48 : i32
        %broadcast_in_dim3A_376 = vector.broadcast %broadcast_in_dim3A_375 : i32 to vector<16xi32>
        %gather3A_377 = tpu.vector_load_idx %arg8[%broadcast_in_dim3A_376, %select_n3A] masked %and3A : memref<64x640xf32, #tpu.memory_space<vmem>>[vector<16xi32>, vector<16xi32>], vector<16xf32>, vector<16xi1>
        tpu.vector_store_idx %arg13[%add3A_212, %broadcast_in_dim3A_376], %gather3A_377 masked %and3A : memref<192x128xf32, #tpu.memory_space<vmem>>[vector<16xi32>, vector<16xi32>], vector<16xf32>, vector<16xi1>
        %broadcast_in_dim3A_378 = arith.constant 49 : i32
        %broadcast_in_dim3A_379 = vector.broadcast %broadcast_in_dim3A_378 : i32 to vector<16xi32>
        %gather3A_380 = tpu.vector_load_idx %arg8[%broadcast_in_dim3A_379, %select_n3A] masked %and3A : memref<64x640xf32, #tpu.memory_space<vmem>>[vector<16xi32>, vector<16xi32>], vector<16xf32>, vector<16xi1>
        tpu.vector_store_idx %arg13[%add3A_212, %broadcast_in_dim3A_379], %gather3A_380 masked %and3A : memref<192x128xf32, #tpu.memory_space<vmem>>[vector<16xi32>, vector<16xi32>], vector<16xf32>, vector<16xi1>
        %broadcast_in_dim3A_381 = arith.constant 50 : i32
        %broadcast_in_dim3A_382 = vector.broadcast %broadcast_in_dim3A_381 : i32 to vector<16xi32>
        %gather3A_383 = tpu.vector_load_idx %arg8[%broadcast_in_dim3A_382, %select_n3A] masked %and3A : memref<64x640xf32, #tpu.memory_space<vmem>>[vector<16xi32>, vector<16xi32>], vector<16xf32>, vector<16xi1>
        tpu.vector_store_idx %arg13[%add3A_212, %broadcast_in_dim3A_382], %gather3A_383 masked %and3A : memref<192x128xf32, #tpu.memory_space<vmem>>[vector<16xi32>, vector<16xi32>], vector<16xf32>, vector<16xi1>
        %broadcast_in_dim3A_384 = arith.constant 51 : i32
        %broadcast_in_dim3A_385 = vector.broadcast %broadcast_in_dim3A_384 : i32 to vector<16xi32>
        %gather3A_386 = tpu.vector_load_idx %arg8[%broadcast_in_dim3A_385, %select_n3A] masked %and3A : memref<64x640xf32, #tpu.memory_space<vmem>>[vector<16xi32>, vector<16xi32>], vector<16xf32>, vector<16xi1>
        tpu.vector_store_idx %arg13[%add3A_212, %broadcast_in_dim3A_385], %gather3A_386 masked %and3A : memref<192x128xf32, #tpu.memory_space<vmem>>[vector<16xi32>, vector<16xi32>], vector<16xf32>, vector<16xi1>
        %broadcast_in_dim3A_387 = arith.constant 52 : i32
        %broadcast_in_dim3A_388 = vector.broadcast %broadcast_in_dim3A_387 : i32 to vector<16xi32>
        %gather3A_389 = tpu.vector_load_idx %arg8[%broadcast_in_dim3A_388, %select_n3A] masked %and3A : memref<64x640xf32, #tpu.memory_space<vmem>>[vector<16xi32>, vector<16xi32>], vector<16xf32>, vector<16xi1>
        tpu.vector_store_idx %arg13[%add3A_212, %broadcast_in_dim3A_388], %gather3A_389 masked %and3A : memref<192x128xf32, #tpu.memory_space<vmem>>[vector<16xi32>, vector<16xi32>], vector<16xf32>, vector<16xi1>
        %broadcast_in_dim3A_390 = arith.constant 53 : i32
        %broadcast_in_dim3A_391 = vector.broadcast %broadcast_in_dim3A_390 : i32 to vector<16xi32>
        %gather3A_392 = tpu.vector_load_idx %arg8[%broadcast_in_dim3A_391, %select_n3A] masked %and3A : memref<64x640xf32, #tpu.memory_space<vmem>>[vector<16xi32>, vector<16xi32>], vector<16xf32>, vector<16xi1>
        tpu.vector_store_idx %arg13[%add3A_212, %broadcast_in_dim3A_391], %gather3A_392 masked %and3A : memref<192x128xf32, #tpu.memory_space<vmem>>[vector<16xi32>, vector<16xi32>], vector<16xf32>, vector<16xi1>
        %broadcast_in_dim3A_393 = arith.constant 54 : i32
        %broadcast_in_dim3A_394 = vector.broadcast %broadcast_in_dim3A_393 : i32 to vector<16xi32>
        %gather3A_395 = tpu.vector_load_idx %arg8[%broadcast_in_dim3A_394, %select_n3A] masked %and3A : memref<64x640xf32, #tpu.memory_space<vmem>>[vector<16xi32>, vector<16xi32>], vector<16xf32>, vector<16xi1>
        tpu.vector_store_idx %arg13[%add3A_212, %broadcast_in_dim3A_394], %gather3A_395 masked %and3A : memref<192x128xf32, #tpu.memory_space<vmem>>[vector<16xi32>, vector<16xi32>], vector<16xf32>, vector<16xi1>
        %broadcast_in_dim3A_396 = arith.constant 55 : i32
        %broadcast_in_dim3A_397 = vector.broadcast %broadcast_in_dim3A_396 : i32 to vector<16xi32>
        %gather3A_398 = tpu.vector_load_idx %arg8[%broadcast_in_dim3A_397, %select_n3A] masked %and3A : memref<64x640xf32, #tpu.memory_space<vmem>>[vector<16xi32>, vector<16xi32>], vector<16xf32>, vector<16xi1>
        tpu.vector_store_idx %arg13[%add3A_212, %broadcast_in_dim3A_397], %gather3A_398 masked %and3A : memref<192x128xf32, #tpu.memory_space<vmem>>[vector<16xi32>, vector<16xi32>], vector<16xf32>, vector<16xi1>
        %broadcast_in_dim3A_399 = arith.constant 56 : i32
        %broadcast_in_dim3A_400 = vector.broadcast %broadcast_in_dim3A_399 : i32 to vector<16xi32>
        %gather3A_401 = tpu.vector_load_idx %arg8[%broadcast_in_dim3A_400, %select_n3A] masked %and3A : memref<64x640xf32, #tpu.memory_space<vmem>>[vector<16xi32>, vector<16xi32>], vector<16xf32>, vector<16xi1>
        tpu.vector_store_idx %arg13[%add3A_212, %broadcast_in_dim3A_400], %gather3A_401 masked %and3A : memref<192x128xf32, #tpu.memory_space<vmem>>[vector<16xi32>, vector<16xi32>], vector<16xf32>, vector<16xi1>
        %broadcast_in_dim3A_402 = arith.constant 57 : i32
        %broadcast_in_dim3A_403 = vector.broadcast %broadcast_in_dim3A_402 : i32 to vector<16xi32>
        %gather3A_404 = tpu.vector_load_idx %arg8[%broadcast_in_dim3A_403, %select_n3A] masked %and3A : memref<64x640xf32, #tpu.memory_space<vmem>>[vector<16xi32>, vector<16xi32>], vector<16xf32>, vector<16xi1>
        tpu.vector_store_idx %arg13[%add3A_212, %broadcast_in_dim3A_403], %gather3A_404 masked %and3A : memref<192x128xf32, #tpu.memory_space<vmem>>[vector<16xi32>, vector<16xi32>], vector<16xf32>, vector<16xi1>
        %broadcast_in_dim3A_405 = arith.constant 58 : i32
        %broadcast_in_dim3A_406 = vector.broadcast %broadcast_in_dim3A_405 : i32 to vector<16xi32>
        %gather3A_407 = tpu.vector_load_idx %arg8[%broadcast_in_dim3A_406, %select_n3A] masked %and3A : memref<64x640xf32, #tpu.memory_space<vmem>>[vector<16xi32>, vector<16xi32>], vector<16xf32>, vector<16xi1>
        tpu.vector_store_idx %arg13[%add3A_212, %broadcast_in_dim3A_406], %gather3A_407 masked %and3A : memref<192x128xf32, #tpu.memory_space<vmem>>[vector<16xi32>, vector<16xi32>], vector<16xf32>, vector<16xi1>
        %broadcast_in_dim3A_408 = arith.constant 59 : i32
        %broadcast_in_dim3A_409 = vector.broadcast %broadcast_in_dim3A_408 : i32 to vector<16xi32>
        %gather3A_410 = tpu.vector_load_idx %arg8[%broadcast_in_dim3A_409, %select_n3A] masked %and3A : memref<64x640xf32, #tpu.memory_space<vmem>>[vector<16xi32>, vector<16xi32>], vector<16xf32>, vector<16xi1>
        tpu.vector_store_idx %arg13[%add3A_212, %broadcast_in_dim3A_409], %gather3A_410 masked %and3A : memref<192x128xf32, #tpu.memory_space<vmem>>[vector<16xi32>, vector<16xi32>], vector<16xf32>, vector<16xi1>
        %broadcast_in_dim3A_411 = arith.constant 60 : i32
        %broadcast_in_dim3A_412 = vector.broadcast %broadcast_in_dim3A_411 : i32 to vector<16xi32>
        %gather3A_413 = tpu.vector_load_idx %arg8[%broadcast_in_dim3A_412, %select_n3A] masked %and3A : memref<64x640xf32, #tpu.memory_space<vmem>>[vector<16xi32>, vector<16xi32>], vector<16xf32>, vector<16xi1>
        tpu.vector_store_idx %arg13[%add3A_212, %broadcast_in_dim3A_412], %gather3A_413 masked %and3A : memref<192x128xf32, #tpu.memory_space<vmem>>[vector<16xi32>, vector<16xi32>], vector<16xf32>, vector<16xi1>
        %broadcast_in_dim3A_414 = arith.constant 61 : i32
        %broadcast_in_dim3A_415 = vector.broadcast %broadcast_in_dim3A_414 : i32 to vector<16xi32>
        %gather3A_416 = tpu.vector_load_idx %arg8[%broadcast_in_dim3A_415, %select_n3A] masked %and3A : memref<64x640xf32, #tpu.memory_space<vmem>>[vector<16xi32>, vector<16xi32>], vector<16xf32>, vector<16xi1>
        tpu.vector_store_idx %arg13[%add3A_212, %broadcast_in_dim3A_415], %gather3A_416 masked %and3A : memref<192x128xf32, #tpu.memory_space<vmem>>[vector<16xi32>, vector<16xi32>], vector<16xf32>, vector<16xi1>
        %broadcast_in_dim3A_417 = arith.constant 62 : i32
        %broadcast_in_dim3A_418 = vector.broadcast %broadcast_in_dim3A_417 : i32 to vector<16xi32>
        %gather3A_419 = tpu.vector_load_idx %arg8[%broadcast_in_dim3A_418, %select_n3A] masked %and3A : memref<64x640xf32, #tpu.memory_space<vmem>>[vector<16xi32>, vector<16xi32>], vector<16xf32>, vector<16xi1>
        tpu.vector_store_idx %arg13[%add3A_212, %broadcast_in_dim3A_418], %gather3A_419 masked %and3A : memref<192x128xf32, #tpu.memory_space<vmem>>[vector<16xi32>, vector<16xi32>], vector<16xf32>, vector<16xi1>
        %broadcast_in_dim3A_420 = arith.constant 63 : i32
        %broadcast_in_dim3A_421 = vector.broadcast %broadcast_in_dim3A_420 : i32 to vector<16xi32>
        %gather3A_422 = tpu.vector_load_idx %arg8[%broadcast_in_dim3A_421, %select_n3A] masked %and3A : memref<64x640xf32, #tpu.memory_space<vmem>>[vector<16xi32>, vector<16xi32>], vector<16xf32>, vector<16xi1>
        tpu.vector_store_idx %arg13[%add3A_212, %broadcast_in_dim3A_421], %gather3A_422 masked %and3A : memref<192x128xf32, #tpu.memory_space<vmem>>[vector<16xi32>, vector<16xi32>], vector<16xf32>, vector<16xi1>
      }
      %while3A_118 = arith.constant 1 : i32
      scf.for %while3A_208 = %while3A_116 to %while3A_112 step %while3A_118  : i32 {
        %iota3A = tpu.iota {dimensions = array<i32: 0>} : vector<16xi32>
        %mul3A_209 = arith.constant 16 : i32
        %mul3A_210 = arith.muli %while3A_208, %mul3A_209 : i32
        %add3A_211 = vector.broadcast %mul3A_210 : i32 to vector<16xi32>
        %add3A_212 = arith.addi %iota3A, %add3A_211 : vector<16xi32>
        %ge3A_213 = vector.broadcast %while3A_68 : i32 to vector<16xi32>
        %ge3A_214 = arith.cmpi sge, %add3A_212, %ge3A_213 : vector<16xi32>
        %lt3A_215 = vector.broadcast %while3A_101 : i32 to vector<16xi32>
        %lt3A_216 = arith.cmpi slt, %add3A_212, %lt3A_215 : vector<16xi32>
        %and3A = arith.andi %ge3A_214, %lt3A_216 : vector<16xi1>
        %mul3A_217 = arith.constant 16 : i32
        %mul3A_218 = arith.muli %while3A_208, %mul3A_217 : i32
        %get3A = arith.index_cast %mul3A_218 : i32 to index
        %get3A_219 = tpu.vector_load %arg10[%get3A] {strides = array<i32>} : memref<192xi32, #tpu.memory_space<vmem>>, vector<16xi32>,
        %jit3A = arith.constant 0 : i32
        %broadcast_in_dim3A = vector.broadcast %jit3A : i32 to vector<16xi32>
        %select_n3A = arith.select %and3A, %get3A_219, %broadcast_in_dim3A : vector<16xi1>, vector<16xi32>
        %mul3A_220 = arith.constant 16 : i32
        %mul3A_221 = arith.muli %while3A_208, %mul3A_220 : i32
        %get3A_222 = arith.index_cast %mul3A_221 : i32 to index
        %get3A_223 = tpu.vector_load %arg11[%get3A_222] {strides = array<i32>} : memref<192xi32, #tpu.memory_space<vmem>>, vector<16xi32>,
        %mul3A_224 = arith.constant 16 : i32
        %mul3A_225 = arith.muli %while3A_208, %mul3A_224 : i32
        %get3A_226 = arith.index_cast %mul3A_225 : i32 to index
        %get3A_227 = tpu.vector_load %arg12[%get3A_226] {strides = array<i32>} : memref<192xi32, #tpu.memory_space<vmem>>, vector<16xi32>,
        %select_n3A_228 = arith.select %and3A, %get3A_223, %get3A_227 : vector<16xi1>, vector<16xi32>
        %mul3A_229 = arith.constant 16 : i32
        %mul3A_230 = arith.muli %while3A_208, %mul3A_229 : i32
        %swap3A = arith.index_cast %mul3A_230 : i32 to index
        %swap3A_231 = tpu.vector_load %arg12[%swap3A] {strides = array<i32>} : memref<192xi32, #tpu.memory_space<vmem>>, vector<16xi32>,
        tpu.vector_store %arg12[%swap3A], %select_n3A_228 {strides = array<i32>} : memref<192xi32, #tpu.memory_space<vmem>>, vector<16xi32>,
        %broadcast_in_dim3A_232 = arith.constant 0 : i32
        %broadcast_in_dim3A_233 = vector.broadcast %broadcast_in_dim3A_232 : i32 to vector<16xi32>
        %gather3A = tpu.vector_load_idx %arg8[%broadcast_in_dim3A_233, %select_n3A] masked %and3A : memref<64x640xf32, #tpu.memory_space<vmem>>[vector<16xi32>, vector<16xi32>], vector<16xf32>, vector<16xi1>
        tpu.vector_store_idx %arg13[%add3A_212, %broadcast_in_dim3A_233], %gather3A masked %and3A : memref<192x128xf32, #tpu.memory_space<vmem>>[vector<16xi32>, vector<16xi32>], vector<16xf32>, vector<16xi1>
        %broadcast_in_dim3A_234 = arith.constant 1 : i32
        %broadcast_in_dim3A_235 = vector.broadcast %broadcast_in_dim3A_234 : i32 to vector<16xi32>
        %gather3A_236 = tpu.vector_load_idx %arg8[%broadcast_in_dim3A_235, %select_n3A] masked %and3A : memref<64x640xf32, #tpu.memory_space<vmem>>[vector<16xi32>, vector<16xi32>], vector<16xf32>, vector<16xi1>
        tpu.vector_store_idx %arg13[%add3A_212, %broadcast_in_dim3A_235], %gather3A_236 masked %and3A : memref<192x128xf32, #tpu.memory_space<vmem>>[vector<16xi32>, vector<16xi32>], vector<16xf32>, vector<16xi1>
        %broadcast_in_dim3A_237 = arith.constant 2 : i32
        %broadcast_in_dim3A_238 = vector.broadcast %broadcast_in_dim3A_237 : i32 to vector<16xi32>
        %gather3A_239 = tpu.vector_load_idx %arg8[%broadcast_in_dim3A_238, %select_n3A] masked %and3A : memref<64x640xf32, #tpu.memory_space<vmem>>[vector<16xi32>, vector<16xi32>], vector<16xf32>, vector<16xi1>
        tpu.vector_store_idx %arg13[%add3A_212, %broadcast_in_dim3A_238], %gather3A_239 masked %and3A : memref<192x128xf32, #tpu.memory_space<vmem>>[vector<16xi32>, vector<16xi32>], vector<16xf32>, vector<16xi1>
        %broadcast_in_dim3A_240 = arith.constant 3 : i32
        %broadcast_in_dim3A_241 = vector.broadcast %broadcast_in_dim3A_240 : i32 to vector<16xi32>
        %gather3A_242 = tpu.vector_load_idx %arg8[%broadcast_in_dim3A_241, %select_n3A] masked %and3A : memref<64x640xf32, #tpu.memory_space<vmem>>[vector<16xi32>, vector<16xi32>], vector<16xf32>, vector<16xi1>
        tpu.vector_store_idx %arg13[%add3A_212, %broadcast_in_dim3A_241], %gather3A_242 masked %and3A : memref<192x128xf32, #tpu.memory_space<vmem>>[vector<16xi32>, vector<16xi32>], vector<16xf32>, vector<16xi1>
        %broadcast_in_dim3A_243 = arith.constant 4 : i32
        %broadcast_in_dim3A_244 = vector.broadcast %broadcast_in_dim3A_243 : i32 to vector<16xi32>
        %gather3A_245 = tpu.vector_load_idx %arg8[%broadcast_in_dim3A_244, %select_n3A] masked %and3A : memref<64x640xf32, #tpu.memory_space<vmem>>[vector<16xi32>, vector<16xi32>], vector<16xf32>, vector<16xi1>
        tpu.vector_store_idx %arg13[%add3A_212, %broadcast_in_dim3A_244], %gather3A_245 masked %and3A : memref<192x128xf32, #tpu.memory_space<vmem>>[vector<16xi32>, vector<16xi32>], vector<16xf32>, vector<16xi1>
        %broadcast_in_dim3A_246 = arith.constant 5 : i32
        %broadcast_in_dim3A_247 = vector.broadcast %broadcast_in_dim3A_246 : i32 to vector<16xi32>
        %gather3A_248 = tpu.vector_load_idx %arg8[%broadcast_in_dim3A_247, %select_n3A] masked %and3A : memref<64x640xf32, #tpu.memory_space<vmem>>[vector<16xi32>, vector<16xi32>], vector<16xf32>, vector<16xi1>
        tpu.vector_store_idx %arg13[%add3A_212, %broadcast_in_dim3A_247], %gather3A_248 masked %and3A : memref<192x128xf32, #tpu.memory_space<vmem>>[vector<16xi32>, vector<16xi32>], vector<16xf32>, vector<16xi1>
        %broadcast_in_dim3A_249 = arith.constant 6 : i32
        %broadcast_in_dim3A_250 = vector.broadcast %broadcast_in_dim3A_249 : i32 to vector<16xi32>
        %gather3A_251 = tpu.vector_load_idx %arg8[%broadcast_in_dim3A_250, %select_n3A] masked %and3A : memref<64x640xf32, #tpu.memory_space<vmem>>[vector<16xi32>, vector<16xi32>], vector<16xf32>, vector<16xi1>
        tpu.vector_store_idx %arg13[%add3A_212, %broadcast_in_dim3A_250], %gather3A_251 masked %and3A : memref<192x128xf32, #tpu.memory_space<vmem>>[vector<16xi32>, vector<16xi32>], vector<16xf32>, vector<16xi1>
        %broadcast_in_dim3A_252 = arith.constant 7 : i32
        %broadcast_in_dim3A_253 = vector.broadcast %broadcast_in_dim3A_252 : i32 to vector<16xi32>
        %gather3A_254 = tpu.vector_load_idx %arg8[%broadcast_in_dim3A_253, %select_n3A] masked %and3A : memref<64x640xf32, #tpu.memory_space<vmem>>[vector<16xi32>, vector<16xi32>], vector<16xf32>, vector<16xi1>
        tpu.vector_store_idx %arg13[%add3A_212, %broadcast_in_dim3A_253], %gather3A_254 masked %and3A : memref<192x128xf32, #tpu.memory_space<vmem>>[vector<16xi32>, vector<16xi32>], vector<16xf32>, vector<16xi1>
        %broadcast_in_dim3A_255 = arith.constant 8 : i32
        %broadcast_in_dim3A_256 = vector.broadcast %broadcast_in_dim3A_255 : i32 to vector<16xi32>
        %gather3A_257 = tpu.vector_load_idx %arg8[%broadcast_in_dim3A_256, %select_n3A] masked %and3A : memref<64x640xf32, #tpu.memory_space<vmem>>[vector<16xi32>, vector<16xi32>], vector<16xf32>, vector<16xi1>
        tpu.vector_store_idx %arg13[%add3A_212, %broadcast_in_dim3A_256], %gather3A_257 masked %and3A : memref<192x128xf32, #tpu.memory_space<vmem>>[vector<16xi32>, vector<16xi32>], vector<16xf32>, vector<16xi1>
        %broadcast_in_dim3A_258 = arith.constant 9 : i32
        %broadcast_in_dim3A_259 = vector.broadcast %broadcast_in_dim3A_258 : i32 to vector<16xi32>
        %gather3A_260 = tpu.vector_load_idx %arg8[%broadcast_in_dim3A_259, %select_n3A] masked %and3A : memref<64x640xf32, #tpu.memory_space<vmem>>[vector<16xi32>, vector<16xi32>], vector<16xf32>, vector<16xi1>
        tpu.vector_store_idx %arg13[%add3A_212, %broadcast_in_dim3A_259], %gather3A_260 masked %and3A : memref<192x128xf32, #tpu.memory_space<vmem>>[vector<16xi32>, vector<16xi32>], vector<16xf32>, vector<16xi1>
        %broadcast_in_dim3A_261 = arith.constant 10 : i32
        %broadcast_in_dim3A_262 = vector.broadcast %broadcast_in_dim3A_261 : i32 to vector<16xi32>
        %gather3A_263 = tpu.vector_load_idx %arg8[%broadcast_in_dim3A_262, %select_n3A] masked %and3A : memref<64x640xf32, #tpu.memory_space<vmem>>[vector<16xi32>, vector<16xi32>], vector<16xf32>, vector<16xi1>
        tpu.vector_store_idx %arg13[%add3A_212, %broadcast_in_dim3A_262], %gather3A_263 masked %and3A : memref<192x128xf32, #tpu.memory_space<vmem>>[vector<16xi32>, vector<16xi32>], vector<16xf32>, vector<16xi1>
        %broadcast_in_dim3A_264 = arith.constant 11 : i32
        %broadcast_in_dim3A_265 = vector.broadcast %broadcast_in_dim3A_264 : i32 to vector<16xi32>
        %gather3A_266 = tpu.vector_load_idx %arg8[%broadcast_in_dim3A_265, %select_n3A] masked %and3A : memref<64x640xf32, #tpu.memory_space<vmem>>[vector<16xi32>, vector<16xi32>], vector<16xf32>, vector<16xi1>
        tpu.vector_store_idx %arg13[%add3A_212, %broadcast_in_dim3A_265], %gather3A_266 masked %and3A : memref<192x128xf32, #tpu.memory_space<vmem>>[vector<16xi32>, vector<16xi32>], vector<16xf32>, vector<16xi1>
        %broadcast_in_dim3A_267 = arith.constant 12 : i32
        %broadcast_in_dim3A_268 = vector.broadcast %broadcast_in_dim3A_267 : i32 to vector<16xi32>
        %gather3A_269 = tpu.vector_load_idx %arg8[%broadcast_in_dim3A_268, %select_n3A] masked %and3A : memref<64x640xf32, #tpu.memory_space<vmem>>[vector<16xi32>, vector<16xi32>], vector<16xf32>, vector<16xi1>
        tpu.vector_store_idx %arg13[%add3A_212, %broadcast_in_dim3A_268], %gather3A_269 masked %and3A : memref<192x128xf32, #tpu.memory_space<vmem>>[vector<16xi32>, vector<16xi32>], vector<16xf32>, vector<16xi1>
        %broadcast_in_dim3A_270 = arith.constant 13 : i32
        %broadcast_in_dim3A_271 = vector.broadcast %broadcast_in_dim3A_270 : i32 to vector<16xi32>
        %gather3A_272 = tpu.vector_load_idx %arg8[%broadcast_in_dim3A_271, %select_n3A] masked %and3A : memref<64x640xf32, #tpu.memory_space<vmem>>[vector<16xi32>, vector<16xi32>], vector<16xf32>, vector<16xi1>
        tpu.vector_store_idx %arg13[%add3A_212, %broadcast_in_dim3A_271], %gather3A_272 masked %and3A : memref<192x128xf32, #tpu.memory_space<vmem>>[vector<16xi32>, vector<16xi32>], vector<16xf32>, vector<16xi1>
        %broadcast_in_dim3A_273 = arith.constant 14 : i32
        %broadcast_in_dim3A_274 = vector.broadcast %broadcast_in_dim3A_273 : i32 to vector<16xi32>
        %gather3A_275 = tpu.vector_load_idx %arg8[%broadcast_in_dim3A_274, %select_n3A] masked %and3A : memref<64x640xf32, #tpu.memory_space<vmem>>[vector<16xi32>, vector<16xi32>], vector<16xf32>, vector<16xi1>
        tpu.vector_store_idx %arg13[%add3A_212, %broadcast_in_dim3A_274], %gather3A_275 masked %and3A : memref<192x128xf32, #tpu.memory_space<vmem>>[vector<16xi32>, vector<16xi32>], vector<16xf32>, vector<16xi1>
        %broadcast_in_dim3A_276 = arith.constant 15 : i32
        %broadcast_in_dim3A_277 = vector.broadcast %broadcast_in_dim3A_276 : i32 to vector<16xi32>
        %gather3A_278 = tpu.vector_load_idx %arg8[%broadcast_in_dim3A_277, %select_n3A] masked %and3A : memref<64x640xf32, #tpu.memory_space<vmem>>[vector<16xi32>, vector<16xi32>], vector<16xf32>, vector<16xi1>
        tpu.vector_store_idx %arg13[%add3A_212, %broadcast_in_dim3A_277], %gather3A_278 masked %and3A : memref<192x128xf32, #tpu.memory_space<vmem>>[vector<16xi32>, vector<16xi32>], vector<16xf32>, vector<16xi1>
        %broadcast_in_dim3A_279 = arith.constant 16 : i32
        %broadcast_in_dim3A_280 = vector.broadcast %broadcast_in_dim3A_279 : i32 to vector<16xi32>
        %gather3A_281 = tpu.vector_load_idx %arg8[%broadcast_in_dim3A_280, %select_n3A] masked %and3A : memref<64x640xf32, #tpu.memory_space<vmem>>[vector<16xi32>, vector<16xi32>], vector<16xf32>, vector<16xi1>
        tpu.vector_store_idx %arg13[%add3A_212, %broadcast_in_dim3A_280], %gather3A_281 masked %and3A : memref<192x128xf32, #tpu.memory_space<vmem>>[vector<16xi32>, vector<16xi32>], vector<16xf32>, vector<16xi1>
        %broadcast_in_dim3A_282 = arith.constant 17 : i32
        %broadcast_in_dim3A_283 = vector.broadcast %broadcast_in_dim3A_282 : i32 to vector<16xi32>
        %gather3A_284 = tpu.vector_load_idx %arg8[%broadcast_in_dim3A_283, %select_n3A] masked %and3A : memref<64x640xf32, #tpu.memory_space<vmem>>[vector<16xi32>, vector<16xi32>], vector<16xf32>, vector<16xi1>
        tpu.vector_store_idx %arg13[%add3A_212, %broadcast_in_dim3A_283], %gather3A_284 masked %and3A : memref<192x128xf32, #tpu.memory_space<vmem>>[vector<16xi32>, vector<16xi32>], vector<16xf32>, vector<16xi1>
        %broadcast_in_dim3A_285 = arith.constant 18 : i32
        %broadcast_in_dim3A_286 = vector.broadcast %broadcast_in_dim3A_285 : i32 to vector<16xi32>
        %gather3A_287 = tpu.vector_load_idx %arg8[%broadcast_in_dim3A_286, %select_n3A] masked %and3A : memref<64x640xf32, #tpu.memory_space<vmem>>[vector<16xi32>, vector<16xi32>], vector<16xf32>, vector<16xi1>
        tpu.vector_store_idx %arg13[%add3A_212, %broadcast_in_dim3A_286], %gather3A_287 masked %and3A : memref<192x128xf32, #tpu.memory_space<vmem>>[vector<16xi32>, vector<16xi32>], vector<16xf32>, vector<16xi1>
        %broadcast_in_dim3A_288 = arith.constant 19 : i32
        %broadcast_in_dim3A_289 = vector.broadcast %broadcast_in_dim3A_288 : i32 to vector<16xi32>
        %gather3A_290 = tpu.vector_load_idx %arg8[%broadcast_in_dim3A_289, %select_n3A] masked %and3A : memref<64x640xf32, #tpu.memory_space<vmem>>[vector<16xi32>, vector<16xi32>], vector<16xf32>, vector<16xi1>
        tpu.vector_store_idx %arg13[%add3A_212, %broadcast_in_dim3A_289], %gather3A_290 masked %and3A : memref<192x128xf32, #tpu.memory_space<vmem>>[vector<16xi32>, vector<16xi32>], vector<16xf32>, vector<16xi1>
        %broadcast_in_dim3A_291 = arith.constant 20 : i32
        %broadcast_in_dim3A_292 = vector.broadcast %broadcast_in_dim3A_291 : i32 to vector<16xi32>
        %gather3A_293 = tpu.vector_load_idx %arg8[%broadcast_in_dim3A_292, %select_n3A] masked %and3A : memref<64x640xf32, #tpu.memory_space<vmem>>[vector<16xi32>, vector<16xi32>], vector<16xf32>, vector<16xi1>
        tpu.vector_store_idx %arg13[%add3A_212, %broadcast_in_dim3A_292], %gather3A_293 masked %and3A : memref<192x128xf32, #tpu.memory_space<vmem>>[vector<16xi32>, vector<16xi32>], vector<16xf32>, vector<16xi1>
        %broadcast_in_dim3A_294 = arith.constant 21 : i32
        %broadcast_in_dim3A_295 = vector.broadcast %broadcast_in_dim3A_294 : i32 to vector<16xi32>
        %gather3A_296 = tpu.vector_load_idx %arg8[%broadcast_in_dim3A_295, %select_n3A] masked %and3A : memref<64x640xf32, #tpu.memory_space<vmem>>[vector<16xi32>, vector<16xi32>], vector<16xf32>, vector<16xi1>
        tpu.vector_store_idx %arg13[%add3A_212, %broadcast_in_dim3A_295], %gather3A_296 masked %and3A : memref<192x128xf32, #tpu.memory_space<vmem>>[vector<16xi32>, vector<16xi32>], vector<16xf32>, vector<16xi1>
        %broadcast_in_dim3A_297 = arith.constant 22 : i32
        %broadcast_in_dim3A_298 = vector.broadcast %broadcast_in_dim3A_297 : i32 to vector<16xi32>
        %gather3A_299 = tpu.vector_load_idx %arg8[%broadcast_in_dim3A_298, %select_n3A] masked %and3A : memref<64x640xf32, #tpu.memory_space<vmem>>[vector<16xi32>, vector<16xi32>], vector<16xf32>, vector<16xi1>
        tpu.vector_store_idx %arg13[%add3A_212, %broadcast_in_dim3A_298], %gather3A_299 masked %and3A : memref<192x128xf32, #tpu.memory_space<vmem>>[vector<16xi32>, vector<16xi32>], vector<16xf32>, vector<16xi1>
        %broadcast_in_dim3A_300 = arith.constant 23 : i32
        %broadcast_in_dim3A_301 = vector.broadcast %broadcast_in_dim3A_300 : i32 to vector<16xi32>
        %gather3A_302 = tpu.vector_load_idx %arg8[%broadcast_in_dim3A_301, %select_n3A] masked %and3A : memref<64x640xf32, #tpu.memory_space<vmem>>[vector<16xi32>, vector<16xi32>], vector<16xf32>, vector<16xi1>
        tpu.vector_store_idx %arg13[%add3A_212, %broadcast_in_dim3A_301], %gather3A_302 masked %and3A : memref<192x128xf32, #tpu.memory_space<vmem>>[vector<16xi32>, vector<16xi32>], vector<16xf32>, vector<16xi1>
        %broadcast_in_dim3A_303 = arith.constant 24 : i32
        %broadcast_in_dim3A_304 = vector.broadcast %broadcast_in_dim3A_303 : i32 to vector<16xi32>
        %gather3A_305 = tpu.vector_load_idx %arg8[%broadcast_in_dim3A_304, %select_n3A] masked %and3A : memref<64x640xf32, #tpu.memory_space<vmem>>[vector<16xi32>, vector<16xi32>], vector<16xf32>, vector<16xi1>
        tpu.vector_store_idx %arg13[%add3A_212, %broadcast_in_dim3A_304], %gather3A_305 masked %and3A : memref<192x128xf32, #tpu.memory_space<vmem>>[vector<16xi32>, vector<16xi32>], vector<16xf32>, vector<16xi1>
        %broadcast_in_dim3A_306 = arith.constant 25 : i32
        %broadcast_in_dim3A_307 = vector.broadcast %broadcast_in_dim3A_306 : i32 to vector<16xi32>
        %gather3A_308 = tpu.vector_load_idx %arg8[%broadcast_in_dim3A_307, %select_n3A] masked %and3A : memref<64x640xf32, #tpu.memory_space<vmem>>[vector<16xi32>, vector<16xi32>], vector<16xf32>, vector<16xi1>
        tpu.vector_store_idx %arg13[%add3A_212, %broadcast_in_dim3A_307], %gather3A_308 masked %and3A : memref<192x128xf32, #tpu.memory_space<vmem>>[vector<16xi32>, vector<16xi32>], vector<16xf32>, vector<16xi1>
        %broadcast_in_dim3A_309 = arith.constant 26 : i32
        %broadcast_in_dim3A_310 = vector.broadcast %broadcast_in_dim3A_309 : i32 to vector<16xi32>
        %gather3A_311 = tpu.vector_load_idx %arg8[%broadcast_in_dim3A_310, %select_n3A] masked %and3A : memref<64x640xf32, #tpu.memory_space<vmem>>[vector<16xi32>, vector<16xi32>], vector<16xf32>, vector<16xi1>
        tpu.vector_store_idx %arg13[%add3A_212, %broadcast_in_dim3A_310], %gather3A_311 masked %and3A : memref<192x128xf32, #tpu.memory_space<vmem>>[vector<16xi32>, vector<16xi32>], vector<16xf32>, vector<16xi1>
        %broadcast_in_dim3A_312 = arith.constant 27 : i32
        %broadcast_in_dim3A_313 = vector.broadcast %broadcast_in_dim3A_312 : i32 to vector<16xi32>
        %gather3A_314 = tpu.vector_load_idx %arg8[%broadcast_in_dim3A_313, %select_n3A] masked %and3A : memref<64x640xf32, #tpu.memory_space<vmem>>[vector<16xi32>, vector<16xi32>], vector<16xf32>, vector<16xi1>
        tpu.vector_store_idx %arg13[%add3A_212, %broadcast_in_dim3A_313], %gather3A_314 masked %and3A : memref<192x128xf32, #tpu.memory_space<vmem>>[vector<16xi32>, vector<16xi32>], vector<16xf32>, vector<16xi1>
        %broadcast_in_dim3A_315 = arith.constant 28 : i32
        %broadcast_in_dim3A_316 = vector.broadcast %broadcast_in_dim3A_315 : i32 to vector<16xi32>
        %gather3A_317 = tpu.vector_load_idx %arg8[%broadcast_in_dim3A_316, %select_n3A] masked %and3A : memref<64x640xf32, #tpu.memory_space<vmem>>[vector<16xi32>, vector<16xi32>], vector<16xf32>, vector<16xi1>
        tpu.vector_store_idx %arg13[%add3A_212, %broadcast_in_dim3A_316], %gather3A_317 masked %and3A : memref<192x128xf32, #tpu.memory_space<vmem>>[vector<16xi32>, vector<16xi32>], vector<16xf32>, vector<16xi1>
        %broadcast_in_dim3A_318 = arith.constant 29 : i32
        %broadcast_in_dim3A_319 = vector.broadcast %broadcast_in_dim3A_318 : i32 to vector<16xi32>
        %gather3A_320 = tpu.vector_load_idx %arg8[%broadcast_in_dim3A_319, %select_n3A] masked %and3A : memref<64x640xf32, #tpu.memory_space<vmem>>[vector<16xi32>, vector<16xi32>], vector<16xf32>, vector<16xi1>
        tpu.vector_store_idx %arg13[%add3A_212, %broadcast_in_dim3A_319], %gather3A_320 masked %and3A : memref<192x128xf32, #tpu.memory_space<vmem>>[vector<16xi32>, vector<16xi32>], vector<16xf32>, vector<16xi1>
        %broadcast_in_dim3A_321 = arith.constant 30 : i32
        %broadcast_in_dim3A_322 = vector.broadcast %broadcast_in_dim3A_321 : i32 to vector<16xi32>
        %gather3A_323 = tpu.vector_load_idx %arg8[%broadcast_in_dim3A_322, %select_n3A] masked %and3A : memref<64x640xf32, #tpu.memory_space<vmem>>[vector<16xi32>, vector<16xi32>], vector<16xf32>, vector<16xi1>
        tpu.vector_store_idx %arg13[%add3A_212, %broadcast_in_dim3A_322], %gather3A_323 masked %and3A : memref<192x128xf32, #tpu.memory_space<vmem>>[vector<16xi32>, vector<16xi32>], vector<16xf32>, vector<16xi1>
        %broadcast_in_dim3A_324 = arith.constant 31 : i32
        %broadcast_in_dim3A_325 = vector.broadcast %broadcast_in_dim3A_324 : i32 to vector<16xi32>
        %gather3A_326 = tpu.vector_load_idx %arg8[%broadcast_in_dim3A_325, %select_n3A] masked %and3A : memref<64x640xf32, #tpu.memory_space<vmem>>[vector<16xi32>, vector<16xi32>], vector<16xf32>, vector<16xi1>
        tpu.vector_store_idx %arg13[%add3A_212, %broadcast_in_dim3A_325], %gather3A_326 masked %and3A : memref<192x128xf32, #tpu.memory_space<vmem>>[vector<16xi32>, vector<16xi32>], vector<16xf32>, vector<16xi1>
        %broadcast_in_dim3A_327 = arith.constant 32 : i32
        %broadcast_in_dim3A_328 = vector.broadcast %broadcast_in_dim3A_327 : i32 to vector<16xi32>
        %gather3A_329 = tpu.vector_load_idx %arg8[%broadcast_in_dim3A_328, %select_n3A] masked %and3A : memref<64x640xf32, #tpu.memory_space<vmem>>[vector<16xi32>, vector<16xi32>], vector<16xf32>, vector<16xi1>
        tpu.vector_store_idx %arg13[%add3A_212, %broadcast_in_dim3A_328], %gather3A_329 masked %and3A : memref<192x128xf32, #tpu.memory_space<vmem>>[vector<16xi32>, vector<16xi32>], vector<16xf32>, vector<16xi1>
        %broadcast_in_dim3A_330 = arith.constant 33 : i32
        %broadcast_in_dim3A_331 = vector.broadcast %broadcast_in_dim3A_330 : i32 to vector<16xi32>
        %gather3A_332 = tpu.vector_load_idx %arg8[%broadcast_in_dim3A_331, %select_n3A] masked %and3A : memref<64x640xf32, #tpu.memory_space<vmem>>[vector<16xi32>, vector<16xi32>], vector<16xf32>, vector<16xi1>
        tpu.vector_store_idx %arg13[%add3A_212, %broadcast_in_dim3A_331], %gather3A_332 masked %and3A : memref<192x128xf32, #tpu.memory_space<vmem>>[vector<16xi32>, vector<16xi32>], vector<16xf32>, vector<16xi1>
        %broadcast_in_dim3A_333 = arith.constant 34 : i32
        %broadcast_in_dim3A_334 = vector.broadcast %broadcast_in_dim3A_333 : i32 to vector<16xi32>
        %gather3A_335 = tpu.vector_load_idx %arg8[%broadcast_in_dim3A_334, %select_n3A] masked %and3A : memref<64x640xf32, #tpu.memory_space<vmem>>[vector<16xi32>, vector<16xi32>], vector<16xf32>, vector<16xi1>
        tpu.vector_store_idx %arg13[%add3A_212, %broadcast_in_dim3A_334], %gather3A_335 masked %and3A : memref<192x128xf32, #tpu.memory_space<vmem>>[vector<16xi32>, vector<16xi32>], vector<16xf32>, vector<16xi1>
        %broadcast_in_dim3A_336 = arith.constant 35 : i32
        %broadcast_in_dim3A_337 = vector.broadcast %broadcast_in_dim3A_336 : i32 to vector<16xi32>
        %gather3A_338 = tpu.vector_load_idx %arg8[%broadcast_in_dim3A_337, %select_n3A] masked %and3A : memref<64x640xf32, #tpu.memory_space<vmem>>[vector<16xi32>, vector<16xi32>], vector<16xf32>, vector<16xi1>
        tpu.vector_store_idx %arg13[%add3A_212, %broadcast_in_dim3A_337], %gather3A_338 masked %and3A : memref<192x128xf32, #tpu.memory_space<vmem>>[vector<16xi32>, vector<16xi32>], vector<16xf32>, vector<16xi1>
        %broadcast_in_dim3A_339 = arith.constant 36 : i32
        %broadcast_in_dim3A_340 = vector.broadcast %broadcast_in_dim3A_339 : i32 to vector<16xi32>
        %gather3A_341 = tpu.vector_load_idx %arg8[%broadcast_in_dim3A_340, %select_n3A] masked %and3A : memref<64x640xf32, #tpu.memory_space<vmem>>[vector<16xi32>, vector<16xi32>], vector<16xf32>, vector<16xi1>
        tpu.vector_store_idx %arg13[%add3A_212, %broadcast_in_dim3A_340], %gather3A_341 masked %and3A : memref<192x128xf32, #tpu.memory_space<vmem>>[vector<16xi32>, vector<16xi32>], vector<16xf32>, vector<16xi1>
        %broadcast_in_dim3A_342 = arith.constant 37 : i32
        %broadcast_in_dim3A_343 = vector.broadcast %broadcast_in_dim3A_342 : i32 to vector<16xi32>
        %gather3A_344 = tpu.vector_load_idx %arg8[%broadcast_in_dim3A_343, %select_n3A] masked %and3A : memref<64x640xf32, #tpu.memory_space<vmem>>[vector<16xi32>, vector<16xi32>], vector<16xf32>, vector<16xi1>
        tpu.vector_store_idx %arg13[%add3A_212, %broadcast_in_dim3A_343], %gather3A_344 masked %and3A : memref<192x128xf32, #tpu.memory_space<vmem>>[vector<16xi32>, vector<16xi32>], vector<16xf32>, vector<16xi1>
        %broadcast_in_dim3A_345 = arith.constant 38 : i32
        %broadcast_in_dim3A_346 = vector.broadcast %broadcast_in_dim3A_345 : i32 to vector<16xi32>
        %gather3A_347 = tpu.vector_load_idx %arg8[%broadcast_in_dim3A_346, %select_n3A] masked %and3A : memref<64x640xf32, #tpu.memory_space<vmem>>[vector<16xi32>, vector<16xi32>], vector<16xf32>, vector<16xi1>
        tpu.vector_store_idx %arg13[%add3A_212, %broadcast_in_dim3A_346], %gather3A_347 masked %and3A : memref<192x128xf32, #tpu.memory_space<vmem>>[vector<16xi32>, vector<16xi32>], vector<16xf32>, vector<16xi1>
        %broadcast_in_dim3A_348 = arith.constant 39 : i32
        %broadcast_in_dim3A_349 = vector.broadcast %broadcast_in_dim3A_348 : i32 to vector<16xi32>
        %gather3A_350 = tpu.vector_load_idx %arg8[%broadcast_in_dim3A_349, %select_n3A] masked %and3A : memref<64x640xf32, #tpu.memory_space<vmem>>[vector<16xi32>, vector<16xi32>], vector<16xf32>, vector<16xi1>
        tpu.vector_store_idx %arg13[%add3A_212, %broadcast_in_dim3A_349], %gather3A_350 masked %and3A : memref<192x128xf32, #tpu.memory_space<vmem>>[vector<16xi32>, vector<16xi32>], vector<16xf32>, vector<16xi1>
        %broadcast_in_dim3A_351 = arith.constant 40 : i32
        %broadcast_in_dim3A_352 = vector.broadcast %broadcast_in_dim3A_351 : i32 to vector<16xi32>
        %gather3A_353 = tpu.vector_load_idx %arg8[%broadcast_in_dim3A_352, %select_n3A] masked %and3A : memref<64x640xf32, #tpu.memory_space<vmem>>[vector<16xi32>, vector<16xi32>], vector<16xf32>, vector<16xi1>
        tpu.vector_store_idx %arg13[%add3A_212, %broadcast_in_dim3A_352], %gather3A_353 masked %and3A : memref<192x128xf32, #tpu.memory_space<vmem>>[vector<16xi32>, vector<16xi32>], vector<16xf32>, vector<16xi1>
        %broadcast_in_dim3A_354 = arith.constant 41 : i32
        %broadcast_in_dim3A_355 = vector.broadcast %broadcast_in_dim3A_354 : i32 to vector<16xi32>
        %gather3A_356 = tpu.vector_load_idx %arg8[%broadcast_in_dim3A_355, %select_n3A] masked %and3A : memref<64x640xf32, #tpu.memory_space<vmem>>[vector<16xi32>, vector<16xi32>], vector<16xf32>, vector<16xi1>
        tpu.vector_store_idx %arg13[%add3A_212, %broadcast_in_dim3A_355], %gather3A_356 masked %and3A : memref<192x128xf32, #tpu.memory_space<vmem>>[vector<16xi32>, vector<16xi32>], vector<16xf32>, vector<16xi1>
        %broadcast_in_dim3A_357 = arith.constant 42 : i32
        %broadcast_in_dim3A_358 = vector.broadcast %broadcast_in_dim3A_357 : i32 to vector<16xi32>
        %gather3A_359 = tpu.vector_load_idx %arg8[%broadcast_in_dim3A_358, %select_n3A] masked %and3A : memref<64x640xf32, #tpu.memory_space<vmem>>[vector<16xi32>, vector<16xi32>], vector<16xf32>, vector<16xi1>
        tpu.vector_store_idx %arg13[%add3A_212, %broadcast_in_dim3A_358], %gather3A_359 masked %and3A : memref<192x128xf32, #tpu.memory_space<vmem>>[vector<16xi32>, vector<16xi32>], vector<16xf32>, vector<16xi1>
        %broadcast_in_dim3A_360 = arith.constant 43 : i32
        %broadcast_in_dim3A_361 = vector.broadcast %broadcast_in_dim3A_360 : i32 to vector<16xi32>
        %gather3A_362 = tpu.vector_load_idx %arg8[%broadcast_in_dim3A_361, %select_n3A] masked %and3A : memref<64x640xf32, #tpu.memory_space<vmem>>[vector<16xi32>, vector<16xi32>], vector<16xf32>, vector<16xi1>
        tpu.vector_store_idx %arg13[%add3A_212, %broadcast_in_dim3A_361], %gather3A_362 masked %and3A : memref<192x128xf32, #tpu.memory_space<vmem>>[vector<16xi32>, vector<16xi32>], vector<16xf32>, vector<16xi1>
        %broadcast_in_dim3A_363 = arith.constant 44 : i32
        %broadcast_in_dim3A_364 = vector.broadcast %broadcast_in_dim3A_363 : i32 to vector<16xi32>
        %gather3A_365 = tpu.vector_load_idx %arg8[%broadcast_in_dim3A_364, %select_n3A] masked %and3A : memref<64x640xf32, #tpu.memory_space<vmem>>[vector<16xi32>, vector<16xi32>], vector<16xf32>, vector<16xi1>
        tpu.vector_store_idx %arg13[%add3A_212, %broadcast_in_dim3A_364], %gather3A_365 masked %and3A : memref<192x128xf32, #tpu.memory_space<vmem>>[vector<16xi32>, vector<16xi32>], vector<16xf32>, vector<16xi1>
        %broadcast_in_dim3A_366 = arith.constant 45 : i32
        %broadcast_in_dim3A_367 = vector.broadcast %broadcast_in_dim3A_366 : i32 to vector<16xi32>
        %gather3A_368 = tpu.vector_load_idx %arg8[%broadcast_in_dim3A_367, %select_n3A] masked %and3A : memref<64x640xf32, #tpu.memory_space<vmem>>[vector<16xi32>, vector<16xi32>], vector<16xf32>, vector<16xi1>
        tpu.vector_store_idx %arg13[%add3A_212, %broadcast_in_dim3A_367], %gather3A_368 masked %and3A : memref<192x128xf32, #tpu.memory_space<vmem>>[vector<16xi32>, vector<16xi32>], vector<16xf32>, vector<16xi1>
        %broadcast_in_dim3A_369 = arith.constant 46 : i32
        %broadcast_in_dim3A_370 = vector.broadcast %broadcast_in_dim3A_369 : i32 to vector<16xi32>
        %gather3A_371 = tpu.vector_load_idx %arg8[%broadcast_in_dim3A_370, %select_n3A] masked %and3A : memref<64x640xf32, #tpu.memory_space<vmem>>[vector<16xi32>, vector<16xi32>], vector<16xf32>, vector<16xi1>
        tpu.vector_store_idx %arg13[%add3A_212, %broadcast_in_dim3A_370], %gather3A_371 masked %and3A : memref<192x128xf32, #tpu.memory_space<vmem>>[vector<16xi32>, vector<16xi32>], vector<16xf32>, vector<16xi1>
        %broadcast_in_dim3A_372 = arith.constant 47 : i32
        %broadcast_in_dim3A_373 = vector.broadcast %broadcast_in_dim3A_372 : i32 to vector<16xi32>
        %gather3A_374 = tpu.vector_load_idx %arg8[%broadcast_in_dim3A_373, %select_n3A] masked %and3A : memref<64x640xf32, #tpu.memory_space<vmem>>[vector<16xi32>, vector<16xi32>], vector<16xf32>, vector<16xi1>
        tpu.vector_store_idx %arg13[%add3A_212, %broadcast_in_dim3A_373], %gather3A_374 masked %and3A : memref<192x128xf32, #tpu.memory_space<vmem>>[vector<16xi32>, vector<16xi32>], vector<16xf32>, vector<16xi1>
        %broadcast_in_dim3A_375 = arith.constant 48 : i32
        %broadcast_in_dim3A_376 = vector.broadcast %broadcast_in_dim3A_375 : i32 to vector<16xi32>
        %gather3A_377 = tpu.vector_load_idx %arg8[%broadcast_in_dim3A_376, %select_n3A] masked %and3A : memref<64x640xf32, #tpu.memory_space<vmem>>[vector<16xi32>, vector<16xi32>], vector<16xf32>, vector<16xi1>
        tpu.vector_store_idx %arg13[%add3A_212, %broadcast_in_dim3A_376], %gather3A_377 masked %and3A : memref<192x128xf32, #tpu.memory_space<vmem>>[vector<16xi32>, vector<16xi32>], vector<16xf32>, vector<16xi1>
        %broadcast_in_dim3A_378 = arith.constant 49 : i32
        %broadcast_in_dim3A_379 = vector.broadcast %broadcast_in_dim3A_378 : i32 to vector<16xi32>
        %gather3A_380 = tpu.vector_load_idx %arg8[%broadcast_in_dim3A_379, %select_n3A] masked %and3A : memref<64x640xf32, #tpu.memory_space<vmem>>[vector<16xi32>, vector<16xi32>], vector<16xf32>, vector<16xi1>
        tpu.vector_store_idx %arg13[%add3A_212, %broadcast_in_dim3A_379], %gather3A_380 masked %and3A : memref<192x128xf32, #tpu.memory_space<vmem>>[vector<16xi32>, vector<16xi32>], vector<16xf32>, vector<16xi1>
        %broadcast_in_dim3A_381 = arith.constant 50 : i32
        %broadcast_in_dim3A_382 = vector.broadcast %broadcast_in_dim3A_381 : i32 to vector<16xi32>
        %gather3A_383 = tpu.vector_load_idx %arg8[%broadcast_in_dim3A_382, %select_n3A] masked %and3A : memref<64x640xf32, #tpu.memory_space<vmem>>[vector<16xi32>, vector<16xi32>], vector<16xf32>, vector<16xi1>
        tpu.vector_store_idx %arg13[%add3A_212, %broadcast_in_dim3A_382], %gather3A_383 masked %and3A : memref<192x128xf32, #tpu.memory_space<vmem>>[vector<16xi32>, vector<16xi32>], vector<16xf32>, vector<16xi1>
        %broadcast_in_dim3A_384 = arith.constant 51 : i32
        %broadcast_in_dim3A_385 = vector.broadcast %broadcast_in_dim3A_384 : i32 to vector<16xi32>
        %gather3A_386 = tpu.vector_load_idx %arg8[%broadcast_in_dim3A_385, %select_n3A] masked %and3A : memref<64x640xf32, #tpu.memory_space<vmem>>[vector<16xi32>, vector<16xi32>], vector<16xf32>, vector<16xi1>
        tpu.vector_store_idx %arg13[%add3A_212, %broadcast_in_dim3A_385], %gather3A_386 masked %and3A : memref<192x128xf32, #tpu.memory_space<vmem>>[vector<16xi32>, vector<16xi32>], vector<16xf32>, vector<16xi1>
        %broadcast_in_dim3A_387 = arith.constant 52 : i32
        %broadcast_in_dim3A_388 = vector.broadcast %broadcast_in_dim3A_387 : i32 to vector<16xi32>
        %gather3A_389 = tpu.vector_load_idx %arg8[%broadcast_in_dim3A_388, %select_n3A] masked %and3A : memref<64x640xf32, #tpu.memory_space<vmem>>[vector<16xi32>, vector<16xi32>], vector<16xf32>, vector<16xi1>
        tpu.vector_store_idx %arg13[%add3A_212, %broadcast_in_dim3A_388], %gather3A_389 masked %and3A : memref<192x128xf32, #tpu.memory_space<vmem>>[vector<16xi32>, vector<16xi32>], vector<16xf32>, vector<16xi1>
        %broadcast_in_dim3A_390 = arith.constant 53 : i32
        %broadcast_in_dim3A_391 = vector.broadcast %broadcast_in_dim3A_390 : i32 to vector<16xi32>
        %gather3A_392 = tpu.vector_load_idx %arg8[%broadcast_in_dim3A_391, %select_n3A] masked %and3A : memref<64x640xf32, #tpu.memory_space<vmem>>[vector<16xi32>, vector<16xi32>], vector<16xf32>, vector<16xi1>
        tpu.vector_store_idx %arg13[%add3A_212, %broadcast_in_dim3A_391], %gather3A_392 masked %and3A : memref<192x128xf32, #tpu.memory_space<vmem>>[vector<16xi32>, vector<16xi32>], vector<16xf32>, vector<16xi1>
        %broadcast_in_dim3A_393 = arith.constant 54 : i32
        %broadcast_in_dim3A_394 = vector.broadcast %broadcast_in_dim3A_393 : i32 to vector<16xi32>
        %gather3A_395 = tpu.vector_load_idx %arg8[%broadcast_in_dim3A_394, %select_n3A] masked %and3A : memref<64x640xf32, #tpu.memory_space<vmem>>[vector<16xi32>, vector<16xi32>], vector<16xf32>, vector<16xi1>
        tpu.vector_store_idx %arg13[%add3A_212, %broadcast_in_dim3A_394], %gather3A_395 masked %and3A : memref<192x128xf32, #tpu.memory_space<vmem>>[vector<16xi32>, vector<16xi32>], vector<16xf32>, vector<16xi1>
        %broadcast_in_dim3A_396 = arith.constant 55 : i32
        %broadcast_in_dim3A_397 = vector.broadcast %broadcast_in_dim3A_396 : i32 to vector<16xi32>
        %gather3A_398 = tpu.vector_load_idx %arg8[%broadcast_in_dim3A_397, %select_n3A] masked %and3A : memref<64x640xf32, #tpu.memory_space<vmem>>[vector<16xi32>, vector<16xi32>], vector<16xf32>, vector<16xi1>
        tpu.vector_store_idx %arg13[%add3A_212, %broadcast_in_dim3A_397], %gather3A_398 masked %and3A : memref<192x128xf32, #tpu.memory_space<vmem>>[vector<16xi32>, vector<16xi32>], vector<16xf32>, vector<16xi1>
        %broadcast_in_dim3A_399 = arith.constant 56 : i32
        %broadcast_in_dim3A_400 = vector.broadcast %broadcast_in_dim3A_399 : i32 to vector<16xi32>
        %gather3A_401 = tpu.vector_load_idx %arg8[%broadcast_in_dim3A_400, %select_n3A] masked %and3A : memref<64x640xf32, #tpu.memory_space<vmem>>[vector<16xi32>, vector<16xi32>], vector<16xf32>, vector<16xi1>
        tpu.vector_store_idx %arg13[%add3A_212, %broadcast_in_dim3A_400], %gather3A_401 masked %and3A : memref<192x128xf32, #tpu.memory_space<vmem>>[vector<16xi32>, vector<16xi32>], vector<16xf32>, vector<16xi1>
        %broadcast_in_dim3A_402 = arith.constant 57 : i32
        %broadcast_in_dim3A_403 = vector.broadcast %broadcast_in_dim3A_402 : i32 to vector<16xi32>
        %gather3A_404 = tpu.vector_load_idx %arg8[%broadcast_in_dim3A_403, %select_n3A] masked %and3A : memref<64x640xf32, #tpu.memory_space<vmem>>[vector<16xi32>, vector<16xi32>], vector<16xf32>, vector<16xi1>
        tpu.vector_store_idx %arg13[%add3A_212, %broadcast_in_dim3A_403], %gather3A_404 masked %and3A : memref<192x128xf32, #tpu.memory_space<vmem>>[vector<16xi32>, vector<16xi32>], vector<16xf32>, vector<16xi1>
        %broadcast_in_dim3A_405 = arith.constant 58 : i32
        %broadcast_in_dim3A_406 = vector.broadcast %broadcast_in_dim3A_405 : i32 to vector<16xi32>
        %gather3A_407 = tpu.vector_load_idx %arg8[%broadcast_in_dim3A_406, %select_n3A] masked %and3A : memref<64x640xf32, #tpu.memory_space<vmem>>[vector<16xi32>, vector<16xi32>], vector<16xf32>, vector<16xi1>
        tpu.vector_store_idx %arg13[%add3A_212, %broadcast_in_dim3A_406], %gather3A_407 masked %and3A : memref<192x128xf32, #tpu.memory_space<vmem>>[vector<16xi32>, vector<16xi32>], vector<16xf32>, vector<16xi1>
        %broadcast_in_dim3A_408 = arith.constant 59 : i32
        %broadcast_in_dim3A_409 = vector.broadcast %broadcast_in_dim3A_408 : i32 to vector<16xi32>
        %gather3A_410 = tpu.vector_load_idx %arg8[%broadcast_in_dim3A_409, %select_n3A] masked %and3A : memref<64x640xf32, #tpu.memory_space<vmem>>[vector<16xi32>, vector<16xi32>], vector<16xf32>, vector<16xi1>
        tpu.vector_store_idx %arg13[%add3A_212, %broadcast_in_dim3A_409], %gather3A_410 masked %and3A : memref<192x128xf32, #tpu.memory_space<vmem>>[vector<16xi32>, vector<16xi32>], vector<16xf32>, vector<16xi1>
        %broadcast_in_dim3A_411 = arith.constant 60 : i32
        %broadcast_in_dim3A_412 = vector.broadcast %broadcast_in_dim3A_411 : i32 to vector<16xi32>
        %gather3A_413 = tpu.vector_load_idx %arg8[%broadcast_in_dim3A_412, %select_n3A] masked %and3A : memref<64x640xf32, #tpu.memory_space<vmem>>[vector<16xi32>, vector<16xi32>], vector<16xf32>, vector<16xi1>
        tpu.vector_store_idx %arg13[%add3A_212, %broadcast_in_dim3A_412], %gather3A_413 masked %and3A : memref<192x128xf32, #tpu.memory_space<vmem>>[vector<16xi32>, vector<16xi32>], vector<16xf32>, vector<16xi1>
        %broadcast_in_dim3A_414 = arith.constant 61 : i32
        %broadcast_in_dim3A_415 = vector.broadcast %broadcast_in_dim3A_414 : i32 to vector<16xi32>
        %gather3A_416 = tpu.vector_load_idx %arg8[%broadcast_in_dim3A_415, %select_n3A] masked %and3A : memref<64x640xf32, #tpu.memory_space<vmem>>[vector<16xi32>, vector<16xi32>], vector<16xf32>, vector<16xi1>
        tpu.vector_store_idx %arg13[%add3A_212, %broadcast_in_dim3A_415], %gather3A_416 masked %and3A : memref<192x128xf32, #tpu.memory_space<vmem>>[vector<16xi32>, vector<16xi32>], vector<16xf32>, vector<16xi1>
        %broadcast_in_dim3A_417 = arith.constant 62 : i32
        %broadcast_in_dim3A_418 = vector.broadcast %broadcast_in_dim3A_417 : i32 to vector<16xi32>
        %gather3A_419 = tpu.vector_load_idx %arg8[%broadcast_in_dim3A_418, %select_n3A] masked %and3A : memref<64x640xf32, #tpu.memory_space<vmem>>[vector<16xi32>, vector<16xi32>], vector<16xf32>, vector<16xi1>
        tpu.vector_store_idx %arg13[%add3A_212, %broadcast_in_dim3A_418], %gather3A_419 masked %and3A : memref<192x128xf32, #tpu.memory_space<vmem>>[vector<16xi32>, vector<16xi32>], vector<16xf32>, vector<16xi1>
        %broadcast_in_dim3A_420 = arith.constant 63 : i32
        %broadcast_in_dim3A_421 = vector.broadcast %broadcast_in_dim3A_420 : i32 to vector<16xi32>
        %gather3A_422 = tpu.vector_load_idx %arg8[%broadcast_in_dim3A_421, %select_n3A] masked %and3A : memref<64x640xf32, #tpu.memory_space<vmem>>[vector<16xi32>, vector<16xi32>], vector<16xf32>, vector<16xi1>
        tpu.vector_store_idx %arg13[%add3A_212, %broadcast_in_dim3A_421], %gather3A_422 masked %and3A : memref<192x128xf32, #tpu.memory_space<vmem>>[vector<16xi32>, vector<16xi32>], vector<16xf32>, vector<16xi1>
      }
      %ge3A = arith.constant 128 : i32
      %ge3A_119 = arith.cmpi sge, %while3A_101, %ge3A : i32
      %convert_element_type3A_120 = arith.extui %ge3A_119 : i1 to i32
      %cond3A_121 = arith.constant 0 : i32
      %cond3A_122 = arith.cmpi ne, %convert_element_type3A_120, %cond3A_121 : i32
      %cond3A_123 = scf.if %cond3A_122 -> (i32) {
        %dma_start3A_208 = arith.constant 0 : i32
        %dma_start3A_209 = arith.constant 0 : i32
        %dma_start3A_210 = tpu.memref_slice %arg4[%dma_start3A_208, %dma_start3A_209] : memref<38912x128xf32, #tpu.memory_space<hbm>> -> memref<38912x128xf32, #tpu.memory_space<hbm>>
        tpu.enqueue_indirect_dma source(%arg13 : memref<192x128xf32, #tpu.memory_space<vmem>>) target(%dma_start3A_210 : memref<38912x128xf32, #tpu.memory_space<hbm>>) offsets(%arg12 : memref<192xi32, #tpu.memory_space<vmem>>) semaphore(%arg16 : memref<!tpu.dma_semaphore, #tpu.memory_space<semaphore_mem>>)
        %dma_wait3A_211 = arith.constant 0 : i32
        %dma_wait3A_212 = arith.constant 0 : i32
        %dma_wait3A_213 = tpu.memref_slice %arg4[%dma_wait3A_211, %dma_wait3A_212] : memref<38912x128xf32, #tpu.memory_space<hbm>> -> memref<38912x128xf32, #tpu.memory_space<hbm>>
        tpu.wait_indirect_dma semaphore(%arg16 : memref<!tpu.dma_semaphore, #tpu.memory_space<semaphore_mem>>) src(%arg13 : memref<192x128xf32, #tpu.memory_space<vmem>>) dst(%dma_wait3A_213 : memref<38912x128xf32, #tpu.memory_space<hbm>>)
        %scan3A_214 = arith.constant 0 : i32
        %scan3A_215 = arith.constant 0 : i32
        %scan3A_216 = arith.constant 12 : i32
        %scan3A_217 = arith.addi %scan3A_215, %scan3A_216 : i32
        %scan3A_218 = arith.constant 1 : i32
        scf.for %scan3A_221 = %scan3A_215 to %scan3A_217 step %scan3A_218  : i32 {
          %broadcast_in_dim3A = arith.constant 32768 : i32
          %broadcast_in_dim3A_222 = vector.broadcast %broadcast_in_dim3A : i32 to vector<16xi32>
          %mul3A_223 = arith.constant 192 : i32
          %mul3A_224 = arith.muli %add3A, %mul3A_223 : i32
          %add3A_225 = vector.broadcast %mul3A_224 : i32 to vector<16xi32>
          %add3A_226 = arith.addi %broadcast_in_dim3A_222, %add3A_225 : vector<16xi32>
          %iota3A = tpu.iota {dimensions = array<i32: 0>} : vector<16xi32>
          %add3A_227 = arith.addi %add3A_226, %iota3A : vector<16xi32>
          %mul3A_228 = arith.constant 16 : i32
          %mul3A_229 = arith.muli %scan3A_221, %mul3A_228 : i32
          %add3A_230 = vector.broadcast %mul3A_229 : i32 to vector<16xi32>
          %add3A_231 = arith.addi %add3A_227, %add3A_230 : vector<16xi32>
          %mul3A_232 = arith.constant 16 : i32
          %mul3A_233 = arith.muli %scan3A_221, %mul3A_232 : i32
          %swap3A = arith.index_cast %mul3A_233 : i32 to index
          %swap3A_234 = tpu.vector_load %arg12[%swap3A] {strides = array<i32>} : memref<192xi32, #tpu.memory_space<vmem>>, vector<16xi32>,
          tpu.vector_store %arg12[%swap3A], %add3A_231 {strides = array<i32>} : memref<192xi32, #tpu.memory_space<vmem>>, vector<16xi32>,
        }
        %scan3A_219 = arith.constant 12 : i32
        %cond3A_220 = arith.constant 0 : i32
        scf.yield %cond3A_220 : i32
      } else {
        scf.yield %while3A_101 : i32
      }
      %add3A_124 = arith.constant 2 : i32
      %add3A_125 = arith.addi %mul3A_70, %add3A_124 : i32
      %sub3A_126 = arith.constant 1 : i32
      %sub3A_127 = arith.subi %add3A_3, %sub3A_126 : i32
      %min3A_128 = arith.minsi %add3A_125, %sub3A_127 : i32
      %mul3A_129 = arith.constant 32 : i32
      %mul3A_130 = arith.muli %mul3A_129, %min3A_128 : i32
      %add3A_131 = arith.addi %add3A, %mul3A_130 : i32
      %mul3A_132 = arith.constant 640 : i32
      %mul3A_133 = arith.muli %add3A_131, %mul3A_132 : i32
      %dma_start3A_134 = arith.constant 0 : i32
      %dma_start3A_135 = tpu.memref_slice %arg3[%dma_start3A_134, %mul3A_133] : memref<64x1000000xf32, #tpu.memory_space<hbm>> -> memref<64x640xf32, #tpu.memory_space<hbm>>
      %dma_start3A_136 = arith.constant 0 : i32
      %dma_start3A_137 = tpu.memref_slice %arg3[%dma_start3A_136, %mul3A_133] : memref<64x1000000xf32, #tpu.memory_space<hbm>> -> memref<64x640xf32, #tpu.memory_space<hbm>>
      tpu.enqueue_dma source(%dma_start3A_137 : memref<64x640xf32, #tpu.memory_space<hbm>>) target(%arg8 : memref<64x640xf32, #tpu.memory_space<vmem>>) target_semaphore(%arg14 : memref<!tpu.dma_semaphore, #tpu.memory_space<semaphore_mem>>)
      %dma_wait3A_138 = arith.constant 0 : i32
      %dma_wait3A_139 = arith.constant 0 : i32
      %dma_wait3A_140 = tpu.memref_slice %arg3[%dma_wait3A_138, %dma_wait3A_139] : memref<64x1000000xf32, #tpu.memory_space<hbm>> -> memref<64x640xf32, #tpu.memory_space<hbm>>
      %dma_wait3A_141 = arith.constant 0 : i32
      %dma_wait3A_142 = arith.constant 0 : i32
      %dma_wait3A_143 = tpu.memref_slice %arg3[%dma_wait3A_141, %dma_wait3A_142] : memref<64x1000000xf32, #tpu.memory_space<hbm>> -> memref<64x640xf32, #tpu.memory_space<hbm>>
      tpu.wait_dma2 semaphore(%arg15 : memref<!tpu.dma_semaphore, #tpu.memory_space<semaphore_mem>>) src(%dma_wait3A_143 : memref<64x640xf32, #tpu.memory_space<hbm>>) dst(%arg9 : memref<64x640xf32, #tpu.memory_space<vmem>>)
      %add3A_144 = arith.constant 1 : i32
      %add3A_145 = arith.addi %mul3A_70, %add3A_144 : i32
      %sub3A_146 = arith.constant 1 : i32
      %sub3A_147 = arith.subi %add3A_3, %sub3A_146 : i32
      %min3A_148 = arith.minsi %add3A_145, %sub3A_147 : i32
      %mul3A_149 = arith.constant 32 : i32
      %mul3A_150 = arith.muli %mul3A_149, %min3A_148 : i32
      %add3A_151 = arith.addi %add3A, %mul3A_150 : i32
      %mul3A_152 = arith.constant 640 : i32
      %mul3A_153 = arith.muli %add3A_151, %mul3A_152 : i32
      %add3A_154 = arith.constant 16 : i32
      %add3A_155 = arith.addi %scan3A_31, %add3A_154 : i32
      %sub3A_156 = arith.constant 1 : i32
      %sub3A_157 = arith.subi %add3A_155, %sub3A_156 : i32
      %shift_right_arithmetic3A_158 = arith.constant 4 : i32
      %shift_right_arithmetic3A_159 = arith.shrsi %sub3A_157, %shift_right_arithmetic3A_158 : i32
      %while3A_160 = arith.constant 0 : i32
      %while3A_161 = arith.subi %shift_right_arithmetic3A_159, %while3A_160 : i32
      %while3A_162 = arith.addi %while3A_160, %while3A_161 : i32
      %while3A_163 = arith.constant 1 : i32
      %while3A_164 = arith.divsi %while3A_161, %while3A_163 : i32
      %while3A_165 = arith.muli %while3A_164, %while3A_163 : i32
      %while3A_166 = arith.addi %while3A_160, %while3A_165 : i32
      %while3A_167 = arith.constant 1 : i32
      %while3A_168 = scf.for %while3A_208 = %while3A_160 to %while3A_166 step %while3A_167 iter_args(%while3A_209 = %cond3A_123) -> (i32)  : i32 {
        %iota3A = tpu.iota {dimensions = array<i32: 0>} : vector<16xi32>
        %mul3A_210 = arith.constant 16 : i32
        %mul3A_211 = arith.muli %while3A_208, %mul3A_210 : i32
        %add3A_212 = vector.broadcast %mul3A_211 : i32 to vector<16xi32>
        %add3A_213 = arith.addi %iota3A, %add3A_212 : vector<16xi32>
        %mul3A_214 = arith.constant 16 : i32
        %mul3A_215 = arith.muli %while3A_208, %mul3A_214 : i32
        %get3A = arith.index_cast %mul3A_215 : i32 to index
        %get3A_216 = tpu.vector_load %arg6[%get3A] {strides = array<i32>} : memref<2048xi32, #tpu.memory_space<vmem>>, vector<16xi32>,
        %mul3A_217 = arith.constant 16 : i32
        %mul3A_218 = arith.muli %while3A_208, %mul3A_217 : i32
        %get3A_219 = arith.index_cast %mul3A_218 : i32 to index
        %get3A_220 = tpu.vector_load %arg7[%get3A_219] {strides = array<i32>} : memref<2048xi32, #tpu.memory_space<vmem>>, vector<16xi32>,
        %lt3A_221 = vector.broadcast %scan3A_31 : i32 to vector<16xi32>
        %lt3A_222 = arith.cmpi slt, %add3A_213, %lt3A_221 : vector<16xi32>
        %ge3A_223 = vector.broadcast %mul3A_153 : i32 to vector<16xi32>
        %ge3A_224 = arith.cmpi sge, %get3A_216, %ge3A_223 : vector<16xi32>
        %and3A = arith.andi %lt3A_222, %ge3A_224 : vector<16xi1>
        %add3A_225 = arith.constant 640 : i32
        %add3A_226 = arith.addi %mul3A_153, %add3A_225 : i32
        %lt3A_227 = vector.broadcast %add3A_226 : i32 to vector<16xi32>
        %lt3A_228 = arith.cmpi slt, %get3A_216, %lt3A_227 : vector<16xi32>
        %and3A_229 = arith.andi %and3A, %lt3A_228 : vector<16xi1>
        %sub3A_230 = vector.broadcast %mul3A_153 : i32 to vector<16xi32>
        %sub3A_231 = arith.subi %get3A_216, %sub3A_230 : vector<16xi32>
        %swap3A = arith.index_cast %while3A_209 : i32 to index
        %swap3A_232 = tpu.vector_load %arg10[%swap3A] masked %and3A_229 {strides = array<i32>} : memref<192xi32, #tpu.memory_space<vmem>>, vector<16xi32>, vector<16xi1>
        tpu.vector_store %arg10[%swap3A], %sub3A_231 masked %and3A_229 {strides = array<i32>} : memref<192xi32, #tpu.memory_space<vmem>>, vector<16xi32>, vector<16xi1>
        %swap3A_233 = arith.index_cast %while3A_209 : i32 to index
        %swap3A_234 = tpu.vector_load %arg11[%swap3A_233] masked %and3A_229 {strides = array<i32>} : memref<192xi32, #tpu.memory_space<vmem>>, vector<16xi32>, vector<16xi1>
        tpu.vector_store %arg11[%swap3A_233], %get3A_220 masked %and3A_229 {strides = array<i32>} : memref<192xi32, #tpu.memory_space<vmem>>, vector<16xi32>, vector<16xi1>
        %all_reduce_population_count3A = tpu.all_reduce %and3A_229 {dim = 0 : i64, kind = #tpu.reduction_kind<sum>} : vector<16xi1> -> vector<16xi32>
        %slice3A = vector.extract_strided_slice %all_reduce_population_count3A {offsets = [0], sizes = [1], strides = [1]} : vector<16xi32> to vector<1xi32>
        %squeeze3A = vector.extract %slice3A[0] : i32 from vector<1xi32>
        %add3A_235 = arith.addi %while3A_209, %squeeze3A : i32
        %min3A_236 = arith.constant 176 : i32
        %min3A_237 = arith.minsi %add3A_235, %min3A_236 : i32
        scf.yield %min3A_237 : i32
      }
      %while3A_169 = arith.constant 1 : i32
      %while3A_170 = scf.for %while3A_208 = %while3A_166 to %while3A_162 step %while3A_169 iter_args(%while3A_209 = %while3A_168) -> (i32)  : i32 {
        %iota3A = tpu.iota {dimensions = array<i32: 0>} : vector<16xi32>
        %mul3A_210 = arith.constant 16 : i32
        %mul3A_211 = arith.muli %while3A_208, %mul3A_210 : i32
        %add3A_212 = vector.broadcast %mul3A_211 : i32 to vector<16xi32>
        %add3A_213 = arith.addi %iota3A, %add3A_212 : vector<16xi32>
        %mul3A_214 = arith.constant 16 : i32
        %mul3A_215 = arith.muli %while3A_208, %mul3A_214 : i32
        %get3A = arith.index_cast %mul3A_215 : i32 to index
        %get3A_216 = tpu.vector_load %arg6[%get3A] {strides = array<i32>} : memref<2048xi32, #tpu.memory_space<vmem>>, vector<16xi32>,
        %mul3A_217 = arith.constant 16 : i32
        %mul3A_218 = arith.muli %while3A_208, %mul3A_217 : i32
        %get3A_219 = arith.index_cast %mul3A_218 : i32 to index
        %get3A_220 = tpu.vector_load %arg7[%get3A_219] {strides = array<i32>} : memref<2048xi32, #tpu.memory_space<vmem>>, vector<16xi32>,
        %lt3A_221 = vector.broadcast %scan3A_31 : i32 to vector<16xi32>
        %lt3A_222 = arith.cmpi slt, %add3A_213, %lt3A_221 : vector<16xi32>
        %ge3A_223 = vector.broadcast %mul3A_153 : i32 to vector<16xi32>
        %ge3A_224 = arith.cmpi sge, %get3A_216, %ge3A_223 : vector<16xi32>
        %and3A = arith.andi %lt3A_222, %ge3A_224 : vector<16xi1>
        %add3A_225 = arith.constant 640 : i32
        %add3A_226 = arith.addi %mul3A_153, %add3A_225 : i32
        %lt3A_227 = vector.broadcast %add3A_226 : i32 to vector<16xi32>
        %lt3A_228 = arith.cmpi slt, %get3A_216, %lt3A_227 : vector<16xi32>
        %and3A_229 = arith.andi %and3A, %lt3A_228 : vector<16xi1>
        %sub3A_230 = vector.broadcast %mul3A_153 : i32 to vector<16xi32>
        %sub3A_231 = arith.subi %get3A_216, %sub3A_230 : vector<16xi32>
        %swap3A = arith.index_cast %while3A_209 : i32 to index
        %swap3A_232 = tpu.vector_load %arg10[%swap3A] masked %and3A_229 {strides = array<i32>} : memref<192xi32, #tpu.memory_space<vmem>>, vector<16xi32>, vector<16xi1>
        tpu.vector_store %arg10[%swap3A], %sub3A_231 masked %and3A_229 {strides = array<i32>} : memref<192xi32, #tpu.memory_space<vmem>>, vector<16xi32>, vector<16xi1>
        %swap3A_233 = arith.index_cast %while3A_209 : i32 to index
        %swap3A_234 = tpu.vector_load %arg11[%swap3A_233] masked %and3A_229 {strides = array<i32>} : memref<192xi32, #tpu.memory_space<vmem>>, vector<16xi32>, vector<16xi1>
        tpu.vector_store %arg11[%swap3A_233], %get3A_220 masked %and3A_229 {strides = array<i32>} : memref<192xi32, #tpu.memory_space<vmem>>, vector<16xi32>, vector<16xi1>
        %all_reduce_population_count3A = tpu.all_reduce %and3A_229 {dim = 0 : i64, kind = #tpu.reduction_kind<sum>} : vector<16xi1> -> vector<16xi32>
        %slice3A = vector.extract_strided_slice %all_reduce_population_count3A {offsets = [0], sizes = [1], strides = [1]} : vector<16xi32> to vector<1xi32>
        %squeeze3A = vector.extract %slice3A[0] : i32 from vector<1xi32>
        %add3A_235 = arith.addi %while3A_209, %squeeze3A : i32
        %min3A_236 = arith.constant 176 : i32
        %min3A_237 = arith.minsi %add3A_235, %min3A_236 : i32
        scf.yield %min3A_237 : i32
      }
      %shift_right_arithmetic3A_171 = arith.constant 4 : i32
      %shift_right_arithmetic3A_172 = arith.shrsi %cond3A_123, %shift_right_arithmetic3A_171 : i32
      %add3A_173 = arith.constant 16 : i32
      %add3A_174 = arith.addi %while3A_170, %add3A_173 : i32
      %sub3A_175 = arith.constant 1 : i32
      %sub3A_176 = arith.subi %add3A_174, %sub3A_175 : i32
      %shift_right_arithmetic3A_177 = arith.constant 4 : i32
      %shift_right_arithmetic3A_178 = arith.shrsi %sub3A_176, %shift_right_arithmetic3A_177 : i32
      %while3A_179 = arith.constant 0 : i32
      %while3A_180 = arith.subi %shift_right_arithmetic3A_178, %shift_right_arithmetic3A_172 : i32
      %while3A_181 = arith.addi %shift_right_arithmetic3A_172, %while3A_180 : i32
      %while3A_182 = arith.constant 1 : i32
      %while3A_183 = arith.divsi %while3A_180, %while3A_182 : i32
      %while3A_184 = arith.muli %while3A_183, %while3A_182 : i32
      %while3A_185 = arith.addi %shift_right_arithmetic3A_172, %while3A_184 : i32
      %while3A_186 = arith.constant 1 : i32
      scf.for %while3A_208 = %shift_right_arithmetic3A_172 to %while3A_185 step %while3A_186  : i32 {
        %iota3A = tpu.iota {dimensions = array<i32: 0>} : vector<16xi32>
        %mul3A_209 = arith.constant 16 : i32
        %mul3A_210 = arith.muli %while3A_208, %mul3A_209 : i32
        %add3A_211 = vector.broadcast %mul3A_210 : i32 to vector<16xi32>
        %add3A_212 = arith.addi %iota3A, %add3A_211 : vector<16xi32>
        %ge3A_213 = vector.broadcast %cond3A_123 : i32 to vector<16xi32>
        %ge3A_214 = arith.cmpi sge, %add3A_212, %ge3A_213 : vector<16xi32>
        %lt3A_215 = vector.broadcast %while3A_170 : i32 to vector<16xi32>
        %lt3A_216 = arith.cmpi slt, %add3A_212, %lt3A_215 : vector<16xi32>
        %and3A = arith.andi %ge3A_214, %lt3A_216 : vector<16xi1>
        %mul3A_217 = arith.constant 16 : i32
        %mul3A_218 = arith.muli %while3A_208, %mul3A_217 : i32
        %get3A = arith.index_cast %mul3A_218 : i32 to index
        %get3A_219 = tpu.vector_load %arg10[%get3A] {strides = array<i32>} : memref<192xi32, #tpu.memory_space<vmem>>, vector<16xi32>,
        %jit3A = arith.constant 0 : i32
        %broadcast_in_dim3A = vector.broadcast %jit3A : i32 to vector<16xi32>
        %select_n3A = arith.select %and3A, %get3A_219, %broadcast_in_dim3A : vector<16xi1>, vector<16xi32>
        %mul3A_220 = arith.constant 16 : i32
        %mul3A_221 = arith.muli %while3A_208, %mul3A_220 : i32
        %get3A_222 = arith.index_cast %mul3A_221 : i32 to index
        %get3A_223 = tpu.vector_load %arg11[%get3A_222] {strides = array<i32>} : memref<192xi32, #tpu.memory_space<vmem>>, vector<16xi32>,
        %mul3A_224 = arith.constant 16 : i32
        %mul3A_225 = arith.muli %while3A_208, %mul3A_224 : i32
        %get3A_226 = arith.index_cast %mul3A_225 : i32 to index
        %get3A_227 = tpu.vector_load %arg12[%get3A_226] {strides = array<i32>} : memref<192xi32, #tpu.memory_space<vmem>>, vector<16xi32>,
        %select_n3A_228 = arith.select %and3A, %get3A_223, %get3A_227 : vector<16xi1>, vector<16xi32>
        %mul3A_229 = arith.constant 16 : i32
        %mul3A_230 = arith.muli %while3A_208, %mul3A_229 : i32
        %swap3A = arith.index_cast %mul3A_230 : i32 to index
        %swap3A_231 = tpu.vector_load %arg12[%swap3A] {strides = array<i32>} : memref<192xi32, #tpu.memory_space<vmem>>, vector<16xi32>,
        tpu.vector_store %arg12[%swap3A], %select_n3A_228 {strides = array<i32>} : memref<192xi32, #tpu.memory_space<vmem>>, vector<16xi32>,
        %broadcast_in_dim3A_232 = arith.constant 0 : i32
        %broadcast_in_dim3A_233 = vector.broadcast %broadcast_in_dim3A_232 : i32 to vector<16xi32>
        %gather3A = tpu.vector_load_idx %arg9[%broadcast_in_dim3A_233, %select_n3A] masked %and3A : memref<64x640xf32, #tpu.memory_space<vmem>>[vector<16xi32>, vector<16xi32>], vector<16xf32>, vector<16xi1>
        tpu.vector_store_idx %arg13[%add3A_212, %broadcast_in_dim3A_233], %gather3A masked %and3A : memref<192x128xf32, #tpu.memory_space<vmem>>[vector<16xi32>, vector<16xi32>], vector<16xf32>, vector<16xi1>
        %broadcast_in_dim3A_234 = arith.constant 1 : i32
        %broadcast_in_dim3A_235 = vector.broadcast %broadcast_in_dim3A_234 : i32 to vector<16xi32>
        %gather3A_236 = tpu.vector_load_idx %arg9[%broadcast_in_dim3A_235, %select_n3A] masked %and3A : memref<64x640xf32, #tpu.memory_space<vmem>>[vector<16xi32>, vector<16xi32>], vector<16xf32>, vector<16xi1>
        tpu.vector_store_idx %arg13[%add3A_212, %broadcast_in_dim3A_235], %gather3A_236 masked %and3A : memref<192x128xf32, #tpu.memory_space<vmem>>[vector<16xi32>, vector<16xi32>], vector<16xf32>, vector<16xi1>
        %broadcast_in_dim3A_237 = arith.constant 2 : i32
        %broadcast_in_dim3A_238 = vector.broadcast %broadcast_in_dim3A_237 : i32 to vector<16xi32>
        %gather3A_239 = tpu.vector_load_idx %arg9[%broadcast_in_dim3A_238, %select_n3A] masked %and3A : memref<64x640xf32, #tpu.memory_space<vmem>>[vector<16xi32>, vector<16xi32>], vector<16xf32>, vector<16xi1>
        tpu.vector_store_idx %arg13[%add3A_212, %broadcast_in_dim3A_238], %gather3A_239 masked %and3A : memref<192x128xf32, #tpu.memory_space<vmem>>[vector<16xi32>, vector<16xi32>], vector<16xf32>, vector<16xi1>
        %broadcast_in_dim3A_240 = arith.constant 3 : i32
        %broadcast_in_dim3A_241 = vector.broadcast %broadcast_in_dim3A_240 : i32 to vector<16xi32>
        %gather3A_242 = tpu.vector_load_idx %arg9[%broadcast_in_dim3A_241, %select_n3A] masked %and3A : memref<64x640xf32, #tpu.memory_space<vmem>>[vector<16xi32>, vector<16xi32>], vector<16xf32>, vector<16xi1>
        tpu.vector_store_idx %arg13[%add3A_212, %broadcast_in_dim3A_241], %gather3A_242 masked %and3A : memref<192x128xf32, #tpu.memory_space<vmem>>[vector<16xi32>, vector<16xi32>], vector<16xf32>, vector<16xi1>
        %broadcast_in_dim3A_243 = arith.constant 4 : i32
        %broadcast_in_dim3A_244 = vector.broadcast %broadcast_in_dim3A_243 : i32 to vector<16xi32>
        %gather3A_245 = tpu.vector_load_idx %arg9[%broadcast_in_dim3A_244, %select_n3A] masked %and3A : memref<64x640xf32, #tpu.memory_space<vmem>>[vector<16xi32>, vector<16xi32>], vector<16xf32>, vector<16xi1>
        tpu.vector_store_idx %arg13[%add3A_212, %broadcast_in_dim3A_244], %gather3A_245 masked %and3A : memref<192x128xf32, #tpu.memory_space<vmem>>[vector<16xi32>, vector<16xi32>], vector<16xf32>, vector<16xi1>
        %broadcast_in_dim3A_246 = arith.constant 5 : i32
        %broadcast_in_dim3A_247 = vector.broadcast %broadcast_in_dim3A_246 : i32 to vector<16xi32>
        %gather3A_248 = tpu.vector_load_idx %arg9[%broadcast_in_dim3A_247, %select_n3A] masked %and3A : memref<64x640xf32, #tpu.memory_space<vmem>>[vector<16xi32>, vector<16xi32>], vector<16xf32>, vector<16xi1>
        tpu.vector_store_idx %arg13[%add3A_212, %broadcast_in_dim3A_247], %gather3A_248 masked %and3A : memref<192x128xf32, #tpu.memory_space<vmem>>[vector<16xi32>, vector<16xi32>], vector<16xf32>, vector<16xi1>
        %broadcast_in_dim3A_249 = arith.constant 6 : i32
        %broadcast_in_dim3A_250 = vector.broadcast %broadcast_in_dim3A_249 : i32 to vector<16xi32>
        %gather3A_251 = tpu.vector_load_idx %arg9[%broadcast_in_dim3A_250, %select_n3A] masked %and3A : memref<64x640xf32, #tpu.memory_space<vmem>>[vector<16xi32>, vector<16xi32>], vector<16xf32>, vector<16xi1>
        tpu.vector_store_idx %arg13[%add3A_212, %broadcast_in_dim3A_250], %gather3A_251 masked %and3A : memref<192x128xf32, #tpu.memory_space<vmem>>[vector<16xi32>, vector<16xi32>], vector<16xf32>, vector<16xi1>
        %broadcast_in_dim3A_252 = arith.constant 7 : i32
        %broadcast_in_dim3A_253 = vector.broadcast %broadcast_in_dim3A_252 : i32 to vector<16xi32>
        %gather3A_254 = tpu.vector_load_idx %arg9[%broadcast_in_dim3A_253, %select_n3A] masked %and3A : memref<64x640xf32, #tpu.memory_space<vmem>>[vector<16xi32>, vector<16xi32>], vector<16xf32>, vector<16xi1>
        tpu.vector_store_idx %arg13[%add3A_212, %broadcast_in_dim3A_253], %gather3A_254 masked %and3A : memref<192x128xf32, #tpu.memory_space<vmem>>[vector<16xi32>, vector<16xi32>], vector<16xf32>, vector<16xi1>
        %broadcast_in_dim3A_255 = arith.constant 8 : i32
        %broadcast_in_dim3A_256 = vector.broadcast %broadcast_in_dim3A_255 : i32 to vector<16xi32>
        %gather3A_257 = tpu.vector_load_idx %arg9[%broadcast_in_dim3A_256, %select_n3A] masked %and3A : memref<64x640xf32, #tpu.memory_space<vmem>>[vector<16xi32>, vector<16xi32>], vector<16xf32>, vector<16xi1>
        tpu.vector_store_idx %arg13[%add3A_212, %broadcast_in_dim3A_256], %gather3A_257 masked %and3A : memref<192x128xf32, #tpu.memory_space<vmem>>[vector<16xi32>, vector<16xi32>], vector<16xf32>, vector<16xi1>
        %broadcast_in_dim3A_258 = arith.constant 9 : i32
        %broadcast_in_dim3A_259 = vector.broadcast %broadcast_in_dim3A_258 : i32 to vector<16xi32>
        %gather3A_260 = tpu.vector_load_idx %arg9[%broadcast_in_dim3A_259, %select_n3A] masked %and3A : memref<64x640xf32, #tpu.memory_space<vmem>>[vector<16xi32>, vector<16xi32>], vector<16xf32>, vector<16xi1>
        tpu.vector_store_idx %arg13[%add3A_212, %broadcast_in_dim3A_259], %gather3A_260 masked %and3A : memref<192x128xf32, #tpu.memory_space<vmem>>[vector<16xi32>, vector<16xi32>], vector<16xf32>, vector<16xi1>
        %broadcast_in_dim3A_261 = arith.constant 10 : i32
        %broadcast_in_dim3A_262 = vector.broadcast %broadcast_in_dim3A_261 : i32 to vector<16xi32>
        %gather3A_263 = tpu.vector_load_idx %arg9[%broadcast_in_dim3A_262, %select_n3A] masked %and3A : memref<64x640xf32, #tpu.memory_space<vmem>>[vector<16xi32>, vector<16xi32>], vector<16xf32>, vector<16xi1>
        tpu.vector_store_idx %arg13[%add3A_212, %broadcast_in_dim3A_262], %gather3A_263 masked %and3A : memref<192x128xf32, #tpu.memory_space<vmem>>[vector<16xi32>, vector<16xi32>], vector<16xf32>, vector<16xi1>
        %broadcast_in_dim3A_264 = arith.constant 11 : i32
        %broadcast_in_dim3A_265 = vector.broadcast %broadcast_in_dim3A_264 : i32 to vector<16xi32>
        %gather3A_266 = tpu.vector_load_idx %arg9[%broadcast_in_dim3A_265, %select_n3A] masked %and3A : memref<64x640xf32, #tpu.memory_space<vmem>>[vector<16xi32>, vector<16xi32>], vector<16xf32>, vector<16xi1>
        tpu.vector_store_idx %arg13[%add3A_212, %broadcast_in_dim3A_265], %gather3A_266 masked %and3A : memref<192x128xf32, #tpu.memory_space<vmem>>[vector<16xi32>, vector<16xi32>], vector<16xf32>, vector<16xi1>
        %broadcast_in_dim3A_267 = arith.constant 12 : i32
        %broadcast_in_dim3A_268 = vector.broadcast %broadcast_in_dim3A_267 : i32 to vector<16xi32>
        %gather3A_269 = tpu.vector_load_idx %arg9[%broadcast_in_dim3A_268, %select_n3A] masked %and3A : memref<64x640xf32, #tpu.memory_space<vmem>>[vector<16xi32>, vector<16xi32>], vector<16xf32>, vector<16xi1>
        tpu.vector_store_idx %arg13[%add3A_212, %broadcast_in_dim3A_268], %gather3A_269 masked %and3A : memref<192x128xf32, #tpu.memory_space<vmem>>[vector<16xi32>, vector<16xi32>], vector<16xf32>, vector<16xi1>
        %broadcast_in_dim3A_270 = arith.constant 13 : i32
        %broadcast_in_dim3A_271 = vector.broadcast %broadcast_in_dim3A_270 : i32 to vector<16xi32>
        %gather3A_272 = tpu.vector_load_idx %arg9[%broadcast_in_dim3A_271, %select_n3A] masked %and3A : memref<64x640xf32, #tpu.memory_space<vmem>>[vector<16xi32>, vector<16xi32>], vector<16xf32>, vector<16xi1>
        tpu.vector_store_idx %arg13[%add3A_212, %broadcast_in_dim3A_271], %gather3A_272 masked %and3A : memref<192x128xf32, #tpu.memory_space<vmem>>[vector<16xi32>, vector<16xi32>], vector<16xf32>, vector<16xi1>
        %broadcast_in_dim3A_273 = arith.constant 14 : i32
        %broadcast_in_dim3A_274 = vector.broadcast %broadcast_in_dim3A_273 : i32 to vector<16xi32>
        %gather3A_275 = tpu.vector_load_idx %arg9[%broadcast_in_dim3A_274, %select_n3A] masked %and3A : memref<64x640xf32, #tpu.memory_space<vmem>>[vector<16xi32>, vector<16xi32>], vector<16xf32>, vector<16xi1>
        tpu.vector_store_idx %arg13[%add3A_212, %broadcast_in_dim3A_274], %gather3A_275 masked %and3A : memref<192x128xf32, #tpu.memory_space<vmem>>[vector<16xi32>, vector<16xi32>], vector<16xf32>, vector<16xi1>
        %broadcast_in_dim3A_276 = arith.constant 15 : i32
        %broadcast_in_dim3A_277 = vector.broadcast %broadcast_in_dim3A_276 : i32 to vector<16xi32>
        %gather3A_278 = tpu.vector_load_idx %arg9[%broadcast_in_dim3A_277, %select_n3A] masked %and3A : memref<64x640xf32, #tpu.memory_space<vmem>>[vector<16xi32>, vector<16xi32>], vector<16xf32>, vector<16xi1>
        tpu.vector_store_idx %arg13[%add3A_212, %broadcast_in_dim3A_277], %gather3A_278 masked %and3A : memref<192x128xf32, #tpu.memory_space<vmem>>[vector<16xi32>, vector<16xi32>], vector<16xf32>, vector<16xi1>
        %broadcast_in_dim3A_279 = arith.constant 16 : i32
        %broadcast_in_dim3A_280 = vector.broadcast %broadcast_in_dim3A_279 : i32 to vector<16xi32>
        %gather3A_281 = tpu.vector_load_idx %arg9[%broadcast_in_dim3A_280, %select_n3A] masked %and3A : memref<64x640xf32, #tpu.memory_space<vmem>>[vector<16xi32>, vector<16xi32>], vector<16xf32>, vector<16xi1>
        tpu.vector_store_idx %arg13[%add3A_212, %broadcast_in_dim3A_280], %gather3A_281 masked %and3A : memref<192x128xf32, #tpu.memory_space<vmem>>[vector<16xi32>, vector<16xi32>], vector<16xf32>, vector<16xi1>
        %broadcast_in_dim3A_282 = arith.constant 17 : i32
        %broadcast_in_dim3A_283 = vector.broadcast %broadcast_in_dim3A_282 : i32 to vector<16xi32>
        %gather3A_284 = tpu.vector_load_idx %arg9[%broadcast_in_dim3A_283, %select_n3A] masked %and3A : memref<64x640xf32, #tpu.memory_space<vmem>>[vector<16xi32>, vector<16xi32>], vector<16xf32>, vector<16xi1>
        tpu.vector_store_idx %arg13[%add3A_212, %broadcast_in_dim3A_283], %gather3A_284 masked %and3A : memref<192x128xf32, #tpu.memory_space<vmem>>[vector<16xi32>, vector<16xi32>], vector<16xf32>, vector<16xi1>
        %broadcast_in_dim3A_285 = arith.constant 18 : i32
        %broadcast_in_dim3A_286 = vector.broadcast %broadcast_in_dim3A_285 : i32 to vector<16xi32>
        %gather3A_287 = tpu.vector_load_idx %arg9[%broadcast_in_dim3A_286, %select_n3A] masked %and3A : memref<64x640xf32, #tpu.memory_space<vmem>>[vector<16xi32>, vector<16xi32>], vector<16xf32>, vector<16xi1>
        tpu.vector_store_idx %arg13[%add3A_212, %broadcast_in_dim3A_286], %gather3A_287 masked %and3A : memref<192x128xf32, #tpu.memory_space<vmem>>[vector<16xi32>, vector<16xi32>], vector<16xf32>, vector<16xi1>
        %broadcast_in_dim3A_288 = arith.constant 19 : i32
        %broadcast_in_dim3A_289 = vector.broadcast %broadcast_in_dim3A_288 : i32 to vector<16xi32>
        %gather3A_290 = tpu.vector_load_idx %arg9[%broadcast_in_dim3A_289, %select_n3A] masked %and3A : memref<64x640xf32, #tpu.memory_space<vmem>>[vector<16xi32>, vector<16xi32>], vector<16xf32>, vector<16xi1>
        tpu.vector_store_idx %arg13[%add3A_212, %broadcast_in_dim3A_289], %gather3A_290 masked %and3A : memref<192x128xf32, #tpu.memory_space<vmem>>[vector<16xi32>, vector<16xi32>], vector<16xf32>, vector<16xi1>
        %broadcast_in_dim3A_291 = arith.constant 20 : i32
        %broadcast_in_dim3A_292 = vector.broadcast %broadcast_in_dim3A_291 : i32 to vector<16xi32>
        %gather3A_293 = tpu.vector_load_idx %arg9[%broadcast_in_dim3A_292, %select_n3A] masked %and3A : memref<64x640xf32, #tpu.memory_space<vmem>>[vector<16xi32>, vector<16xi32>], vector<16xf32>, vector<16xi1>
        tpu.vector_store_idx %arg13[%add3A_212, %broadcast_in_dim3A_292], %gather3A_293 masked %and3A : memref<192x128xf32, #tpu.memory_space<vmem>>[vector<16xi32>, vector<16xi32>], vector<16xf32>, vector<16xi1>
        %broadcast_in_dim3A_294 = arith.constant 21 : i32
        %broadcast_in_dim3A_295 = vector.broadcast %broadcast_in_dim3A_294 : i32 to vector<16xi32>
        %gather3A_296 = tpu.vector_load_idx %arg9[%broadcast_in_dim3A_295, %select_n3A] masked %and3A : memref<64x640xf32, #tpu.memory_space<vmem>>[vector<16xi32>, vector<16xi32>], vector<16xf32>, vector<16xi1>
        tpu.vector_store_idx %arg13[%add3A_212, %broadcast_in_dim3A_295], %gather3A_296 masked %and3A : memref<192x128xf32, #tpu.memory_space<vmem>>[vector<16xi32>, vector<16xi32>], vector<16xf32>, vector<16xi1>
        %broadcast_in_dim3A_297 = arith.constant 22 : i32
        %broadcast_in_dim3A_298 = vector.broadcast %broadcast_in_dim3A_297 : i32 to vector<16xi32>
        %gather3A_299 = tpu.vector_load_idx %arg9[%broadcast_in_dim3A_298, %select_n3A] masked %and3A : memref<64x640xf32, #tpu.memory_space<vmem>>[vector<16xi32>, vector<16xi32>], vector<16xf32>, vector<16xi1>
        tpu.vector_store_idx %arg13[%add3A_212, %broadcast_in_dim3A_298], %gather3A_299 masked %and3A : memref<192x128xf32, #tpu.memory_space<vmem>>[vector<16xi32>, vector<16xi32>], vector<16xf32>, vector<16xi1>
        %broadcast_in_dim3A_300 = arith.constant 23 : i32
        %broadcast_in_dim3A_301 = vector.broadcast %broadcast_in_dim3A_300 : i32 to vector<16xi32>
        %gather3A_302 = tpu.vector_load_idx %arg9[%broadcast_in_dim3A_301, %select_n3A] masked %and3A : memref<64x640xf32, #tpu.memory_space<vmem>>[vector<16xi32>, vector<16xi32>], vector<16xf32>, vector<16xi1>
        tpu.vector_store_idx %arg13[%add3A_212, %broadcast_in_dim3A_301], %gather3A_302 masked %and3A : memref<192x128xf32, #tpu.memory_space<vmem>>[vector<16xi32>, vector<16xi32>], vector<16xf32>, vector<16xi1>
        %broadcast_in_dim3A_303 = arith.constant 24 : i32
        %broadcast_in_dim3A_304 = vector.broadcast %broadcast_in_dim3A_303 : i32 to vector<16xi32>
        %gather3A_305 = tpu.vector_load_idx %arg9[%broadcast_in_dim3A_304, %select_n3A] masked %and3A : memref<64x640xf32, #tpu.memory_space<vmem>>[vector<16xi32>, vector<16xi32>], vector<16xf32>, vector<16xi1>
        tpu.vector_store_idx %arg13[%add3A_212, %broadcast_in_dim3A_304], %gather3A_305 masked %and3A : memref<192x128xf32, #tpu.memory_space<vmem>>[vector<16xi32>, vector<16xi32>], vector<16xf32>, vector<16xi1>
        %broadcast_in_dim3A_306 = arith.constant 25 : i32
        %broadcast_in_dim3A_307 = vector.broadcast %broadcast_in_dim3A_306 : i32 to vector<16xi32>
        %gather3A_308 = tpu.vector_load_idx %arg9[%broadcast_in_dim3A_307, %select_n3A] masked %and3A : memref<64x640xf32, #tpu.memory_space<vmem>>[vector<16xi32>, vector<16xi32>], vector<16xf32>, vector<16xi1>
        tpu.vector_store_idx %arg13[%add3A_212, %broadcast_in_dim3A_307], %gather3A_308 masked %and3A : memref<192x128xf32, #tpu.memory_space<vmem>>[vector<16xi32>, vector<16xi32>], vector<16xf32>, vector<16xi1>
        %broadcast_in_dim3A_309 = arith.constant 26 : i32
        %broadcast_in_dim3A_310 = vector.broadcast %broadcast_in_dim3A_309 : i32 to vector<16xi32>
        %gather3A_311 = tpu.vector_load_idx %arg9[%broadcast_in_dim3A_310, %select_n3A] masked %and3A : memref<64x640xf32, #tpu.memory_space<vmem>>[vector<16xi32>, vector<16xi32>], vector<16xf32>, vector<16xi1>
        tpu.vector_store_idx %arg13[%add3A_212, %broadcast_in_dim3A_310], %gather3A_311 masked %and3A : memref<192x128xf32, #tpu.memory_space<vmem>>[vector<16xi32>, vector<16xi32>], vector<16xf32>, vector<16xi1>
        %broadcast_in_dim3A_312 = arith.constant 27 : i32
        %broadcast_in_dim3A_313 = vector.broadcast %broadcast_in_dim3A_312 : i32 to vector<16xi32>
        %gather3A_314 = tpu.vector_load_idx %arg9[%broadcast_in_dim3A_313, %select_n3A] masked %and3A : memref<64x640xf32, #tpu.memory_space<vmem>>[vector<16xi32>, vector<16xi32>], vector<16xf32>, vector<16xi1>
        tpu.vector_store_idx %arg13[%add3A_212, %broadcast_in_dim3A_313], %gather3A_314 masked %and3A : memref<192x128xf32, #tpu.memory_space<vmem>>[vector<16xi32>, vector<16xi32>], vector<16xf32>, vector<16xi1>
        %broadcast_in_dim3A_315 = arith.constant 28 : i32
        %broadcast_in_dim3A_316 = vector.broadcast %broadcast_in_dim3A_315 : i32 to vector<16xi32>
        %gather3A_317 = tpu.vector_load_idx %arg9[%broadcast_in_dim3A_316, %select_n3A] masked %and3A : memref<64x640xf32, #tpu.memory_space<vmem>>[vector<16xi32>, vector<16xi32>], vector<16xf32>, vector<16xi1>
        tpu.vector_store_idx %arg13[%add3A_212, %broadcast_in_dim3A_316], %gather3A_317 masked %and3A : memref<192x128xf32, #tpu.memory_space<vmem>>[vector<16xi32>, vector<16xi32>], vector<16xf32>, vector<16xi1>
        %broadcast_in_dim3A_318 = arith.constant 29 : i32
        %broadcast_in_dim3A_319 = vector.broadcast %broadcast_in_dim3A_318 : i32 to vector<16xi32>
        %gather3A_320 = tpu.vector_load_idx %arg9[%broadcast_in_dim3A_319, %select_n3A] masked %and3A : memref<64x640xf32, #tpu.memory_space<vmem>>[vector<16xi32>, vector<16xi32>], vector<16xf32>, vector<16xi1>
        tpu.vector_store_idx %arg13[%add3A_212, %broadcast_in_dim3A_319], %gather3A_320 masked %and3A : memref<192x128xf32, #tpu.memory_space<vmem>>[vector<16xi32>, vector<16xi32>], vector<16xf32>, vector<16xi1>
        %broadcast_in_dim3A_321 = arith.constant 30 : i32
        %broadcast_in_dim3A_322 = vector.broadcast %broadcast_in_dim3A_321 : i32 to vector<16xi32>
        %gather3A_323 = tpu.vector_load_idx %arg9[%broadcast_in_dim3A_322, %select_n3A] masked %and3A : memref<64x640xf32, #tpu.memory_space<vmem>>[vector<16xi32>, vector<16xi32>], vector<16xf32>, vector<16xi1>
        tpu.vector_store_idx %arg13[%add3A_212, %broadcast_in_dim3A_322], %gather3A_323 masked %and3A : memref<192x128xf32, #tpu.memory_space<vmem>>[vector<16xi32>, vector<16xi32>], vector<16xf32>, vector<16xi1>
        %broadcast_in_dim3A_324 = arith.constant 31 : i32
        %broadcast_in_dim3A_325 = vector.broadcast %broadcast_in_dim3A_324 : i32 to vector<16xi32>
        %gather3A_326 = tpu.vector_load_idx %arg9[%broadcast_in_dim3A_325, %select_n3A] masked %and3A : memref<64x640xf32, #tpu.memory_space<vmem>>[vector<16xi32>, vector<16xi32>], vector<16xf32>, vector<16xi1>
        tpu.vector_store_idx %arg13[%add3A_212, %broadcast_in_dim3A_325], %gather3A_326 masked %and3A : memref<192x128xf32, #tpu.memory_space<vmem>>[vector<16xi32>, vector<16xi32>], vector<16xf32>, vector<16xi1>
        %broadcast_in_dim3A_327 = arith.constant 32 : i32
        %broadcast_in_dim3A_328 = vector.broadcast %broadcast_in_dim3A_327 : i32 to vector<16xi32>
        %gather3A_329 = tpu.vector_load_idx %arg9[%broadcast_in_dim3A_328, %select_n3A] masked %and3A : memref<64x640xf32, #tpu.memory_space<vmem>>[vector<16xi32>, vector<16xi32>], vector<16xf32>, vector<16xi1>
        tpu.vector_store_idx %arg13[%add3A_212, %broadcast_in_dim3A_328], %gather3A_329 masked %and3A : memref<192x128xf32, #tpu.memory_space<vmem>>[vector<16xi32>, vector<16xi32>], vector<16xf32>, vector<16xi1>
        %broadcast_in_dim3A_330 = arith.constant 33 : i32
        %broadcast_in_dim3A_331 = vector.broadcast %broadcast_in_dim3A_330 : i32 to vector<16xi32>
        %gather3A_332 = tpu.vector_load_idx %arg9[%broadcast_in_dim3A_331, %select_n3A] masked %and3A : memref<64x640xf32, #tpu.memory_space<vmem>>[vector<16xi32>, vector<16xi32>], vector<16xf32>, vector<16xi1>
        tpu.vector_store_idx %arg13[%add3A_212, %broadcast_in_dim3A_331], %gather3A_332 masked %and3A : memref<192x128xf32, #tpu.memory_space<vmem>>[vector<16xi32>, vector<16xi32>], vector<16xf32>, vector<16xi1>
        %broadcast_in_dim3A_333 = arith.constant 34 : i32
        %broadcast_in_dim3A_334 = vector.broadcast %broadcast_in_dim3A_333 : i32 to vector<16xi32>
        %gather3A_335 = tpu.vector_load_idx %arg9[%broadcast_in_dim3A_334, %select_n3A] masked %and3A : memref<64x640xf32, #tpu.memory_space<vmem>>[vector<16xi32>, vector<16xi32>], vector<16xf32>, vector<16xi1>
        tpu.vector_store_idx %arg13[%add3A_212, %broadcast_in_dim3A_334], %gather3A_335 masked %and3A : memref<192x128xf32, #tpu.memory_space<vmem>>[vector<16xi32>, vector<16xi32>], vector<16xf32>, vector<16xi1>
        %broadcast_in_dim3A_336 = arith.constant 35 : i32
        %broadcast_in_dim3A_337 = vector.broadcast %broadcast_in_dim3A_336 : i32 to vector<16xi32>
        %gather3A_338 = tpu.vector_load_idx %arg9[%broadcast_in_dim3A_337, %select_n3A] masked %and3A : memref<64x640xf32, #tpu.memory_space<vmem>>[vector<16xi32>, vector<16xi32>], vector<16xf32>, vector<16xi1>
        tpu.vector_store_idx %arg13[%add3A_212, %broadcast_in_dim3A_337], %gather3A_338 masked %and3A : memref<192x128xf32, #tpu.memory_space<vmem>>[vector<16xi32>, vector<16xi32>], vector<16xf32>, vector<16xi1>
        %broadcast_in_dim3A_339 = arith.constant 36 : i32
        %broadcast_in_dim3A_340 = vector.broadcast %broadcast_in_dim3A_339 : i32 to vector<16xi32>
        %gather3A_341 = tpu.vector_load_idx %arg9[%broadcast_in_dim3A_340, %select_n3A] masked %and3A : memref<64x640xf32, #tpu.memory_space<vmem>>[vector<16xi32>, vector<16xi32>], vector<16xf32>, vector<16xi1>
        tpu.vector_store_idx %arg13[%add3A_212, %broadcast_in_dim3A_340], %gather3A_341 masked %and3A : memref<192x128xf32, #tpu.memory_space<vmem>>[vector<16xi32>, vector<16xi32>], vector<16xf32>, vector<16xi1>
        %broadcast_in_dim3A_342 = arith.constant 37 : i32
        %broadcast_in_dim3A_343 = vector.broadcast %broadcast_in_dim3A_342 : i32 to vector<16xi32>
        %gather3A_344 = tpu.vector_load_idx %arg9[%broadcast_in_dim3A_343, %select_n3A] masked %and3A : memref<64x640xf32, #tpu.memory_space<vmem>>[vector<16xi32>, vector<16xi32>], vector<16xf32>, vector<16xi1>
        tpu.vector_store_idx %arg13[%add3A_212, %broadcast_in_dim3A_343], %gather3A_344 masked %and3A : memref<192x128xf32, #tpu.memory_space<vmem>>[vector<16xi32>, vector<16xi32>], vector<16xf32>, vector<16xi1>
        %broadcast_in_dim3A_345 = arith.constant 38 : i32
        %broadcast_in_dim3A_346 = vector.broadcast %broadcast_in_dim3A_345 : i32 to vector<16xi32>
        %gather3A_347 = tpu.vector_load_idx %arg9[%broadcast_in_dim3A_346, %select_n3A] masked %and3A : memref<64x640xf32, #tpu.memory_space<vmem>>[vector<16xi32>, vector<16xi32>], vector<16xf32>, vector<16xi1>
        tpu.vector_store_idx %arg13[%add3A_212, %broadcast_in_dim3A_346], %gather3A_347 masked %and3A : memref<192x128xf32, #tpu.memory_space<vmem>>[vector<16xi32>, vector<16xi32>], vector<16xf32>, vector<16xi1>
        %broadcast_in_dim3A_348 = arith.constant 39 : i32
        %broadcast_in_dim3A_349 = vector.broadcast %broadcast_in_dim3A_348 : i32 to vector<16xi32>
        %gather3A_350 = tpu.vector_load_idx %arg9[%broadcast_in_dim3A_349, %select_n3A] masked %and3A : memref<64x640xf32, #tpu.memory_space<vmem>>[vector<16xi32>, vector<16xi32>], vector<16xf32>, vector<16xi1>
        tpu.vector_store_idx %arg13[%add3A_212, %broadcast_in_dim3A_349], %gather3A_350 masked %and3A : memref<192x128xf32, #tpu.memory_space<vmem>>[vector<16xi32>, vector<16xi32>], vector<16xf32>, vector<16xi1>
        %broadcast_in_dim3A_351 = arith.constant 40 : i32
        %broadcast_in_dim3A_352 = vector.broadcast %broadcast_in_dim3A_351 : i32 to vector<16xi32>
        %gather3A_353 = tpu.vector_load_idx %arg9[%broadcast_in_dim3A_352, %select_n3A] masked %and3A : memref<64x640xf32, #tpu.memory_space<vmem>>[vector<16xi32>, vector<16xi32>], vector<16xf32>, vector<16xi1>
        tpu.vector_store_idx %arg13[%add3A_212, %broadcast_in_dim3A_352], %gather3A_353 masked %and3A : memref<192x128xf32, #tpu.memory_space<vmem>>[vector<16xi32>, vector<16xi32>], vector<16xf32>, vector<16xi1>
        %broadcast_in_dim3A_354 = arith.constant 41 : i32
        %broadcast_in_dim3A_355 = vector.broadcast %broadcast_in_dim3A_354 : i32 to vector<16xi32>
        %gather3A_356 = tpu.vector_load_idx %arg9[%broadcast_in_dim3A_355, %select_n3A] masked %and3A : memref<64x640xf32, #tpu.memory_space<vmem>>[vector<16xi32>, vector<16xi32>], vector<16xf32>, vector<16xi1>
        tpu.vector_store_idx %arg13[%add3A_212, %broadcast_in_dim3A_355], %gather3A_356 masked %and3A : memref<192x128xf32, #tpu.memory_space<vmem>>[vector<16xi32>, vector<16xi32>], vector<16xf32>, vector<16xi1>
        %broadcast_in_dim3A_357 = arith.constant 42 : i32
        %broadcast_in_dim3A_358 = vector.broadcast %broadcast_in_dim3A_357 : i32 to vector<16xi32>
        %gather3A_359 = tpu.vector_load_idx %arg9[%broadcast_in_dim3A_358, %select_n3A] masked %and3A : memref<64x640xf32, #tpu.memory_space<vmem>>[vector<16xi32>, vector<16xi32>], vector<16xf32>, vector<16xi1>
        tpu.vector_store_idx %arg13[%add3A_212, %broadcast_in_dim3A_358], %gather3A_359 masked %and3A : memref<192x128xf32, #tpu.memory_space<vmem>>[vector<16xi32>, vector<16xi32>], vector<16xf32>, vector<16xi1>
        %broadcast_in_dim3A_360 = arith.constant 43 : i32
        %broadcast_in_dim3A_361 = vector.broadcast %broadcast_in_dim3A_360 : i32 to vector<16xi32>
        %gather3A_362 = tpu.vector_load_idx %arg9[%broadcast_in_dim3A_361, %select_n3A] masked %and3A : memref<64x640xf32, #tpu.memory_space<vmem>>[vector<16xi32>, vector<16xi32>], vector<16xf32>, vector<16xi1>
        tpu.vector_store_idx %arg13[%add3A_212, %broadcast_in_dim3A_361], %gather3A_362 masked %and3A : memref<192x128xf32, #tpu.memory_space<vmem>>[vector<16xi32>, vector<16xi32>], vector<16xf32>, vector<16xi1>
        %broadcast_in_dim3A_363 = arith.constant 44 : i32
        %broadcast_in_dim3A_364 = vector.broadcast %broadcast_in_dim3A_363 : i32 to vector<16xi32>
        %gather3A_365 = tpu.vector_load_idx %arg9[%broadcast_in_dim3A_364, %select_n3A] masked %and3A : memref<64x640xf32, #tpu.memory_space<vmem>>[vector<16xi32>, vector<16xi32>], vector<16xf32>, vector<16xi1>
        tpu.vector_store_idx %arg13[%add3A_212, %broadcast_in_dim3A_364], %gather3A_365 masked %and3A : memref<192x128xf32, #tpu.memory_space<vmem>>[vector<16xi32>, vector<16xi32>], vector<16xf32>, vector<16xi1>
        %broadcast_in_dim3A_366 = arith.constant 45 : i32
        %broadcast_in_dim3A_367 = vector.broadcast %broadcast_in_dim3A_366 : i32 to vector<16xi32>
        %gather3A_368 = tpu.vector_load_idx %arg9[%broadcast_in_dim3A_367, %select_n3A] masked %and3A : memref<64x640xf32, #tpu.memory_space<vmem>>[vector<16xi32>, vector<16xi32>], vector<16xf32>, vector<16xi1>
        tpu.vector_store_idx %arg13[%add3A_212, %broadcast_in_dim3A_367], %gather3A_368 masked %and3A : memref<192x128xf32, #tpu.memory_space<vmem>>[vector<16xi32>, vector<16xi32>], vector<16xf32>, vector<16xi1>
        %broadcast_in_dim3A_369 = arith.constant 46 : i32
        %broadcast_in_dim3A_370 = vector.broadcast %broadcast_in_dim3A_369 : i32 to vector<16xi32>
        %gather3A_371 = tpu.vector_load_idx %arg9[%broadcast_in_dim3A_370, %select_n3A] masked %and3A : memref<64x640xf32, #tpu.memory_space<vmem>>[vector<16xi32>, vector<16xi32>], vector<16xf32>, vector<16xi1>
        tpu.vector_store_idx %arg13[%add3A_212, %broadcast_in_dim3A_370], %gather3A_371 masked %and3A : memref<192x128xf32, #tpu.memory_space<vmem>>[vector<16xi32>, vector<16xi32>], vector<16xf32>, vector<16xi1>
        %broadcast_in_dim3A_372 = arith.constant 47 : i32
        %broadcast_in_dim3A_373 = vector.broadcast %broadcast_in_dim3A_372 : i32 to vector<16xi32>
        %gather3A_374 = tpu.vector_load_idx %arg9[%broadcast_in_dim3A_373, %select_n3A] masked %and3A : memref<64x640xf32, #tpu.memory_space<vmem>>[vector<16xi32>, vector<16xi32>], vector<16xf32>, vector<16xi1>
        tpu.vector_store_idx %arg13[%add3A_212, %broadcast_in_dim3A_373], %gather3A_374 masked %and3A : memref<192x128xf32, #tpu.memory_space<vmem>>[vector<16xi32>, vector<16xi32>], vector<16xf32>, vector<16xi1>
        %broadcast_in_dim3A_375 = arith.constant 48 : i32
        %broadcast_in_dim3A_376 = vector.broadcast %broadcast_in_dim3A_375 : i32 to vector<16xi32>
        %gather3A_377 = tpu.vector_load_idx %arg9[%broadcast_in_dim3A_376, %select_n3A] masked %and3A : memref<64x640xf32, #tpu.memory_space<vmem>>[vector<16xi32>, vector<16xi32>], vector<16xf32>, vector<16xi1>
        tpu.vector_store_idx %arg13[%add3A_212, %broadcast_in_dim3A_376], %gather3A_377 masked %and3A : memref<192x128xf32, #tpu.memory_space<vmem>>[vector<16xi32>, vector<16xi32>], vector<16xf32>, vector<16xi1>
        %broadcast_in_dim3A_378 = arith.constant 49 : i32
        %broadcast_in_dim3A_379 = vector.broadcast %broadcast_in_dim3A_378 : i32 to vector<16xi32>
        %gather3A_380 = tpu.vector_load_idx %arg9[%broadcast_in_dim3A_379, %select_n3A] masked %and3A : memref<64x640xf32, #tpu.memory_space<vmem>>[vector<16xi32>, vector<16xi32>], vector<16xf32>, vector<16xi1>
        tpu.vector_store_idx %arg13[%add3A_212, %broadcast_in_dim3A_379], %gather3A_380 masked %and3A : memref<192x128xf32, #tpu.memory_space<vmem>>[vector<16xi32>, vector<16xi32>], vector<16xf32>, vector<16xi1>
        %broadcast_in_dim3A_381 = arith.constant 50 : i32
        %broadcast_in_dim3A_382 = vector.broadcast %broadcast_in_dim3A_381 : i32 to vector<16xi32>
        %gather3A_383 = tpu.vector_load_idx %arg9[%broadcast_in_dim3A_382, %select_n3A] masked %and3A : memref<64x640xf32, #tpu.memory_space<vmem>>[vector<16xi32>, vector<16xi32>], vector<16xf32>, vector<16xi1>
        tpu.vector_store_idx %arg13[%add3A_212, %broadcast_in_dim3A_382], %gather3A_383 masked %and3A : memref<192x128xf32, #tpu.memory_space<vmem>>[vector<16xi32>, vector<16xi32>], vector<16xf32>, vector<16xi1>
        %broadcast_in_dim3A_384 = arith.constant 51 : i32
        %broadcast_in_dim3A_385 = vector.broadcast %broadcast_in_dim3A_384 : i32 to vector<16xi32>
        %gather3A_386 = tpu.vector_load_idx %arg9[%broadcast_in_dim3A_385, %select_n3A] masked %and3A : memref<64x640xf32, #tpu.memory_space<vmem>>[vector<16xi32>, vector<16xi32>], vector<16xf32>, vector<16xi1>
        tpu.vector_store_idx %arg13[%add3A_212, %broadcast_in_dim3A_385], %gather3A_386 masked %and3A : memref<192x128xf32, #tpu.memory_space<vmem>>[vector<16xi32>, vector<16xi32>], vector<16xf32>, vector<16xi1>
        %broadcast_in_dim3A_387 = arith.constant 52 : i32
        %broadcast_in_dim3A_388 = vector.broadcast %broadcast_in_dim3A_387 : i32 to vector<16xi32>
        %gather3A_389 = tpu.vector_load_idx %arg9[%broadcast_in_dim3A_388, %select_n3A] masked %and3A : memref<64x640xf32, #tpu.memory_space<vmem>>[vector<16xi32>, vector<16xi32>], vector<16xf32>, vector<16xi1>
        tpu.vector_store_idx %arg13[%add3A_212, %broadcast_in_dim3A_388], %gather3A_389 masked %and3A : memref<192x128xf32, #tpu.memory_space<vmem>>[vector<16xi32>, vector<16xi32>], vector<16xf32>, vector<16xi1>
        %broadcast_in_dim3A_390 = arith.constant 53 : i32
        %broadcast_in_dim3A_391 = vector.broadcast %broadcast_in_dim3A_390 : i32 to vector<16xi32>
        %gather3A_392 = tpu.vector_load_idx %arg9[%broadcast_in_dim3A_391, %select_n3A] masked %and3A : memref<64x640xf32, #tpu.memory_space<vmem>>[vector<16xi32>, vector<16xi32>], vector<16xf32>, vector<16xi1>
        tpu.vector_store_idx %arg13[%add3A_212, %broadcast_in_dim3A_391], %gather3A_392 masked %and3A : memref<192x128xf32, #tpu.memory_space<vmem>>[vector<16xi32>, vector<16xi32>], vector<16xf32>, vector<16xi1>
        %broadcast_in_dim3A_393 = arith.constant 54 : i32
        %broadcast_in_dim3A_394 = vector.broadcast %broadcast_in_dim3A_393 : i32 to vector<16xi32>
        %gather3A_395 = tpu.vector_load_idx %arg9[%broadcast_in_dim3A_394, %select_n3A] masked %and3A : memref<64x640xf32, #tpu.memory_space<vmem>>[vector<16xi32>, vector<16xi32>], vector<16xf32>, vector<16xi1>
        tpu.vector_store_idx %arg13[%add3A_212, %broadcast_in_dim3A_394], %gather3A_395 masked %and3A : memref<192x128xf32, #tpu.memory_space<vmem>>[vector<16xi32>, vector<16xi32>], vector<16xf32>, vector<16xi1>
        %broadcast_in_dim3A_396 = arith.constant 55 : i32
        %broadcast_in_dim3A_397 = vector.broadcast %broadcast_in_dim3A_396 : i32 to vector<16xi32>
        %gather3A_398 = tpu.vector_load_idx %arg9[%broadcast_in_dim3A_397, %select_n3A] masked %and3A : memref<64x640xf32, #tpu.memory_space<vmem>>[vector<16xi32>, vector<16xi32>], vector<16xf32>, vector<16xi1>
        tpu.vector_store_idx %arg13[%add3A_212, %broadcast_in_dim3A_397], %gather3A_398 masked %and3A : memref<192x128xf32, #tpu.memory_space<vmem>>[vector<16xi32>, vector<16xi32>], vector<16xf32>, vector<16xi1>
        %broadcast_in_dim3A_399 = arith.constant 56 : i32
        %broadcast_in_dim3A_400 = vector.broadcast %broadcast_in_dim3A_399 : i32 to vector<16xi32>
        %gather3A_401 = tpu.vector_load_idx %arg9[%broadcast_in_dim3A_400, %select_n3A] masked %and3A : memref<64x640xf32, #tpu.memory_space<vmem>>[vector<16xi32>, vector<16xi32>], vector<16xf32>, vector<16xi1>
        tpu.vector_store_idx %arg13[%add3A_212, %broadcast_in_dim3A_400], %gather3A_401 masked %and3A : memref<192x128xf32, #tpu.memory_space<vmem>>[vector<16xi32>, vector<16xi32>], vector<16xf32>, vector<16xi1>
        %broadcast_in_dim3A_402 = arith.constant 57 : i32
        %broadcast_in_dim3A_403 = vector.broadcast %broadcast_in_dim3A_402 : i32 to vector<16xi32>
        %gather3A_404 = tpu.vector_load_idx %arg9[%broadcast_in_dim3A_403, %select_n3A] masked %and3A : memref<64x640xf32, #tpu.memory_space<vmem>>[vector<16xi32>, vector<16xi32>], vector<16xf32>, vector<16xi1>
        tpu.vector_store_idx %arg13[%add3A_212, %broadcast_in_dim3A_403], %gather3A_404 masked %and3A : memref<192x128xf32, #tpu.memory_space<vmem>>[vector<16xi32>, vector<16xi32>], vector<16xf32>, vector<16xi1>
        %broadcast_in_dim3A_405 = arith.constant 58 : i32
        %broadcast_in_dim3A_406 = vector.broadcast %broadcast_in_dim3A_405 : i32 to vector<16xi32>
        %gather3A_407 = tpu.vector_load_idx %arg9[%broadcast_in_dim3A_406, %select_n3A] masked %and3A : memref<64x640xf32, #tpu.memory_space<vmem>>[vector<16xi32>, vector<16xi32>], vector<16xf32>, vector<16xi1>
        tpu.vector_store_idx %arg13[%add3A_212, %broadcast_in_dim3A_406], %gather3A_407 masked %and3A : memref<192x128xf32, #tpu.memory_space<vmem>>[vector<16xi32>, vector<16xi32>], vector<16xf32>, vector<16xi1>
        %broadcast_in_dim3A_408 = arith.constant 59 : i32
        %broadcast_in_dim3A_409 = vector.broadcast %broadcast_in_dim3A_408 : i32 to vector<16xi32>
        %gather3A_410 = tpu.vector_load_idx %arg9[%broadcast_in_dim3A_409, %select_n3A] masked %and3A : memref<64x640xf32, #tpu.memory_space<vmem>>[vector<16xi32>, vector<16xi32>], vector<16xf32>, vector<16xi1>
        tpu.vector_store_idx %arg13[%add3A_212, %broadcast_in_dim3A_409], %gather3A_410 masked %and3A : memref<192x128xf32, #tpu.memory_space<vmem>>[vector<16xi32>, vector<16xi32>], vector<16xf32>, vector<16xi1>
        %broadcast_in_dim3A_411 = arith.constant 60 : i32
        %broadcast_in_dim3A_412 = vector.broadcast %broadcast_in_dim3A_411 : i32 to vector<16xi32>
        %gather3A_413 = tpu.vector_load_idx %arg9[%broadcast_in_dim3A_412, %select_n3A] masked %and3A : memref<64x640xf32, #tpu.memory_space<vmem>>[vector<16xi32>, vector<16xi32>], vector<16xf32>, vector<16xi1>
        tpu.vector_store_idx %arg13[%add3A_212, %broadcast_in_dim3A_412], %gather3A_413 masked %and3A : memref<192x128xf32, #tpu.memory_space<vmem>>[vector<16xi32>, vector<16xi32>], vector<16xf32>, vector<16xi1>
        %broadcast_in_dim3A_414 = arith.constant 61 : i32
        %broadcast_in_dim3A_415 = vector.broadcast %broadcast_in_dim3A_414 : i32 to vector<16xi32>
        %gather3A_416 = tpu.vector_load_idx %arg9[%broadcast_in_dim3A_415, %select_n3A] masked %and3A : memref<64x640xf32, #tpu.memory_space<vmem>>[vector<16xi32>, vector<16xi32>], vector<16xf32>, vector<16xi1>
        tpu.vector_store_idx %arg13[%add3A_212, %broadcast_in_dim3A_415], %gather3A_416 masked %and3A : memref<192x128xf32, #tpu.memory_space<vmem>>[vector<16xi32>, vector<16xi32>], vector<16xf32>, vector<16xi1>
        %broadcast_in_dim3A_417 = arith.constant 62 : i32
        %broadcast_in_dim3A_418 = vector.broadcast %broadcast_in_dim3A_417 : i32 to vector<16xi32>
        %gather3A_419 = tpu.vector_load_idx %arg9[%broadcast_in_dim3A_418, %select_n3A] masked %and3A : memref<64x640xf32, #tpu.memory_space<vmem>>[vector<16xi32>, vector<16xi32>], vector<16xf32>, vector<16xi1>
        tpu.vector_store_idx %arg13[%add3A_212, %broadcast_in_dim3A_418], %gather3A_419 masked %and3A : memref<192x128xf32, #tpu.memory_space<vmem>>[vector<16xi32>, vector<16xi32>], vector<16xf32>, vector<16xi1>
        %broadcast_in_dim3A_420 = arith.constant 63 : i32
        %broadcast_in_dim3A_421 = vector.broadcast %broadcast_in_dim3A_420 : i32 to vector<16xi32>
        %gather3A_422 = tpu.vector_load_idx %arg9[%broadcast_in_dim3A_421, %select_n3A] masked %and3A : memref<64x640xf32, #tpu.memory_space<vmem>>[vector<16xi32>, vector<16xi32>], vector<16xf32>, vector<16xi1>
        tpu.vector_store_idx %arg13[%add3A_212, %broadcast_in_dim3A_421], %gather3A_422 masked %and3A : memref<192x128xf32, #tpu.memory_space<vmem>>[vector<16xi32>, vector<16xi32>], vector<16xf32>, vector<16xi1>
      }
      %while3A_187 = arith.constant 1 : i32
      scf.for %while3A_208 = %while3A_185 to %while3A_181 step %while3A_187  : i32 {
        %iota3A = tpu.iota {dimensions = array<i32: 0>} : vector<16xi32>
        %mul3A_209 = arith.constant 16 : i32
        %mul3A_210 = arith.muli %while3A_208, %mul3A_209 : i32
        %add3A_211 = vector.broadcast %mul3A_210 : i32 to vector<16xi32>
        %add3A_212 = arith.addi %iota3A, %add3A_211 : vector<16xi32>
        %ge3A_213 = vector.broadcast %cond3A_123 : i32 to vector<16xi32>
        %ge3A_214 = arith.cmpi sge, %add3A_212, %ge3A_213 : vector<16xi32>
        %lt3A_215 = vector.broadcast %while3A_170 : i32 to vector<16xi32>
        %lt3A_216 = arith.cmpi slt, %add3A_212, %lt3A_215 : vector<16xi32>
        %and3A = arith.andi %ge3A_214, %lt3A_216 : vector<16xi1>
        %mul3A_217 = arith.constant 16 : i32
        %mul3A_218 = arith.muli %while3A_208, %mul3A_217 : i32
        %get3A = arith.index_cast %mul3A_218 : i32 to index
        %get3A_219 = tpu.vector_load %arg10[%get3A] {strides = array<i32>} : memref<192xi32, #tpu.memory_space<vmem>>, vector<16xi32>,
        %jit3A = arith.constant 0 : i32
        %broadcast_in_dim3A = vector.broadcast %jit3A : i32 to vector<16xi32>
        %select_n3A = arith.select %and3A, %get3A_219, %broadcast_in_dim3A : vector<16xi1>, vector<16xi32>
        %mul3A_220 = arith.constant 16 : i32
        %mul3A_221 = arith.muli %while3A_208, %mul3A_220 : i32
        %get3A_222 = arith.index_cast %mul3A_221 : i32 to index
        %get3A_223 = tpu.vector_load %arg11[%get3A_222] {strides = array<i32>} : memref<192xi32, #tpu.memory_space<vmem>>, vector<16xi32>,
        %mul3A_224 = arith.constant 16 : i32
        %mul3A_225 = arith.muli %while3A_208, %mul3A_224 : i32
        %get3A_226 = arith.index_cast %mul3A_225 : i32 to index
        %get3A_227 = tpu.vector_load %arg12[%get3A_226] {strides = array<i32>} : memref<192xi32, #tpu.memory_space<vmem>>, vector<16xi32>,
        %select_n3A_228 = arith.select %and3A, %get3A_223, %get3A_227 : vector<16xi1>, vector<16xi32>
        %mul3A_229 = arith.constant 16 : i32
        %mul3A_230 = arith.muli %while3A_208, %mul3A_229 : i32
        %swap3A = arith.index_cast %mul3A_230 : i32 to index
        %swap3A_231 = tpu.vector_load %arg12[%swap3A] {strides = array<i32>} : memref<192xi32, #tpu.memory_space<vmem>>, vector<16xi32>,
        tpu.vector_store %arg12[%swap3A], %select_n3A_228 {strides = array<i32>} : memref<192xi32, #tpu.memory_space<vmem>>, vector<16xi32>,
        %broadcast_in_dim3A_232 = arith.constant 0 : i32
        %broadcast_in_dim3A_233 = vector.broadcast %broadcast_in_dim3A_232 : i32 to vector<16xi32>
        %gather3A = tpu.vector_load_idx %arg9[%broadcast_in_dim3A_233, %select_n3A] masked %and3A : memref<64x640xf32, #tpu.memory_space<vmem>>[vector<16xi32>, vector<16xi32>], vector<16xf32>, vector<16xi1>
        tpu.vector_store_idx %arg13[%add3A_212, %broadcast_in_dim3A_233], %gather3A masked %and3A : memref<192x128xf32, #tpu.memory_space<vmem>>[vector<16xi32>, vector<16xi32>], vector<16xf32>, vector<16xi1>
        %broadcast_in_dim3A_234 = arith.constant 1 : i32
        %broadcast_in_dim3A_235 = vector.broadcast %broadcast_in_dim3A_234 : i32 to vector<16xi32>
        %gather3A_236 = tpu.vector_load_idx %arg9[%broadcast_in_dim3A_235, %select_n3A] masked %and3A : memref<64x640xf32, #tpu.memory_space<vmem>>[vector<16xi32>, vector<16xi32>], vector<16xf32>, vector<16xi1>
        tpu.vector_store_idx %arg13[%add3A_212, %broadcast_in_dim3A_235], %gather3A_236 masked %and3A : memref<192x128xf32, #tpu.memory_space<vmem>>[vector<16xi32>, vector<16xi32>], vector<16xf32>, vector<16xi1>
        %broadcast_in_dim3A_237 = arith.constant 2 : i32
        %broadcast_in_dim3A_238 = vector.broadcast %broadcast_in_dim3A_237 : i32 to vector<16xi32>
        %gather3A_239 = tpu.vector_load_idx %arg9[%broadcast_in_dim3A_238, %select_n3A] masked %and3A : memref<64x640xf32, #tpu.memory_space<vmem>>[vector<16xi32>, vector<16xi32>], vector<16xf32>, vector<16xi1>
        tpu.vector_store_idx %arg13[%add3A_212, %broadcast_in_dim3A_238], %gather3A_239 masked %and3A : memref<192x128xf32, #tpu.memory_space<vmem>>[vector<16xi32>, vector<16xi32>], vector<16xf32>, vector<16xi1>
        %broadcast_in_dim3A_240 = arith.constant 3 : i32
        %broadcast_in_dim3A_241 = vector.broadcast %broadcast_in_dim3A_240 : i32 to vector<16xi32>
        %gather3A_242 = tpu.vector_load_idx %arg9[%broadcast_in_dim3A_241, %select_n3A] masked %and3A : memref<64x640xf32, #tpu.memory_space<vmem>>[vector<16xi32>, vector<16xi32>], vector<16xf32>, vector<16xi1>
        tpu.vector_store_idx %arg13[%add3A_212, %broadcast_in_dim3A_241], %gather3A_242 masked %and3A : memref<192x128xf32, #tpu.memory_space<vmem>>[vector<16xi32>, vector<16xi32>], vector<16xf32>, vector<16xi1>
        %broadcast_in_dim3A_243 = arith.constant 4 : i32
        %broadcast_in_dim3A_244 = vector.broadcast %broadcast_in_dim3A_243 : i32 to vector<16xi32>
        %gather3A_245 = tpu.vector_load_idx %arg9[%broadcast_in_dim3A_244, %select_n3A] masked %and3A : memref<64x640xf32, #tpu.memory_space<vmem>>[vector<16xi32>, vector<16xi32>], vector<16xf32>, vector<16xi1>
        tpu.vector_store_idx %arg13[%add3A_212, %broadcast_in_dim3A_244], %gather3A_245 masked %and3A : memref<192x128xf32, #tpu.memory_space<vmem>>[vector<16xi32>, vector<16xi32>], vector<16xf32>, vector<16xi1>
        %broadcast_in_dim3A_246 = arith.constant 5 : i32
        %broadcast_in_dim3A_247 = vector.broadcast %broadcast_in_dim3A_246 : i32 to vector<16xi32>
        %gather3A_248 = tpu.vector_load_idx %arg9[%broadcast_in_dim3A_247, %select_n3A] masked %and3A : memref<64x640xf32, #tpu.memory_space<vmem>>[vector<16xi32>, vector<16xi32>], vector<16xf32>, vector<16xi1>
        tpu.vector_store_idx %arg13[%add3A_212, %broadcast_in_dim3A_247], %gather3A_248 masked %and3A : memref<192x128xf32, #tpu.memory_space<vmem>>[vector<16xi32>, vector<16xi32>], vector<16xf32>, vector<16xi1>
        %broadcast_in_dim3A_249 = arith.constant 6 : i32
        %broadcast_in_dim3A_250 = vector.broadcast %broadcast_in_dim3A_249 : i32 to vector<16xi32>
        %gather3A_251 = tpu.vector_load_idx %arg9[%broadcast_in_dim3A_250, %select_n3A] masked %and3A : memref<64x640xf32, #tpu.memory_space<vmem>>[vector<16xi32>, vector<16xi32>], vector<16xf32>, vector<16xi1>
        tpu.vector_store_idx %arg13[%add3A_212, %broadcast_in_dim3A_250], %gather3A_251 masked %and3A : memref<192x128xf32, #tpu.memory_space<vmem>>[vector<16xi32>, vector<16xi32>], vector<16xf32>, vector<16xi1>
        %broadcast_in_dim3A_252 = arith.constant 7 : i32
        %broadcast_in_dim3A_253 = vector.broadcast %broadcast_in_dim3A_252 : i32 to vector<16xi32>
        %gather3A_254 = tpu.vector_load_idx %arg9[%broadcast_in_dim3A_253, %select_n3A] masked %and3A : memref<64x640xf32, #tpu.memory_space<vmem>>[vector<16xi32>, vector<16xi32>], vector<16xf32>, vector<16xi1>
        tpu.vector_store_idx %arg13[%add3A_212, %broadcast_in_dim3A_253], %gather3A_254 masked %and3A : memref<192x128xf32, #tpu.memory_space<vmem>>[vector<16xi32>, vector<16xi32>], vector<16xf32>, vector<16xi1>
        %broadcast_in_dim3A_255 = arith.constant 8 : i32
        %broadcast_in_dim3A_256 = vector.broadcast %broadcast_in_dim3A_255 : i32 to vector<16xi32>
        %gather3A_257 = tpu.vector_load_idx %arg9[%broadcast_in_dim3A_256, %select_n3A] masked %and3A : memref<64x640xf32, #tpu.memory_space<vmem>>[vector<16xi32>, vector<16xi32>], vector<16xf32>, vector<16xi1>
        tpu.vector_store_idx %arg13[%add3A_212, %broadcast_in_dim3A_256], %gather3A_257 masked %and3A : memref<192x128xf32, #tpu.memory_space<vmem>>[vector<16xi32>, vector<16xi32>], vector<16xf32>, vector<16xi1>
        %broadcast_in_dim3A_258 = arith.constant 9 : i32
        %broadcast_in_dim3A_259 = vector.broadcast %broadcast_in_dim3A_258 : i32 to vector<16xi32>
        %gather3A_260 = tpu.vector_load_idx %arg9[%broadcast_in_dim3A_259, %select_n3A] masked %and3A : memref<64x640xf32, #tpu.memory_space<vmem>>[vector<16xi32>, vector<16xi32>], vector<16xf32>, vector<16xi1>
        tpu.vector_store_idx %arg13[%add3A_212, %broadcast_in_dim3A_259], %gather3A_260 masked %and3A : memref<192x128xf32, #tpu.memory_space<vmem>>[vector<16xi32>, vector<16xi32>], vector<16xf32>, vector<16xi1>
        %broadcast_in_dim3A_261 = arith.constant 10 : i32
        %broadcast_in_dim3A_262 = vector.broadcast %broadcast_in_dim3A_261 : i32 to vector<16xi32>
        %gather3A_263 = tpu.vector_load_idx %arg9[%broadcast_in_dim3A_262, %select_n3A] masked %and3A : memref<64x640xf32, #tpu.memory_space<vmem>>[vector<16xi32>, vector<16xi32>], vector<16xf32>, vector<16xi1>
        tpu.vector_store_idx %arg13[%add3A_212, %broadcast_in_dim3A_262], %gather3A_263 masked %and3A : memref<192x128xf32, #tpu.memory_space<vmem>>[vector<16xi32>, vector<16xi32>], vector<16xf32>, vector<16xi1>
        %broadcast_in_dim3A_264 = arith.constant 11 : i32
        %broadcast_in_dim3A_265 = vector.broadcast %broadcast_in_dim3A_264 : i32 to vector<16xi32>
        %gather3A_266 = tpu.vector_load_idx %arg9[%broadcast_in_dim3A_265, %select_n3A] masked %and3A : memref<64x640xf32, #tpu.memory_space<vmem>>[vector<16xi32>, vector<16xi32>], vector<16xf32>, vector<16xi1>
        tpu.vector_store_idx %arg13[%add3A_212, %broadcast_in_dim3A_265], %gather3A_266 masked %and3A : memref<192x128xf32, #tpu.memory_space<vmem>>[vector<16xi32>, vector<16xi32>], vector<16xf32>, vector<16xi1>
        %broadcast_in_dim3A_267 = arith.constant 12 : i32
        %broadcast_in_dim3A_268 = vector.broadcast %broadcast_in_dim3A_267 : i32 to vector<16xi32>
        %gather3A_269 = tpu.vector_load_idx %arg9[%broadcast_in_dim3A_268, %select_n3A] masked %and3A : memref<64x640xf32, #tpu.memory_space<vmem>>[vector<16xi32>, vector<16xi32>], vector<16xf32>, vector<16xi1>
        tpu.vector_store_idx %arg13[%add3A_212, %broadcast_in_dim3A_268], %gather3A_269 masked %and3A : memref<192x128xf32, #tpu.memory_space<vmem>>[vector<16xi32>, vector<16xi32>], vector<16xf32>, vector<16xi1>
        %broadcast_in_dim3A_270 = arith.constant 13 : i32
        %broadcast_in_dim3A_271 = vector.broadcast %broadcast_in_dim3A_270 : i32 to vector<16xi32>
        %gather3A_272 = tpu.vector_load_idx %arg9[%broadcast_in_dim3A_271, %select_n3A] masked %and3A : memref<64x640xf32, #tpu.memory_space<vmem>>[vector<16xi32>, vector<16xi32>], vector<16xf32>, vector<16xi1>
        tpu.vector_store_idx %arg13[%add3A_212, %broadcast_in_dim3A_271], %gather3A_272 masked %and3A : memref<192x128xf32, #tpu.memory_space<vmem>>[vector<16xi32>, vector<16xi32>], vector<16xf32>, vector<16xi1>
        %broadcast_in_dim3A_273 = arith.constant 14 : i32
        %broadcast_in_dim3A_274 = vector.broadcast %broadcast_in_dim3A_273 : i32 to vector<16xi32>
        %gather3A_275 = tpu.vector_load_idx %arg9[%broadcast_in_dim3A_274, %select_n3A] masked %and3A : memref<64x640xf32, #tpu.memory_space<vmem>>[vector<16xi32>, vector<16xi32>], vector<16xf32>, vector<16xi1>
        tpu.vector_store_idx %arg13[%add3A_212, %broadcast_in_dim3A_274], %gather3A_275 masked %and3A : memref<192x128xf32, #tpu.memory_space<vmem>>[vector<16xi32>, vector<16xi32>], vector<16xf32>, vector<16xi1>
        %broadcast_in_dim3A_276 = arith.constant 15 : i32
        %broadcast_in_dim3A_277 = vector.broadcast %broadcast_in_dim3A_276 : i32 to vector<16xi32>
        %gather3A_278 = tpu.vector_load_idx %arg9[%broadcast_in_dim3A_277, %select_n3A] masked %and3A : memref<64x640xf32, #tpu.memory_space<vmem>>[vector<16xi32>, vector<16xi32>], vector<16xf32>, vector<16xi1>
        tpu.vector_store_idx %arg13[%add3A_212, %broadcast_in_dim3A_277], %gather3A_278 masked %and3A : memref<192x128xf32, #tpu.memory_space<vmem>>[vector<16xi32>, vector<16xi32>], vector<16xf32>, vector<16xi1>
        %broadcast_in_dim3A_279 = arith.constant 16 : i32
        %broadcast_in_dim3A_280 = vector.broadcast %broadcast_in_dim3A_279 : i32 to vector<16xi32>
        %gather3A_281 = tpu.vector_load_idx %arg9[%broadcast_in_dim3A_280, %select_n3A] masked %and3A : memref<64x640xf32, #tpu.memory_space<vmem>>[vector<16xi32>, vector<16xi32>], vector<16xf32>, vector<16xi1>
        tpu.vector_store_idx %arg13[%add3A_212, %broadcast_in_dim3A_280], %gather3A_281 masked %and3A : memref<192x128xf32, #tpu.memory_space<vmem>>[vector<16xi32>, vector<16xi32>], vector<16xf32>, vector<16xi1>
        %broadcast_in_dim3A_282 = arith.constant 17 : i32
        %broadcast_in_dim3A_283 = vector.broadcast %broadcast_in_dim3A_282 : i32 to vector<16xi32>
        %gather3A_284 = tpu.vector_load_idx %arg9[%broadcast_in_dim3A_283, %select_n3A] masked %and3A : memref<64x640xf32, #tpu.memory_space<vmem>>[vector<16xi32>, vector<16xi32>], vector<16xf32>, vector<16xi1>
        tpu.vector_store_idx %arg13[%add3A_212, %broadcast_in_dim3A_283], %gather3A_284 masked %and3A : memref<192x128xf32, #tpu.memory_space<vmem>>[vector<16xi32>, vector<16xi32>], vector<16xf32>, vector<16xi1>
        %broadcast_in_dim3A_285 = arith.constant 18 : i32
        %broadcast_in_dim3A_286 = vector.broadcast %broadcast_in_dim3A_285 : i32 to vector<16xi32>
        %gather3A_287 = tpu.vector_load_idx %arg9[%broadcast_in_dim3A_286, %select_n3A] masked %and3A : memref<64x640xf32, #tpu.memory_space<vmem>>[vector<16xi32>, vector<16xi32>], vector<16xf32>, vector<16xi1>
        tpu.vector_store_idx %arg13[%add3A_212, %broadcast_in_dim3A_286], %gather3A_287 masked %and3A : memref<192x128xf32, #tpu.memory_space<vmem>>[vector<16xi32>, vector<16xi32>], vector<16xf32>, vector<16xi1>
        %broadcast_in_dim3A_288 = arith.constant 19 : i32
        %broadcast_in_dim3A_289 = vector.broadcast %broadcast_in_dim3A_288 : i32 to vector<16xi32>
        %gather3A_290 = tpu.vector_load_idx %arg9[%broadcast_in_dim3A_289, %select_n3A] masked %and3A : memref<64x640xf32, #tpu.memory_space<vmem>>[vector<16xi32>, vector<16xi32>], vector<16xf32>, vector<16xi1>
        tpu.vector_store_idx %arg13[%add3A_212, %broadcast_in_dim3A_289], %gather3A_290 masked %and3A : memref<192x128xf32, #tpu.memory_space<vmem>>[vector<16xi32>, vector<16xi32>], vector<16xf32>, vector<16xi1>
        %broadcast_in_dim3A_291 = arith.constant 20 : i32
        %broadcast_in_dim3A_292 = vector.broadcast %broadcast_in_dim3A_291 : i32 to vector<16xi32>
        %gather3A_293 = tpu.vector_load_idx %arg9[%broadcast_in_dim3A_292, %select_n3A] masked %and3A : memref<64x640xf32, #tpu.memory_space<vmem>>[vector<16xi32>, vector<16xi32>], vector<16xf32>, vector<16xi1>
        tpu.vector_store_idx %arg13[%add3A_212, %broadcast_in_dim3A_292], %gather3A_293 masked %and3A : memref<192x128xf32, #tpu.memory_space<vmem>>[vector<16xi32>, vector<16xi32>], vector<16xf32>, vector<16xi1>
        %broadcast_in_dim3A_294 = arith.constant 21 : i32
        %broadcast_in_dim3A_295 = vector.broadcast %broadcast_in_dim3A_294 : i32 to vector<16xi32>
        %gather3A_296 = tpu.vector_load_idx %arg9[%broadcast_in_dim3A_295, %select_n3A] masked %and3A : memref<64x640xf32, #tpu.memory_space<vmem>>[vector<16xi32>, vector<16xi32>], vector<16xf32>, vector<16xi1>
        tpu.vector_store_idx %arg13[%add3A_212, %broadcast_in_dim3A_295], %gather3A_296 masked %and3A : memref<192x128xf32, #tpu.memory_space<vmem>>[vector<16xi32>, vector<16xi32>], vector<16xf32>, vector<16xi1>
        %broadcast_in_dim3A_297 = arith.constant 22 : i32
        %broadcast_in_dim3A_298 = vector.broadcast %broadcast_in_dim3A_297 : i32 to vector<16xi32>
        %gather3A_299 = tpu.vector_load_idx %arg9[%broadcast_in_dim3A_298, %select_n3A] masked %and3A : memref<64x640xf32, #tpu.memory_space<vmem>>[vector<16xi32>, vector<16xi32>], vector<16xf32>, vector<16xi1>
        tpu.vector_store_idx %arg13[%add3A_212, %broadcast_in_dim3A_298], %gather3A_299 masked %and3A : memref<192x128xf32, #tpu.memory_space<vmem>>[vector<16xi32>, vector<16xi32>], vector<16xf32>, vector<16xi1>
        %broadcast_in_dim3A_300 = arith.constant 23 : i32
        %broadcast_in_dim3A_301 = vector.broadcast %broadcast_in_dim3A_300 : i32 to vector<16xi32>
        %gather3A_302 = tpu.vector_load_idx %arg9[%broadcast_in_dim3A_301, %select_n3A] masked %and3A : memref<64x640xf32, #tpu.memory_space<vmem>>[vector<16xi32>, vector<16xi32>], vector<16xf32>, vector<16xi1>
        tpu.vector_store_idx %arg13[%add3A_212, %broadcast_in_dim3A_301], %gather3A_302 masked %and3A : memref<192x128xf32, #tpu.memory_space<vmem>>[vector<16xi32>, vector<16xi32>], vector<16xf32>, vector<16xi1>
        %broadcast_in_dim3A_303 = arith.constant 24 : i32
        %broadcast_in_dim3A_304 = vector.broadcast %broadcast_in_dim3A_303 : i32 to vector<16xi32>
        %gather3A_305 = tpu.vector_load_idx %arg9[%broadcast_in_dim3A_304, %select_n3A] masked %and3A : memref<64x640xf32, #tpu.memory_space<vmem>>[vector<16xi32>, vector<16xi32>], vector<16xf32>, vector<16xi1>
        tpu.vector_store_idx %arg13[%add3A_212, %broadcast_in_dim3A_304], %gather3A_305 masked %and3A : memref<192x128xf32, #tpu.memory_space<vmem>>[vector<16xi32>, vector<16xi32>], vector<16xf32>, vector<16xi1>
        %broadcast_in_dim3A_306 = arith.constant 25 : i32
        %broadcast_in_dim3A_307 = vector.broadcast %broadcast_in_dim3A_306 : i32 to vector<16xi32>
        %gather3A_308 = tpu.vector_load_idx %arg9[%broadcast_in_dim3A_307, %select_n3A] masked %and3A : memref<64x640xf32, #tpu.memory_space<vmem>>[vector<16xi32>, vector<16xi32>], vector<16xf32>, vector<16xi1>
        tpu.vector_store_idx %arg13[%add3A_212, %broadcast_in_dim3A_307], %gather3A_308 masked %and3A : memref<192x128xf32, #tpu.memory_space<vmem>>[vector<16xi32>, vector<16xi32>], vector<16xf32>, vector<16xi1>
        %broadcast_in_dim3A_309 = arith.constant 26 : i32
        %broadcast_in_dim3A_310 = vector.broadcast %broadcast_in_dim3A_309 : i32 to vector<16xi32>
        %gather3A_311 = tpu.vector_load_idx %arg9[%broadcast_in_dim3A_310, %select_n3A] masked %and3A : memref<64x640xf32, #tpu.memory_space<vmem>>[vector<16xi32>, vector<16xi32>], vector<16xf32>, vector<16xi1>
        tpu.vector_store_idx %arg13[%add3A_212, %broadcast_in_dim3A_310], %gather3A_311 masked %and3A : memref<192x128xf32, #tpu.memory_space<vmem>>[vector<16xi32>, vector<16xi32>], vector<16xf32>, vector<16xi1>
        %broadcast_in_dim3A_312 = arith.constant 27 : i32
        %broadcast_in_dim3A_313 = vector.broadcast %broadcast_in_dim3A_312 : i32 to vector<16xi32>
        %gather3A_314 = tpu.vector_load_idx %arg9[%broadcast_in_dim3A_313, %select_n3A] masked %and3A : memref<64x640xf32, #tpu.memory_space<vmem>>[vector<16xi32>, vector<16xi32>], vector<16xf32>, vector<16xi1>
        tpu.vector_store_idx %arg13[%add3A_212, %broadcast_in_dim3A_313], %gather3A_314 masked %and3A : memref<192x128xf32, #tpu.memory_space<vmem>>[vector<16xi32>, vector<16xi32>], vector<16xf32>, vector<16xi1>
        %broadcast_in_dim3A_315 = arith.constant 28 : i32
        %broadcast_in_dim3A_316 = vector.broadcast %broadcast_in_dim3A_315 : i32 to vector<16xi32>
        %gather3A_317 = tpu.vector_load_idx %arg9[%broadcast_in_dim3A_316, %select_n3A] masked %and3A : memref<64x640xf32, #tpu.memory_space<vmem>>[vector<16xi32>, vector<16xi32>], vector<16xf32>, vector<16xi1>
        tpu.vector_store_idx %arg13[%add3A_212, %broadcast_in_dim3A_316], %gather3A_317 masked %and3A : memref<192x128xf32, #tpu.memory_space<vmem>>[vector<16xi32>, vector<16xi32>], vector<16xf32>, vector<16xi1>
        %broadcast_in_dim3A_318 = arith.constant 29 : i32
        %broadcast_in_dim3A_319 = vector.broadcast %broadcast_in_dim3A_318 : i32 to vector<16xi32>
        %gather3A_320 = tpu.vector_load_idx %arg9[%broadcast_in_dim3A_319, %select_n3A] masked %and3A : memref<64x640xf32, #tpu.memory_space<vmem>>[vector<16xi32>, vector<16xi32>], vector<16xf32>, vector<16xi1>
        tpu.vector_store_idx %arg13[%add3A_212, %broadcast_in_dim3A_319], %gather3A_320 masked %and3A : memref<192x128xf32, #tpu.memory_space<vmem>>[vector<16xi32>, vector<16xi32>], vector<16xf32>, vector<16xi1>
        %broadcast_in_dim3A_321 = arith.constant 30 : i32
        %broadcast_in_dim3A_322 = vector.broadcast %broadcast_in_dim3A_321 : i32 to vector<16xi32>
        %gather3A_323 = tpu.vector_load_idx %arg9[%broadcast_in_dim3A_322, %select_n3A] masked %and3A : memref<64x640xf32, #tpu.memory_space<vmem>>[vector<16xi32>, vector<16xi32>], vector<16xf32>, vector<16xi1>
        tpu.vector_store_idx %arg13[%add3A_212, %broadcast_in_dim3A_322], %gather3A_323 masked %and3A : memref<192x128xf32, #tpu.memory_space<vmem>>[vector<16xi32>, vector<16xi32>], vector<16xf32>, vector<16xi1>
        %broadcast_in_dim3A_324 = arith.constant 31 : i32
        %broadcast_in_dim3A_325 = vector.broadcast %broadcast_in_dim3A_324 : i32 to vector<16xi32>
        %gather3A_326 = tpu.vector_load_idx %arg9[%broadcast_in_dim3A_325, %select_n3A] masked %and3A : memref<64x640xf32, #tpu.memory_space<vmem>>[vector<16xi32>, vector<16xi32>], vector<16xf32>, vector<16xi1>
        tpu.vector_store_idx %arg13[%add3A_212, %broadcast_in_dim3A_325], %gather3A_326 masked %and3A : memref<192x128xf32, #tpu.memory_space<vmem>>[vector<16xi32>, vector<16xi32>], vector<16xf32>, vector<16xi1>
        %broadcast_in_dim3A_327 = arith.constant 32 : i32
        %broadcast_in_dim3A_328 = vector.broadcast %broadcast_in_dim3A_327 : i32 to vector<16xi32>
        %gather3A_329 = tpu.vector_load_idx %arg9[%broadcast_in_dim3A_328, %select_n3A] masked %and3A : memref<64x640xf32, #tpu.memory_space<vmem>>[vector<16xi32>, vector<16xi32>], vector<16xf32>, vector<16xi1>
        tpu.vector_store_idx %arg13[%add3A_212, %broadcast_in_dim3A_328], %gather3A_329 masked %and3A : memref<192x128xf32, #tpu.memory_space<vmem>>[vector<16xi32>, vector<16xi32>], vector<16xf32>, vector<16xi1>
        %broadcast_in_dim3A_330 = arith.constant 33 : i32
        %broadcast_in_dim3A_331 = vector.broadcast %broadcast_in_dim3A_330 : i32 to vector<16xi32>
        %gather3A_332 = tpu.vector_load_idx %arg9[%broadcast_in_dim3A_331, %select_n3A] masked %and3A : memref<64x640xf32, #tpu.memory_space<vmem>>[vector<16xi32>, vector<16xi32>], vector<16xf32>, vector<16xi1>
        tpu.vector_store_idx %arg13[%add3A_212, %broadcast_in_dim3A_331], %gather3A_332 masked %and3A : memref<192x128xf32, #tpu.memory_space<vmem>>[vector<16xi32>, vector<16xi32>], vector<16xf32>, vector<16xi1>
        %broadcast_in_dim3A_333 = arith.constant 34 : i32
        %broadcast_in_dim3A_334 = vector.broadcast %broadcast_in_dim3A_333 : i32 to vector<16xi32>
        %gather3A_335 = tpu.vector_load_idx %arg9[%broadcast_in_dim3A_334, %select_n3A] masked %and3A : memref<64x640xf32, #tpu.memory_space<vmem>>[vector<16xi32>, vector<16xi32>], vector<16xf32>, vector<16xi1>
        tpu.vector_store_idx %arg13[%add3A_212, %broadcast_in_dim3A_334], %gather3A_335 masked %and3A : memref<192x128xf32, #tpu.memory_space<vmem>>[vector<16xi32>, vector<16xi32>], vector<16xf32>, vector<16xi1>
        %broadcast_in_dim3A_336 = arith.constant 35 : i32
        %broadcast_in_dim3A_337 = vector.broadcast %broadcast_in_dim3A_336 : i32 to vector<16xi32>
        %gather3A_338 = tpu.vector_load_idx %arg9[%broadcast_in_dim3A_337, %select_n3A] masked %and3A : memref<64x640xf32, #tpu.memory_space<vmem>>[vector<16xi32>, vector<16xi32>], vector<16xf32>, vector<16xi1>
        tpu.vector_store_idx %arg13[%add3A_212, %broadcast_in_dim3A_337], %gather3A_338 masked %and3A : memref<192x128xf32, #tpu.memory_space<vmem>>[vector<16xi32>, vector<16xi32>], vector<16xf32>, vector<16xi1>
        %broadcast_in_dim3A_339 = arith.constant 36 : i32
        %broadcast_in_dim3A_340 = vector.broadcast %broadcast_in_dim3A_339 : i32 to vector<16xi32>
        %gather3A_341 = tpu.vector_load_idx %arg9[%broadcast_in_dim3A_340, %select_n3A] masked %and3A : memref<64x640xf32, #tpu.memory_space<vmem>>[vector<16xi32>, vector<16xi32>], vector<16xf32>, vector<16xi1>
        tpu.vector_store_idx %arg13[%add3A_212, %broadcast_in_dim3A_340], %gather3A_341 masked %and3A : memref<192x128xf32, #tpu.memory_space<vmem>>[vector<16xi32>, vector<16xi32>], vector<16xf32>, vector<16xi1>
        %broadcast_in_dim3A_342 = arith.constant 37 : i32
        %broadcast_in_dim3A_343 = vector.broadcast %broadcast_in_dim3A_342 : i32 to vector<16xi32>
        %gather3A_344 = tpu.vector_load_idx %arg9[%broadcast_in_dim3A_343, %select_n3A] masked %and3A : memref<64x640xf32, #tpu.memory_space<vmem>>[vector<16xi32>, vector<16xi32>], vector<16xf32>, vector<16xi1>
        tpu.vector_store_idx %arg13[%add3A_212, %broadcast_in_dim3A_343], %gather3A_344 masked %and3A : memref<192x128xf32, #tpu.memory_space<vmem>>[vector<16xi32>, vector<16xi32>], vector<16xf32>, vector<16xi1>
        %broadcast_in_dim3A_345 = arith.constant 38 : i32
        %broadcast_in_dim3A_346 = vector.broadcast %broadcast_in_dim3A_345 : i32 to vector<16xi32>
        %gather3A_347 = tpu.vector_load_idx %arg9[%broadcast_in_dim3A_346, %select_n3A] masked %and3A : memref<64x640xf32, #tpu.memory_space<vmem>>[vector<16xi32>, vector<16xi32>], vector<16xf32>, vector<16xi1>
        tpu.vector_store_idx %arg13[%add3A_212, %broadcast_in_dim3A_346], %gather3A_347 masked %and3A : memref<192x128xf32, #tpu.memory_space<vmem>>[vector<16xi32>, vector<16xi32>], vector<16xf32>, vector<16xi1>
        %broadcast_in_dim3A_348 = arith.constant 39 : i32
        %broadcast_in_dim3A_349 = vector.broadcast %broadcast_in_dim3A_348 : i32 to vector<16xi32>
        %gather3A_350 = tpu.vector_load_idx %arg9[%broadcast_in_dim3A_349, %select_n3A] masked %and3A : memref<64x640xf32, #tpu.memory_space<vmem>>[vector<16xi32>, vector<16xi32>], vector<16xf32>, vector<16xi1>
        tpu.vector_store_idx %arg13[%add3A_212, %broadcast_in_dim3A_349], %gather3A_350 masked %and3A : memref<192x128xf32, #tpu.memory_space<vmem>>[vector<16xi32>, vector<16xi32>], vector<16xf32>, vector<16xi1>
        %broadcast_in_dim3A_351 = arith.constant 40 : i32
        %broadcast_in_dim3A_352 = vector.broadcast %broadcast_in_dim3A_351 : i32 to vector<16xi32>
        %gather3A_353 = tpu.vector_load_idx %arg9[%broadcast_in_dim3A_352, %select_n3A] masked %and3A : memref<64x640xf32, #tpu.memory_space<vmem>>[vector<16xi32>, vector<16xi32>], vector<16xf32>, vector<16xi1>
        tpu.vector_store_idx %arg13[%add3A_212, %broadcast_in_dim3A_352], %gather3A_353 masked %and3A : memref<192x128xf32, #tpu.memory_space<vmem>>[vector<16xi32>, vector<16xi32>], vector<16xf32>, vector<16xi1>
        %broadcast_in_dim3A_354 = arith.constant 41 : i32
        %broadcast_in_dim3A_355 = vector.broadcast %broadcast_in_dim3A_354 : i32 to vector<16xi32>
        %gather3A_356 = tpu.vector_load_idx %arg9[%broadcast_in_dim3A_355, %select_n3A] masked %and3A : memref<64x640xf32, #tpu.memory_space<vmem>>[vector<16xi32>, vector<16xi32>], vector<16xf32>, vector<16xi1>
        tpu.vector_store_idx %arg13[%add3A_212, %broadcast_in_dim3A_355], %gather3A_356 masked %and3A : memref<192x128xf32, #tpu.memory_space<vmem>>[vector<16xi32>, vector<16xi32>], vector<16xf32>, vector<16xi1>
        %broadcast_in_dim3A_357 = arith.constant 42 : i32
        %broadcast_in_dim3A_358 = vector.broadcast %broadcast_in_dim3A_357 : i32 to vector<16xi32>
        %gather3A_359 = tpu.vector_load_idx %arg9[%broadcast_in_dim3A_358, %select_n3A] masked %and3A : memref<64x640xf32, #tpu.memory_space<vmem>>[vector<16xi32>, vector<16xi32>], vector<16xf32>, vector<16xi1>
        tpu.vector_store_idx %arg13[%add3A_212, %broadcast_in_dim3A_358], %gather3A_359 masked %and3A : memref<192x128xf32, #tpu.memory_space<vmem>>[vector<16xi32>, vector<16xi32>], vector<16xf32>, vector<16xi1>
        %broadcast_in_dim3A_360 = arith.constant 43 : i32
        %broadcast_in_dim3A_361 = vector.broadcast %broadcast_in_dim3A_360 : i32 to vector<16xi32>
        %gather3A_362 = tpu.vector_load_idx %arg9[%broadcast_in_dim3A_361, %select_n3A] masked %and3A : memref<64x640xf32, #tpu.memory_space<vmem>>[vector<16xi32>, vector<16xi32>], vector<16xf32>, vector<16xi1>
        tpu.vector_store_idx %arg13[%add3A_212, %broadcast_in_dim3A_361], %gather3A_362 masked %and3A : memref<192x128xf32, #tpu.memory_space<vmem>>[vector<16xi32>, vector<16xi32>], vector<16xf32>, vector<16xi1>
        %broadcast_in_dim3A_363 = arith.constant 44 : i32
        %broadcast_in_dim3A_364 = vector.broadcast %broadcast_in_dim3A_363 : i32 to vector<16xi32>
        %gather3A_365 = tpu.vector_load_idx %arg9[%broadcast_in_dim3A_364, %select_n3A] masked %and3A : memref<64x640xf32, #tpu.memory_space<vmem>>[vector<16xi32>, vector<16xi32>], vector<16xf32>, vector<16xi1>
        tpu.vector_store_idx %arg13[%add3A_212, %broadcast_in_dim3A_364], %gather3A_365 masked %and3A : memref<192x128xf32, #tpu.memory_space<vmem>>[vector<16xi32>, vector<16xi32>], vector<16xf32>, vector<16xi1>
        %broadcast_in_dim3A_366 = arith.constant 45 : i32
        %broadcast_in_dim3A_367 = vector.broadcast %broadcast_in_dim3A_366 : i32 to vector<16xi32>
        %gather3A_368 = tpu.vector_load_idx %arg9[%broadcast_in_dim3A_367, %select_n3A] masked %and3A : memref<64x640xf32, #tpu.memory_space<vmem>>[vector<16xi32>, vector<16xi32>], vector<16xf32>, vector<16xi1>
        tpu.vector_store_idx %arg13[%add3A_212, %broadcast_in_dim3A_367], %gather3A_368 masked %and3A : memref<192x128xf32, #tpu.memory_space<vmem>>[vector<16xi32>, vector<16xi32>], vector<16xf32>, vector<16xi1>
        %broadcast_in_dim3A_369 = arith.constant 46 : i32
        %broadcast_in_dim3A_370 = vector.broadcast %broadcast_in_dim3A_369 : i32 to vector<16xi32>
        %gather3A_371 = tpu.vector_load_idx %arg9[%broadcast_in_dim3A_370, %select_n3A] masked %and3A : memref<64x640xf32, #tpu.memory_space<vmem>>[vector<16xi32>, vector<16xi32>], vector<16xf32>, vector<16xi1>
        tpu.vector_store_idx %arg13[%add3A_212, %broadcast_in_dim3A_370], %gather3A_371 masked %and3A : memref<192x128xf32, #tpu.memory_space<vmem>>[vector<16xi32>, vector<16xi32>], vector<16xf32>, vector<16xi1>
        %broadcast_in_dim3A_372 = arith.constant 47 : i32
        %broadcast_in_dim3A_373 = vector.broadcast %broadcast_in_dim3A_372 : i32 to vector<16xi32>
        %gather3A_374 = tpu.vector_load_idx %arg9[%broadcast_in_dim3A_373, %select_n3A] masked %and3A : memref<64x640xf32, #tpu.memory_space<vmem>>[vector<16xi32>, vector<16xi32>], vector<16xf32>, vector<16xi1>
        tpu.vector_store_idx %arg13[%add3A_212, %broadcast_in_dim3A_373], %gather3A_374 masked %and3A : memref<192x128xf32, #tpu.memory_space<vmem>>[vector<16xi32>, vector<16xi32>], vector<16xf32>, vector<16xi1>
        %broadcast_in_dim3A_375 = arith.constant 48 : i32
        %broadcast_in_dim3A_376 = vector.broadcast %broadcast_in_dim3A_375 : i32 to vector<16xi32>
        %gather3A_377 = tpu.vector_load_idx %arg9[%broadcast_in_dim3A_376, %select_n3A] masked %and3A : memref<64x640xf32, #tpu.memory_space<vmem>>[vector<16xi32>, vector<16xi32>], vector<16xf32>, vector<16xi1>
        tpu.vector_store_idx %arg13[%add3A_212, %broadcast_in_dim3A_376], %gather3A_377 masked %and3A : memref<192x128xf32, #tpu.memory_space<vmem>>[vector<16xi32>, vector<16xi32>], vector<16xf32>, vector<16xi1>
        %broadcast_in_dim3A_378 = arith.constant 49 : i32
        %broadcast_in_dim3A_379 = vector.broadcast %broadcast_in_dim3A_378 : i32 to vector<16xi32>
        %gather3A_380 = tpu.vector_load_idx %arg9[%broadcast_in_dim3A_379, %select_n3A] masked %and3A : memref<64x640xf32, #tpu.memory_space<vmem>>[vector<16xi32>, vector<16xi32>], vector<16xf32>, vector<16xi1>
        tpu.vector_store_idx %arg13[%add3A_212, %broadcast_in_dim3A_379], %gather3A_380 masked %and3A : memref<192x128xf32, #tpu.memory_space<vmem>>[vector<16xi32>, vector<16xi32>], vector<16xf32>, vector<16xi1>
        %broadcast_in_dim3A_381 = arith.constant 50 : i32
        %broadcast_in_dim3A_382 = vector.broadcast %broadcast_in_dim3A_381 : i32 to vector<16xi32>
        %gather3A_383 = tpu.vector_load_idx %arg9[%broadcast_in_dim3A_382, %select_n3A] masked %and3A : memref<64x640xf32, #tpu.memory_space<vmem>>[vector<16xi32>, vector<16xi32>], vector<16xf32>, vector<16xi1>
        tpu.vector_store_idx %arg13[%add3A_212, %broadcast_in_dim3A_382], %gather3A_383 masked %and3A : memref<192x128xf32, #tpu.memory_space<vmem>>[vector<16xi32>, vector<16xi32>], vector<16xf32>, vector<16xi1>
        %broadcast_in_dim3A_384 = arith.constant 51 : i32
        %broadcast_in_dim3A_385 = vector.broadcast %broadcast_in_dim3A_384 : i32 to vector<16xi32>
        %gather3A_386 = tpu.vector_load_idx %arg9[%broadcast_in_dim3A_385, %select_n3A] masked %and3A : memref<64x640xf32, #tpu.memory_space<vmem>>[vector<16xi32>, vector<16xi32>], vector<16xf32>, vector<16xi1>
        tpu.vector_store_idx %arg13[%add3A_212, %broadcast_in_dim3A_385], %gather3A_386 masked %and3A : memref<192x128xf32, #tpu.memory_space<vmem>>[vector<16xi32>, vector<16xi32>], vector<16xf32>, vector<16xi1>
        %broadcast_in_dim3A_387 = arith.constant 52 : i32
        %broadcast_in_dim3A_388 = vector.broadcast %broadcast_in_dim3A_387 : i32 to vector<16xi32>
        %gather3A_389 = tpu.vector_load_idx %arg9[%broadcast_in_dim3A_388, %select_n3A] masked %and3A : memref<64x640xf32, #tpu.memory_space<vmem>>[vector<16xi32>, vector<16xi32>], vector<16xf32>, vector<16xi1>
        tpu.vector_store_idx %arg13[%add3A_212, %broadcast_in_dim3A_388], %gather3A_389 masked %and3A : memref<192x128xf32, #tpu.memory_space<vmem>>[vector<16xi32>, vector<16xi32>], vector<16xf32>, vector<16xi1>
        %broadcast_in_dim3A_390 = arith.constant 53 : i32
        %broadcast_in_dim3A_391 = vector.broadcast %broadcast_in_dim3A_390 : i32 to vector<16xi32>
        %gather3A_392 = tpu.vector_load_idx %arg9[%broadcast_in_dim3A_391, %select_n3A] masked %and3A : memref<64x640xf32, #tpu.memory_space<vmem>>[vector<16xi32>, vector<16xi32>], vector<16xf32>, vector<16xi1>
        tpu.vector_store_idx %arg13[%add3A_212, %broadcast_in_dim3A_391], %gather3A_392 masked %and3A : memref<192x128xf32, #tpu.memory_space<vmem>>[vector<16xi32>, vector<16xi32>], vector<16xf32>, vector<16xi1>
        %broadcast_in_dim3A_393 = arith.constant 54 : i32
        %broadcast_in_dim3A_394 = vector.broadcast %broadcast_in_dim3A_393 : i32 to vector<16xi32>
        %gather3A_395 = tpu.vector_load_idx %arg9[%broadcast_in_dim3A_394, %select_n3A] masked %and3A : memref<64x640xf32, #tpu.memory_space<vmem>>[vector<16xi32>, vector<16xi32>], vector<16xf32>, vector<16xi1>
        tpu.vector_store_idx %arg13[%add3A_212, %broadcast_in_dim3A_394], %gather3A_395 masked %and3A : memref<192x128xf32, #tpu.memory_space<vmem>>[vector<16xi32>, vector<16xi32>], vector<16xf32>, vector<16xi1>
        %broadcast_in_dim3A_396 = arith.constant 55 : i32
        %broadcast_in_dim3A_397 = vector.broadcast %broadcast_in_dim3A_396 : i32 to vector<16xi32>
        %gather3A_398 = tpu.vector_load_idx %arg9[%broadcast_in_dim3A_397, %select_n3A] masked %and3A : memref<64x640xf32, #tpu.memory_space<vmem>>[vector<16xi32>, vector<16xi32>], vector<16xf32>, vector<16xi1>
        tpu.vector_store_idx %arg13[%add3A_212, %broadcast_in_dim3A_397], %gather3A_398 masked %and3A : memref<192x128xf32, #tpu.memory_space<vmem>>[vector<16xi32>, vector<16xi32>], vector<16xf32>, vector<16xi1>
        %broadcast_in_dim3A_399 = arith.constant 56 : i32
        %broadcast_in_dim3A_400 = vector.broadcast %broadcast_in_dim3A_399 : i32 to vector<16xi32>
        %gather3A_401 = tpu.vector_load_idx %arg9[%broadcast_in_dim3A_400, %select_n3A] masked %and3A : memref<64x640xf32, #tpu.memory_space<vmem>>[vector<16xi32>, vector<16xi32>], vector<16xf32>, vector<16xi1>
        tpu.vector_store_idx %arg13[%add3A_212, %broadcast_in_dim3A_400], %gather3A_401 masked %and3A : memref<192x128xf32, #tpu.memory_space<vmem>>[vector<16xi32>, vector<16xi32>], vector<16xf32>, vector<16xi1>
        %broadcast_in_dim3A_402 = arith.constant 57 : i32
        %broadcast_in_dim3A_403 = vector.broadcast %broadcast_in_dim3A_402 : i32 to vector<16xi32>
        %gather3A_404 = tpu.vector_load_idx %arg9[%broadcast_in_dim3A_403, %select_n3A] masked %and3A : memref<64x640xf32, #tpu.memory_space<vmem>>[vector<16xi32>, vector<16xi32>], vector<16xf32>, vector<16xi1>
        tpu.vector_store_idx %arg13[%add3A_212, %broadcast_in_dim3A_403], %gather3A_404 masked %and3A : memref<192x128xf32, #tpu.memory_space<vmem>>[vector<16xi32>, vector<16xi32>], vector<16xf32>, vector<16xi1>
        %broadcast_in_dim3A_405 = arith.constant 58 : i32
        %broadcast_in_dim3A_406 = vector.broadcast %broadcast_in_dim3A_405 : i32 to vector<16xi32>
        %gather3A_407 = tpu.vector_load_idx %arg9[%broadcast_in_dim3A_406, %select_n3A] masked %and3A : memref<64x640xf32, #tpu.memory_space<vmem>>[vector<16xi32>, vector<16xi32>], vector<16xf32>, vector<16xi1>
        tpu.vector_store_idx %arg13[%add3A_212, %broadcast_in_dim3A_406], %gather3A_407 masked %and3A : memref<192x128xf32, #tpu.memory_space<vmem>>[vector<16xi32>, vector<16xi32>], vector<16xf32>, vector<16xi1>
        %broadcast_in_dim3A_408 = arith.constant 59 : i32
        %broadcast_in_dim3A_409 = vector.broadcast %broadcast_in_dim3A_408 : i32 to vector<16xi32>
        %gather3A_410 = tpu.vector_load_idx %arg9[%broadcast_in_dim3A_409, %select_n3A] masked %and3A : memref<64x640xf32, #tpu.memory_space<vmem>>[vector<16xi32>, vector<16xi32>], vector<16xf32>, vector<16xi1>
        tpu.vector_store_idx %arg13[%add3A_212, %broadcast_in_dim3A_409], %gather3A_410 masked %and3A : memref<192x128xf32, #tpu.memory_space<vmem>>[vector<16xi32>, vector<16xi32>], vector<16xf32>, vector<16xi1>
        %broadcast_in_dim3A_411 = arith.constant 60 : i32
        %broadcast_in_dim3A_412 = vector.broadcast %broadcast_in_dim3A_411 : i32 to vector<16xi32>
        %gather3A_413 = tpu.vector_load_idx %arg9[%broadcast_in_dim3A_412, %select_n3A] masked %and3A : memref<64x640xf32, #tpu.memory_space<vmem>>[vector<16xi32>, vector<16xi32>], vector<16xf32>, vector<16xi1>
        tpu.vector_store_idx %arg13[%add3A_212, %broadcast_in_dim3A_412], %gather3A_413 masked %and3A : memref<192x128xf32, #tpu.memory_space<vmem>>[vector<16xi32>, vector<16xi32>], vector<16xf32>, vector<16xi1>
        %broadcast_in_dim3A_414 = arith.constant 61 : i32
        %broadcast_in_dim3A_415 = vector.broadcast %broadcast_in_dim3A_414 : i32 to vector<16xi32>
        %gather3A_416 = tpu.vector_load_idx %arg9[%broadcast_in_dim3A_415, %select_n3A] masked %and3A : memref<64x640xf32, #tpu.memory_space<vmem>>[vector<16xi32>, vector<16xi32>], vector<16xf32>, vector<16xi1>
        tpu.vector_store_idx %arg13[%add3A_212, %broadcast_in_dim3A_415], %gather3A_416 masked %and3A : memref<192x128xf32, #tpu.memory_space<vmem>>[vector<16xi32>, vector<16xi32>], vector<16xf32>, vector<16xi1>
        %broadcast_in_dim3A_417 = arith.constant 62 : i32
        %broadcast_in_dim3A_418 = vector.broadcast %broadcast_in_dim3A_417 : i32 to vector<16xi32>
        %gather3A_419 = tpu.vector_load_idx %arg9[%broadcast_in_dim3A_418, %select_n3A] masked %and3A : memref<64x640xf32, #tpu.memory_space<vmem>>[vector<16xi32>, vector<16xi32>], vector<16xf32>, vector<16xi1>
        tpu.vector_store_idx %arg13[%add3A_212, %broadcast_in_dim3A_418], %gather3A_419 masked %and3A : memref<192x128xf32, #tpu.memory_space<vmem>>[vector<16xi32>, vector<16xi32>], vector<16xf32>, vector<16xi1>
        %broadcast_in_dim3A_420 = arith.constant 63 : i32
        %broadcast_in_dim3A_421 = vector.broadcast %broadcast_in_dim3A_420 : i32 to vector<16xi32>
        %gather3A_422 = tpu.vector_load_idx %arg9[%broadcast_in_dim3A_421, %select_n3A] masked %and3A : memref<64x640xf32, #tpu.memory_space<vmem>>[vector<16xi32>, vector<16xi32>], vector<16xf32>, vector<16xi1>
        tpu.vector_store_idx %arg13[%add3A_212, %broadcast_in_dim3A_421], %gather3A_422 masked %and3A : memref<192x128xf32, #tpu.memory_space<vmem>>[vector<16xi32>, vector<16xi32>], vector<16xf32>, vector<16xi1>
      }
      %ge3A_188 = arith.constant 128 : i32
      %ge3A_189 = arith.cmpi sge, %while3A_170, %ge3A_188 : i32
      %convert_element_type3A_190 = arith.extui %ge3A_189 : i1 to i32
      %cond3A_191 = arith.constant 0 : i32
      %cond3A_192 = arith.cmpi ne, %convert_element_type3A_190, %cond3A_191 : i32
      %cond3A_193 = scf.if %cond3A_192 -> (i32) {
        %dma_start3A_208 = arith.constant 0 : i32
        %dma_start3A_209 = arith.constant 0 : i32
        %dma_start3A_210 = tpu.memref_slice %arg4[%dma_start3A_208, %dma_start3A_209] : memref<38912x128xf32, #tpu.memory_space<hbm>> -> memref<38912x128xf32, #tpu.memory_space<hbm>>
        tpu.enqueue_indirect_dma source(%arg13 : memref<192x128xf32, #tpu.memory_space<vmem>>) target(%dma_start3A_210 : memref<38912x128xf32, #tpu.memory_space<hbm>>) offsets(%arg12 : memref<192xi32, #tpu.memory_space<vmem>>) semaphore(%arg16 : memref<!tpu.dma_semaphore, #tpu.memory_space<semaphore_mem>>)
        %dma_wait3A_211 = arith.constant 0 : i32
        %dma_wait3A_212 = arith.constant 0 : i32
        %dma_wait3A_213 = tpu.memref_slice %arg4[%dma_wait3A_211, %dma_wait3A_212] : memref<38912x128xf32, #tpu.memory_space<hbm>> -> memref<38912x128xf32, #tpu.memory_space<hbm>>
        tpu.wait_indirect_dma semaphore(%arg16 : memref<!tpu.dma_semaphore, #tpu.memory_space<semaphore_mem>>) src(%arg13 : memref<192x128xf32, #tpu.memory_space<vmem>>) dst(%dma_wait3A_213 : memref<38912x128xf32, #tpu.memory_space<hbm>>)
        %scan3A_214 = arith.constant 0 : i32
        %scan3A_215 = arith.constant 0 : i32
        %scan3A_216 = arith.constant 12 : i32
        %scan3A_217 = arith.addi %scan3A_215, %scan3A_216 : i32
        %scan3A_218 = arith.constant 1 : i32
        scf.for %scan3A_221 = %scan3A_215 to %scan3A_217 step %scan3A_218  : i32 {
          %broadcast_in_dim3A = arith.constant 32768 : i32
          %broadcast_in_dim3A_222 = vector.broadcast %broadcast_in_dim3A : i32 to vector<16xi32>
          %mul3A_223 = arith.constant 192 : i32
          %mul3A_224 = arith.muli %add3A, %mul3A_223 : i32
          %add3A_225 = vector.broadcast %mul3A_224 : i32 to vector<16xi32>
          %add3A_226 = arith.addi %broadcast_in_dim3A_222, %add3A_225 : vector<16xi32>
          %iota3A = tpu.iota {dimensions = array<i32: 0>} : vector<16xi32>
          %add3A_227 = arith.addi %add3A_226, %iota3A : vector<16xi32>
          %mul3A_228 = arith.constant 16 : i32
          %mul3A_229 = arith.muli %scan3A_221, %mul3A_228 : i32
          %add3A_230 = vector.broadcast %mul3A_229 : i32 to vector<16xi32>
          %add3A_231 = arith.addi %add3A_227, %add3A_230 : vector<16xi32>
          %mul3A_232 = arith.constant 16 : i32
          %mul3A_233 = arith.muli %scan3A_221, %mul3A_232 : i32
          %swap3A = arith.index_cast %mul3A_233 : i32 to index
          %swap3A_234 = tpu.vector_load %arg12[%swap3A] {strides = array<i32>} : memref<192xi32, #tpu.memory_space<vmem>>, vector<16xi32>,
          tpu.vector_store %arg12[%swap3A], %add3A_231 {strides = array<i32>} : memref<192xi32, #tpu.memory_space<vmem>>, vector<16xi32>,
        }
        %scan3A_219 = arith.constant 12 : i32
        %cond3A_220 = arith.constant 0 : i32
        scf.yield %cond3A_220 : i32
      } else {
        scf.yield %while3A_170 : i32
      }
      %add3A_194 = arith.constant 3 : i32
      %add3A_195 = arith.addi %mul3A_70, %add3A_194 : i32
      %sub3A_196 = arith.constant 1 : i32
      %sub3A_197 = arith.subi %add3A_3, %sub3A_196 : i32
      %min3A_198 = arith.minsi %add3A_195, %sub3A_197 : i32
      %mul3A_199 = arith.constant 32 : i32
      %mul3A_200 = arith.muli %mul3A_199, %min3A_198 : i32
      %add3A_201 = arith.addi %add3A, %mul3A_200 : i32
      %mul3A_202 = arith.constant 640 : i32
      %mul3A_203 = arith.muli %add3A_201, %mul3A_202 : i32
      %dma_start3A_204 = arith.constant 0 : i32
      %dma_start3A_205 = tpu.memref_slice %arg3[%dma_start3A_204, %mul3A_203] : memref<64x1000000xf32, #tpu.memory_space<hbm>> -> memref<64x640xf32, #tpu.memory_space<hbm>>
      %dma_start3A_206 = arith.constant 0 : i32
      %dma_start3A_207 = tpu.memref_slice %arg3[%dma_start3A_206, %mul3A_203] : memref<64x1000000xf32, #tpu.memory_space<hbm>> -> memref<64x640xf32, #tpu.memory_space<hbm>>
      tpu.enqueue_dma source(%dma_start3A_207 : memref<64x640xf32, #tpu.memory_space<hbm>>) target(%arg9 : memref<64x640xf32, #tpu.memory_space<vmem>>) target_semaphore(%arg15 : memref<!tpu.dma_semaphore, #tpu.memory_space<semaphore_mem>>)
      scf.yield %cond3A_193 : i32
    }
    %dma_wait3A = arith.constant 0 : i32
    %dma_wait3A_53 = arith.constant 0 : i32
    %dma_wait3A_54 = tpu.memref_slice %arg3[%dma_wait3A, %dma_wait3A_53] : memref<64x1000000xf32, #tpu.memory_space<hbm>> -> memref<64x640xf32, #tpu.memory_space<hbm>>
    %dma_wait3A_55 = arith.constant 0 : i32
    %dma_wait3A_56 = arith.constant 0 : i32
    %dma_wait3A_57 = tpu.memref_slice %arg3[%dma_wait3A_55, %dma_wait3A_56] : memref<64x1000000xf32, #tpu.memory_space<hbm>> -> memref<64x640xf32, #tpu.memory_space<hbm>>
    tpu.wait_dma2 semaphore(%arg14 : memref<!tpu.dma_semaphore, #tpu.memory_space<semaphore_mem>>) src(%dma_wait3A_57 : memref<64x640xf32, #tpu.memory_space<hbm>>) dst(%arg8 : memref<64x640xf32, #tpu.memory_space<vmem>>)
    %dma_wait3A_58 = arith.constant 0 : i32
    %dma_wait3A_59 = arith.constant 0 : i32
    %dma_wait3A_60 = tpu.memref_slice %arg3[%dma_wait3A_58, %dma_wait3A_59] : memref<64x1000000xf32, #tpu.memory_space<hbm>> -> memref<64x640xf32, #tpu.memory_space<hbm>>
    %dma_wait3A_61 = arith.constant 0 : i32
    %dma_wait3A_62 = arith.constant 0 : i32
    %dma_wait3A_63 = tpu.memref_slice %arg3[%dma_wait3A_61, %dma_wait3A_62] : memref<64x1000000xf32, #tpu.memory_space<hbm>> -> memref<64x640xf32, #tpu.memory_space<hbm>>
    tpu.wait_dma2 semaphore(%arg15 : memref<!tpu.dma_semaphore, #tpu.memory_space<semaphore_mem>>) src(%dma_wait3A_63 : memref<64x640xf32, #tpu.memory_space<hbm>>) dst(%arg9 : memref<64x640xf32, #tpu.memory_space<vmem>>)
    %gt3A = arith.constant 0 : i32
    %gt3A_64 = arith.cmpi sgt, %while3A_52, %gt3A : i32
    %convert_element_type3A_65 = arith.extui %gt3A_64 : i1 to i32
    %cond3A = arith.constant 0 : i32
    %cond3A_66 = arith.cmpi ne, %convert_element_type3A_65, %cond3A : i32
    scf.if %cond3A_66 {
      %dma_start3A_67 = arith.constant 0 : i32
      %dma_start3A_68 = arith.constant 0 : i32
      %dma_start3A_69 = tpu.memref_slice %arg4[%dma_start3A_67, %dma_start3A_68] : memref<38912x128xf32, #tpu.memory_space<hbm>> -> memref<38912x128xf32, #tpu.memory_space<hbm>>
      tpu.enqueue_indirect_dma source(%arg13 : memref<192x128xf32, #tpu.memory_space<vmem>>) target(%dma_start3A_69 : memref<38912x128xf32, #tpu.memory_space<hbm>>) offsets(%arg12 : memref<192xi32, #tpu.memory_space<vmem>>) semaphore(%arg16 : memref<!tpu.dma_semaphore, #tpu.memory_space<semaphore_mem>>)
      %dma_wait3A_70 = arith.constant 0 : i32
      %dma_wait3A_71 = arith.constant 0 : i32
      %dma_wait3A_72 = tpu.memref_slice %arg4[%dma_wait3A_70, %dma_wait3A_71] : memref<38912x128xf32, #tpu.memory_space<hbm>> -> memref<38912x128xf32, #tpu.memory_space<hbm>>
      tpu.wait_indirect_dma semaphore(%arg16 : memref<!tpu.dma_semaphore, #tpu.memory_space<semaphore_mem>>) src(%arg13 : memref<192x128xf32, #tpu.memory_space<vmem>>) dst(%dma_wait3A_72 : memref<38912x128xf32, #tpu.memory_space<hbm>>)
    } else {
    }
    return
  }
}

</mosaic_0001>

<sc_bundles>
// kernel: _sc_extract.3.cloned.1.call-start
scs
__scs_entry_jumppad:
0x0: {  	(pc) =	sbr.rel $0x88, $3  }
0x1: {  	(tag) =	ssettag $0x0;
	lr =	simm.s32 $0x1  }
0x2: {  	[smem:$0x3F9F] =	sst lr;
	_ =	strace $0xD0000000  }
0x3: {  	_ = 	snop  }
0x4: {  	_ = 	snop  }
0x5: {  	_ = 	snop  }
0x6: {  	_ = 	snop  }
0x7: {  	_ = 	snop  }
__scs_overlays_trampoline_lowered:
0x8: {  	[smem:$0x3FAE] =	sst s0  }
0x9: {  	[smem:$0x3FAF] =	sst s1  }
0xa: {  	[smem:$0x3FB0] =	sst s2  }
0xb: {  	[smem:$0x3FB1] =	sst s3  }
0xc: {  	[smem:$0x3FB2] =	sst s4  }
0xd: {  	[smem:$0x3FB3] =	sst s5  }
0xe: {  	[smem:$0x3FB4] =	sst s6  }
0xf: {  	[smem:$0x3FB5] =	sst s7  }
0x10: {  	[smem:$0x3FB6] =	sst s8  }
0x11: {  	[smem:$0x3FB7] =	sst s9;
	s0 =	simm.s32 @!p0 $0x0  }
0x12: {  	s1 =	sld [smem:$0x3F9D];
	s0 =	simm.s32 @p0 $0x1  }
0x13: {  	[smem:$0x3FB8] =	sst s0;
	s0 =	simm.s32 @!p1 $0x0  }
0x14: {  	s2 =	sld [smem:$0x3F9C];
	s0 =	simm.s32 @p1 $0x1  }
0x15: {  	[smem:$0x3FB9] =	sst s0;
	s0 =	simm.s32 @!p2 $0x0  }
0x16: {  	s3 =	sld [smem:$0x3FDB];
	s0 =	simm.s32 @p2 $0x1  }
0x17: {  	s4 =	simm.s32 $0x1BF5;
	[smem:$0x3FBB] =	sst s0  }
0x18: {  	s0 =	sld [smem:$0x3F9E];
	_ =	swait.ge [sflag:s4], $0x0  }
0x19: {  	s7 =	sld [smem:$0x3F9F]  }
0x1a: {  	s8 =	sadd.s32 $0xFFFFE003, lr  }
0x1b: {  	s9 =	sadd.s32 $0xFFFFFEF7, lr;
	s5 =	simm.s32 $0xFFFFFFFF;
	p2 =	slt.u32 s8, $0xFFFFF086  }
0x1c: {  	p1 =	slt.u32 s9, $0xF7A;
	s5 =	simm.s32 @!p2 $0x0  }
0x1d: {  	s5 =	simm.s32 @p1 $0x1;
	p0 =	seq.s32 s7, s2  }
0x1e: {  	s7 =	smul.u32 @!p0 $0xF7A, s2;
	p2 =	seq.s32 @!p0 s5, $0x0  }
0x1f: {  	s9 =	smul.u32 $0xF7A, s1;
	s8 =	simm.s32 @!p0 $0x1BF5;
	p2 =	por !p2, p0  }
0x20: {  	[sflag:s8] =	ssyncset.s32 @!p0 $0xFFFFF086;
	s6 =	sadd.s32 @!p0 s3, s7;
	s7 =	simm.s32 @!p0 $0x108  }
0x21: {  	s3 =	sadd.s32 s3, s9;
	s6 =	sadd.s32 @!p0 $0x88, s6;
	s7 =	simm.s32 @p2 $0x1082  }
0x22: {  	[simem:s7], [sflag:s8] =	dma.local @!p0 [hbm:s6], $0xF7A  }
0x23: {  	s9 =	sor.u32 $0xD0000000, s2;
	s6 =	simm.s32 $0x108;
	_ =	swait.ge @!p0 [sflag:s8], $0x0  }
0x24: {  	s3 =	sadd.s32 $0x88, s3;
	s6 =	simm.s32 @!p1 $0x1082;
	[sflag:s4] =	ssyncset.s32 $0xFFFFF086  }
0x25: {  	[simem:s6], [sflag:s4] =	dma.local [hbm:s3], $0xF7A  }
0x26: {  	[smem:$0x3F9F] =	sst s1;
	(tag) =	ssettag s2;
	_ =	strace s9  }
0x27: {  	s1 =	sld [smem:$0x3FAF]  }
0x28: {  	s2 =	sld [smem:$0x3FB0]  }
0x29: {  	s4 =	sld [smem:$0x3FB2]  }
0x2a: {  	p0 =	seq.s32 s5, $0x0;
	s5 =	sld [smem:$0x3FB3]  }
0x2b: {  	s6 =	sld [smem:$0x3FB4]  }
0x2c: {  	s7 =	sld [smem:$0x3FB5]  }
0x2d: {  	s3 =	simm.s32 $0x108;
	s8 =	sld [smem:$0x3FB6]  }
0x2e: {  	s3 =	simm.s32 @!p0 $0x1082;
	s9 =	sld [smem:$0x3FB7]  }
0x2f: {  	lr =	sadd.s32 s0, s3;
	s0 =	sld [smem:$0x3FAE]  }
0x30: {  	s3 =	sld [smem:$0x3FB1]  }
0x31: {  	[smem:$0x3FBA] =	sst s10  }
0x32: {  	s10 =	sld [smem:$0x3FB8];
	_ =	sdelay $0x3  }
0x33: {  	p0 =	seq.s32 s10, $0x1;
	s10 =	sld [smem:$0x3FBA];
	_ =	sdelay $0x3  }
0x34: {  	[smem:$0x3FBA] =	sst s10  }
0x35: {  	s10 =	sld [smem:$0x3FB9];
	_ =	sdelay $0x3  }
0x36: {  	p1 =	seq.s32 s10, $0x1;
	s10 =	sld [smem:$0x3FBA];
	_ =	sdelay $0x3  }
0x37: {  	[smem:$0x3FBA] =	sst s10  }
0x38: {  	s10 =	sld [smem:$0x3FBB]  }
0x39: {  	_ = 	snop;
	(pc) =	sbr.ind lr, $3  }
0x3a: {  	_ = 	snop  }
0x3b: {  	_ = 	snop  }
0x3c: {  	p2 =	seq.s32 s10, $0x1;
	s10 =	sld [smem:$0x3FBA]  }
0x3d: {  	_ =	shalt  }
0x3e: {  	_ =	shalt  }
0x3f: {  	_ =	shalt  }
0x40: {  	_ =	shalt  }
0x41: {  	_ =	shalt  }
0x42: {  	_ =	shalt  }
0x43: {  	_ =	shalt  }
0x44: {  	_ =	shalt  }
0x45: {  	_ =	shalt  }
0x46: {  	_ =	shalt  }
0x47: {  	_ =	shalt  }
0x48: {  	_ =	shalt  }
0x49: {  	_ =	shalt  }
0x4a: {  	_ =	shalt  }
0x4b: {  	_ =	shalt  }
0x4c: {  	_ =	shalt  }
0x4d: {  	_ =	shalt  }
0x4e: {  	_ =	shalt  }
0x4f: {  	_ =	shalt  }
0x50: {  	_ =	shalt  }
0x51: {  	_ =	shalt  }
0x52: {  	_ =	shalt  }
0x53: {  	_ =	shalt  }
0x54: {  	_ =	shalt  }
0x55: {  	_ =	shalt  }
0x56: {  	_ =	shalt  }
0x57: {  	_ =	shalt  }
0x58: {  	_ =	shalt  }
0x59: {  	_ =	shalt  }
0x5a: {  	_ =	shalt  }
0x5b: {  	_ =	shalt  }
0x5c: {  	_ =	shalt  }
0x5d: {  	_ =	shalt  }
0x5e: {  	_ =	shalt  }
0x5f: {  	_ =	shalt  }
0x60: {  	_ =	shalt  }
0x61: {  	_ =	shalt  }
0x62: {  	_ =	shalt  }
0x63: {  	_ =	shalt  }
0x64: {  	_ =	shalt  }
0x65: {  	_ =	shalt  }
0x66: {  	_ =	shalt  }
0x67: {  	_ =	shalt  }
0x68: {  	_ =	shalt  }
0x69: {  	_ =	shalt  }
0x6a: {  	_ =	shalt  }
0x6b: {  	_ =	shalt  }
0x6c: {  	_ =	shalt  }
0x6d: {  	_ =	shalt  }
0x6e: {  	_ =	shalt  }
0x6f: {  	_ =	shalt  }
0x70: {  	_ =	shalt  }
0x71: {  	_ =	shalt  }
0x72: {  	_ =	shalt  }
0x73: {  	_ =	shalt  }
0x74: {  	_ =	shalt  }
0x75: {  	_ =	shalt  }
0x76: {  	_ =	shalt  }
0x77: {  	_ =	shalt  }
0x78: {  	_ =	shalt  }
0x79: {  	_ =	shalt  }
0x7a: {  	_ =	shalt  }
0x7b: {  	_ =	shalt  }
0x7c: {  	_ =	shalt  }
0x7d: {  	_ =	shalt  }
0x7e: {  	_ =	shalt  }
0x7f: {  	_ =	shalt  }
0x80: {  	_ =	shalt  }
0x81: {  	_ =	shalt  }
0x82: {  	_ =	shalt  }
0x83: {  	_ =	shalt  }
0x84: {  	_ =	shalt  }
0x85: {  	_ =	shalt  }
0x86: {  	_ =	shalt  }
0x87: {  	_ =	shalt  }
.Lfunc_end0:
.L_simem_size_0:
called_computation_lowered:
.L_overlay_start_0:
0x88: {  	s2 =	sld [smem:$0x3FD9]  }
0x89: {  	s3 =	sld [smem:$0x3FFE];
	_ =	sdelay $0x1  }
0x8a: {  	s1 =	srdreg.scid  }
0x8b: {  	s0 =	sand.u32 $0x1, s1  }
0x8c: {  	s18 =	sshll.u32 s0, $0xA;
	s2 =	sadd.s32 s3, s2  }
0x8d: {  	s2 =	sadd.s32 s2, s18  }
0x8e: {  	[smem:$0x3FC6] =	sst s2  }
0x8f: {  	_ = 	snop  }
0x90: {  	s2 =	sld [smem:$0x3FC9]  }
0x91: {  	s19 =	sld [smem:$0x3FC8]  }
0x92: {  	s4 =	sld [smem:$0x3FD0];
	(tm) =	ssettm $0x1  }
0x93: {  	s5 =	sld [smem:$0x3FFB];
	_ =	sdelay $0x3  }
0x94: {  	_ =	strace s5  }
0x95: {  	s5 =	sld [smem:$0x3FFC];
	_ =	sdelay $0x3  }
0x96: {  	_ =	strace s5  }
0x97: {  	s5 =	sld [smem:$0x3FFD];
	_ =	sdelay $0x3  }
0x98: {  	_ =	strace s5  }
0x99: {  	_ =	strace $0x8FFFFFFF  }
0x9a: {  	s20 =	sld [smem:$0x3FDB];
	_ =	sdelay $0x1  }
0x9b: {  	s6 =	simm.s32 $_scs_section_size  }
0x9c: {  	s7 =	simm.s32 $_size__tile_overlayer_lowered;
	s8 =	simm.s32 $_tile_overlayer_lowered  }
0x9d: {  	s23 =	simm.s32 $0x1BFF;
	s22 =	sshll.u32 s8, $0x1;
	s5 =	sadd.s32 s6, s20  }
0x9e: {  	s9 =	simm.s32 $0x0;
	s21 =	sshll.u32 s7, $0x1;
	s7 =	sadd.s32 s22, s5  }
0x9f: {  	[timem:s9], [sflag:s23] =	dma.local [hbm:s7], s21  }
0xa0: {  	_ =	swait.ge [sflag:s23], s21  }
0xa1: {  	s6 =	ssub.s32 $0x0, s21;
	[sflag:s23] =	ssyncset.done $0x0  }
0xa2: {  	[sflag:s23] =	ssyncadd.s32 s6;
	_ =	sdelay $0x1  }
0xa3: {  	s24 =	simm.s32 $0x1B8B  }
0xa4: {  	_ =	swait.ge [sflag:s24], $0x1  }
0xa5: {  	[sflag:s24] =	ssyncset.done $0x0  }
0xa6: {  	s25 =	simm.s32 $0x1B8E;
	[sflag:s24] =	ssyncadd.s32 $0xFFFFFFFF  }
0xa7: {  	s26 =	simm.s32 $execute0_lowered;
	[smem:$0x3FD2] =	sst s25  }
0xa8: {  	s6 =	sshll.u32 s26, $0x1;
	_ =	strace $0x80000046;
	[dreg:$0x1] =	wrdreg $0xFFFFFFFF  }
0xa9: {  	s28 =	simm.s32 $_size_execute0_lowered;
	s5 =	sadd.s32 s5, s6;
	[dreg:$0x0] =	wrdreg $0x0  }
0xaa: {  	s6 =	sshll.u32 s28, $0x1;
	[dreg:$0x2] =	wrdreg s5  }
0xab: {  	[dreg:$0x3] =	wrdreg s6  }
0xac: {  	[dreg:$0x4] =	wrdreg $0xC0  }
0xad: {  	_ =	task [dreg:s9], $0x5FFFF  }
0xae: {  	[dreg:$0x1] =	wrdreg $0xFFFFFFFF  }
0xaf: {  	[dreg:$0x0] =	wrdreg $0x60  }
0xb0: {  	[dreg:$0x2] =	wrdreg s2  }
0xb1: {  	[dreg:$0x3] =	wrdreg s19  }
0xb2: {  	[dreg:$0x4] =	wrdreg s4  }
0xb3: {  	[dreg:$0x5] =	wrdreg $0x9  }
0xb4: {  	_ =	task.clear_ibuf [dreg:s9], $0x6FFFF;
	_ =	strace $0x90000046  }
0xb5: {  	s29 =	simm.s32 $0x9;
	_ =	strace $0x80000048  }
0xb6: {  	_ =	swait.ge [sflag:s29], $0x1  }
0xb7: {  	[sflag:s29] =	ssyncadd.s32 $0xFFFFFFFF  }
0xb8: {  	_ =	strace $0x90000048  }
0xb9: {  	_ =	sfence  }
0xba: {  	s30 =	sld [smem:$0x0];
	_ =	sdelay $0x2  }
0xbb: {  	s31 =	sshll.u32 s1, $0xD;
	s1 =	sshrl.u32 s1, $0x2  }
0xbc: {  	s3 =	sand.u32 $0x4000, s31;
	s1 =	sadd.s32 s1, s30  }
0xbd: {  	s0 =	sor.u32 s3, s0;
	s1 =	sshll.u32 s1, $0x11  }
0xbe: {  	s0 =	sor.u32 s1, s0  }
0xbf: {  	s0 =	sadd.s32 $0x8F2B, s0  }
0xc0: {  	[sflag:s0] =	ssyncadd.remote.s32 $0x1  }
0xc1: {  	_ =	sfence.sel $0xFFFF  }
0xc2: {  	[dreg:$0x0] =	wrdreg $0xFFFFFFFF;
	(pc) =	sbr.abs _section_cstart, $3  }
0xc3: {  	[dreg:$0x1] =	wrdreg $0xFFFFFFFF  }
0xc4: {  	_ =	task.clear_ibuf [dreg:s9], $0x2FFFF;
	_ =	strace $0x9FFFFFFF  }
0xc5: {  	(tm) =	ssettm $0x7FFFFFFF  }
tec
execute0_lowered:
.L_overlay_start_1:
0x0: {  	(tag) =	ssettag $0x1  }
0x1: {  	s1 =	rddreg [dreg:$0x0]  }
0x2: {  	s3 =	rddreg [dreg:$0x1]  }
0x3: {  	s4 =	rddreg [dreg:$0x2]  }
0x4: {  	s0 =	srdreg.scid;
	s7 =	stileid.u32;
	s5 =	simm.s32 $0x0  }
0x5: {  	s12 =	simm.s32 $0x1400;
	s13 =	simm.s32 $0x7A1400;
	s14 =	simm.s32 $0x2000  }
0x6: {  	s15 =	simm.s32 $0xC000;
	s0 =	sand.u32 $0x1, s0;
	s2 =	sshll.u32 s7, $0x1  }
0x7: {  	s16 =	simm.s32 $0x4;
	s17 =	simm.s32 $0x1;
	s6 =	sor.u32 s0, s2  }
0x8: {  	s18 =	simm.s32 $0x16300;
	s19 =	simm.s32 $0xC0;
	s2 =	smul.u32 $0x1400, s6  }
0x9: {  	s20 =	simm.s32 $0x3;
	s21 =	simm.s32 $0x2;
	s10 =	smul.u32 $0xC0, s6  }
0xa: {  	[smem:$0x7FF] =	sst s5;
	p0 =	slt.u32 s7, $0xD;
	s9 =	smul.u32 $0x280, s6  }
.Ltmp0:
0xb: {  	s7 =	simm.s32 $0x30;
	s0 =	ssub.s32 $0x2, s0;
	v0 =	vmov s10;
	(pc) =	sbr.rel .LBB2_1-.Ltmp0, $4  }
0xc: {  	_ =	strace $0x80000047;
	s7 =	simm.s32 @!p0 $0x2F;
	s8 =	sshrl.u32 s0, $0x1;
	v0 =	vor.u32 $0x8000, v0  }
0xd: {  	s0 =	ssub.s32 s0, s8;
	s2 =	sshrl.u32 s2, $0x3;
	s31 =	sadd.s32 s3, s9;
	v2 =	vbroadcast v0, $0x0  }
0xe: {  	s10 =	simm.s32 $0x19;
	s11 =	smax.u32 s0, $0x1;
	s2 =	sadd.s32 s3, s2;
	v0 =	vlaneseq.u32  }
0xf: {  	v1 =	vmov s6;
	[dreg:$0x4] =	wrdreg s31;
	s10 =	simm.s32 @!p0 $0x18;
	s9 =	sadd.s32 $0x5000, s2;
	v2 =	vor.u32 v0, v2  }
.LBB2_35:
0x10: {  	_ =	swait.ge [sflag:s17], $0xA000  }
0x11: {  	[sflag:s17] =	ssyncset.done $0x0  }
0x12: {  	[sflag:s17] =	ssyncadd.s32 $0xFFFF6000  }
0x13: {  	p0 =	slt.s32 s25, $0x1;
	s5 =	sadd.s32 $0x1, s5;
	_ =	swait.ge [sflag:s21], $0xA000  }
0x14: {  	s0 =	simm.s32 @!p0 $0xC0;
	s2 =	simm.s32 @!p0 $0x16200;
	[sflag:s21] =	ssyncset.done $0x0  }
0x15: {  	s8 =	simm.s32 @!p0 $0x16300;
	p1 =	sne.s32 s5, s11;
	[sflag:s21] =	ssyncadd.s32 $0xFFFF6000  }
0x16: {  	[hbm4b:s4+s0] =	stream.indirect.scatter @!p0 [tilespmem:s8], [sflag:$0x3], $0x80, s2, s0, $0xb8;
	[tilespmem:$0x1C300] =	vst v63  }
.Ltmp1:
0x17: {  	_ = 	snop;
	(pc) =	sbr.rel @!p1 .LBB2_36-.Ltmp1, $4  }
0x18: {  	s0 =	simm.s32 @!p0 $0x3  }
0x19: {  	_ =	swait.ge @!p0 [sflag:s0], $0x6000  }
0x1a: {  	[sflag:s0] =	ssyncset.done @!p0 $0x0  }
0x1b: {  	[sflag:s0] =	ssyncadd.s32 @!p0 $0xFFFFA000  }
.LBB2_1:
0x1c: {  	s0 =	rddreg [dreg:$0x4]  }
0x1d: {  	[tilespmem:s14], [sflag:$0x1] =	stream.strided.gather [hbm4b:s0+s12], $0xA000, s13, s12, $0x38;
	[tilespmem:$0x1C300] =	vst v63  }
0x1e: {  	s23 =	simm.s32 $0x0;
	s22 =	simm.s32 $0x0  }
0x1f: {  	[tilespmem:s15], [sflag:$0x2] =	stream.strided.gather [hbm4b:s9+s12], $0xA000, s13, s12, $0x38;
	[tilespmem:$0x1C300] =	vst v63  }
.LBB2_2:
0x20: {  	s0 =	sshll.u32 s22, $0x9  }
0x21: {  	s2 =	simm.s32 $0x0;
	s0 =	sadd.s32 s1, s0  }
0x22: {  	[tilespmem:s2], [sflag:$0x4] =	stream.linear.gather [hbm4b:s0+s2], $0x1000, $0x38;
	[tilespmem:$0x1C300] =	vst v63  }
0x23: {  	_ =	swait.ge [sflag:s16], $0x1000  }
0x24: {  	[sflag:s16] =	ssyncset.done $0x0  }
0x25: {  	[sflag:s16] =	ssyncadd.s32 $0xFFFFF000  }
0x26: {  	v3 =	vld [tilespmem:s2+$0x0];
	_ =	sdelay $0x4  }
0x27: {  	v4 =	vshrl.u32 v3, $0x7  }
0x28: {  	v4 =	vmul.u32 $0xCCCD, v4;
	_ =	sdelay $0x1  }
0x29: {  	v4 =	vshrl.u32 v4, $0x12  }
0x2a: {  	v4 =	vand.u32 $0x1F, v4  }
0x2b: {  	vm0 =	veq.s32 v4, v1  }
0x2c: {  	v4 =	vmpcnt.ones.xlane vm0;
	_ =	sdelay $0x1  }
0x2d: {  	s24 =	sshll.u32 s22, $0xC;
	(v2sf) =	vpush v4, $0x0  }
0x2e: {  	s31 =	sor.u32 s24, s2  }
0x2f: {  	[tilespmem:s23+$0x1000] =	vst.msk vm0, v3;
	v3 =	vor.u32 s31, v0  }
0x30: {  	s25 =	simm.s32 $0x10;
	[tilespmem:s23+$0x1800] =	vst.msk vm0, v3  }
0x31: {  	s0 =	simm.s32 $0x20;
	s2 =	simm.s32 $0x10;
	v3 =	vld [tilespmem:s25+$0x0]  }
.LBB2_3:
0x32: {  	p0 =	sne.s32 s0, $0xFF0;
	_ =	sdelay $0x3  }
0x33: {  	v4 =	vshrl.u32 v3, $0x7  }
0x34: {  	v4 =	vmul.u32 $0xCCCD, v4;
	_ =	sdelay $0x1  }
0x35: {  	v4 =	vshrl.u32 v4, $0x12  }
0x36: {  	v4 =	vand.u32 $0x1F, v4  }
0x37: {  	vm0 =	veq.s32 v4, v1  }
0x38: {  	v4 =	vmpcnt.ones.xlane vm0;
	s26 =	spop (v2sf)  }
0x39: {  	s23 =	sadd.s32 s23, s26  }
.Ltmp2:
0x3a: {  	(v2sf) =	vpush v4, $0x0;
	p1 =	slt.s32 s23, $0x7F0;
	(pc) =	sbr.rel @p0 .LBB2_3-.Ltmp2, $4  }
0x3b: {  	s26 =	sor.u32 s24, s25;
	s25 =	smov.u32 s0;
	s23 =	simm.s32 @!p1 $0x7F0  }
0x3c: {  	v4 =	vor.u32 s26, v0;
	[tilespmem:s23+$0x1000] =	vst.msk vm0, v3  }
0x3d: {  	s2 =	sadd.s32 $0x10, s2;
	[tilespmem:s23+$0x1800] =	vst.msk vm0, v4  }
0x3e: {  	s0 =	sadd.s32 $0x10, s0;
	v3 =	vld [tilespmem:s2+$0x0]  }
0x3f: {  	_ =	sdelay $0x3  }
0x40: {  	v4 =	vshrl.u32 v3, $0x7  }
0x41: {  	v4 =	vmul.u32 $0xCCCD, v4;
	_ =	sdelay $0x1  }
0x42: {  	v4 =	vshrl.u32 v4, $0x12  }
0x43: {  	v4 =	vand.u32 $0x1F, v4  }
0x44: {  	vm0 =	veq.s32 v4, v1  }
0x45: {  	v4 =	vmpcnt.ones.xlane vm0;
	_ =	sdelay $0x1  }
0x46: {  	(v2sf) =	vpush v4, $0x0;
	_ =	sdelay $0xb  }
0x47: {  	s22 =	sadd.s32 $0x1, s22;
	s0 =	spop (v2sf)  }
0x48: {  	p1 =	sne.s32 s22, $0x8;
	s0 =	sadd.s32 s23, s0  }
.Ltmp3:
0x49: {  	p0 =	slt.s32 s0, $0x7F0;
	(pc) =	sbr.rel @p1 .LBB2_2-.Ltmp3, $4  }
0x4a: {  	s0 =	simm.s32 @!p0 $0x7F0;
	s2 =	spop (v2sf)  }
0x4b: {  	s24 =	sor.u32 s24, s25;
	s23 =	sadd.s32 s0, s2  }
0x4c: {  	v63 =	vor.u32 s24, v0;
	[tilespmem:s0+$0x1000] =	vst.msk vm0, v3;
	p0 =	slt.s32 s23, $0x7F0  }
0x4d: {  	[tilespmem:s0+$0x1800] =	vst.msk vm0, v63;
	s23 =	simm.s32 @!p0 $0x7F0  }
0x4e: {  	s2 =	simm.s32 $0x0  }
0x4f: {  	s0 =	simm.s32 $0x16200;
	v3 =	vadd.s32 s2, v2  }
0x50: {  	s2 =	simm.s32 $0x10;
	[tilespmem:s0+$0x0] =	vst v3  }
.LBB2_6:
0x51: {  	p0 =	sne.s32 s2, $0xB0  }
.Ltmp4:
0x52: {  	_ = 	snop;
	(pc) =	sbr.rel @p0 .LBB2_6-.Ltmp4, $3  }
0x53: {  	_ =	sdelay $0x1  }
0x54: {  	v3 =	vadd.s32 s2, v2;
	s2 =	sadd.s32 $0x10, s2;
	s0 =	sadd.s32 $0x10, s0  }
0x55: {  	[tilespmem:s0+$0x0] =	vst v3  }
.Ltmp5:
0x56: {  	(pc) =	sbr.rel .LBB2_8-.Ltmp5, $4  }
0x57: {  	_ = 	snop  }
0x58: {  	s0 =	sadd.s32 $0xF, s23  }
0x59: {  	s22 =	sshra.s32 s0, $0x4  }
0x5a: {  	v3 =	vmov s23;
	s25 =	simm.s32 $0x0;
	s23 =	simm.s32 $0x0;
	p0 =	slt.s32 s22, $0x1  }
.LBB2_34:
0x5b: {  	s0 =	sadd.s32 $0x3, s24  }
0x5c: {  	s2 =	smov.u32 s7;
	p1 =	slt.s32 s0, s7  }
0x5d: {  	s2 =	smov.u32 @p1 s0  }
0x5e: {  	s0 =	sshll.u32 s2, $0x5  }
0x5f: {  	s23 =	sadd.s32 $0x1, s23;
	s0 =	sor.u32 s6, s0  }
0x60: {  	p2 =	sne.s32 s23, s10;
	s0 =	smul.u32 $0x1400, s0  }
.Ltmp6:
0x61: {  	_ = 	snop;
	(pc) =	sbr.rel @!p2 .LBB2_35-.Ltmp6, $4  }
0x62: {  	_ = 	snop  }
0x63: {  	p1 =	sgt.s32 s25, $0x7F;
	s0 =	sshrl.u32 s0, $0x3  }
0x64: {  	s25 =	simm.s32 @p1 $0x0;
	s0 =	sadd.s32 s3, s0  }
0x65: {  	[tilespmem:s15], [sflag:$0x2] =	stream.strided.gather [hbm4b:s0+s12], $0xA000, s13, s12, $0x38;
	[tilespmem:$0x1C300] =	vst v63  }
.LBB2_8:
.Ltmp7:
0x66: {  	(pc) =	sbr.rel @p0 .LBB2_15-.Ltmp7, $4  }
0x67: {  	_ = 	snop  }
0x68: {  	_ =	swait.ge [sflag:s17], $0xA000  }
0x69: {  	[sflag:s17] =	ssyncset.done $0x0  }
0x6a: {  	s24 =	sshll.u32 s23, $0x1;
	s26 =	smov.u32 s25;
	[sflag:s17] =	ssyncadd.s32 $0xFFFF6000  }
0x6b: {  	p1 =	slt.s32 s24, s7;
	s0 =	smov.u32 s7  }
0x6c: {  	s0 =	smov.u32 @p1 s24  }
0x6d: {  	p2 =	sne.s32 s22, $0x1;
	s0 =	sshll.u32 s0, $0x5  }
.Ltmp8:
0x6e: {  	s0 =	sor.u32 s6, s0;
	(pc) =	sbr.rel @!p2 .LBB2_10-.Ltmp8, $3  }
0x6f: {  	s0 =	smul.u32 $0x280, s0;
	_ =	sdelay $0x1  }
0x70: {  	s29 =	simm.s32 $0x1000;
	s26 =	simm.s32 $0x1800;
	s2 =	sadd.s32 $0x280, s0  }
0x71: {  	s28 =	simm.s32 $0x0;
	v6 =	vld [tilespmem:s29+$0x0];
	p1 =	por $0x0, $0x0;
	v4 =	vmov s0;
	v5 =	vmov s2;
	s2 =	sadd.s32 $0xFFFFFFFF, s22  }
0x72: {  	_ =	sdelay $0x2  }
0x73: {  	v7 =	vor.u32 s28, v0  }
0x74: {  	vm0 =	vlt.s32 v7, v3;
	vm1 =	vlt.s32 v6, v5  }
0x75: {  	vm15 =	vge.s32 v6, v4;
	vm0 =	vmand vm0, vm1  }
0x76: {  	vm0 =	vmand vm0, vm15  }
0x77: {  	v7 =	vmpcnt.ones.xlane vm0;
	_ =	sdelay $0x1  }
0x78: {  	v8 =	vld [tilespmem:s26+$0x0];
	(v2sf) =	vpush v7, $0x0  }
0x79: {  	p2 =	sne.s32 s2, $0x1  }
.Ltmp9:
0x7a: {  	_ = 	snop;
	(pc) =	sbr.rel @!p2 .LBB2_12-.Ltmp9, $4  }
0x7b: {  	v6 =	vsub.s32 v6, v4  }
0x7c: {  	[tilespmem:s25+$0x16000] =	vst.msk vm0, v6  }
0x7d: {  	s0 =	simm.s32 $0x1010;
	s2 =	sadd.s32 $0xFFFFFFFF, s2;
	p1 =	por $0x1, $0x1;
	[tilespmem:s25+$0x16100] =	vst.msk vm0, v8  }
0x7e: {  	s31 =	simm.s32 $0x0;
	s29 =	simm.s32 $0x1800;
	s30 =	smov.u32 s25;
	v6 =	vld [tilespmem:s0+$0x0]  }
.LBB2_13:
0x7f: {  	p2 =	sne.s32 s2, $0x1;
	_ =	sdelay $0x1  }
0x80: {  	s31 =	sadd.s32 $0x10, s31  }
0x81: {  	v7 =	vor.u32 s31, v0  }
0x82: {  	vm0 =	vlt.s32 v7, v3;
	vm1 =	vlt.s32 v6, v5;
	v7 =	vsub.s32 v6, v4  }
0x83: {  	vm2 =	vge.s32 v6, v4;
	vm0 =	vmand vm0, vm1  }
0x84: {  	vm0 =	vmand vm0, vm2  }
0x85: {  	s29 =	sadd.s32 $0x10, s29;
	v6 =	vmpcnt.ones.xlane vm0  }
0x86: {  	v8 =	vld [tilespmem:s29+$0x0];
	s8 =	spop (v2sf)  }
0x87: {  	(v2sf) =	vpush v6, $0x0;
	s30 =	sadd.s32 s30, s8  }
0x88: {  	p3 =	slt.s32 s30, $0xB0  }
.Ltmp10:
0x89: {  	s30 =	simm.s32 @!p3 $0xB0;
	(pc) =	sbr.rel @p2 .LBB2_13-.Ltmp10, $4  }
0x8a: {  	[tilespmem:s30+$0x16000] =	vst.msk vm0, v7  }
0x8b: {  	[tilespmem:s30+$0x16100] =	vst.msk vm0, v8  }
0x8c: {  	s0 =	sadd.s32 $0x10, s0  }
0x8d: {  	s2 =	sadd.s32 $0xFFFFFFFF, s2;
	v6 =	vld [tilespmem:s0+$0x0]  }
.LBB2_14:
0x8e: {  	_ = 	snop  }
0x8f: {  	s0 =	sadd.s32 @p1 $0x10, s31  }
0x90: {  	s28 =	smov.u32 @p1 s0  }
0x91: {  	v7 =	vor.u32 s28, v0  }
0x92: {  	vm0 =	vlt.s32 v7, v3;
	vm1 =	vlt.s32 v6, v5  }
0x93: {  	vm2 =	vge.s32 v6, v4;
	vm0 =	vmand vm0, vm1  }
0x94: {  	vm0 =	vmand vm0, vm2  }
0x95: {  	v5 =	vmpcnt.ones.xlane vm0;
	_ =	sdelay $0x1  }
0x96: {  	(v2sf) =	vpush v5, $0x0;
	_ =	sdelay $0x9  }
0x97: {  	s0 =	spop @p1 (v2sf)  }
0x98: {  	s2 =	sadd.s32 @p1 $0x10, s29;
	s0 =	sadd.s32 @p1 s30, s0  }
0x99: {  	s26 =	smov.u32 @p1 s2;
	p2 =	slt.s32 @p1 s0, $0xB0  }
0x9a: {  	v5 =	vld [tilespmem:s26+$0x0];
	p2 =	por !p2, !p1  }
0x9b: {  	s2 =	smov.u32 s25;
	s0 =	simm.s32 @p2 $0xB0  }
0x9c: {  	s2 =	smov.u32 @p1 s0;
	s31 =	spop (v2sf)  }
0x9d: {  	v4 =	vsub.s32 v6, v4;
	s26 =	sadd.s32 s2, s31  }
0x9e: {  	[tilespmem:s2+$0x16000] =	vst.msk vm0, v4;
	p1 =	slt.s32 s26, $0xB0  }
0x9f: {  	[tilespmem:s2+$0x16100] =	vst.msk vm0, v5;
	s26 =	simm.s32 @!p1 $0xB0  }
.LBB2_15:
0xa0: {  	s2 =	sadd.s32 $0xF, s26  }
0xa1: {  	s0 =	sshra.s32 s25, $0x4;
	s2 =	sshra.s32 s2, $0x4  }
0xa2: {  	p1 =	sle.s32 s2, s0  }
.Ltmp11:
0xa3: {  	_ = 	snop;
	(pc) =	sbr.rel @p1 .LBB2_18-.Ltmp11, $1  }
0xa4: {  	_ =	sdelay $0x3  }
0xa5: {  	s8 =	sshll.u32 s0, $0x6  }
0xa6: {  	s28 =	ssub.s32 s2, s0;
	s31 =	sshll.u32 s0, $0x4;
	s8 =	sshra.s32 s8, $0x2  }
0xa7: {  	v4 =	vmov s25;
	v5 =	vmov s26;
	s29 =	sadd.s32 $0x16000, s8;
	s25 =	sadd.s32 $0x16100, s8;
	s30 =	sadd.s32 $0x16200, s8  }
.LBB2_17:
0xa8: {  	v6 =	vld [tilespmem:s29+$0x0];
	_ =	sdelay $0x1  }
0xa9: {  	v7 =	vor.u32 s31, v0  }
0xaa: {  	vm0 =	vge.s32 v7, v4;
	vm1 =	vlt.s32 v7, v5  }
0xab: {  	vm0 =	vmand vm0, vm1  }
0xac: {  	v8 =	vld [tilespmem:s25+$0x0];
	v6 =	vnsel vm0, $0x0, v6  }
0xad: {  	v9 =	vld [tilespmem:s30+$0x0];
	v10 =	vshll.u32 v6, $0x3  }
0xae: {  	v6 =	vand.u32 $0x7F, v6;
	v10 =	vand.u32 $0xFFFFFC00, v10  }
0xaf: {  	v6 =	vor.u32 v6, v10;
	_ =	sdelay $0x2  }
0xb0: {  	v8 =	vsel vm0, v8, v9  }
0xb1: {  	[tilespmem:s30+$0x0] =	vst v8  }
0xb2: {  	v7 =	vshll.u32 v7, $0x7;
	v8 =	vld.idx.msk [tilespmem:v6+s14+$0x0], vm0  }
0xb3: {  	v45 =	vor.u32 $0x80, v6;
	_ =	sdelay $0x3  }
0xb4: {  	[tilespmem:v7+s18+$0x0] =	vst.idx.msk vm0, v8  }
0xb5: {  	v46 =	vor.u32 $0x1, v7;
	v8 =	vld.idx.msk [tilespmem:v45+s14+$0x0], vm0  }
0xb6: {  	v10 =	vor.u32 $0x100, v6;
	_ =	sdelay $0x3  }
0xb7: {  	[tilespmem:v46+s18+$0x0] =	vst.idx.msk vm0, v8  }
0xb8: {  	v47 =	vor.u32 $0x2, v7;
	v8 =	vld.idx.msk [tilespmem:v10+s14+$0x0], vm0  }
0xb9: {  	v48 =	vor.u32 $0x180, v6;
	_ =	sdelay $0x3  }
0xba: {  	[tilespmem:v47+s18+$0x0] =	vst.idx.msk vm0, v8  }
0xbb: {  	v49 =	vor.u32 $0x3, v7;
	v8 =	vld.idx.msk [tilespmem:v48+s14+$0x0], vm0  }
0xbc: {  	v50 =	vor.u32 $0x200, v6;
	_ =	sdelay $0x3  }
0xbd: {  	[tilespmem:v49+s18+$0x0] =	vst.idx.msk vm0, v8  }
0xbe: {  	v51 =	vor.u32 $0x4, v7;
	v8 =	vld.idx.msk [tilespmem:v50+s14+$0x0], vm0  }
0xbf: {  	v52 =	vor.u32 $0x280, v6;
	_ =	sdelay $0x3  }
0xc0: {  	[tilespmem:v51+s18+$0x0] =	vst.idx.msk vm0, v8  }
0xc1: {  	v53 =	vor.u32 $0x5, v7;
	v8 =	vld.idx.msk [tilespmem:v52+s14+$0x0], vm0  }
0xc2: {  	v54 =	vor.u32 $0x300, v6;
	_ =	sdelay $0x3  }
0xc3: {  	[tilespmem:v53+s18+$0x0] =	vst.idx.msk vm0, v8  }
0xc4: {  	v55 =	vor.u32 $0x6, v7;
	v8 =	vld.idx.msk [tilespmem:v54+s14+$0x0], vm0  }
0xc5: {  	v56 =	vor.u32 $0x380, v6;
	_ =	sdelay $0x3  }
0xc6: {  	[tilespmem:v55+s18+$0x0] =	vst.idx.msk vm0, v8  }
0xc7: {  	v57 =	vor.u32 $0x7, v7;
	v8 =	vld.idx.msk [tilespmem:v56+s14+$0x0], vm0  }
0xc8: {  	v58 =	vadd.s32 $0x1400, v6;
	_ =	sdelay $0x3  }
0xc9: {  	[tilespmem:v57+s18+$0x0] =	vst.idx.msk vm0, v8  }
0xca: {  	v59 =	vor.u32 $0x8, v7;
	v8 =	vld.idx.msk [tilespmem:v58+s14+$0x0], vm0  }
0xcb: {  	v60 =	vadd.s32 $0x1480, v6;
	_ =	sdelay $0x3  }
0xcc: {  	[tilespmem:v59+s18+$0x0] =	vst.idx.msk vm0, v8  }
0xcd: {  	v61 =	vor.u32 $0x9, v7;
	v8 =	vld.idx.msk [tilespmem:v60+s14+$0x0], vm0  }
0xce: {  	v62 =	vadd.s32 $0x1500, v6;
	_ =	sdelay $0x3  }
0xcf: {  	[tilespmem:v61+s18+$0x0] =	vst.idx.msk vm0, v8  }
0xd0: {  	v63 =	vor.u32 $0xA, v7;
	v8 =	vld.idx.msk [tilespmem:v62+s14+$0x0], vm0  }
0xd1: {  	v12 =	vadd.s32 $0x1580, v6;
	_ =	sdelay $0x3  }
0xd2: {  	[tilespmem:v63+s18+$0x0] =	vst.idx.msk vm0, v8  }
0xd3: {  	v13 =	vor.u32 $0xB, v7;
	v8 =	vld.idx.msk [tilespmem:v12+s14+$0x0], vm0  }
0xd4: {  	v14 =	vadd.s32 $0x1600, v6;
	_ =	sdelay $0x3  }
0xd5: {  	[tilespmem:v13+s18+$0x0] =	vst.idx.msk vm0, v8  }
0xd6: {  	v15 =	vor.u32 $0xC, v7;
	v8 =	vld.idx.msk [tilespmem:v14+s14+$0x0], vm0  }
0xd7: {  	v16 =	vadd.s32 $0x1680, v6;
	_ =	sdelay $0x3  }
0xd8: {  	[tilespmem:v15+s18+$0x0] =	vst.idx.msk vm0, v8  }
0xd9: {  	v17 =	vor.u32 $0xD, v7;
	v8 =	vld.idx.msk [tilespmem:v16+s14+$0x0], vm0  }
0xda: {  	v18 =	vadd.s32 $0x1700, v6;
	_ =	sdelay $0x3  }
0xdb: {  	[tilespmem:v17+s18+$0x0] =	vst.idx.msk vm0, v8  }
0xdc: {  	v19 =	vor.u32 $0xE, v7;
	v8 =	vld.idx.msk [tilespmem:v18+s14+$0x0], vm0  }
0xdd: {  	v20 =	vadd.s32 $0x1780, v6;
	_ =	sdelay $0x3  }
0xde: {  	[tilespmem:v19+s18+$0x0] =	vst.idx.msk vm0, v8  }
0xdf: {  	v21 =	vor.u32 $0xF, v7;
	v8 =	vld.idx.msk [tilespmem:v20+s14+$0x0], vm0  }
0xe0: {  	v22 =	vadd.s32 $0x2800, v6;
	_ =	sdelay $0x3  }
0xe1: {  	[tilespmem:v21+s18+$0x0] =	vst.idx.msk vm0, v8  }
0xe2: {  	v23 =	vor.u32 $0x10, v7;
	v8 =	vld.idx.msk [tilespmem:v22+s14+$0x0], vm0  }
0xe3: {  	v24 =	vadd.s32 $0x2880, v6;
	_ =	sdelay $0x3  }
0xe4: {  	[tilespmem:v23+s18+$0x0] =	vst.idx.msk vm0, v8  }
0xe5: {  	v25 =	vor.u32 $0x11, v7;
	v8 =	vld.idx.msk [tilespmem:v24+s14+$0x0], vm0  }
0xe6: {  	v26 =	vadd.s32 $0x2900, v6;
	_ =	sdelay $0x3  }
0xe7: {  	[tilespmem:v25+s18+$0x0] =	vst.idx.msk vm0, v8  }
0xe8: {  	v27 =	vor.u32 $0x12, v7;
	v8 =	vld.idx.msk [tilespmem:v26+s14+$0x0], vm0  }
0xe9: {  	v28 =	vadd.s32 $0x2980, v6;
	_ =	sdelay $0x3  }
0xea: {  	[tilespmem:v27+s18+$0x0] =	vst.idx.msk vm0, v8  }
0xeb: {  	v29 =	vor.u32 $0x13, v7;
	v8 =	vld.idx.msk [tilespmem:v28+s14+$0x0], vm0  }
0xec: {  	v30 =	vadd.s32 $0x2A00, v6;
	_ =	sdelay $0x3  }
0xed: {  	[tilespmem:v29+s18+$0x0] =	vst.idx.msk vm0, v8  }
0xee: {  	v31 =	vor.u32 $0x14, v7;
	v8 =	vld.idx.msk [tilespmem:v30+s14+$0x0], vm0  }
0xef: {  	v32 =	vadd.s32 $0x2A80, v6;
	_ =	sdelay $0x3  }
0xf0: {  	[tilespmem:v31+s18+$0x0] =	vst.idx.msk vm0, v8  }
0xf1: {  	v33 =	vor.u32 $0x15, v7;
	v8 =	vld.idx.msk [tilespmem:v32+s14+$0x0], vm0  }
0xf2: {  	v34 =	vadd.s32 $0x2B00, v6;
	_ =	sdelay $0x3  }
0xf3: {  	[tilespmem:v33+s18+$0x0] =	vst.idx.msk vm0, v8  }
0xf4: {  	v35 =	vor.u32 $0x16, v7;
	v8 =	vld.idx.msk [tilespmem:v34+s14+$0x0], vm0  }
0xf5: {  	v36 =	vadd.s32 $0x2B80, v6;
	_ =	sdelay $0x3  }
0xf6: {  	[tilespmem:v35+s18+$0x0] =	vst.idx.msk vm0, v8  }
0xf7: {  	v37 =	vor.u32 $0x17, v7;
	v8 =	vld.idx.msk [tilespmem:v36+s14+$0x0], vm0  }
0xf8: {  	v38 =	vadd.s32 $0x3C00, v6;
	_ =	sdelay $0x3  }
0xf9: {  	[tilespmem:v37+s18+$0x0] =	vst.idx.msk vm0, v8  }
0xfa: {  	v39 =	vor.u32 $0x18, v7;
	v8 =	vld.idx.msk [tilespmem:v38+s14+$0x0], vm0  }
0xfb: {  	v40 =	vadd.s32 $0x3C80, v6;
	_ =	sdelay $0x3  }
0xfc: {  	[tilespmem:v39+s18+$0x0] =	vst.idx.msk vm0, v8  }
0xfd: {  	v41 =	vor.u32 $0x19, v7;
	v8 =	vld.idx.msk [tilespmem:v40+s14+$0x0], vm0  }
0xfe: {  	v42 =	vadd.s32 $0x3D00, v6;
	_ =	sdelay $0x3  }
0xff: {  	[tilespmem:v41+s18+$0x0] =	vst.idx.msk vm0, v8  }
0x100: {  	v43 =	vor.u32 $0x1A, v7;
	v8 =	vld.idx.msk [tilespmem:v42+s14+$0x0], vm0  }
0x101: {  	v44 =	vadd.s32 $0x3D80, v6;
	_ =	sdelay $0x3  }
0x102: {  	[tilespmem:v43+s18+$0x0] =	vst.idx.msk vm0, v8  }
0x103: {  	v45 =	vor.u32 $0x1B, v7;
	v8 =	vld.idx.msk [tilespmem:v44+s14+$0x0], vm0  }
0x104: {  	v46 =	vadd.s32 $0x3E00, v6;
	_ =	sdelay $0x3  }
0x105: {  	[tilespmem:v45+s18+$0x0] =	vst.idx.msk vm0, v8  }
0x106: {  	v47 =	vor.u32 $0x1C, v7;
	v8 =	vld.idx.msk [tilespmem:v46+s14+$0x0], vm0  }
0x107: {  	v48 =	vadd.s32 $0x3E80, v6;
	_ =	sdelay $0x3  }
0x108: {  	[tilespmem:v47+s18+$0x0] =	vst.idx.msk vm0, v8  }
0x109: {  	v49 =	vor.u32 $0x1D, v7;
	v8 =	vld.idx.msk [tilespmem:v48+s14+$0x0], vm0  }
0x10a: {  	v50 =	vadd.s32 $0x3F00, v6;
	_ =	sdelay $0x3  }
0x10b: {  	[tilespmem:v49+s18+$0x0] =	vst.idx.msk vm0, v8  }
0x10c: {  	v51 =	vor.u32 $0x1E, v7;
	v8 =	vld.idx.msk [tilespmem:v50+s14+$0x0], vm0  }
0x10d: {  	v52 =	vadd.s32 $0x3F80, v6;
	_ =	sdelay $0x3  }
0x10e: {  	[tilespmem:v51+s18+$0x0] =	vst.idx.msk vm0, v8  }
0x10f: {  	v53 =	vor.u32 $0x1F, v7;
	v8 =	vld.idx.msk [tilespmem:v52+s14+$0x0], vm0  }
0x110: {  	v54 =	vadd.s32 $0x5000, v6;
	_ =	sdelay $0x3  }
0x111: {  	[tilespmem:v53+s18+$0x0] =	vst.idx.msk vm0, v8  }
0x112: {  	v55 =	vor.u32 $0x20, v7;
	v8 =	vld.idx.msk [tilespmem:v54+s14+$0x0], vm0  }
0x113: {  	v56 =	vadd.s32 $0x5080, v6;
	_ =	sdelay $0x3  }
0x114: {  	[tilespmem:v55+s18+$0x0] =	vst.idx.msk vm0, v8  }
0x115: {  	v57 =	vor.u32 $0x21, v7;
	v8 =	vld.idx.msk [tilespmem:v56+s14+$0x0], vm0  }
0x116: {  	v58 =	vadd.s32 $0x5100, v6;
	_ =	sdelay $0x3  }
0x117: {  	[tilespmem:v57+s18+$0x0] =	vst.idx.msk vm0, v8  }
0x118: {  	v59 =	vor.u32 $0x22, v7;
	v8 =	vld.idx.msk [tilespmem:v58+s14+$0x0], vm0  }
0x119: {  	v60 =	vadd.s32 $0x5180, v6;
	_ =	sdelay $0x3  }
0x11a: {  	[tilespmem:v59+s18+$0x0] =	vst.idx.msk vm0, v8  }
0x11b: {  	v61 =	vor.u32 $0x23, v7;
	v8 =	vld.idx.msk [tilespmem:v60+s14+$0x0], vm0  }
0x11c: {  	v62 =	vadd.s32 $0x5200, v6;
	_ =	sdelay $0x3  }
0x11d: {  	[tilespmem:v61+s18+$0x0] =	vst.idx.msk vm0, v8  }
0x11e: {  	v63 =	vor.u32 $0x24, v7;
	v8 =	vld.idx.msk [tilespmem:v62+s14+$0x0], vm0  }
0x11f: {  	v12 =	vadd.s32 $0x5280, v6;
	_ =	sdelay $0x3  }
0x120: {  	[tilespmem:v63+s18+$0x0] =	vst.idx.msk vm0, v8  }
0x121: {  	v13 =	vor.u32 $0x25, v7;
	v8 =	vld.idx.msk [tilespmem:v12+s14+$0x0], vm0  }
0x122: {  	v14 =	vadd.s32 $0x5300, v6;
	_ =	sdelay $0x3  }
0x123: {  	[tilespmem:v13+s18+$0x0] =	vst.idx.msk vm0, v8  }
0x124: {  	v15 =	vor.u32 $0x26, v7;
	v8 =	vld.idx.msk [tilespmem:v14+s14+$0x0], vm0  }
0x125: {  	v16 =	vadd.s32 $0x5380, v6;
	_ =	sdelay $0x3  }
0x126: {  	[tilespmem:v15+s18+$0x0] =	vst.idx.msk vm0, v8  }
0x127: {  	v17 =	vor.u32 $0x27, v7;
	v8 =	vld.idx.msk [tilespmem:v16+s14+$0x0], vm0  }
0x128: {  	v18 =	vadd.s32 $0x6400, v6;
	_ =	sdelay $0x3  }
0x129: {  	[tilespmem:v17+s18+$0x0] =	vst.idx.msk vm0, v8  }
0x12a: {  	v19 =	vor.u32 $0x28, v7;
	v8 =	vld.idx.msk [tilespmem:v18+s14+$0x0], vm0  }
0x12b: {  	v20 =	vadd.s32 $0x6480, v6;
	_ =	sdelay $0x3  }
0x12c: {  	[tilespmem:v19+s18+$0x0] =	vst.idx.msk vm0, v8  }
0x12d: {  	v21 =	vor.u32 $0x29, v7;
	v8 =	vld.idx.msk [tilespmem:v20+s14+$0x0], vm0  }
0x12e: {  	v22 =	vadd.s32 $0x6500, v6;
	_ =	sdelay $0x3  }
0x12f: {  	[tilespmem:v21+s18+$0x0] =	vst.idx.msk vm0, v8  }
0x130: {  	v23 =	vor.u32 $0x2A, v7;
	v8 =	vld.idx.msk [tilespmem:v22+s14+$0x0], vm0  }
0x131: {  	v24 =	vadd.s32 $0x6580, v6;
	_ =	sdelay $0x3  }
0x132: {  	[tilespmem:v23+s18+$0x0] =	vst.idx.msk vm0, v8  }
0x133: {  	v25 =	vor.u32 $0x2B, v7;
	v8 =	vld.idx.msk [tilespmem:v24+s14+$0x0], vm0  }
0x134: {  	v26 =	vadd.s32 $0x6600, v6;
	_ =	sdelay $0x3  }
0x135: {  	[tilespmem:v25+s18+$0x0] =	vst.idx.msk vm0, v8  }
0x136: {  	v27 =	vor.u32 $0x2C, v7;
	v8 =	vld.idx.msk [tilespmem:v26+s14+$0x0], vm0  }
0x137: {  	v28 =	vadd.s32 $0x6680, v6;
	_ =	sdelay $0x3  }
0x138: {  	[tilespmem:v27+s18+$0x0] =	vst.idx.msk vm0, v8  }
0x139: {  	v29 =	vor.u32 $0x2D, v7;
	v8 =	vld.idx.msk [tilespmem:v28+s14+$0x0], vm0  }
0x13a: {  	v30 =	vadd.s32 $0x6700, v6;
	_ =	sdelay $0x3  }
0x13b: {  	[tilespmem:v29+s18+$0x0] =	vst.idx.msk vm0, v8  }
0x13c: {  	v31 =	vor.u32 $0x2E, v7;
	v8 =	vld.idx.msk [tilespmem:v30+s14+$0x0], vm0  }
0x13d: {  	v32 =	vadd.s32 $0x6780, v6;
	_ =	sdelay $0x3  }
0x13e: {  	[tilespmem:v31+s18+$0x0] =	vst.idx.msk vm0, v8  }
0x13f: {  	v33 =	vor.u32 $0x2F, v7;
	v8 =	vld.idx.msk [tilespmem:v32+s14+$0x0], vm0  }
0x140: {  	v34 =	vadd.s32 $0x7800, v6;
	_ =	sdelay $0x3  }
0x141: {  	[tilespmem:v33+s18+$0x0] =	vst.idx.msk vm0, v8  }
0x142: {  	v35 =	vor.u32 $0x30, v7;
	v8 =	vld.idx.msk [tilespmem:v34+s14+$0x0], vm0  }
0x143: {  	v36 =	vadd.s32 $0x7880, v6;
	_ =	sdelay $0x3  }
0x144: {  	[tilespmem:v35+s18+$0x0] =	vst.idx.msk vm0, v8  }
0x145: {  	v37 =	vor.u32 $0x31, v7;
	v8 =	vld.idx.msk [tilespmem:v36+s14+$0x0], vm0  }
0x146: {  	v38 =	vadd.s32 $0x7900, v6;
	_ =	sdelay $0x3  }
0x147: {  	[tilespmem:v37+s18+$0x0] =	vst.idx.msk vm0, v8  }
0x148: {  	v39 =	vor.u32 $0x32, v7;
	v8 =	vld.idx.msk [tilespmem:v38+s14+$0x0], vm0  }
0x149: {  	v40 =	vadd.s32 $0x7980, v6;
	_ =	sdelay $0x3  }
0x14a: {  	[tilespmem:v39+s18+$0x0] =	vst.idx.msk vm0, v8  }
0x14b: {  	v41 =	vor.u32 $0x33, v7;
	v8 =	vld.idx.msk [tilespmem:v40+s14+$0x0], vm0  }
0x14c: {  	v42 =	vadd.s32 $0x7A00, v6;
	_ =	sdelay $0x3  }
0x14d: {  	[tilespmem:v41+s18+$0x0] =	vst.idx.msk vm0, v8  }
0x14e: {  	v43 =	vor.u32 $0x34, v7;
	v8 =	vld.idx.msk [tilespmem:v42+s14+$0x0], vm0  }
0x14f: {  	v44 =	vadd.s32 $0x7A80, v6;
	_ =	sdelay $0x3  }
0x150: {  	[tilespmem:v43+s18+$0x0] =	vst.idx.msk vm0, v8  }
0x151: {  	v45 =	vor.u32 $0x35, v7;
	v8 =	vld.idx.msk [tilespmem:v44+s14+$0x0], vm0  }
0x152: {  	v46 =	vadd.s32 $0x7B00, v6;
	_ =	sdelay $0x3  }
0x153: {  	[tilespmem:v45+s18+$0x0] =	vst.idx.msk vm0, v8  }
0x154: {  	v47 =	vor.u32 $0x36, v7;
	v8 =	vld.idx.msk [tilespmem:v46+s14+$0x0], vm0  }
0x155: {  	v48 =	vadd.s32 $0x7B80, v6;
	_ =	sdelay $0x3  }
0x156: {  	[tilespmem:v47+s18+$0x0] =	vst.idx.msk vm0, v8  }
0x157: {  	v49 =	vor.u32 $0x37, v7;
	v8 =	vld.idx.msk [tilespmem:v48+s14+$0x0], vm0  }
0x158: {  	v50 =	vadd.s32 $0x8C00, v6;
	_ =	sdelay $0x3  }
0x159: {  	[tilespmem:v49+s18+$0x0] =	vst.idx.msk vm0, v8  }
0x15a: {  	v51 =	vor.u32 $0x38, v7;
	v8 =	vld.idx.msk [tilespmem:v50+s14+$0x0], vm0  }
0x15b: {  	v52 =	vadd.s32 $0x8C80, v6;
	_ =	sdelay $0x3  }
0x15c: {  	[tilespmem:v51+s18+$0x0] =	vst.idx.msk vm0, v8  }
0x15d: {  	v53 =	vor.u32 $0x39, v7;
	v8 =	vld.idx.msk [tilespmem:v52+s14+$0x0], vm0  }
0x15e: {  	v54 =	vadd.s32 $0x8D00, v6;
	_ =	sdelay $0x3  }
0x15f: {  	[tilespmem:v53+s18+$0x0] =	vst.idx.msk vm0, v8  }
0x160: {  	v55 =	vor.u32 $0x3A, v7;
	v8 =	vld.idx.msk [tilespmem:v54+s14+$0x0], vm0  }
0x161: {  	v56 =	vadd.s32 $0x8D80, v6;
	_ =	sdelay $0x3  }
0x162: {  	[tilespmem:v55+s18+$0x0] =	vst.idx.msk vm0, v8  }
0x163: {  	v57 =	vor.u32 $0x3B, v7;
	v8 =	vld.idx.msk [tilespmem:v56+s14+$0x0], vm0  }
0x164: {  	v58 =	vadd.s32 $0x8E00, v6;
	_ =	sdelay $0x3  }
0x165: {  	[tilespmem:v57+s18+$0x0] =	vst.idx.msk vm0, v8  }
0x166: {  	v59 =	vor.u32 $0x3C, v7;
	v8 =	vld.idx.msk [tilespmem:v58+s14+$0x0], vm0  }
0x167: {  	v60 =	vadd.s32 $0x8E80, v6;
	_ =	sdelay $0x3  }
0x168: {  	[tilespmem:v59+s18+$0x0] =	vst.idx.msk vm0, v8  }
0x169: {  	v61 =	vor.u32 $0x3D, v7;
	v8 =	vld.idx.msk [tilespmem:v60+s14+$0x0], vm0  }
0x16a: {  	v62 =	vadd.s32 $0x8F00, v6;
	_ =	sdelay $0x3  }
0x16b: {  	[tilespmem:v61+s18+$0x0] =	vst.idx.msk vm0, v8  }
0x16c: {  	v63 =	vor.u32 $0x3E, v7;
	v8 =	vld.idx.msk [tilespmem:v62+s14+$0x0], vm0  }
0x16d: {  	v6 =	vadd.s32 $0x8F80, v6;
	_ =	sdelay $0x3  }
0x16e: {  	[tilespmem:v63+s18+$0x0] =	vst.idx.msk vm0, v8  }
0x16f: {  	p1 =	sne.s32 s28, $0x1;
	v7 =	vor.u32 $0x3F, v7;
	v6 =	vld.idx.msk [tilespmem:v6+s14+$0x0], vm0  }
.Ltmp12:
0x170: {  	_ = 	snop;
	(pc) =	sbr.rel @p1 .LBB2_17-.Ltmp12, $3  }
0x171: {  	_ =	sdelay $0x1  }
0x172: {  	s29 =	sadd.s32 $0x10, s29;
	s25 =	sadd.s32 $0x10, s25  }
0x173: {  	s31 =	sadd.s32 $0x10, s31;
	s28 =	sadd.s32 $0xFFFFFFFF, s28;
	s30 =	sadd.s32 $0x10, s30;
	[tilespmem:v7+s18+$0x0] =	vst.idx.msk vm0, v6  }
.LBB2_18:
0x174: {  	p1 =	slt.s32 s26, $0x80  }
.Ltmp13:
0x175: {  	_ = 	snop;
	(pc) =	sbr.rel @p1 .LBB2_21-.Ltmp13, $1  }
0x176: {  	_ =	sdelay $0x3  }
0x177: {  	s0 =	simm.s32 $0x16200  }
0x178: {  	[hbm4b:s4+s19] =	stream.indirect.scatter [tilespmem:s18], [sflag:$0x3], $0x80, s0, s19, $0xb8;
	[tilespmem:$0x1C300] =	vst v63  }
0x179: {  	_ =	swait.ge [sflag:s20], $0x6000  }
0x17a: {  	s2 =	simm.s32 $0x0;
	[sflag:s20] =	ssyncset.done $0x0  }
0x17b: {  	v4 =	vadd.s32 s2, v2;
	[sflag:s20] =	ssyncadd.s32 $0xFFFFA000  }
0x17c: {  	s2 =	simm.s32 $0x10;
	[tilespmem:s0+$0x0] =	vst v4  }
.LBB2_20:
0x17d: {  	p1 =	sne.s32 s2, $0xB0  }
.Ltmp14:
0x17e: {  	_ = 	snop;
	(pc) =	sbr.rel @p1 .LBB2_20-.Ltmp14, $3  }
0x17f: {  	_ =	sdelay $0x1  }
0x180: {  	v4 =	vadd.s32 s2, v2;
	s2 =	sadd.s32 $0x10, s2;
	s0 =	sadd.s32 $0x10, s0  }
0x181: {  	[tilespmem:s0+$0x0] =	vst v4  }
.LBB2_21:
0x182: {  	s0 =	sadd.s32 $0x2, s24  }
0x183: {  	s2 =	smov.u32 s7;
	p1 =	slt.s32 s0, s7  }
0x184: {  	s2 =	smov.u32 @p1 s0  }
0x185: {  	s0 =	sshll.u32 s2, $0x5  }
0x186: {  	s0 =	sor.u32 s6, s0  }
0x187: {  	s0 =	smul.u32 $0x1400, s0;
	_ =	sdelay $0x1  }
0x188: {  	s0 =	sshrl.u32 s0, $0x3  }
.Ltmp15:
0x189: {  	s0 =	sadd.s32 s3, s0;
	(pc) =	sbr.rel @p0 .LBB2_28-.Ltmp15, $4  }
0x18a: {  	[tilespmem:s14], [sflag:$0x1] =	stream.strided.gather [hbm4b:s0+s12], $0xA000, s13, s12, $0x38;
	[tilespmem:$0x1C300] =	vst v63  }
0x18b: {  	p1 =	sgt.s32 s26, $0x7F;
	_ =	swait.ge [sflag:s21], $0xA000  }
0x18c: {  	s26 =	simm.s32 @p1 $0x0;
	[sflag:s21] =	ssyncset.done $0x0  }
0x18d: {  	s25 =	smov.u32 s26;
	[sflag:s21] =	ssyncadd.s32 $0xFFFF6000  }
0x18e: {  	s0 =	sor.u32 $0x1, s24  }
0x18f: {  	s2 =	smov.u32 s7;
	p1 =	slt.s32 s0, s7  }
0x190: {  	s2 =	smov.u32 @p1 s0  }
0x191: {  	p2 =	sne.s32 s22, $0x1;
	s0 =	sshll.u32 s2, $0x5  }
.Ltmp16:
0x192: {  	s0 =	sor.u32 s6, s0;
	(pc) =	sbr.rel @!p2 .LBB2_23-.Ltmp16, $3  }
0x193: {  	s0 =	smul.u32 $0x280, s0;
	_ =	sdelay $0x1  }
0x194: {  	s8 =	simm.s32 $0x1000;
	s25 =	simm.s32 $0x1800;
	s31 =	sadd.s32 $0x280, s0  }
0x195: {  	s28 =	simm.s32 $0x0;
	v6 =	vld [tilespmem:s8+$0x0];
	p1 =	por $0x0, $0x0;
	s2 =	sadd.s32 $0xFFFFFFFF, s22;
	v4 =	vmov s0;
	v5 =	vmov s31  }
0x196: {  	_ =	sdelay $0x2  }
0x197: {  	v7 =	vor.u32 s28, v0  }
0x198: {  	vm0 =	vlt.s32 v7, v3;
	vm1 =	vlt.s32 v6, v5  }
0x199: {  	vm15 =	vge.s32 v6, v4;
	vm0 =	vmand vm0, vm1  }
0x19a: {  	vm0 =	vmand vm0, vm15  }
0x19b: {  	v7 =	vmpcnt.ones.xlane vm0;
	_ =	sdelay $0x1  }
0x19c: {  	v8 =	vld [tilespmem:s25+$0x0];
	(v2sf) =	vpush v7, $0x0  }
0x19d: {  	p2 =	sne.s32 s2, $0x1  }
.Ltmp17:
0x19e: {  	_ = 	snop;
	(pc) =	sbr.rel @!p2 .LBB2_25-.Ltmp17, $4  }
0x19f: {  	v6 =	vsub.s32 v6, v4  }
0x1a0: {  	[tilespmem:s26+$0x16000] =	vst.msk vm0, v6  }
0x1a1: {  	s0 =	simm.s32 $0x1010;
	s2 =	sadd.s32 $0xFFFFFFFF, s2;
	p1 =	por $0x1, $0x1;
	[tilespmem:s26+$0x16100] =	vst.msk vm0, v8  }
0x1a2: {  	s31 =	simm.s32 $0x0;
	s29 =	simm.s32 $0x1800;
	s30 =	smov.u32 s26;
	v6 =	vld [tilespmem:s0+$0x0]  }
.LBB2_26:
0x1a3: {  	p2 =	sne.s32 s2, $0x1;
	_ =	sdelay $0x1  }
0x1a4: {  	s31 =	sadd.s32 $0x10, s31  }
0x1a5: {  	v7 =	vor.u32 s31, v0  }
0x1a6: {  	vm0 =	vlt.s32 v7, v3;
	vm1 =	vlt.s32 v6, v5;
	v7 =	vsub.s32 v6, v4  }
0x1a7: {  	vm2 =	vge.s32 v6, v4;
	vm0 =	vmand vm0, vm1  }
0x1a8: {  	vm0 =	vmand vm0, vm2  }
0x1a9: {  	s29 =	sadd.s32 $0x10, s29;
	v6 =	vmpcnt.ones.xlane vm0  }
0x1aa: {  	v8 =	vld [tilespmem:s29+$0x0];
	s8 =	spop (v2sf)  }
0x1ab: {  	(v2sf) =	vpush v6, $0x0;
	s30 =	sadd.s32 s30, s8  }
0x1ac: {  	p3 =	slt.s32 s30, $0xB0  }
.Ltmp18:
0x1ad: {  	s30 =	simm.s32 @!p3 $0xB0;
	(pc) =	sbr.rel @p2 .LBB2_26-.Ltmp18, $4  }
0x1ae: {  	[tilespmem:s30+$0x16000] =	vst.msk vm0, v7  }
0x1af: {  	[tilespmem:s30+$0x16100] =	vst.msk vm0, v8  }
0x1b0: {  	s0 =	sadd.s32 $0x10, s0  }
0x1b1: {  	s2 =	sadd.s32 $0xFFFFFFFF, s2;
	v6 =	vld [tilespmem:s0+$0x0]  }
.LBB2_27:
0x1b2: {  	_ = 	snop  }
0x1b3: {  	s0 =	sadd.s32 @p1 $0x10, s31  }
0x1b4: {  	s28 =	smov.u32 @p1 s0  }
0x1b5: {  	v7 =	vor.u32 s28, v0  }
0x1b6: {  	vm0 =	vlt.s32 v7, v3;
	vm1 =	vlt.s32 v6, v5  }
0x1b7: {  	vm2 =	vge.s32 v6, v4;
	vm0 =	vmand vm0, vm1  }
0x1b8: {  	vm0 =	vmand vm0, vm2  }
0x1b9: {  	v5 =	vmpcnt.ones.xlane vm0;
	_ =	sdelay $0x1  }
0x1ba: {  	(v2sf) =	vpush v5, $0x0;
	_ =	sdelay $0x9  }
0x1bb: {  	s0 =	spop @p1 (v2sf)  }
0x1bc: {  	s2 =	sadd.s32 @p1 $0x10, s29;
	s0 =	sadd.s32 @p1 s30, s0  }
0x1bd: {  	s25 =	smov.u32 @p1 s2;
	p2 =	slt.s32 @p1 s0, $0xB0  }
0x1be: {  	v5 =	vld [tilespmem:s25+$0x0];
	p2 =	por !p2, !p1  }
0x1bf: {  	s2 =	smov.u32 s26;
	s0 =	simm.s32 @p2 $0xB0  }
0x1c0: {  	s2 =	smov.u32 @p1 s0;
	s31 =	spop (v2sf)  }
0x1c1: {  	v4 =	vsub.s32 v6, v4;
	s25 =	sadd.s32 s2, s31  }
0x1c2: {  	[tilespmem:s2+$0x16000] =	vst.msk vm0, v4;
	p1 =	slt.s32 s25, $0xB0  }
0x1c3: {  	[tilespmem:s2+$0x16100] =	vst.msk vm0, v5;
	s25 =	simm.s32 @!p1 $0xB0  }
.LBB2_28:
0x1c4: {  	s2 =	sadd.s32 $0xF, s25  }
0x1c5: {  	s0 =	sshra.s32 s26, $0x4;
	s2 =	sshra.s32 s2, $0x4  }
0x1c6: {  	p1 =	sle.s32 s2, s0  }
.Ltmp19:
0x1c7: {  	_ = 	snop;
	(pc) =	sbr.rel @p1 .LBB2_31-.Ltmp19, $1  }
0x1c8: {  	_ =	sdelay $0x3  }
0x1c9: {  	s8 =	sshll.u32 s0, $0x6  }
0x1ca: {  	s28 =	ssub.s32 s2, s0;
	s31 =	sshll.u32 s0, $0x4;
	s8 =	sshra.s32 s8, $0x2  }
0x1cb: {  	v4 =	vmov s26;
	v5 =	vmov s25;
	s29 =	sadd.s32 $0x16000, s8;
	s26 =	sadd.s32 $0x16100, s8;
	s30 =	sadd.s32 $0x16200, s8  }
.LBB2_30:
0x1cc: {  	v6 =	vld [tilespmem:s29+$0x0];
	_ =	sdelay $0x1  }
0x1cd: {  	v7 =	vor.u32 s31, v0  }
0x1ce: {  	vm0 =	vge.s32 v7, v4;
	vm1 =	vlt.s32 v7, v5  }
0x1cf: {  	vm0 =	vmand vm0, vm1  }
0x1d0: {  	v8 =	vld [tilespmem:s26+$0x0];
	v6 =	vnsel vm0, $0x0, v6  }
0x1d1: {  	v9 =	vld [tilespmem:s30+$0x0];
	v10 =	vshll.u32 v6, $0x3  }
0x1d2: {  	v6 =	vand.u32 $0x7F, v6;
	v10 =	vand.u32 $0xFFFFFC00, v10  }
0x1d3: {  	v6 =	vor.u32 v6, v10;
	_ =	sdelay $0x2  }
0x1d4: {  	v8 =	vsel vm0, v8, v9  }
0x1d5: {  	[tilespmem:s30+$0x0] =	vst v8  }
0x1d6: {  	v7 =	vshll.u32 v7, $0x7;
	v8 =	vld.idx.msk [tilespmem:v6+s15+$0x0], vm0  }
0x1d7: {  	v45 =	vor.u32 $0x80, v6;
	_ =	sdelay $0x3  }
0x1d8: {  	[tilespmem:v7+s18+$0x0] =	vst.idx.msk vm0, v8  }
0x1d9: {  	v46 =	vor.u32 $0x1, v7;
	v8 =	vld.idx.msk [tilespmem:v45+s15+$0x0], vm0  }
0x1da: {  	v10 =	vor.u32 $0x100, v6;
	_ =	sdelay $0x3  }
0x1db: {  	[tilespmem:v46+s18+$0x0] =	vst.idx.msk vm0, v8  }
0x1dc: {  	v47 =	vor.u32 $0x2, v7;
	v8 =	vld.idx.msk [tilespmem:v10+s15+$0x0], vm0  }
0x1dd: {  	v48 =	vor.u32 $0x180, v6;
	_ =	sdelay $0x3  }
0x1de: {  	[tilespmem:v47+s18+$0x0] =	vst.idx.msk vm0, v8  }
0x1df: {  	v49 =	vor.u32 $0x3, v7;
	v8 =	vld.idx.msk [tilespmem:v48+s15+$0x0], vm0  }
0x1e0: {  	v50 =	vor.u32 $0x200, v6;
	_ =	sdelay $0x3  }
0x1e1: {  	[tilespmem:v49+s18+$0x0] =	vst.idx.msk vm0, v8  }
0x1e2: {  	v51 =	vor.u32 $0x4, v7;
	v8 =	vld.idx.msk [tilespmem:v50+s15+$0x0], vm0  }
0x1e3: {  	v52 =	vor.u32 $0x280, v6;
	_ =	sdelay $0x3  }
0x1e4: {  	[tilespmem:v51+s18+$0x0] =	vst.idx.msk vm0, v8  }
0x1e5: {  	v53 =	vor.u32 $0x5, v7;
	v8 =	vld.idx.msk [tilespmem:v52+s15+$0x0], vm0  }
0x1e6: {  	v54 =	vor.u32 $0x300, v6;
	_ =	sdelay $0x3  }
0x1e7: {  	[tilespmem:v53+s18+$0x0] =	vst.idx.msk vm0, v8  }
0x1e8: {  	v55 =	vor.u32 $0x6, v7;
	v8 =	vld.idx.msk [tilespmem:v54+s15+$0x0], vm0  }
0x1e9: {  	v56 =	vor.u32 $0x380, v6;
	_ =	sdelay $0x3  }
0x1ea: {  	[tilespmem:v55+s18+$0x0] =	vst.idx.msk vm0, v8  }
0x1eb: {  	v57 =	vor.u32 $0x7, v7;
	v8 =	vld.idx.msk [tilespmem:v56+s15+$0x0], vm0  }
0x1ec: {  	v58 =	vadd.s32 $0x1400, v6;
	_ =	sdelay $0x3  }
0x1ed: {  	[tilespmem:v57+s18+$0x0] =	vst.idx.msk vm0, v8  }
0x1ee: {  	v59 =	vor.u32 $0x8, v7;
	v8 =	vld.idx.msk [tilespmem:v58+s15+$0x0], vm0  }
0x1ef: {  	v60 =	vadd.s32 $0x1480, v6;
	_ =	sdelay $0x3  }
0x1f0: {  	[tilespmem:v59+s18+$0x0] =	vst.idx.msk vm0, v8  }
0x1f1: {  	v61 =	vor.u32 $0x9, v7;
	v8 =	vld.idx.msk [tilespmem:v60+s15+$0x0], vm0  }
0x1f2: {  	v62 =	vadd.s32 $0x1500, v6;
	_ =	sdelay $0x3  }
0x1f3: {  	[tilespmem:v61+s18+$0x0] =	vst.idx.msk vm0, v8  }
0x1f4: {  	v63 =	vor.u32 $0xA, v7;
	v8 =	vld.idx.msk [tilespmem:v62+s15+$0x0], vm0  }
0x1f5: {  	v12 =	vadd.s32 $0x1580, v6;
	_ =	sdelay $0x3  }
0x1f6: {  	[tilespmem:v63+s18+$0x0] =	vst.idx.msk vm0, v8  }
0x1f7: {  	v13 =	vor.u32 $0xB, v7;
	v8 =	vld.idx.msk [tilespmem:v12+s15+$0x0], vm0  }
0x1f8: {  	v14 =	vadd.s32 $0x1600, v6;
	_ =	sdelay $0x3  }
0x1f9: {  	[tilespmem:v13+s18+$0x0] =	vst.idx.msk vm0, v8  }
0x1fa: {  	v15 =	vor.u32 $0xC, v7;
	v8 =	vld.idx.msk [tilespmem:v14+s15+$0x0], vm0  }
0x1fb: {  	v16 =	vadd.s32 $0x1680, v6;
	_ =	sdelay $0x3  }
0x1fc: {  	[tilespmem:v15+s18+$0x0] =	vst.idx.msk vm0, v8  }
0x1fd: {  	v17 =	vor.u32 $0xD, v7;
	v8 =	vld.idx.msk [tilespmem:v16+s15+$0x0], vm0  }
0x1fe: {  	v18 =	vadd.s32 $0x1700, v6;
	_ =	sdelay $0x3  }
0x1ff: {  	[tilespmem:v17+s18+$0x0] =	vst.idx.msk vm0, v8  }
0x200: {  	v19 =	vor.u32 $0xE, v7;
	v8 =	vld.idx.msk [tilespmem:v18+s15+$0x0], vm0  }
0x201: {  	v20 =	vadd.s32 $0x1780, v6;
	_ =	sdelay $0x3  }
0x202: {  	[tilespmem:v19+s18+$0x0] =	vst.idx.msk vm0, v8  }
0x203: {  	v21 =	vor.u32 $0xF, v7;
	v8 =	vld.idx.msk [tilespmem:v20+s15+$0x0], vm0  }
0x204: {  	v22 =	vadd.s32 $0x2800, v6;
	_ =	sdelay $0x3  }
0x205: {  	[tilespmem:v21+s18+$0x0] =	vst.idx.msk vm0, v8  }
0x206: {  	v23 =	vor.u32 $0x10, v7;
	v8 =	vld.idx.msk [tilespmem:v22+s15+$0x0], vm0  }
0x207: {  	v24 =	vadd.s32 $0x2880, v6;
	_ =	sdelay $0x3  }
0x208: {  	[tilespmem:v23+s18+$0x0] =	vst.idx.msk vm0, v8  }
0x209: {  	v25 =	vor.u32 $0x11, v7;
	v8 =	vld.idx.msk [tilespmem:v24+s15+$0x0], vm0  }
0x20a: {  	v26 =	vadd.s32 $0x2900, v6;
	_ =	sdelay $0x3  }
0x20b: {  	[tilespmem:v25+s18+$0x0] =	vst.idx.msk vm0, v8  }
0x20c: {  	v27 =	vor.u32 $0x12, v7;
	v8 =	vld.idx.msk [tilespmem:v26+s15+$0x0], vm0  }
0x20d: {  	v28 =	vadd.s32 $0x2980, v6;
	_ =	sdelay $0x3  }
0x20e: {  	[tilespmem:v27+s18+$0x0] =	vst.idx.msk vm0, v8  }
0x20f: {  	v29 =	vor.u32 $0x13, v7;
	v8 =	vld.idx.msk [tilespmem:v28+s15+$0x0], vm0  }
0x210: {  	v30 =	vadd.s32 $0x2A00, v6;
	_ =	sdelay $0x3  }
0x211: {  	[tilespmem:v29+s18+$0x0] =	vst.idx.msk vm0, v8  }
0x212: {  	v31 =	vor.u32 $0x14, v7;
	v8 =	vld.idx.msk [tilespmem:v30+s15+$0x0], vm0  }
0x213: {  	v32 =	vadd.s32 $0x2A80, v6;
	_ =	sdelay $0x3  }
0x214: {  	[tilespmem:v31+s18+$0x0] =	vst.idx.msk vm0, v8  }
0x215: {  	v33 =	vor.u32 $0x15, v7;
	v8 =	vld.idx.msk [tilespmem:v32+s15+$0x0], vm0  }
0x216: {  	v34 =	vadd.s32 $0x2B00, v6;
	_ =	sdelay $0x3  }
0x217: {  	[tilespmem:v33+s18+$0x0] =	vst.idx.msk vm0, v8  }
0x218: {  	v35 =	vor.u32 $0x16, v7;
	v8 =	vld.idx.msk [tilespmem:v34+s15+$0x0], vm0  }
0x219: {  	v36 =	vadd.s32 $0x2B80, v6;
	_ =	sdelay $0x3  }
0x21a: {  	[tilespmem:v35+s18+$0x0] =	vst.idx.msk vm0, v8  }
0x21b: {  	v37 =	vor.u32 $0x17, v7;
	v8 =	vld.idx.msk [tilespmem:v36+s15+$0x0], vm0  }
0x21c: {  	v38 =	vadd.s32 $0x3C00, v6;
	_ =	sdelay $0x3  }
0x21d: {  	[tilespmem:v37+s18+$0x0] =	vst.idx.msk vm0, v8  }
0x21e: {  	v39 =	vor.u32 $0x18, v7;
	v8 =	vld.idx.msk [tilespmem:v38+s15+$0x0], vm0  }
0x21f: {  	v40 =	vadd.s32 $0x3C80, v6;
	_ =	sdelay $0x3  }
0x220: {  	[tilespmem:v39+s18+$0x0] =	vst.idx.msk vm0, v8  }
0x221: {  	v41 =	vor.u32 $0x19, v7;
	v8 =	vld.idx.msk [tilespmem:v40+s15+$0x0], vm0  }
0x222: {  	v42 =	vadd.s32 $0x3D00, v6;
	_ =	sdelay $0x3  }
0x223: {  	[tilespmem:v41+s18+$0x0] =	vst.idx.msk vm0, v8  }
0x224: {  	v43 =	vor.u32 $0x1A, v7;
	v8 =	vld.idx.msk [tilespmem:v42+s15+$0x0], vm0  }
0x225: {  	v44 =	vadd.s32 $0x3D80, v6;
	_ =	sdelay $0x3  }
0x226: {  	[tilespmem:v43+s18+$0x0] =	vst.idx.msk vm0, v8  }
0x227: {  	v45 =	vor.u32 $0x1B, v7;
	v8 =	vld.idx.msk [tilespmem:v44+s15+$0x0], vm0  }
0x228: {  	v46 =	vadd.s32 $0x3E00, v6;
	_ =	sdelay $0x3  }
0x229: {  	[tilespmem:v45+s18+$0x0] =	vst.idx.msk vm0, v8  }
0x22a: {  	v47 =	vor.u32 $0x1C, v7;
	v8 =	vld.idx.msk [tilespmem:v46+s15+$0x0], vm0  }
0x22b: {  	v48 =	vadd.s32 $0x3E80, v6;
	_ =	sdelay $0x3  }
0x22c: {  	[tilespmem:v47+s18+$0x0] =	vst.idx.msk vm0, v8  }
0x22d: {  	v49 =	vor.u32 $0x1D, v7;
	v8 =	vld.idx.msk [tilespmem:v48+s15+$0x0], vm0  }
0x22e: {  	v50 =	vadd.s32 $0x3F00, v6;
	_ =	sdelay $0x3  }
0x22f: {  	[tilespmem:v49+s18+$0x0] =	vst.idx.msk vm0, v8  }
0x230: {  	v51 =	vor.u32 $0x1E, v7;
	v8 =	vld.idx.msk [tilespmem:v50+s15+$0x0], vm0  }
0x231: {  	v52 =	vadd.s32 $0x3F80, v6;
	_ =	sdelay $0x3  }
0x232: {  	[tilespmem:v51+s18+$0x0] =	vst.idx.msk vm0, v8  }
0x233: {  	v53 =	vor.u32 $0x1F, v7;
	v8 =	vld.idx.msk [tilespmem:v52+s15+$0x0], vm0  }
0x234: {  	v54 =	vadd.s32 $0x5000, v6;
	_ =	sdelay $0x3  }
0x235: {  	[tilespmem:v53+s18+$0x0] =	vst.idx.msk vm0, v8  }
0x236: {  	v55 =	vor.u32 $0x20, v7;
	v8 =	vld.idx.msk [tilespmem:v54+s15+$0x0], vm0  }
0x237: {  	v56 =	vadd.s32 $0x5080, v6;
	_ =	sdelay $0x3  }
0x238: {  	[tilespmem:v55+s18+$0x0] =	vst.idx.msk vm0, v8  }
0x239: {  	v57 =	vor.u32 $0x21, v7;
	v8 =	vld.idx.msk [tilespmem:v56+s15+$0x0], vm0  }
0x23a: {  	v58 =	vadd.s32 $0x5100, v6;
	_ =	sdelay $0x3  }
0x23b: {  	[tilespmem:v57+s18+$0x0] =	vst.idx.msk vm0, v8  }
0x23c: {  	v59 =	vor.u32 $0x22, v7;
	v8 =	vld.idx.msk [tilespmem:v58+s15+$0x0], vm0  }
0x23d: {  	v60 =	vadd.s32 $0x5180, v6;
	_ =	sdelay $0x3  }
0x23e: {  	[tilespmem:v59+s18+$0x0] =	vst.idx.msk vm0, v8  }
0x23f: {  	v61 =	vor.u32 $0x23, v7;
	v8 =	vld.idx.msk [tilespmem:v60+s15+$0x0], vm0  }
0x240: {  	v62 =	vadd.s32 $0x5200, v6;
	_ =	sdelay $0x3  }
0x241: {  	[tilespmem:v61+s18+$0x0] =	vst.idx.msk vm0, v8  }
0x242: {  	v63 =	vor.u32 $0x24, v7;
	v8 =	vld.idx.msk [tilespmem:v62+s15+$0x0], vm0  }
0x243: {  	v12 =	vadd.s32 $0x5280, v6;
	_ =	sdelay $0x3  }
0x244: {  	[tilespmem:v63+s18+$0x0] =	vst.idx.msk vm0, v8  }
0x245: {  	v13 =	vor.u32 $0x25, v7;
	v8 =	vld.idx.msk [tilespmem:v12+s15+$0x0], vm0  }
0x246: {  	v14 =	vadd.s32 $0x5300, v6;
	_ =	sdelay $0x3  }
0x247: {  	[tilespmem:v13+s18+$0x0] =	vst.idx.msk vm0, v8  }
0x248: {  	v15 =	vor.u32 $0x26, v7;
	v8 =	vld.idx.msk [tilespmem:v14+s15+$0x0], vm0  }
0x249: {  	v16 =	vadd.s32 $0x5380, v6;
	_ =	sdelay $0x3  }
0x24a: {  	[tilespmem:v15+s18+$0x0] =	vst.idx.msk vm0, v8  }
0x24b: {  	v17 =	vor.u32 $0x27, v7;
	v8 =	vld.idx.msk [tilespmem:v16+s15+$0x0], vm0  }
0x24c: {  	v18 =	vadd.s32 $0x6400, v6;
	_ =	sdelay $0x3  }
0x24d: {  	[tilespmem:v17+s18+$0x0] =	vst.idx.msk vm0, v8  }
0x24e: {  	v19 =	vor.u32 $0x28, v7;
	v8 =	vld.idx.msk [tilespmem:v18+s15+$0x0], vm0  }
0x24f: {  	v20 =	vadd.s32 $0x6480, v6;
	_ =	sdelay $0x3  }
0x250: {  	[tilespmem:v19+s18+$0x0] =	vst.idx.msk vm0, v8  }
0x251: {  	v21 =	vor.u32 $0x29, v7;
	v8 =	vld.idx.msk [tilespmem:v20+s15+$0x0], vm0  }
0x252: {  	v22 =	vadd.s32 $0x6500, v6;
	_ =	sdelay $0x3  }
0x253: {  	[tilespmem:v21+s18+$0x0] =	vst.idx.msk vm0, v8  }
0x254: {  	v23 =	vor.u32 $0x2A, v7;
	v8 =	vld.idx.msk [tilespmem:v22+s15+$0x0], vm0  }
0x255: {  	v24 =	vadd.s32 $0x6580, v6;
	_ =	sdelay $0x3  }
0x256: {  	[tilespmem:v23+s18+$0x0] =	vst.idx.msk vm0, v8  }
0x257: {  	v25 =	vor.u32 $0x2B, v7;
	v8 =	vld.idx.msk [tilespmem:v24+s15+$0x0], vm0  }
0x258: {  	v26 =	vadd.s32 $0x6600, v6;
	_ =	sdelay $0x3  }
0x259: {  	[tilespmem:v25+s18+$0x0] =	vst.idx.msk vm0, v8  }
0x25a: {  	v27 =	vor.u32 $0x2C, v7;
	v8 =	vld.idx.msk [tilespmem:v26+s15+$0x0], vm0  }
0x25b: {  	v28 =	vadd.s32 $0x6680, v6;
	_ =	sdelay $0x3  }
0x25c: {  	[tilespmem:v27+s18+$0x0] =	vst.idx.msk vm0, v8  }
0x25d: {  	v29 =	vor.u32 $0x2D, v7;
	v8 =	vld.idx.msk [tilespmem:v28+s15+$0x0], vm0  }
0x25e: {  	v30 =	vadd.s32 $0x6700, v6;
	_ =	sdelay $0x3  }
0x25f: {  	[tilespmem:v29+s18+$0x0] =	vst.idx.msk vm0, v8  }
0x260: {  	v31 =	vor.u32 $0x2E, v7;
	v8 =	vld.idx.msk [tilespmem:v30+s15+$0x0], vm0  }
0x261: {  	v32 =	vadd.s32 $0x6780, v6;
	_ =	sdelay $0x3  }
0x262: {  	[tilespmem:v31+s18+$0x0] =	vst.idx.msk vm0, v8  }
0x263: {  	v33 =	vor.u32 $0x2F, v7;
	v8 =	vld.idx.msk [tilespmem:v32+s15+$0x0], vm0  }
0x264: {  	v34 =	vadd.s32 $0x7800, v6;
	_ =	sdelay $0x3  }
0x265: {  	[tilespmem:v33+s18+$0x0] =	vst.idx.msk vm0, v8  }
0x266: {  	v35 =	vor.u32 $0x30, v7;
	v8 =	vld.idx.msk [tilespmem:v34+s15+$0x0], vm0  }
0x267: {  	v36 =	vadd.s32 $0x7880, v6;
	_ =	sdelay $0x3  }
0x268: {  	[tilespmem:v35+s18+$0x0] =	vst.idx.msk vm0, v8  }
0x269: {  	v37 =	vor.u32 $0x31, v7;
	v8 =	vld.idx.msk [tilespmem:v36+s15+$0x0], vm0  }
0x26a: {  	v38 =	vadd.s32 $0x7900, v6;
	_ =	sdelay $0x3  }
0x26b: {  	[tilespmem:v37+s18+$0x0] =	vst.idx.msk vm0, v8  }
0x26c: {  	v39 =	vor.u32 $0x32, v7;
	v8 =	vld.idx.msk [tilespmem:v38+s15+$0x0], vm0  }
0x26d: {  	v40 =	vadd.s32 $0x7980, v6;
	_ =	sdelay $0x3  }
0x26e: {  	[tilespmem:v39+s18+$0x0] =	vst.idx.msk vm0, v8  }
0x26f: {  	v41 =	vor.u32 $0x33, v7;
	v8 =	vld.idx.msk [tilespmem:v40+s15+$0x0], vm0  }
0x270: {  	v42 =	vadd.s32 $0x7A00, v6;
	_ =	sdelay $0x3  }
0x271: {  	[tilespmem:v41+s18+$0x0] =	vst.idx.msk vm0, v8  }
0x272: {  	v43 =	vor.u32 $0x34, v7;
	v8 =	vld.idx.msk [tilespmem:v42+s15+$0x0], vm0  }
0x273: {  	v44 =	vadd.s32 $0x7A80, v6;
	_ =	sdelay $0x3  }
0x274: {  	[tilespmem:v43+s18+$0x0] =	vst.idx.msk vm0, v8  }
0x275: {  	v45 =	vor.u32 $0x35, v7;
	v8 =	vld.idx.msk [tilespmem:v44+s15+$0x0], vm0  }
0x276: {  	v46 =	vadd.s32 $0x7B00, v6;
	_ =	sdelay $0x3  }
0x277: {  	[tilespmem:v45+s18+$0x0] =	vst.idx.msk vm0, v8  }
0x278: {  	v47 =	vor.u32 $0x36, v7;
	v8 =	vld.idx.msk [tilespmem:v46+s15+$0x0], vm0  }
0x279: {  	v48 =	vadd.s32 $0x7B80, v6;
	_ =	sdelay $0x3  }
0x27a: {  	[tilespmem:v47+s18+$0x0] =	vst.idx.msk vm0, v8  }
0x27b: {  	v49 =	vor.u32 $0x37, v7;
	v8 =	vld.idx.msk [tilespmem:v48+s15+$0x0], vm0  }
0x27c: {  	v50 =	vadd.s32 $0x8C00, v6;
	_ =	sdelay $0x3  }
0x27d: {  	[tilespmem:v49+s18+$0x0] =	vst.idx.msk vm0, v8  }
0x27e: {  	v51 =	vor.u32 $0x38, v7;
	v8 =	vld.idx.msk [tilespmem:v50+s15+$0x0], vm0  }
0x27f: {  	v52 =	vadd.s32 $0x8C80, v6;
	_ =	sdelay $0x3  }
0x280: {  	[tilespmem:v51+s18+$0x0] =	vst.idx.msk vm0, v8  }
0x281: {  	v53 =	vor.u32 $0x39, v7;
	v8 =	vld.idx.msk [tilespmem:v52+s15+$0x0], vm0  }
0x282: {  	v54 =	vadd.s32 $0x8D00, v6;
	_ =	sdelay $0x3  }
0x283: {  	[tilespmem:v53+s18+$0x0] =	vst.idx.msk vm0, v8  }
0x284: {  	v55 =	vor.u32 $0x3A, v7;
	v8 =	vld.idx.msk [tilespmem:v54+s15+$0x0], vm0  }
0x285: {  	v56 =	vadd.s32 $0x8D80, v6;
	_ =	sdelay $0x3  }
0x286: {  	[tilespmem:v55+s18+$0x0] =	vst.idx.msk vm0, v8  }
0x287: {  	v57 =	vor.u32 $0x3B, v7;
	v8 =	vld.idx.msk [tilespmem:v56+s15+$0x0], vm0  }
0x288: {  	v58 =	vadd.s32 $0x8E00, v6;
	_ =	sdelay $0x3  }
0x289: {  	[tilespmem:v57+s18+$0x0] =	vst.idx.msk vm0, v8  }
0x28a: {  	v59 =	vor.u32 $0x3C, v7;
	v8 =	vld.idx.msk [tilespmem:v58+s15+$0x0], vm0  }
0x28b: {  	v60 =	vadd.s32 $0x8E80, v6;
	_ =	sdelay $0x3  }
0x28c: {  	[tilespmem:v59+s18+$0x0] =	vst.idx.msk vm0, v8  }
0x28d: {  	v61 =	vor.u32 $0x3D, v7;
	v8 =	vld.idx.msk [tilespmem:v60+s15+$0x0], vm0  }
0x28e: {  	v62 =	vadd.s32 $0x8F00, v6;
	_ =	sdelay $0x3  }
0x28f: {  	[tilespmem:v61+s18+$0x0] =	vst.idx.msk vm0, v8  }
0x290: {  	v63 =	vor.u32 $0x3E, v7;
	v8 =	vld.idx.msk [tilespmem:v62+s15+$0x0], vm0  }
0x291: {  	v6 =	vadd.s32 $0x8F80, v6;
	_ =	sdelay $0x3  }
0x292: {  	[tilespmem:v63+s18+$0x0] =	vst.idx.msk vm0, v8  }
0x293: {  	p1 =	sne.s32 s28, $0x1;
	v7 =	vor.u32 $0x3F, v7;
	v6 =	vld.idx.msk [tilespmem:v6+s15+$0x0], vm0  }
.Ltmp20:
0x294: {  	_ = 	snop;
	(pc) =	sbr.rel @p1 .LBB2_30-.Ltmp20, $3  }
0x295: {  	_ =	sdelay $0x1  }
0x296: {  	s29 =	sadd.s32 $0x10, s29;
	s26 =	sadd.s32 $0x10, s26  }
0x297: {  	s31 =	sadd.s32 $0x10, s31;
	s28 =	sadd.s32 $0xFFFFFFFF, s28;
	s30 =	sadd.s32 $0x10, s30;
	[tilespmem:v7+s18+$0x0] =	vst.idx.msk vm0, v6  }
.LBB2_31:
0x298: {  	p1 =	slt.s32 s25, $0x80  }
.Ltmp21:
0x299: {  	_ = 	snop;
	(pc) =	sbr.rel @p1 .LBB2_34-.Ltmp21, $1  }
0x29a: {  	_ =	sdelay $0x3  }
0x29b: {  	s0 =	simm.s32 $0x16200  }
0x29c: {  	[hbm4b:s4+s19] =	stream.indirect.scatter [tilespmem:s18], [sflag:$0x3], $0x80, s0, s19, $0xb8;
	[tilespmem:$0x1C300] =	vst v63  }
0x29d: {  	_ =	swait.ge [sflag:s20], $0x6000  }
0x29e: {  	s2 =	simm.s32 $0x0;
	[sflag:s20] =	ssyncset.done $0x0  }
0x29f: {  	v4 =	vadd.s32 s2, v2;
	[sflag:s20] =	ssyncadd.s32 $0xFFFFA000  }
0x2a0: {  	s2 =	simm.s32 $0x10;
	[tilespmem:s0+$0x0] =	vst v4  }
.LBB2_33:
0x2a1: {  	p1 =	sne.s32 s2, $0xB0  }
.Ltmp22:
0x2a2: {  	_ = 	snop;
	(pc) =	sbr.rel @p1 .LBB2_33-.Ltmp22, $3  }
0x2a3: {  	_ =	sdelay $0x1  }
0x2a4: {  	v4 =	vadd.s32 s2, v2;
	s2 =	sadd.s32 $0x10, s2;
	s0 =	sadd.s32 $0x10, s0  }
0x2a5: {  	[tilespmem:s0+$0x0] =	vst v4  }
.Ltmp23:
0x2a6: {  	_ = 	snop;
	(pc) =	sbr.rel .LBB2_34-.Ltmp23, $1  }
0x2a7: {  	_ =	sdelay $0x3  }
.LBB2_10:
.Ltmp24:
0x2a8: {  	(pc) =	sbr.rel .LBB2_14-.Ltmp24, $2  }
0x2a9: {  	_ =	sdelay $0x2  }
0x2aa: {  	s31 =	simm.s32 $0x0;
	s29 =	simm.s32 $0x1800;
	s30 =	smov.u32 s25  }
.LBB2_23:
.Ltmp25:
0x2ab: {  	(pc) =	sbr.rel .LBB2_27-.Ltmp25, $2  }
0x2ac: {  	_ =	sdelay $0x2  }
0x2ad: {  	s31 =	simm.s32 $0x0;
	s29 =	simm.s32 $0x1800;
	s30 =	smov.u32 s26  }
.LBB2_12:
.Ltmp26:
0x2ae: {  	(pc) =	sbr.rel .LBB2_14-.Ltmp26, $2  }
0x2af: {  	_ =	sdelay $0x2  }
0x2b0: {  	s31 =	simm.s32 $0x0;
	s29 =	simm.s32 $0x1800;
	s30 =	smov.u32 s25  }
.LBB2_25:
.Ltmp27:
0x2b1: {  	(pc) =	sbr.rel .LBB2_27-.Ltmp27, $2  }
0x2b2: {  	_ =	sdelay $0x2  }
0x2b3: {  	s31 =	simm.s32 $0x0;
	s29 =	simm.s32 $0x1800;
	s30 =	smov.u32 s26  }
.LBB2_36:
0x2b4: {  	_ =	sfence.sel $0x180000  }
0x2b5: {  	[bflag:$0x0] =	sbarrier.arrive $0xFFFF  }
0x2b6: {  	_ =	strace $0x90000047  }
0x2b7: {  	s0 =	stileid.u32;
	[bflag:$0x2] =	sbarrier.arrive $0xFFFF  }
0x2b8: {  	p0 =	sne.s32 s0, $0x0;
	s0 =	rddreg [dreg:$0x3]  }
0x2b9: {  	s0 =	sadd.s32 @!p0 $0x100000, s0  }
0x2ba: {  	[sflag:s0] =	ssyncadd.tile.s32 @!p0 $0x1;
	_ =	shalt  }
.Lfunc_end2:
_tile_overlayer_lowered:
.L_overlay_start_2:
0x2bb: {  	(tag) =	ssettag $0x2  }
0x2bc: {  	s0 =	rddreg [dreg:$0x0];
	s2 =	stileid.u32  }
0x2bd: {  	s1 =	rddreg [dreg:$0x1];
	p0 =	sne.s32 s2, $0x0  }
0x2be: {  	s3 =	rddreg [dreg:$0x2];
	[bflag:$0x3] =	sbarrier.arrive $0xFFFF;
	s2 =	simm.s32 @!p0 $0x1C04  }
0x2bf: {  	[timem:s3], [sflag:s2] =	dma.local @!p0 [hbm:s0], s1  }
0x2c0: {  	s0 =	simm.s32 @!p0 $0x4  }
0x2c1: {  	_ =	swait.ge @!p0 [sflag:s0], s1  }
0x2c2: {  	s1 =	ssub.s32 @!p0 $0x0, s1;
	[sflag:s0] =	ssyncset.done @!p0 $0x0  }
0x2c3: {  	[sflag:s0] =	ssyncadd.s32 @!p0 s1  }
0x2c4: {  	[bflag:$0x3] =	sbarrier.arrive $0xFFFF  }
0x2c5: {  	_ =	shalt  }

</sc_bundles>
